<compile_context>
chip_gen: v7x
topology: tpu7x:2x2x1
jax: 0.10.2.dev20260603
libtpu: 0.0.44.dev20260713+nightly
codegen_flags: <defaults>
</compile_context>

<pallas_src>
import functools

import jax
import jax.numpy as jnp
from jax import lax
from jax.experimental import pallas as pl
from jax.experimental.pallas import tpu as pltpu
from jax.experimental.pallas import tpu_sc as plsc

N = 10000
E = 320000
D = 128
NCLS = 40

NC, NS = 2, 16
NW = NC * NS
EPT = E // NW
BATCH = 80
NB = EPT // BATCH
NPAD = 10240
RPT = NPAD // NS

R = 1000
GRID = N // R

_mesh = plsc.VectorSubcoreMesh(core_axis_name="c", subcore_axis_name="s",
                               num_cores=NC, num_subcores=NS)



NV = NPAD // 16
NCHK = RPT // 16
EPC = E // NS
ECH = 4000


def _norm_body(idx_hbm, norm_hbm, cnt_v, idx_v, comb_v, res_v, cnt_st):
    c = lax.axis_index("c")
    s = lax.axis_index("s")
    zeros = jnp.zeros((16,), jnp.float32)
    ones = jnp.ones((16,), jnp.float32)
    iota = lax.iota(jnp.int32, 16)

    def zero_body(i, carry):
        cnt_v[pl.ds(i * 16, 16)] = zeros
        return carry

    lax.fori_loop(0, NV, zero_body, 0)
    pltpu.sync_copy(idx_hbm.at[c * NS + s], idx_v)

    def count_body(j, carry):
        iv = idx_v[pl.ds(j * 16, 16)]
        plsc.addupdate_scatter(cnt_v, [iv], ones)
        return carry

    lax.fori_loop(0, EPC // 16, count_body, 0)
    pltpu.sync_copy(cnt_v, cnt_st.at[s])
    plsc.subcore_barrier()
    pltpu.sync_copy(cnt_st.at[:, pl.ds(s * RPT, RPT)], comb_v)

    def norm_body(k, carry):
        acc = comb_v[0, pl.ds(k * 16, 16)]
        for r in range(1, NS):
            acc = acc + comb_v[r, pl.ds(k * 16, 16)]
        x = jnp.maximum(acc, 1.0)
        i = plsc.bitcast(x, jnp.int32)
        i = 0x5F3759DF - (i >> 1)
        y = plsc.bitcast(i, jnp.float32)
        for _ in range(3):
            y = y * (1.5 - 0.5 * x * y * y)
        rows = lax.rem(k, NCHK // 2) * 16 + iota
        for r in range(8):
            plsc.store_scatter(res_v, [rows, jnp.full((16,), r, jnp.int32)],
                               y)
        return carry

    for h in range(2):
        lax.fori_loop(h * (NCHK // 2), (h + 1) * (NCHK // 2), norm_body, 0)
        pltpu.sync_copy(res_v,
                        norm_hbm.at[c, pl.ds(s * RPT + h * (RPT // 2),
                                             RPT // 2)])


_norm_call = pl.kernel(
    _norm_body,
    out_type=jax.ShapeDtypeStruct((NC, NPAD, 8), jnp.float32),
    mesh=_mesh,
    scratch_types=[
        pltpu.VMEM((NPAD,), jnp.float32),
        pltpu.VMEM((EPC,), jnp.int32),
        pltpu.VMEM((NS, RPT), jnp.float32),
        pltpu.VMEM((RPT // 2, 8), jnp.float32),
        pltpu.VMEM_SHARED((NS, NPAD), jnp.float32),
    ],
    compiler_params=pltpu.CompilerParams(needs_layout_passes=False),
)


IG = 5
NIG = NB // IG
NRB = 3


def _agg_body(y_hbm, ei_hbm, zeros_hbm, out_hbm,
              agg_sh, src_v, dst_v, rows_v, isem, gsem, ssem):
    c = lax.axis_index("c")
    s = lax.axis_index("s")
    wid = s * NC + c
    pltpu.sync_copy(zeros_hbm, agg_sh.at[pl.ds(s * RPT, RPT)])

    def fire_idx(g, q):
        pltpu.async_copy(ei_hbm.at[0, wid, g], src_v.at[q], isem.at[q])
        pltpu.async_copy(ei_hbm.at[1, wid, g], dst_v.at[q], isem.at[q])

    def wait_idx(g, q):
        pltpu.make_async_copy(ei_hbm.at[0, wid, g], src_v.at[q],
                              isem.at[q]).wait()
        pltpu.make_async_copy(ei_hbm.at[1, wid, g], dst_v.at[q],
                              isem.at[q]).wait()

    def fire_gather(jb, q, i):
        b = lax.rem(jb, NRB)
        pltpu.async_copy(y_hbm.at[src_v.at[q, i]], rows_v.at[b], gsem.at[b])

    def wait_gather(jb, q, i):
        b = lax.rem(jb, NRB)
        pltpu.make_async_copy(y_hbm.at[src_v.at[q, i]], rows_v.at[b],
                              gsem.at[b]).wait()

    def fire_scatter(jb, q, i):
        b = lax.rem(jb, NRB)
        pltpu.async_copy(rows_v.at[b], agg_sh.at[dst_v.at[q, i]],
                         ssem.at[b], add=True)

    def wait_scatter(jb, q, i):
        b = lax.rem(jb, NRB)
        pltpu.make_async_copy(rows_v.at[b], agg_sh.at[dst_v.at[q, i]],
                              ssem.at[b]).wait()

    fire_idx(0, 0)
    fire_idx(1, 1)
    wait_idx(0, 0)
    plsc.subcore_barrier()
    fire_gather(0, 0, 0)
    fire_gather(1, 0, 1)
    fire_gather(2, 0, 2)

    def body(g, carry):
        q = lax.rem(g, 2)
        for i in range(IG):
            j = g * IG + i
            if i == 0:
                @pl.when(g >= 1)
                def _():
                    wait_scatter(j - 1, 1 - q, IG - 1)
                    fire_gather(j + 2, q, 2)
            elif i <= 2:
                wait_scatter(j - 1, q, i - 1)
                fire_gather(j + 2, q, i + 2)
            else:
                wait_scatter(j - 1, q, i - 1)

                @pl.when(g < NIG - 1)
                def _(i=i):
                    fire_gather(j + 2, 1 - q, i - 3)

            if i == 1:
                @pl.when((g >= 1) & (g < NIG - 1))
                def _():
                    fire_idx(g + 1, 1 - q)
            if i == 2:
                @pl.when(g < NIG - 1)
                def _():
                    wait_idx(g + 1, 1 - q)

            wait_gather(j, q, i)
            fire_scatter(j, q, i)
        return carry

    lax.fori_loop(0, NIG, body, 0)
    wait_scatter(NB - 1, (NIG - 1) % 2, IG - 1)
    plsc.subcore_barrier()
    pltpu.sync_copy(agg_sh.at[pl.ds(s * RPT, RPT)],
                    out_hbm.at[c, pl.ds(s * RPT, RPT)])


_agg_call = pl.kernel(
    _agg_body,
    out_type=jax.ShapeDtypeStruct((NC, NPAD, D), jnp.float32),
    mesh=_mesh,
    scratch_types=[
        pltpu.VMEM_SHARED((NPAD, D), jnp.float32),
        pltpu.VMEM((2, IG, BATCH), jnp.int32),
        pltpu.VMEM((2, IG, BATCH), jnp.int32),
        pltpu.VMEM((NRB, BATCH, D), jnp.float32),
        pltpu.SemaphoreType.DMA((2,)),
        pltpu.SemaphoreType.DMA((NRB,)),
        pltpu.SemaphoreType.DMA((NRB,)),
    ],
)



def _mm_kernel(feats_ref, w_ref, z_ref):
    z_ref[...] = jnp.dot(feats_ref[...], w_ref[...],
                         preferred_element_type=jnp.float32)


_mm_call = pl.pallas_call(
    _mm_kernel,
    grid=(GRID,),
    in_specs=[
        pl.BlockSpec((R, D), lambda i: (i, 0)),
        pl.BlockSpec((D, D), lambda i: (0, 0)),
    ],
    out_specs=pl.BlockSpec((R, D), lambda i: (i, 0)),
    out_shape=jax.ShapeDtypeStruct((N, D), jnp.float32),
)


def _prep_kernel(z_ref, norm_ref, y_ref):
    ns = norm_ref[0, :, 0:1]
    y_ref[...] = z_ref[...] * ns


_prep_call = pl.pallas_call(
    _prep_kernel,
    grid=(GRID,),
    in_specs=[
        pl.BlockSpec((R, D), lambda i: (i, 0)),
        pl.BlockSpec((NC, R, 8), lambda i: (0, i, 0)),
    ],
    out_specs=pl.BlockSpec((R, D), lambda i: (i, 0)),
    out_shape=jax.ShapeDtypeStruct((N, D), jnp.float32),
)


def _layer_kernel(agg_ref, w_ref, norm_ref, y_ref):
    nd = norm_ref[1, :, 0:1]
    ns = norm_ref[0, :, 0:1]
    a = agg_ref[0] + agg_ref[1]
    h = jnp.maximum(a * nd, 0.0) * ns
    y_ref[...] = jnp.dot(h, w_ref[...], preferred_element_type=jnp.float32)


_layer_call = pl.pallas_call(
    _layer_kernel,
    grid=(GRID,),
    in_specs=[
        pl.BlockSpec((NC, R, D), lambda i: (0, i, 0)),
        pl.BlockSpec((D, D), lambda i: (0, 0)),
        pl.BlockSpec((NC, R, 8), lambda i: (0, i, 0)),
    ],
    out_specs=pl.BlockSpec((R, D), lambda i: (i, 0)),
    out_shape=jax.ShapeDtypeStruct((N, D), jnp.float32),
)


def _final_kernel(agg_ref, norm_ref, wc_ref, out_ref, acc_ref):
    i = pl.program_id(0)
    nd = norm_ref[1, :, 0:1]
    a = agg_ref[0] + agg_ref[1]
    h = jnp.maximum(a * nd, 0.0)
    psum = jnp.sum(h, axis=0, keepdims=True)

    @pl.when(i == 0)
    def _():
        acc_ref[...] = psum

    @pl.when(i > 0)
    def _():
        acc_ref[...] += psum

    @pl.when(i == GRID - 1)
    def _():
        pooled = acc_ref[...] * (1.0 / N)
        out_ref[...] = lax.dot_general(
            pooled, wc_ref[...], (((1,), (1,)), ((), ())),
            preferred_element_type=jnp.float32)


_final_call = pl.pallas_call(
    _final_kernel,
    grid=(GRID,),
    in_specs=[
        pl.BlockSpec((NC, R, D), lambda i: (0, i, 0)),
        pl.BlockSpec((NC, R, 8), lambda i: (0, i, 0)),
        pl.BlockSpec((NCLS, D), lambda i: (0, 0)),
    ],
    out_specs=pl.BlockSpec((1, NCLS), lambda i: (0, 0)),
    out_shape=jax.ShapeDtypeStruct((1, NCLS), jnp.float32),
    scratch_shapes=[pltpu.VMEM((1, D), jnp.float32)],
)



def kernel(feats, edge_index, W1, W2, Wc):
    ei5 = edge_index.reshape(2, NW, NIG, IG, BATCH)
    z128 = jnp.zeros((RPT, D), jnp.float32)

    z = _mm_call(feats, W1)
    norm = _norm_call(edge_index.reshape(NC * NS, EPC))
    y1 = _prep_call(z, norm)
    agg1 = _agg_call(y1, ei5, z128)
    y2 = _layer_call(agg1, W2, norm)
    agg2 = _agg_call(y2, ei5, z128)
    return _final_call(agg2, norm, Wc)

# --- scband reference (transcript-rebuilt; emitter-appended) ---
"""Pipeline reference for scband-mesh-readout-network-68547678044331 (READ-ONLY COPY).

The authoritative reference and input builder live on the scoring server;
editing this copy changes nothing except your own understanding.
"""

import jax, jax.numpy as jnp
import numpy as np

N_NODES = 10000
N_EDGES = 320000
READOUT_DIM = 128
HIDDEN_DIM = 128
NUM_CLASSES = 40


def setup_inputs(seed: int = 0) -> dict:
    key = jax.random.key(seed)
    k1, k2, k3, k4, k5 = jax.random.split(key, 5)
    feats = jax.random.normal(k1, (N_NODES, READOUT_DIM), dtype=jnp.float32)
    edge_index = jax.random.randint(k2, (2, N_EDGES), 0, N_NODES, dtype=jnp.int32)
    # GraphConv weights (DGL GraphConv, weight=True, bias=False): W shape [in_feats, out_feats]
    W1 = jax.random.normal(k3, (READOUT_DIM, HIDDEN_DIM), dtype=jnp.float32) * 0.05
    W2 = jax.random.normal(k4, (HIDDEN_DIM, HIDDEN_DIM), dtype=jnp.float32) * 0.05
    # nn.Linear(hidden_dim, num_classes, bias=False): weight shape [num_classes, hidden_dim]
    Wc = jax.random.normal(k5, (NUM_CLASSES, HIDDEN_DIM), dtype=jnp.float32) * 0.05
    return {"feats": feats, "edge_index": edge_index, "W1": W1, "W2": W2, "Wc": Wc}


def reference(feats, edge_index, W1, W2, Wc):
    # DGL GraphConv with norm='both', bias=False:
    #   h = D_in^{-1/2} * A^T * (D_out^{-1/2} * x) * W
    src = edge_index[0]
    dst = edge_index[1]
    n = feats.shape[0]
    deg_out = jnp.zeros((n,), jnp.float32).at[src].add(1.0)
    deg_in = jnp.zeros((n,), jnp.float32).at[dst].add(1.0)
    norm_src = jax.lax.rsqrt(jnp.maximum(deg_out, 1.0))
    norm_dst = jax.lax.rsqrt(jnp.maximum(deg_in, 1.0))

    def gconv(x, W):
        h = x * norm_src[:, None]
        h = h @ W
        agg = jnp.zeros((n, h.shape[1]), h.dtype).at[dst].add(h[src])
        return agg * norm_dst[:, None]

    h = jax.nn.relu(gconv(feats, W1))
    h = jax.nn.relu(gconv(h, W2))
    # dgl.mean_nodes over a single graph -> [1, hidden_dim]
    pooled = jnp.mean(h, axis=0, keepdims=True)
    # classify: Linear(hidden_dim, num_classes, bias=False)
    return pooled @ Wc.T

if __name__ == "__main__":
    import jax
    _d = setup_inputs()
    print(jax.jit(kernel)(*tuple(_d.values())))

</pallas_src>

<mosaic_0001>
#map = affine_map<(d0, d1) -> (0, 0)>
#map1 = affine_map<(d0, d1) -> (0, 0, 0)>
module attributes {stable_mosaic.version = 14 : i64} {
  func.func @_norm_body(%arg0: i32, %arg1: i32, %arg2: memref<32x20000xi32, #tpu.memory_space<hbm>>, %arg3: memref<2x10240x8xf32, #tpu.memory_space<hbm>>, %arg4: memref<10240xf32, #tpu.memory_space<vmem>>, %arg5: memref<20000xi32, #tpu.memory_space<vmem>>, %arg6: memref<16x640xf32, #tpu.memory_space<vmem>>, %arg7: memref<320x8xf32, #tpu.memory_space<vmem>>, %arg8: memref<16x10240xf32, #tpu.memory_space<vmem_shared>>) attributes {dimension_semantics = [#tpu.dimension_semantics<core_parallel>, #tpu.dimension_semantics<subcore_parallel>], iteration_bounds = array<i64: 2, 16>, scalar_prefetch = 0 : i64, scratch_operands = 5 : i64, tpu.core_type = #tpu.core_type<sc_vector_subcore>, window_params = [{transform_indices = #map}, {transform_indices = #map1}]} {
    %broadcast_in_dim3A = arith.constant 0.000000e+00 : f32
    %broadcast_in_dim3A_0 = vector.broadcast %broadcast_in_dim3A : f32 to vector<16xf32>
    %broadcast_in_dim3A_1 = arith.constant 1.000000e+00 : f32
    %broadcast_in_dim3A_2 = vector.broadcast %broadcast_in_dim3A_1 : f32 to vector<16xf32>
    %iota3A = tpu.iota {dimensions = array<i32: 0>} : vector<16xi32>
    %scan3A = arith.constant 0 : i32
    %scan3A_3 = arith.constant 0 : i32
    %scan3A_4 = arith.constant 640 : i32
    %scan3A_5 = arith.addi %scan3A_3, %scan3A_4 : i32
    %scan3A_6 = arith.constant 1 : i32
    scf.for %scan3A_37 = %scan3A_3 to %scan3A_5 step %scan3A_6  : i32 {
      %mul3A_38 = arith.constant 16 : i32
      %mul3A_39 = arith.muli %scan3A_37, %mul3A_38 : i32
      %swap3A = arith.index_cast %mul3A_39 : i32 to index
      %swap3A_40 = tpu.vector_load %arg4[%swap3A] {strides = array<i32>} : memref<10240xf32, #tpu.memory_space<vmem>>, vector<16xf32>,
      tpu.vector_store %arg4[%swap3A], %broadcast_in_dim3A_0 {strides = array<i32>} : memref<10240xf32, #tpu.memory_space<vmem>>, vector<16xf32>,
    }
    %scan3A_7 = arith.constant 640 : i32
    %mul3A = arith.constant 16 : i32
    %mul3A_8 = arith.muli %arg0, %mul3A : i32
    %add3A = arith.addi %mul3A_8, %arg1 : i32
    "tpu.region"() ({
      %run_scoped3A = tpu.sem_alloc : memref<!tpu.dma_semaphore, #tpu.memory_space<semaphore_mem>>
      %dma_start3A = arith.constant 0 : i32
      %dma_start3A_37 = tpu.memref_slice %arg2[%add3A, %dma_start3A] : memref<32x20000xi32, #tpu.memory_space<hbm>> -> memref<1x20000xi32, #tpu.memory_space<hbm>>
      %dma_start3A_38 = tpu.memref_squeeze %dma_start3A_37 : memref<1x20000xi32, #tpu.memory_space<hbm>> -> memref<20000xi32, #tpu.memory_space<hbm>>
      %dma_start3A_39 = arith.constant 0 : i32
      %dma_start3A_40 = tpu.memref_slice %arg2[%add3A, %dma_start3A_39] : memref<32x20000xi32, #tpu.memory_space<hbm>> -> memref<1x20000xi32, #tpu.memory_space<hbm>>
      %dma_start3A_41 = tpu.memref_squeeze %dma_start3A_40 : memref<1x20000xi32, #tpu.memory_space<hbm>> -> memref<20000xi32, #tpu.memory_space<hbm>>
      tpu.enqueue_dma source(%dma_start3A_41 : memref<20000xi32, #tpu.memory_space<hbm>>) target(%arg5 : memref<20000xi32, #tpu.memory_space<vmem>>) target_semaphore(%run_scoped3A : memref<!tpu.dma_semaphore, #tpu.memory_space<semaphore_mem>>)
      %dma_wait3A = arith.constant 0 : i32
      %dma_wait3A_42 = tpu.memref_slice %arg2[%add3A, %dma_wait3A] : memref<32x20000xi32, #tpu.memory_space<hbm>> -> memref<1x20000xi32, #tpu.memory_space<hbm>>
      %dma_wait3A_43 = tpu.memref_squeeze %dma_wait3A_42 : memref<1x20000xi32, #tpu.memory_space<hbm>> -> memref<20000xi32, #tpu.memory_space<hbm>>
      %dma_wait3A_44 = arith.constant 0 : i32
      %dma_wait3A_45 = tpu.memref_slice %arg2[%add3A, %dma_wait3A_44] : memref<32x20000xi32, #tpu.memory_space<hbm>> -> memref<1x20000xi32, #tpu.memory_space<hbm>>
      %dma_wait3A_46 = tpu.memref_squeeze %dma_wait3A_45 : memref<1x20000xi32, #tpu.memory_space<hbm>> -> memref<20000xi32, #tpu.memory_space<hbm>>
      tpu.wait_dma2 semaphore(%run_scoped3A : memref<!tpu.dma_semaphore, #tpu.memory_space<semaphore_mem>>) src(%dma_wait3A_46 : memref<20000xi32, #tpu.memory_space<hbm>>) dst(%arg5 : memref<20000xi32, #tpu.memory_space<vmem>>)
      tpu.yield
    }) : () -> ()
    %scan3A_9 = arith.constant 0 : i32
    %scan3A_10 = arith.constant 0 : i32
    %scan3A_11 = arith.constant 1250 : i32
    %scan3A_12 = arith.addi %scan3A_10, %scan3A_11 : i32
    %scan3A_13 = arith.constant 1 : i32
    scf.for %scan3A_37 = %scan3A_10 to %scan3A_12 step %scan3A_13  : i32 {
      %mul3A_38 = arith.constant 16 : i32
      %mul3A_39 = arith.muli %scan3A_37, %mul3A_38 : i32
      %get3A = arith.index_cast %mul3A_39 : i32 to index
      %get3A_40 = tpu.vector_load %arg5[%get3A] {strides = array<i32>} : memref<20000xi32, #tpu.memory_space<vmem>>, vector<16xi32>,
      tpu.vector_store_idx %arg4[%get3A_40], %broadcast_in_dim3A_2 {add = true} : memref<10240xf32, #tpu.memory_space<vmem>>[vector<16xi32>], vector<16xf32>,
    }
    %scan3A_14 = arith.constant 1250 : i32
    "tpu.region"() ({
      %run_scoped3A = tpu.sem_alloc : memref<!tpu.dma_semaphore, #tpu.memory_space<semaphore_mem>>
      %dma_start3A = arith.constant 0 : i32
      %dma_start3A_37 = tpu.memref_slice %arg8[%arg1, %dma_start3A] : memref<16x10240xf32, #tpu.memory_space<vmem_shared>> -> memref<1x10240xf32, #tpu.memory_space<vmem_shared>>
      %dma_start3A_38 = tpu.memref_squeeze %dma_start3A_37 : memref<1x10240xf32, #tpu.memory_space<vmem_shared>> -> memref<10240xf32, #tpu.memory_space<vmem_shared>>
      %dma_start3A_39 = arith.constant 0 : i32
      %dma_start3A_40 = tpu.memref_slice %arg8[%arg1, %dma_start3A_39] : memref<16x10240xf32, #tpu.memory_space<vmem_shared>> -> memref<1x10240xf32, #tpu.memory_space<vmem_shared>>
      %dma_start3A_41 = tpu.memref_squeeze %dma_start3A_40 : memref<1x10240xf32, #tpu.memory_space<vmem_shared>> -> memref<10240xf32, #tpu.memory_space<vmem_shared>>
      tpu.enqueue_dma source(%arg4 : memref<10240xf32, #tpu.memory_space<vmem>>) target(%dma_start3A_41 : memref<10240xf32, #tpu.memory_space<vmem_shared>>) target_semaphore(%run_scoped3A : memref<!tpu.dma_semaphore, #tpu.memory_space<semaphore_mem>>)
      %dma_wait3A = arith.constant 0 : i32
      %dma_wait3A_42 = tpu.memref_slice %arg8[%arg1, %dma_wait3A] : memref<16x10240xf32, #tpu.memory_space<vmem_shared>> -> memref<1x10240xf32, #tpu.memory_space<vmem_shared>>
      %dma_wait3A_43 = tpu.memref_squeeze %dma_wait3A_42 : memref<1x10240xf32, #tpu.memory_space<vmem_shared>> -> memref<10240xf32, #tpu.memory_space<vmem_shared>>
      %dma_wait3A_44 = arith.constant 0 : i32
      %dma_wait3A_45 = tpu.memref_slice %arg8[%arg1, %dma_wait3A_44] : memref<16x10240xf32, #tpu.memory_space<vmem_shared>> -> memref<1x10240xf32, #tpu.memory_space<vmem_shared>>
      %dma_wait3A_46 = tpu.memref_squeeze %dma_wait3A_45 : memref<1x10240xf32, #tpu.memory_space<vmem_shared>> -> memref<10240xf32, #tpu.memory_space<vmem_shared>>
      tpu.wait_dma2 semaphore(%run_scoped3A : memref<!tpu.dma_semaphore, #tpu.memory_space<semaphore_mem>>) src(%arg4 : memref<10240xf32, #tpu.memory_space<vmem>>) dst(%dma_wait3A_46 : memref<10240xf32, #tpu.memory_space<vmem_shared>>)
      tpu.yield
    }) : () -> ()
    %barrier3A = arith.constant 0 : index
    tpu.barrier barrier_id(%barrier3A)
    %mul3A_15 = arith.constant 640 : i32
    %mul3A_16 = arith.muli %arg1, %mul3A_15 : i32
    "tpu.region"() ({
      %run_scoped3A = tpu.sem_alloc : memref<!tpu.dma_semaphore, #tpu.memory_space<semaphore_mem>>
      %dma_start3A = arith.constant 0 : i32
      %dma_start3A_37 = tpu.memref_slice %arg8[%dma_start3A, %mul3A_16] : memref<16x10240xf32, #tpu.memory_space<vmem_shared>> -> memref<16x640xf32, #tpu.memory_space<vmem_shared>>
      %dma_start3A_38 = arith.constant 0 : i32
      %dma_start3A_39 = tpu.memref_slice %arg8[%dma_start3A_38, %mul3A_16] : memref<16x10240xf32, #tpu.memory_space<vmem_shared>> -> memref<16x640xf32, #tpu.memory_space<vmem_shared>>
      tpu.enqueue_dma source(%dma_start3A_39 : memref<16x640xf32, #tpu.memory_space<vmem_shared>>) target(%arg6 : memref<16x640xf32, #tpu.memory_space<vmem>>) target_semaphore(%run_scoped3A : memref<!tpu.dma_semaphore, #tpu.memory_space<semaphore_mem>>)
      %dma_wait3A = arith.constant 0 : i32
      %dma_wait3A_40 = tpu.memref_slice %arg8[%dma_wait3A, %mul3A_16] : memref<16x10240xf32, #tpu.memory_space<vmem_shared>> -> memref<16x640xf32, #tpu.memory_space<vmem_shared>>
      %dma_wait3A_41 = arith.constant 0 : i32
      %dma_wait3A_42 = tpu.memref_slice %arg8[%dma_wait3A_41, %mul3A_16] : memref<16x10240xf32, #tpu.memory_space<vmem_shared>> -> memref<16x640xf32, #tpu.memory_space<vmem_shared>>
      tpu.wait_dma2 semaphore(%run_scoped3A : memref<!tpu.dma_semaphore, #tpu.memory_space<semaphore_mem>>) src(%dma_wait3A_42 : memref<16x640xf32, #tpu.memory_space<vmem_shared>>) dst(%arg6 : memref<16x640xf32, #tpu.memory_space<vmem>>)
      tpu.yield
    }) : () -> ()
    %scan3A_17 = arith.constant 0 : i32
    %scan3A_18 = arith.constant 0 : i32
    %scan3A_19 = arith.constant 20 : i32
    %scan3A_20 = arith.addi %scan3A_18, %scan3A_19 : i32
    %scan3A_21 = arith.constant 1 : i32
    scf.for %scan3A_37 = %scan3A_18 to %scan3A_20 step %scan3A_21  : i32 {
      %mul3A_38 = arith.constant 16 : i32
      %mul3A_39 = arith.muli %scan3A_37, %mul3A_38 : i32
      %get3A = arith.constant 0 : i32
      %get3A_40 = arith.index_cast %get3A : i32 to index
      %get3A_41 = arith.index_cast %mul3A_39 : i32 to index
      %get3A_42 = tpu.vector_load %arg6[%get3A_40, %get3A_41] {strides = array<i32>} : memref<16x640xf32, #tpu.memory_space<vmem>>, vector<16xf32>,
      %mul3A_43 = arith.constant 16 : i32
      %mul3A_44 = arith.muli %scan3A_37, %mul3A_43 : i32
      %get3A_45 = arith.constant 1 : i32
      %get3A_46 = arith.index_cast %get3A_45 : i32 to index
      %get3A_47 = arith.index_cast %mul3A_44 : i32 to index
      %get3A_48 = tpu.vector_load %arg6[%get3A_46, %get3A_47] {strides = array<i32>} : memref<16x640xf32, #tpu.memory_space<vmem>>, vector<16xf32>,
      %add3A_49 = arith.addf %get3A_42, %get3A_48 : vector<16xf32>
      %mul3A_50 = arith.constant 16 : i32
      %mul3A_51 = arith.muli %scan3A_37, %mul3A_50 : i32
      %get3A_52 = arith.constant 2 : i32
      %get3A_53 = arith.index_cast %get3A_52 : i32 to index
      %get3A_54 = arith.index_cast %mul3A_51 : i32 to index
      %get3A_55 = tpu.vector_load %arg6[%get3A_53, %get3A_54] {strides = array<i32>} : memref<16x640xf32, #tpu.memory_space<vmem>>, vector<16xf32>,
      %add3A_56 = arith.addf %add3A_49, %get3A_55 : vector<16xf32>
      %mul3A_57 = arith.constant 16 : i32
      %mul3A_58 = arith.muli %scan3A_37, %mul3A_57 : i32
      %get3A_59 = arith.constant 3 : i32
      %get3A_60 = arith.index_cast %get3A_59 : i32 to index
      %get3A_61 = arith.index_cast %mul3A_58 : i32 to index
      %get3A_62 = tpu.vector_load %arg6[%get3A_60, %get3A_61] {strides = array<i32>} : memref<16x640xf32, #tpu.memory_space<vmem>>, vector<16xf32>,
      %add3A_63 = arith.addf %add3A_56, %get3A_62 : vector<16xf32>
      %mul3A_64 = arith.constant 16 : i32
      %mul3A_65 = arith.muli %scan3A_37, %mul3A_64 : i32
      %get3A_66 = arith.constant 4 : i32
      %get3A_67 = arith.index_cast %get3A_66 : i32 to index
      %get3A_68 = arith.index_cast %mul3A_65 : i32 to index
      %get3A_69 = tpu.vector_load %arg6[%get3A_67, %get3A_68] {strides = array<i32>} : memref<16x640xf32, #tpu.memory_space<vmem>>, vector<16xf32>,
      %add3A_70 = arith.addf %add3A_63, %get3A_69 : vector<16xf32>
      %mul3A_71 = arith.constant 16 : i32
      %mul3A_72 = arith.muli %scan3A_37, %mul3A_71 : i32
      %get3A_73 = arith.constant 5 : i32
      %get3A_74 = arith.index_cast %get3A_73 : i32 to index
      %get3A_75 = arith.index_cast %mul3A_72 : i32 to index
      %get3A_76 = tpu.vector_load %arg6[%get3A_74, %get3A_75] {strides = array<i32>} : memref<16x640xf32, #tpu.memory_space<vmem>>, vector<16xf32>,
      %add3A_77 = arith.addf %add3A_70, %get3A_76 : vector<16xf32>
      %mul3A_78 = arith.constant 16 : i32
      %mul3A_79 = arith.muli %scan3A_37, %mul3A_78 : i32
      %get3A_80 = arith.constant 6 : i32
      %get3A_81 = arith.index_cast %get3A_80 : i32 to index
      %get3A_82 = arith.index_cast %mul3A_79 : i32 to index
      %get3A_83 = tpu.vector_load %arg6[%get3A_81, %get3A_82] {strides = array<i32>} : memref<16x640xf32, #tpu.memory_space<vmem>>, vector<16xf32>,
      %add3A_84 = arith.addf %add3A_77, %get3A_83 : vector<16xf32>
      %mul3A_85 = arith.constant 16 : i32
      %mul3A_86 = arith.muli %scan3A_37, %mul3A_85 : i32
      %get3A_87 = arith.constant 7 : i32
      %get3A_88 = arith.index_cast %get3A_87 : i32 to index
      %get3A_89 = arith.index_cast %mul3A_86 : i32 to index
      %get3A_90 = tpu.vector_load %arg6[%get3A_88, %get3A_89] {strides = array<i32>} : memref<16x640xf32, #tpu.memory_space<vmem>>, vector<16xf32>,
      %add3A_91 = arith.addf %add3A_84, %get3A_90 : vector<16xf32>
      %mul3A_92 = arith.constant 16 : i32
      %mul3A_93 = arith.muli %scan3A_37, %mul3A_92 : i32
      %get3A_94 = arith.constant 8 : i32
      %get3A_95 = arith.index_cast %get3A_94 : i32 to index
      %get3A_96 = arith.index_cast %mul3A_93 : i32 to index
      %get3A_97 = tpu.vector_load %arg6[%get3A_95, %get3A_96] {strides = array<i32>} : memref<16x640xf32, #tpu.memory_space<vmem>>, vector<16xf32>,
      %add3A_98 = arith.addf %add3A_91, %get3A_97 : vector<16xf32>
      %mul3A_99 = arith.constant 16 : i32
      %mul3A_100 = arith.muli %scan3A_37, %mul3A_99 : i32
      %get3A_101 = arith.constant 9 : i32
      %get3A_102 = arith.index_cast %get3A_101 : i32 to index
      %get3A_103 = arith.index_cast %mul3A_100 : i32 to index
      %get3A_104 = tpu.vector_load %arg6[%get3A_102, %get3A_103] {strides = array<i32>} : memref<16x640xf32, #tpu.memory_space<vmem>>, vector<16xf32>,
      %add3A_105 = arith.addf %add3A_98, %get3A_104 : vector<16xf32>
      %mul3A_106 = arith.constant 16 : i32
      %mul3A_107 = arith.muli %scan3A_37, %mul3A_106 : i32
      %get3A_108 = arith.constant 10 : i32
      %get3A_109 = arith.index_cast %get3A_108 : i32 to index
      %get3A_110 = arith.index_cast %mul3A_107 : i32 to index
      %get3A_111 = tpu.vector_load %arg6[%get3A_109, %get3A_110] {strides = array<i32>} : memref<16x640xf32, #tpu.memory_space<vmem>>, vector<16xf32>,
      %add3A_112 = arith.addf %add3A_105, %get3A_111 : vector<16xf32>
      %mul3A_113 = arith.constant 16 : i32
      %mul3A_114 = arith.muli %scan3A_37, %mul3A_113 : i32
      %get3A_115 = arith.constant 11 : i32
      %get3A_116 = arith.index_cast %get3A_115 : i32 to index
      %get3A_117 = arith.index_cast %mul3A_114 : i32 to index
      %get3A_118 = tpu.vector_load %arg6[%get3A_116, %get3A_117] {strides = array<i32>} : memref<16x640xf32, #tpu.memory_space<vmem>>, vector<16xf32>,
      %add3A_119 = arith.addf %add3A_112, %get3A_118 : vector<16xf32>
      %mul3A_120 = arith.constant 16 : i32
      %mul3A_121 = arith.muli %scan3A_37, %mul3A_120 : i32
      %get3A_122 = arith.constant 12 : i32
      %get3A_123 = arith.index_cast %get3A_122 : i32 to index
      %get3A_124 = arith.index_cast %mul3A_121 : i32 to index
      %get3A_125 = tpu.vector_load %arg6[%get3A_123, %get3A_124] {strides = array<i32>} : memref<16x640xf32, #tpu.memory_space<vmem>>, vector<16xf32>,
      %add3A_126 = arith.addf %add3A_119, %get3A_125 : vector<16xf32>
      %mul3A_127 = arith.constant 16 : i32
      %mul3A_128 = arith.muli %scan3A_37, %mul3A_127 : i32
      %get3A_129 = arith.constant 13 : i32
      %get3A_130 = arith.index_cast %get3A_129 : i32 to index
      %get3A_131 = arith.index_cast %mul3A_128 : i32 to index
      %get3A_132 = tpu.vector_load %arg6[%get3A_130, %get3A_131] {strides = array<i32>} : memref<16x640xf32, #tpu.memory_space<vmem>>, vector<16xf32>,
      %add3A_133 = arith.addf %add3A_126, %get3A_132 : vector<16xf32>
      %mul3A_134 = arith.constant 16 : i32
      %mul3A_135 = arith.muli %scan3A_37, %mul3A_134 : i32
      %get3A_136 = arith.constant 14 : i32
      %get3A_137 = arith.index_cast %get3A_136 : i32 to index
      %get3A_138 = arith.index_cast %mul3A_135 : i32 to index
      %get3A_139 = tpu.vector_load %arg6[%get3A_137, %get3A_138] {strides = array<i32>} : memref<16x640xf32, #tpu.memory_space<vmem>>, vector<16xf32>,
      %add3A_140 = arith.addf %add3A_133, %get3A_139 : vector<16xf32>
      %mul3A_141 = arith.constant 16 : i32
      %mul3A_142 = arith.muli %scan3A_37, %mul3A_141 : i32
      %get3A_143 = arith.constant 15 : i32
      %get3A_144 = arith.index_cast %get3A_143 : i32 to index
      %get3A_145 = arith.index_cast %mul3A_142 : i32 to index
      %get3A_146 = tpu.vector_load %arg6[%get3A_144, %get3A_145] {strides = array<i32>} : memref<16x640xf32, #tpu.memory_space<vmem>>, vector<16xf32>,
      %add3A_147 = arith.addf %add3A_140, %get3A_146 : vector<16xf32>
      %max3A = arith.constant 1.000000e+00 : f32
      %max3A_148 = vector.broadcast %max3A : f32 to vector<16xf32>
      %max3A_149 = arith.maximumf %add3A_147, %max3A_148 : vector<16xf32>
      %bitcast3A = vector.bitcast %max3A_149 : vector<16xf32> to vector<16xi32>
      %shift_right_arithmetic3A = arith.constant 1 : i32
      %shift_right_arithmetic3A_150 = vector.broadcast %shift_right_arithmetic3A : i32 to vector<16xi32>
      %shift_right_arithmetic3A_151 = arith.shrsi %bitcast3A, %shift_right_arithmetic3A_150 : vector<16xi32>
      %sub3A = arith.constant 1597463007 : i32
      %sub3A_152 = vector.broadcast %sub3A : i32 to vector<16xi32>
      %sub3A_153 = arith.subi %sub3A_152, %shift_right_arithmetic3A_151 : vector<16xi32>
      %bitcast3A_154 = vector.bitcast %sub3A_153 : vector<16xi32> to vector<16xf32>
      %mul3A_155 = arith.constant 5.000000e-01 : f32
      %mul3A_156 = vector.broadcast %mul3A_155 : f32 to vector<16xf32>
      %mul3A_157 = arith.mulf %mul3A_156, %max3A_149 : vector<16xf32>
      %mul3A_158 = arith.mulf %mul3A_157, %bitcast3A_154 : vector<16xf32>
      %mul3A_159 = arith.mulf %mul3A_158, %bitcast3A_154 : vector<16xf32>
      %sub3A_160 = arith.constant 1.500000e+00 : f32
      %sub3A_161 = vector.broadcast %sub3A_160 : f32 to vector<16xf32>
      %sub3A_162 = arith.subf %sub3A_161, %mul3A_159 : vector<16xf32>
      %mul3A_163 = arith.mulf %bitcast3A_154, %sub3A_162 : vector<16xf32>
      %mul3A_164 = arith.constant 5.000000e-01 : f32
      %mul3A_165 = vector.broadcast %mul3A_164 : f32 to vector<16xf32>
      %mul3A_166 = arith.mulf %mul3A_165, %max3A_149 : vector<16xf32>
      %mul3A_167 = arith.mulf %mul3A_166, %mul3A_163 : vector<16xf32>
      %mul3A_168 = arith.mulf %mul3A_167, %mul3A_163 : vector<16xf32>
      %sub3A_169 = arith.constant 1.500000e+00 : f32
      %sub3A_170 = vector.broadcast %sub3A_169 : f32 to vector<16xf32>
      %sub3A_171 = arith.subf %sub3A_170, %mul3A_168 : vector<16xf32>
      %mul3A_172 = arith.mulf %mul3A_163, %sub3A_171 : vector<16xf32>
      %mul3A_173 = arith.constant 5.000000e-01 : f32
      %mul3A_174 = vector.broadcast %mul3A_173 : f32 to vector<16xf32>
      %mul3A_175 = arith.mulf %mul3A_174, %max3A_149 : vector<16xf32>
      %mul3A_176 = arith.mulf %mul3A_175, %mul3A_172 : vector<16xf32>
      %mul3A_177 = arith.mulf %mul3A_176, %mul3A_172 : vector<16xf32>
      %sub3A_178 = arith.constant 1.500000e+00 : f32
      %sub3A_179 = vector.broadcast %sub3A_178 : f32 to vector<16xf32>
      %sub3A_180 = arith.subf %sub3A_179, %mul3A_177 : vector<16xf32>
      %mul3A_181 = arith.mulf %mul3A_172, %sub3A_180 : vector<16xf32>
      %rem3A = arith.constant 20 : i32
      %rem3A_182 = arith.remsi %scan3A_37, %rem3A : i32
      %mul3A_183 = arith.constant 16 : i32
      %mul3A_184 = arith.muli %rem3A_182, %mul3A_183 : i32
      %add3A_185 = vector.broadcast %mul3A_184 : i32 to vector<16xi32>
      %add3A_186 = arith.addi %add3A_185, %iota3A : vector<16xi32>
      %broadcast_in_dim3A_187 = arith.constant 0 : i32
      %broadcast_in_dim3A_188 = vector.broadcast %broadcast_in_dim3A_187 : i32 to vector<16xi32>
      tpu.vector_store_idx %arg7[%add3A_186, %broadcast_in_dim3A_188], %mul3A_181 : memref<320x8xf32, #tpu.memory_space<vmem>>[vector<16xi32>, vector<16xi32>], vector<16xf32>,
      %broadcast_in_dim3A_189 = arith.constant 1 : i32
      %broadcast_in_dim3A_190 = vector.broadcast %broadcast_in_dim3A_189 : i32 to vector<16xi32>
      tpu.vector_store_idx %arg7[%add3A_186, %broadcast_in_dim3A_190], %mul3A_181 : memref<320x8xf32, #tpu.memory_space<vmem>>[vector<16xi32>, vector<16xi32>], vector<16xf32>,
      %broadcast_in_dim3A_191 = arith.constant 2 : i32
      %broadcast_in_dim3A_192 = vector.broadcast %broadcast_in_dim3A_191 : i32 to vector<16xi32>
      tpu.vector_store_idx %arg7[%add3A_186, %broadcast_in_dim3A_192], %mul3A_181 : memref<320x8xf32, #tpu.memory_space<vmem>>[vector<16xi32>, vector<16xi32>], vector<16xf32>,
      %broadcast_in_dim3A_193 = arith.constant 3 : i32
      %broadcast_in_dim3A_194 = vector.broadcast %broadcast_in_dim3A_193 : i32 to vector<16xi32>
      tpu.vector_store_idx %arg7[%add3A_186, %broadcast_in_dim3A_194], %mul3A_181 : memref<320x8xf32, #tpu.memory_space<vmem>>[vector<16xi32>, vector<16xi32>], vector<16xf32>,
      %broadcast_in_dim3A_195 = arith.constant 4 : i32
      %broadcast_in_dim3A_196 = vector.broadcast %broadcast_in_dim3A_195 : i32 to vector<16xi32>
      tpu.vector_store_idx %arg7[%add3A_186, %broadcast_in_dim3A_196], %mul3A_181 : memref<320x8xf32, #tpu.memory_space<vmem>>[vector<16xi32>, vector<16xi32>], vector<16xf32>,
      %broadcast_in_dim3A_197 = arith.constant 5 : i32
      %broadcast_in_dim3A_198 = vector.broadcast %broadcast_in_dim3A_197 : i32 to vector<16xi32>
      tpu.vector_store_idx %arg7[%add3A_186, %broadcast_in_dim3A_198], %mul3A_181 : memref<320x8xf32, #tpu.memory_space<vmem>>[vector<16xi32>, vector<16xi32>], vector<16xf32>,
      %broadcast_in_dim3A_199 = arith.constant 6 : i32
      %broadcast_in_dim3A_200 = vector.broadcast %broadcast_in_dim3A_199 : i32 to vector<16xi32>
      tpu.vector_store_idx %arg7[%add3A_186, %broadcast_in_dim3A_200], %mul3A_181 : memref<320x8xf32, #tpu.memory_space<vmem>>[vector<16xi32>, vector<16xi32>], vector<16xf32>,
      %broadcast_in_dim3A_201 = arith.constant 7 : i32
      %broadcast_in_dim3A_202 = vector.broadcast %broadcast_in_dim3A_201 : i32 to vector<16xi32>
      tpu.vector_store_idx %arg7[%add3A_186, %broadcast_in_dim3A_202], %mul3A_181 : memref<320x8xf32, #tpu.memory_space<vmem>>[vector<16xi32>, vector<16xi32>], vector<16xf32>,
    }
    %scan3A_22 = arith.constant 20 : i32
    %mul3A_23 = arith.constant 640 : i32
    %mul3A_24 = arith.muli %arg1, %mul3A_23 : i32
    %add3A_25 = arith.constant 0 : i32
    %add3A_26 = arith.addi %mul3A_24, %add3A_25 : i32
    "tpu.region"() ({
      %run_scoped3A = tpu.sem_alloc : memref<!tpu.dma_semaphore, #tpu.memory_space<semaphore_mem>>
      %dma_start3A = arith.constant 0 : i32
      %dma_start3A_37 = tpu.memref_slice %arg3[%arg0, %add3A_26, %dma_start3A] : memref<2x10240x8xf32, #tpu.memory_space<hbm>> -> memref<1x320x8xf32, #tpu.memory_space<hbm>>
      %dma_start3A_38 = tpu.memref_squeeze %dma_start3A_37 : memref<1x320x8xf32, #tpu.memory_space<hbm>> -> memref<320x8xf32, #tpu.memory_space<hbm>>
      %dma_start3A_39 = arith.constant 0 : i32
      %dma_start3A_40 = tpu.memref_slice %arg3[%arg0, %add3A_26, %dma_start3A_39] : memref<2x10240x8xf32, #tpu.memory_space<hbm>> -> memref<1x320x8xf32, #tpu.memory_space<hbm>>
      %dma_start3A_41 = tpu.memref_squeeze %dma_start3A_40 : memref<1x320x8xf32, #tpu.memory_space<hbm>> -> memref<320x8xf32, #tpu.memory_space<hbm>>
      tpu.enqueue_dma source(%arg7 : memref<320x8xf32, #tpu.memory_space<vmem>>) target(%dma_start3A_41 : memref<320x8xf32, #tpu.memory_space<hbm>>) target_semaphore(%run_scoped3A : memref<!tpu.dma_semaphore, #tpu.memory_space<semaphore_mem>>)
      %dma_wait3A = arith.constant 0 : i32
      %dma_wait3A_42 = tpu.memref_slice %arg3[%arg0, %add3A_26, %dma_wait3A] : memref<2x10240x8xf32, #tpu.memory_space<hbm>> -> memref<1x320x8xf32, #tpu.memory_space<hbm>>
      %dma_wait3A_43 = tpu.memref_squeeze %dma_wait3A_42 : memref<1x320x8xf32, #tpu.memory_space<hbm>> -> memref<320x8xf32, #tpu.memory_space<hbm>>
      %dma_wait3A_44 = arith.constant 0 : i32
      %dma_wait3A_45 = tpu.memref_slice %arg3[%arg0, %add3A_26, %dma_wait3A_44] : memref<2x10240x8xf32, #tpu.memory_space<hbm>> -> memref<1x320x8xf32, #tpu.memory_space<hbm>>
      %dma_wait3A_46 = tpu.memref_squeeze %dma_wait3A_45 : memref<1x320x8xf32, #tpu.memory_space<hbm>> -> memref<320x8xf32, #tpu.memory_space<hbm>>
      tpu.wait_dma2 semaphore(%run_scoped3A : memref<!tpu.dma_semaphore, #tpu.memory_space<semaphore_mem>>) src(%arg7 : memref<320x8xf32, #tpu.memory_space<vmem>>) dst(%dma_wait3A_46 : memref<320x8xf32, #tpu.memory_space<hbm>>)
      tpu.yield
    }) : () -> ()
    %scan3A_27 = arith.constant 0 : i32
    %scan3A_28 = arith.constant 20 : i32
    %scan3A_29 = arith.constant 20 : i32
    %scan3A_30 = arith.addi %scan3A_28, %scan3A_29 : i32
    %scan3A_31 = arith.constant 1 : i32
    scf.for %scan3A_37 = %scan3A_28 to %scan3A_30 step %scan3A_31  : i32 {
      %mul3A_38 = arith.constant 16 : i32
      %mul3A_39 = arith.muli %scan3A_37, %mul3A_38 : i32
      %get3A = arith.constant 0 : i32
      %get3A_40 = arith.index_cast %get3A : i32 to index
      %get3A_41 = arith.index_cast %mul3A_39 : i32 to index
      %get3A_42 = tpu.vector_load %arg6[%get3A_40, %get3A_41] {strides = array<i32>} : memref<16x640xf32, #tpu.memory_space<vmem>>, vector<16xf32>,
      %mul3A_43 = arith.constant 16 : i32
      %mul3A_44 = arith.muli %scan3A_37, %mul3A_43 : i32
      %get3A_45 = arith.constant 1 : i32
      %get3A_46 = arith.index_cast %get3A_45 : i32 to index
      %get3A_47 = arith.index_cast %mul3A_44 : i32 to index
      %get3A_48 = tpu.vector_load %arg6[%get3A_46, %get3A_47] {strides = array<i32>} : memref<16x640xf32, #tpu.memory_space<vmem>>, vector<16xf32>,
      %add3A_49 = arith.addf %get3A_42, %get3A_48 : vector<16xf32>
      %mul3A_50 = arith.constant 16 : i32
      %mul3A_51 = arith.muli %scan3A_37, %mul3A_50 : i32
      %get3A_52 = arith.constant 2 : i32
      %get3A_53 = arith.index_cast %get3A_52 : i32 to index
      %get3A_54 = arith.index_cast %mul3A_51 : i32 to index
      %get3A_55 = tpu.vector_load %arg6[%get3A_53, %get3A_54] {strides = array<i32>} : memref<16x640xf32, #tpu.memory_space<vmem>>, vector<16xf32>,
      %add3A_56 = arith.addf %add3A_49, %get3A_55 : vector<16xf32>
      %mul3A_57 = arith.constant 16 : i32
      %mul3A_58 = arith.muli %scan3A_37, %mul3A_57 : i32
      %get3A_59 = arith.constant 3 : i32
      %get3A_60 = arith.index_cast %get3A_59 : i32 to index
      %get3A_61 = arith.index_cast %mul3A_58 : i32 to index
      %get3A_62 = tpu.vector_load %arg6[%get3A_60, %get3A_61] {strides = array<i32>} : memref<16x640xf32, #tpu.memory_space<vmem>>, vector<16xf32>,
      %add3A_63 = arith.addf %add3A_56, %get3A_62 : vector<16xf32>
      %mul3A_64 = arith.constant 16 : i32
      %mul3A_65 = arith.muli %scan3A_37, %mul3A_64 : i32
      %get3A_66 = arith.constant 4 : i32
      %get3A_67 = arith.index_cast %get3A_66 : i32 to index
      %get3A_68 = arith.index_cast %mul3A_65 : i32 to index
      %get3A_69 = tpu.vector_load %arg6[%get3A_67, %get3A_68] {strides = array<i32>} : memref<16x640xf32, #tpu.memory_space<vmem>>, vector<16xf32>,
      %add3A_70 = arith.addf %add3A_63, %get3A_69 : vector<16xf32>
      %mul3A_71 = arith.constant 16 : i32
      %mul3A_72 = arith.muli %scan3A_37, %mul3A_71 : i32
      %get3A_73 = arith.constant 5 : i32
      %get3A_74 = arith.index_cast %get3A_73 : i32 to index
      %get3A_75 = arith.index_cast %mul3A_72 : i32 to index
      %get3A_76 = tpu.vector_load %arg6[%get3A_74, %get3A_75] {strides = array<i32>} : memref<16x640xf32, #tpu.memory_space<vmem>>, vector<16xf32>,
      %add3A_77 = arith.addf %add3A_70, %get3A_76 : vector<16xf32>
      %mul3A_78 = arith.constant 16 : i32
      %mul3A_79 = arith.muli %scan3A_37, %mul3A_78 : i32
      %get3A_80 = arith.constant 6 : i32
      %get3A_81 = arith.index_cast %get3A_80 : i32 to index
      %get3A_82 = arith.index_cast %mul3A_79 : i32 to index
      %get3A_83 = tpu.vector_load %arg6[%get3A_81, %get3A_82] {strides = array<i32>} : memref<16x640xf32, #tpu.memory_space<vmem>>, vector<16xf32>,
      %add3A_84 = arith.addf %add3A_77, %get3A_83 : vector<16xf32>
      %mul3A_85 = arith.constant 16 : i32
      %mul3A_86 = arith.muli %scan3A_37, %mul3A_85 : i32
      %get3A_87 = arith.constant 7 : i32
      %get3A_88 = arith.index_cast %get3A_87 : i32 to index
      %get3A_89 = arith.index_cast %mul3A_86 : i32 to index
      %get3A_90 = tpu.vector_load %arg6[%get3A_88, %get3A_89] {strides = array<i32>} : memref<16x640xf32, #tpu.memory_space<vmem>>, vector<16xf32>,
      %add3A_91 = arith.addf %add3A_84, %get3A_90 : vector<16xf32>
      %mul3A_92 = arith.constant 16 : i32
      %mul3A_93 = arith.muli %scan3A_37, %mul3A_92 : i32
      %get3A_94 = arith.constant 8 : i32
      %get3A_95 = arith.index_cast %get3A_94 : i32 to index
      %get3A_96 = arith.index_cast %mul3A_93 : i32 to index
      %get3A_97 = tpu.vector_load %arg6[%get3A_95, %get3A_96] {strides = array<i32>} : memref<16x640xf32, #tpu.memory_space<vmem>>, vector<16xf32>,
      %add3A_98 = arith.addf %add3A_91, %get3A_97 : vector<16xf32>
      %mul3A_99 = arith.constant 16 : i32
      %mul3A_100 = arith.muli %scan3A_37, %mul3A_99 : i32
      %get3A_101 = arith.constant 9 : i32
      %get3A_102 = arith.index_cast %get3A_101 : i32 to index
      %get3A_103 = arith.index_cast %mul3A_100 : i32 to index
      %get3A_104 = tpu.vector_load %arg6[%get3A_102, %get3A_103] {strides = array<i32>} : memref<16x640xf32, #tpu.memory_space<vmem>>, vector<16xf32>,
      %add3A_105 = arith.addf %add3A_98, %get3A_104 : vector<16xf32>
      %mul3A_106 = arith.constant 16 : i32
      %mul3A_107 = arith.muli %scan3A_37, %mul3A_106 : i32
      %get3A_108 = arith.constant 10 : i32
      %get3A_109 = arith.index_cast %get3A_108 : i32 to index
      %get3A_110 = arith.index_cast %mul3A_107 : i32 to index
      %get3A_111 = tpu.vector_load %arg6[%get3A_109, %get3A_110] {strides = array<i32>} : memref<16x640xf32, #tpu.memory_space<vmem>>, vector<16xf32>,
      %add3A_112 = arith.addf %add3A_105, %get3A_111 : vector<16xf32>
      %mul3A_113 = arith.constant 16 : i32
      %mul3A_114 = arith.muli %scan3A_37, %mul3A_113 : i32
      %get3A_115 = arith.constant 11 : i32
      %get3A_116 = arith.index_cast %get3A_115 : i32 to index
      %get3A_117 = arith.index_cast %mul3A_114 : i32 to index
      %get3A_118 = tpu.vector_load %arg6[%get3A_116, %get3A_117] {strides = array<i32>} : memref<16x640xf32, #tpu.memory_space<vmem>>, vector<16xf32>,
      %add3A_119 = arith.addf %add3A_112, %get3A_118 : vector<16xf32>
      %mul3A_120 = arith.constant 16 : i32
      %mul3A_121 = arith.muli %scan3A_37, %mul3A_120 : i32
      %get3A_122 = arith.constant 12 : i32
      %get3A_123 = arith.index_cast %get3A_122 : i32 to index
      %get3A_124 = arith.index_cast %mul3A_121 : i32 to index
      %get3A_125 = tpu.vector_load %arg6[%get3A_123, %get3A_124] {strides = array<i32>} : memref<16x640xf32, #tpu.memory_space<vmem>>, vector<16xf32>,
      %add3A_126 = arith.addf %add3A_119, %get3A_125 : vector<16xf32>
      %mul3A_127 = arith.constant 16 : i32
      %mul3A_128 = arith.muli %scan3A_37, %mul3A_127 : i32
      %get3A_129 = arith.constant 13 : i32
      %get3A_130 = arith.index_cast %get3A_129 : i32 to index
      %get3A_131 = arith.index_cast %mul3A_128 : i32 to index
      %get3A_132 = tpu.vector_load %arg6[%get3A_130, %get3A_131] {strides = array<i32>} : memref<16x640xf32, #tpu.memory_space<vmem>>, vector<16xf32>,
      %add3A_133 = arith.addf %add3A_126, %get3A_132 : vector<16xf32>
      %mul3A_134 = arith.constant 16 : i32
      %mul3A_135 = arith.muli %scan3A_37, %mul3A_134 : i32
      %get3A_136 = arith.constant 14 : i32
      %get3A_137 = arith.index_cast %get3A_136 : i32 to index
      %get3A_138 = arith.index_cast %mul3A_135 : i32 to index
      %get3A_139 = tpu.vector_load %arg6[%get3A_137, %get3A_138] {strides = array<i32>} : memref<16x640xf32, #tpu.memory_space<vmem>>, vector<16xf32>,
      %add3A_140 = arith.addf %add3A_133, %get3A_139 : vector<16xf32>
      %mul3A_141 = arith.constant 16 : i32
      %mul3A_142 = arith.muli %scan3A_37, %mul3A_141 : i32
      %get3A_143 = arith.constant 15 : i32
      %get3A_144 = arith.index_cast %get3A_143 : i32 to index
      %get3A_145 = arith.index_cast %mul3A_142 : i32 to index
      %get3A_146 = tpu.vector_load %arg6[%get3A_144, %get3A_145] {strides = array<i32>} : memref<16x640xf32, #tpu.memory_space<vmem>>, vector<16xf32>,
      %add3A_147 = arith.addf %add3A_140, %get3A_146 : vector<16xf32>
      %max3A = arith.constant 1.000000e+00 : f32
      %max3A_148 = vector.broadcast %max3A : f32 to vector<16xf32>
      %max3A_149 = arith.maximumf %add3A_147, %max3A_148 : vector<16xf32>
      %bitcast3A = vector.bitcast %max3A_149 : vector<16xf32> to vector<16xi32>
      %shift_right_arithmetic3A = arith.constant 1 : i32
      %shift_right_arithmetic3A_150 = vector.broadcast %shift_right_arithmetic3A : i32 to vector<16xi32>
      %shift_right_arithmetic3A_151 = arith.shrsi %bitcast3A, %shift_right_arithmetic3A_150 : vector<16xi32>
      %sub3A = arith.constant 1597463007 : i32
      %sub3A_152 = vector.broadcast %sub3A : i32 to vector<16xi32>
      %sub3A_153 = arith.subi %sub3A_152, %shift_right_arithmetic3A_151 : vector<16xi32>
      %bitcast3A_154 = vector.bitcast %sub3A_153 : vector<16xi32> to vector<16xf32>
      %mul3A_155 = arith.constant 5.000000e-01 : f32
      %mul3A_156 = vector.broadcast %mul3A_155 : f32 to vector<16xf32>
      %mul3A_157 = arith.mulf %mul3A_156, %max3A_149 : vector<16xf32>
      %mul3A_158 = arith.mulf %mul3A_157, %bitcast3A_154 : vector<16xf32>
      %mul3A_159 = arith.mulf %mul3A_158, %bitcast3A_154 : vector<16xf32>
      %sub3A_160 = arith.constant 1.500000e+00 : f32
      %sub3A_161 = vector.broadcast %sub3A_160 : f32 to vector<16xf32>
      %sub3A_162 = arith.subf %sub3A_161, %mul3A_159 : vector<16xf32>
      %mul3A_163 = arith.mulf %bitcast3A_154, %sub3A_162 : vector<16xf32>
      %mul3A_164 = arith.constant 5.000000e-01 : f32
      %mul3A_165 = vector.broadcast %mul3A_164 : f32 to vector<16xf32>
      %mul3A_166 = arith.mulf %mul3A_165, %max3A_149 : vector<16xf32>
      %mul3A_167 = arith.mulf %mul3A_166, %mul3A_163 : vector<16xf32>
      %mul3A_168 = arith.mulf %mul3A_167, %mul3A_163 : vector<16xf32>
      %sub3A_169 = arith.constant 1.500000e+00 : f32
      %sub3A_170 = vector.broadcast %sub3A_169 : f32 to vector<16xf32>
      %sub3A_171 = arith.subf %sub3A_170, %mul3A_168 : vector<16xf32>
      %mul3A_172 = arith.mulf %mul3A_163, %sub3A_171 : vector<16xf32>
      %mul3A_173 = arith.constant 5.000000e-01 : f32
      %mul3A_174 = vector.broadcast %mul3A_173 : f32 to vector<16xf32>
      %mul3A_175 = arith.mulf %mul3A_174, %max3A_149 : vector<16xf32>
      %mul3A_176 = arith.mulf %mul3A_175, %mul3A_172 : vector<16xf32>
      %mul3A_177 = arith.mulf %mul3A_176, %mul3A_172 : vector<16xf32>
      %sub3A_178 = arith.constant 1.500000e+00 : f32
      %sub3A_179 = vector.broadcast %sub3A_178 : f32 to vector<16xf32>
      %sub3A_180 = arith.subf %sub3A_179, %mul3A_177 : vector<16xf32>
      %mul3A_181 = arith.mulf %mul3A_172, %sub3A_180 : vector<16xf32>
      %rem3A = arith.constant 20 : i32
      %rem3A_182 = arith.remsi %scan3A_37, %rem3A : i32
      %mul3A_183 = arith.constant 16 : i32
      %mul3A_184 = arith.muli %rem3A_182, %mul3A_183 : i32
      %add3A_185 = vector.broadcast %mul3A_184 : i32 to vector<16xi32>
      %add3A_186 = arith.addi %add3A_185, %iota3A : vector<16xi32>
      %broadcast_in_dim3A_187 = arith.constant 0 : i32
      %broadcast_in_dim3A_188 = vector.broadcast %broadcast_in_dim3A_187 : i32 to vector<16xi32>
      tpu.vector_store_idx %arg7[%add3A_186, %broadcast_in_dim3A_188], %mul3A_181 : memref<320x8xf32, #tpu.memory_space<vmem>>[vector<16xi32>, vector<16xi32>], vector<16xf32>,
      %broadcast_in_dim3A_189 = arith.constant 1 : i32
      %broadcast_in_dim3A_190 = vector.broadcast %broadcast_in_dim3A_189 : i32 to vector<16xi32>
      tpu.vector_store_idx %arg7[%add3A_186, %broadcast_in_dim3A_190], %mul3A_181 : memref<320x8xf32, #tpu.memory_space<vmem>>[vector<16xi32>, vector<16xi32>], vector<16xf32>,
      %broadcast_in_dim3A_191 = arith.constant 2 : i32
      %broadcast_in_dim3A_192 = vector.broadcast %broadcast_in_dim3A_191 : i32 to vector<16xi32>
      tpu.vector_store_idx %arg7[%add3A_186, %broadcast_in_dim3A_192], %mul3A_181 : memref<320x8xf32, #tpu.memory_space<vmem>>[vector<16xi32>, vector<16xi32>], vector<16xf32>,
      %broadcast_in_dim3A_193 = arith.constant 3 : i32
      %broadcast_in_dim3A_194 = vector.broadcast %broadcast_in_dim3A_193 : i32 to vector<16xi32>
      tpu.vector_store_idx %arg7[%add3A_186, %broadcast_in_dim3A_194], %mul3A_181 : memref<320x8xf32, #tpu.memory_space<vmem>>[vector<16xi32>, vector<16xi32>], vector<16xf32>,
      %broadcast_in_dim3A_195 = arith.constant 4 : i32
      %broadcast_in_dim3A_196 = vector.broadcast %broadcast_in_dim3A_195 : i32 to vector<16xi32>
      tpu.vector_store_idx %arg7[%add3A_186, %broadcast_in_dim3A_196], %mul3A_181 : memref<320x8xf32, #tpu.memory_space<vmem>>[vector<16xi32>, vector<16xi32>], vector<16xf32>,
      %broadcast_in_dim3A_197 = arith.constant 5 : i32
      %broadcast_in_dim3A_198 = vector.broadcast %broadcast_in_dim3A_197 : i32 to vector<16xi32>
      tpu.vector_store_idx %arg7[%add3A_186, %broadcast_in_dim3A_198], %mul3A_181 : memref<320x8xf32, #tpu.memory_space<vmem>>[vector<16xi32>, vector<16xi32>], vector<16xf32>,
      %broadcast_in_dim3A_199 = arith.constant 6 : i32
      %broadcast_in_dim3A_200 = vector.broadcast %broadcast_in_dim3A_199 : i32 to vector<16xi32>
      tpu.vector_store_idx %arg7[%add3A_186, %broadcast_in_dim3A_200], %mul3A_181 : memref<320x8xf32, #tpu.memory_space<vmem>>[vector<16xi32>, vector<16xi32>], vector<16xf32>,
      %broadcast_in_dim3A_201 = arith.constant 7 : i32
      %broadcast_in_dim3A_202 = vector.broadcast %broadcast_in_dim3A_201 : i32 to vector<16xi32>
      tpu.vector_store_idx %arg7[%add3A_186, %broadcast_in_dim3A_202], %mul3A_181 : memref<320x8xf32, #tpu.memory_space<vmem>>[vector<16xi32>, vector<16xi32>], vector<16xf32>,
    }
    %scan3A_32 = arith.constant 20 : i32
    %mul3A_33 = arith.constant 640 : i32
    %mul3A_34 = arith.muli %arg1, %mul3A_33 : i32
    %add3A_35 = arith.constant 320 : i32
    %add3A_36 = arith.addi %mul3A_34, %add3A_35 : i32
    "tpu.region"() ({
      %run_scoped3A = tpu.sem_alloc : memref<!tpu.dma_semaphore, #tpu.memory_space<semaphore_mem>>
      %dma_start3A = arith.constant 0 : i32
      %dma_start3A_37 = tpu.memref_slice %arg3[%arg0, %add3A_36, %dma_start3A] : memref<2x10240x8xf32, #tpu.memory_space<hbm>> -> memref<1x320x8xf32, #tpu.memory_space<hbm>>
      %dma_start3A_38 = tpu.memref_squeeze %dma_start3A_37 : memref<1x320x8xf32, #tpu.memory_space<hbm>> -> memref<320x8xf32, #tpu.memory_space<hbm>>
      %dma_start3A_39 = arith.constant 0 : i32
      %dma_start3A_40 = tpu.memref_slice %arg3[%arg0, %add3A_36, %dma_start3A_39] : memref<2x10240x8xf32, #tpu.memory_space<hbm>> -> memref<1x320x8xf32, #tpu.memory_space<hbm>>
      %dma_start3A_41 = tpu.memref_squeeze %dma_start3A_40 : memref<1x320x8xf32, #tpu.memory_space<hbm>> -> memref<320x8xf32, #tpu.memory_space<hbm>>
      tpu.enqueue_dma source(%arg7 : memref<320x8xf32, #tpu.memory_space<vmem>>) target(%dma_start3A_41 : memref<320x8xf32, #tpu.memory_space<hbm>>) target_semaphore(%run_scoped3A : memref<!tpu.dma_semaphore, #tpu.memory_space<semaphore_mem>>)
      %dma_wait3A = arith.constant 0 : i32
      %dma_wait3A_42 = tpu.memref_slice %arg3[%arg0, %add3A_36, %dma_wait3A] : memref<2x10240x8xf32, #tpu.memory_space<hbm>> -> memref<1x320x8xf32, #tpu.memory_space<hbm>>
      %dma_wait3A_43 = tpu.memref_squeeze %dma_wait3A_42 : memref<1x320x8xf32, #tpu.memory_space<hbm>> -> memref<320x8xf32, #tpu.memory_space<hbm>>
      %dma_wait3A_44 = arith.constant 0 : i32
      %dma_wait3A_45 = tpu.memref_slice %arg3[%arg0, %add3A_36, %dma_wait3A_44] : memref<2x10240x8xf32, #tpu.memory_space<hbm>> -> memref<1x320x8xf32, #tpu.memory_space<hbm>>
      %dma_wait3A_46 = tpu.memref_squeeze %dma_wait3A_45 : memref<1x320x8xf32, #tpu.memory_space<hbm>> -> memref<320x8xf32, #tpu.memory_space<hbm>>
      tpu.wait_dma2 semaphore(%run_scoped3A : memref<!tpu.dma_semaphore, #tpu.memory_space<semaphore_mem>>) src(%arg7 : memref<320x8xf32, #tpu.memory_space<vmem>>) dst(%dma_wait3A_46 : memref<320x8xf32, #tpu.memory_space<hbm>>)
      tpu.yield
    }) : () -> ()
    return
  }
}

#map = affine_map<(d0, d1) -> (0, 0)>
#map1 = affine_map<(d0, d1) -> (0, 0, 0, 0, 0)>
#map2 = affine_map<(d0, d1) -> (0, 0, 0)>
module attributes {stable_mosaic.version = 14 : i64} {
  func.func @_agg_body(%arg0: i32, %arg1: i32, %arg2: memref<10000x128xf32, #tpu.memory_space<hbm>>, %arg3: memref<2x32x25x5x80xi32, #tpu.memory_space<hbm>>, %arg4: memref<640x128xf32, #tpu.memory_space<hbm>>, %arg5: memref<2x10240x128xf32, #tpu.memory_space<hbm>>, %arg6: memref<10240x128xf32, #tpu.memory_space<vmem_shared>>, %arg7: memref<2x5x80xi32, #tpu.memory_space<vmem>>, %arg8: memref<2x5x80xi32, #tpu.memory_space<vmem>>, %arg9: memref<3x80x128xf32, #tpu.memory_space<vmem>>, %arg10: memref<2x!tpu.dma_semaphore, #tpu.memory_space<semaphore_mem>>, %arg11: memref<3x!tpu.dma_semaphore, #tpu.memory_space<semaphore_mem>>, %arg12: memref<3x!tpu.dma_semaphore, #tpu.memory_space<semaphore_mem>>) attributes {dimension_semantics = [#tpu.dimension_semantics<core_parallel>, #tpu.dimension_semantics<subcore_parallel>], iteration_bounds = array<i64: 2, 16>, scalar_prefetch = 0 : i64, scratch_operands = 7 : i64, tpu.core_type = #tpu.core_type<sc_vector_subcore>, window_params = [{transform_indices = #map}, {transform_indices = #map1}, {transform_indices = #map}, {transform_indices = #map2}]} {
    %mul3A = arith.constant 2 : i32
    %mul3A_0 = arith.muli %arg1, %mul3A : i32
    %add3A = arith.addi %mul3A_0, %arg0 : i32
    %mul3A_1 = arith.constant 640 : i32
    %mul3A_2 = arith.muli %arg1, %mul3A_1 : i32
    "tpu.region"() ({
      %run_scoped3A = tpu.sem_alloc : memref<!tpu.dma_semaphore, #tpu.memory_space<semaphore_mem>>
      %dma_start3A_210 = arith.constant 0 : i32
      %dma_start3A_211 = tpu.memref_slice %arg6[%mul3A_2, %dma_start3A_210] : memref<10240x128xf32, #tpu.memory_space<vmem_shared>> -> memref<640x128xf32, #tpu.memory_space<vmem_shared>>
      tpu.enqueue_dma source(%arg4 : memref<640x128xf32, #tpu.memory_space<hbm>>) target(%dma_start3A_211 : memref<640x128xf32, #tpu.memory_space<vmem_shared>>) target_semaphore(%run_scoped3A : memref<!tpu.dma_semaphore, #tpu.memory_space<semaphore_mem>>)
      %dma_wait3A_212 = arith.constant 0 : i32
      %dma_wait3A_213 = tpu.memref_slice %arg6[%mul3A_2, %dma_wait3A_212] : memref<10240x128xf32, #tpu.memory_space<vmem_shared>> -> memref<640x128xf32, #tpu.memory_space<vmem_shared>>
      tpu.wait_dma2 semaphore(%run_scoped3A : memref<!tpu.dma_semaphore, #tpu.memory_space<semaphore_mem>>) src(%arg4 : memref<640x128xf32, #tpu.memory_space<hbm>>) dst(%dma_wait3A_213 : memref<640x128xf32, #tpu.memory_space<vmem_shared>>)
      tpu.yield
    }) : () -> ()
    %dma_start3A = arith.constant 0 : i32
    %dma_start3A_3 = arith.constant 0 : i32
    %dma_start3A_4 = arith.constant 0 : i32
    %dma_start3A_5 = arith.constant 0 : i32
    %dma_start3A_6 = arith.constant 0 : i32
    %dma_start3A_7 = arith.constant 0 : i32
    %dma_start3A_8 = tpu.memref_slice %arg7[%dma_start3A_4, %dma_start3A_6, %dma_start3A_7] : memref<2x5x80xi32, #tpu.memory_space<vmem>> -> memref<1x5x80xi32, #tpu.memory_space<vmem>>
    %dma_start3A_9 = tpu.memref_squeeze %dma_start3A_8 : memref<1x5x80xi32, #tpu.memory_space<vmem>> -> memref<5x80xi32, #tpu.memory_space<vmem>>
    %dma_start3A_10 = arith.constant 0 : i32
    %dma_start3A_11 = arith.constant 0 : i32
    %dma_start3A_12 = tpu.memref_slice %arg3[%dma_start3A, %add3A, %dma_start3A_3, %dma_start3A_10, %dma_start3A_11] : memref<2x32x25x5x80xi32, #tpu.memory_space<hbm>> -> memref<1x1x1x5x80xi32, #tpu.memory_space<hbm>>
    %dma_start3A_13 = tpu.memref_squeeze %dma_start3A_12 : memref<1x1x1x5x80xi32, #tpu.memory_space<hbm>> -> memref<5x80xi32, #tpu.memory_space<hbm>>
    %dma_start3A_14 = tpu.memref_slice %arg10[%dma_start3A_5] : memref<2x!tpu.dma_semaphore, #tpu.memory_space<semaphore_mem>> -> memref<1x!tpu.dma_semaphore, #tpu.memory_space<semaphore_mem>>
    %dma_start3A_15 = tpu.memref_squeeze %dma_start3A_14 : memref<1x!tpu.dma_semaphore, #tpu.memory_space<semaphore_mem>> -> memref<!tpu.dma_semaphore, #tpu.memory_space<semaphore_mem>>
    %dma_start3A_16 = arith.constant 0 : i32
    %dma_start3A_17 = arith.constant 0 : i32
    %dma_start3A_18 = tpu.memref_slice %arg7[%dma_start3A_4, %dma_start3A_16, %dma_start3A_17] : memref<2x5x80xi32, #tpu.memory_space<vmem>> -> memref<1x5x80xi32, #tpu.memory_space<vmem>>
    %dma_start3A_19 = tpu.memref_squeeze %dma_start3A_18 : memref<1x5x80xi32, #tpu.memory_space<vmem>> -> memref<5x80xi32, #tpu.memory_space<vmem>>
    %dma_start3A_20 = arith.constant 0 : i32
    %dma_start3A_21 = arith.constant 0 : i32
    %dma_start3A_22 = tpu.memref_slice %arg3[%dma_start3A, %add3A, %dma_start3A_3, %dma_start3A_20, %dma_start3A_21] : memref<2x32x25x5x80xi32, #tpu.memory_space<hbm>> -> memref<1x1x1x5x80xi32, #tpu.memory_space<hbm>>
    %dma_start3A_23 = tpu.memref_squeeze %dma_start3A_22 : memref<1x1x1x5x80xi32, #tpu.memory_space<hbm>> -> memref<5x80xi32, #tpu.memory_space<hbm>>
    tpu.enqueue_dma source(%dma_start3A_23 : memref<5x80xi32, #tpu.memory_space<hbm>>) target(%dma_start3A_19 : memref<5x80xi32, #tpu.memory_space<vmem>>) target_semaphore(%dma_start3A_15 : memref<!tpu.dma_semaphore, #tpu.memory_space<semaphore_mem>>)
    %dma_start3A_24 = arith.constant 1 : i32
    %dma_start3A_25 = arith.constant 0 : i32
    %dma_start3A_26 = arith.constant 0 : i32
    %dma_start3A_27 = arith.constant 0 : i32
    %dma_start3A_28 = arith.constant 0 : i32
    %dma_start3A_29 = arith.constant 0 : i32
    %dma_start3A_30 = tpu.memref_slice %arg8[%dma_start3A_26, %dma_start3A_28, %dma_start3A_29] : memref<2x5x80xi32, #tpu.memory_space<vmem>> -> memref<1x5x80xi32, #tpu.memory_space<vmem>>
    %dma_start3A_31 = tpu.memref_squeeze %dma_start3A_30 : memref<1x5x80xi32, #tpu.memory_space<vmem>> -> memref<5x80xi32, #tpu.memory_space<vmem>>
    %dma_start3A_32 = arith.constant 0 : i32
    %dma_start3A_33 = arith.constant 0 : i32
    %dma_start3A_34 = tpu.memref_slice %arg3[%dma_start3A_24, %add3A, %dma_start3A_25, %dma_start3A_32, %dma_start3A_33] : memref<2x32x25x5x80xi32, #tpu.memory_space<hbm>> -> memref<1x1x1x5x80xi32, #tpu.memory_space<hbm>>
    %dma_start3A_35 = tpu.memref_squeeze %dma_start3A_34 : memref<1x1x1x5x80xi32, #tpu.memory_space<hbm>> -> memref<5x80xi32, #tpu.memory_space<hbm>>
    %dma_start3A_36 = tpu.memref_slice %arg10[%dma_start3A_27] : memref<2x!tpu.dma_semaphore, #tpu.memory_space<semaphore_mem>> -> memref<1x!tpu.dma_semaphore, #tpu.memory_space<semaphore_mem>>
    %dma_start3A_37 = tpu.memref_squeeze %dma_start3A_36 : memref<1x!tpu.dma_semaphore, #tpu.memory_space<semaphore_mem>> -> memref<!tpu.dma_semaphore, #tpu.memory_space<semaphore_mem>>
    %dma_start3A_38 = arith.constant 0 : i32
    %dma_start3A_39 = arith.constant 0 : i32
    %dma_start3A_40 = tpu.memref_slice %arg8[%dma_start3A_26, %dma_start3A_38, %dma_start3A_39] : memref<2x5x80xi32, #tpu.memory_space<vmem>> -> memref<1x5x80xi32, #tpu.memory_space<vmem>>
    %dma_start3A_41 = tpu.memref_squeeze %dma_start3A_40 : memref<1x5x80xi32, #tpu.memory_space<vmem>> -> memref<5x80xi32, #tpu.memory_space<vmem>>
    %dma_start3A_42 = arith.constant 0 : i32
    %dma_start3A_43 = arith.constant 0 : i32
    %dma_start3A_44 = tpu.memref_slice %arg3[%dma_start3A_24, %add3A, %dma_start3A_25, %dma_start3A_42, %dma_start3A_43] : memref<2x32x25x5x80xi32, #tpu.memory_space<hbm>> -> memref<1x1x1x5x80xi32, #tpu.memory_space<hbm>>
    %dma_start3A_45 = tpu.memref_squeeze %dma_start3A_44 : memref<1x1x1x5x80xi32, #tpu.memory_space<hbm>> -> memref<5x80xi32, #tpu.memory_space<hbm>>
    tpu.enqueue_dma source(%dma_start3A_45 : memref<5x80xi32, #tpu.memory_space<hbm>>) target(%dma_start3A_41 : memref<5x80xi32, #tpu.memory_space<vmem>>) target_semaphore(%dma_start3A_37 : memref<!tpu.dma_semaphore, #tpu.memory_space<semaphore_mem>>)
    %dma_start3A_46 = arith.constant 0 : i32
    %dma_start3A_47 = arith.constant 1 : i32
    %dma_start3A_48 = arith.constant 1 : i32
    %dma_start3A_49 = arith.constant 1 : i32
    %dma_start3A_50 = arith.constant 0 : i32
    %dma_start3A_51 = arith.constant 0 : i32
    %dma_start3A_52 = tpu.memref_slice %arg7[%dma_start3A_48, %dma_start3A_50, %dma_start3A_51] : memref<2x5x80xi32, #tpu.memory_space<vmem>> -> memref<1x5x80xi32, #tpu.memory_space<vmem>>
    %dma_start3A_53 = tpu.memref_squeeze %dma_start3A_52 : memref<1x5x80xi32, #tpu.memory_space<vmem>> -> memref<5x80xi32, #tpu.memory_space<vmem>>
    %dma_start3A_54 = arith.constant 0 : i32
    %dma_start3A_55 = arith.constant 0 : i32
    %dma_start3A_56 = tpu.memref_slice %arg3[%dma_start3A_46, %add3A, %dma_start3A_47, %dma_start3A_54, %dma_start3A_55] : memref<2x32x25x5x80xi32, #tpu.memory_space<hbm>> -> memref<1x1x1x5x80xi32, #tpu.memory_space<hbm>>
    %dma_start3A_57 = tpu.memref_squeeze %dma_start3A_56 : memref<1x1x1x5x80xi32, #tpu.memory_space<hbm>> -> memref<5x80xi32, #tpu.memory_space<hbm>>
    %dma_start3A_58 = tpu.memref_slice %arg10[%dma_start3A_49] : memref<2x!tpu.dma_semaphore, #tpu.memory_space<semaphore_mem>> -> memref<1x!tpu.dma_semaphore, #tpu.memory_space<semaphore_mem>>
    %dma_start3A_59 = tpu.memref_squeeze %dma_start3A_58 : memref<1x!tpu.dma_semaphore, #tpu.memory_space<semaphore_mem>> -> memref<!tpu.dma_semaphore, #tpu.memory_space<semaphore_mem>>
    %dma_start3A_60 = arith.constant 0 : i32
    %dma_start3A_61 = arith.constant 0 : i32
    %dma_start3A_62 = tpu.memref_slice %arg7[%dma_start3A_48, %dma_start3A_60, %dma_start3A_61] : memref<2x5x80xi32, #tpu.memory_space<vmem>> -> memref<1x5x80xi32, #tpu.memory_space<vmem>>
    %dma_start3A_63 = tpu.memref_squeeze %dma_start3A_62 : memref<1x5x80xi32, #tpu.memory_space<vmem>> -> memref<5x80xi32, #tpu.memory_space<vmem>>
    %dma_start3A_64 = arith.constant 0 : i32
    %dma_start3A_65 = arith.constant 0 : i32
    %dma_start3A_66 = tpu.memref_slice %arg3[%dma_start3A_46, %add3A, %dma_start3A_47, %dma_start3A_64, %dma_start3A_65] : memref<2x32x25x5x80xi32, #tpu.memory_space<hbm>> -> memref<1x1x1x5x80xi32, #tpu.memory_space<hbm>>
    %dma_start3A_67 = tpu.memref_squeeze %dma_start3A_66 : memref<1x1x1x5x80xi32, #tpu.memory_space<hbm>> -> memref<5x80xi32, #tpu.memory_space<hbm>>
    tpu.enqueue_dma source(%dma_start3A_67 : memref<5x80xi32, #tpu.memory_space<hbm>>) target(%dma_start3A_63 : memref<5x80xi32, #tpu.memory_space<vmem>>) target_semaphore(%dma_start3A_59 : memref<!tpu.dma_semaphore, #tpu.memory_space<semaphore_mem>>)
    %dma_start3A_68 = arith.constant 1 : i32
    %dma_start3A_69 = arith.constant 1 : i32
    %dma_start3A_70 = arith.constant 1 : i32
    %dma_start3A_71 = arith.constant 1 : i32
    %dma_start3A_72 = arith.constant 0 : i32
    %dma_start3A_73 = arith.constant 0 : i32
    %dma_start3A_74 = tpu.memref_slice %arg8[%dma_start3A_70, %dma_start3A_72, %dma_start3A_73] : memref<2x5x80xi32, #tpu.memory_space<vmem>> -> memref<1x5x80xi32, #tpu.memory_space<vmem>>
    %dma_start3A_75 = tpu.memref_squeeze %dma_start3A_74 : memref<1x5x80xi32, #tpu.memory_space<vmem>> -> memref<5x80xi32, #tpu.memory_space<vmem>>
    %dma_start3A_76 = arith.constant 0 : i32
    %dma_start3A_77 = arith.constant 0 : i32
    %dma_start3A_78 = tpu.memref_slice %arg3[%dma_start3A_68, %add3A, %dma_start3A_69, %dma_start3A_76, %dma_start3A_77] : memref<2x32x25x5x80xi32, #tpu.memory_space<hbm>> -> memref<1x1x1x5x80xi32, #tpu.memory_space<hbm>>
    %dma_start3A_79 = tpu.memref_squeeze %dma_start3A_78 : memref<1x1x1x5x80xi32, #tpu.memory_space<hbm>> -> memref<5x80xi32, #tpu.memory_space<hbm>>
    %dma_start3A_80 = tpu.memref_slice %arg10[%dma_start3A_71] : memref<2x!tpu.dma_semaphore, #tpu.memory_space<semaphore_mem>> -> memref<1x!tpu.dma_semaphore, #tpu.memory_space<semaphore_mem>>
    %dma_start3A_81 = tpu.memref_squeeze %dma_start3A_80 : memref<1x!tpu.dma_semaphore, #tpu.memory_space<semaphore_mem>> -> memref<!tpu.dma_semaphore, #tpu.memory_space<semaphore_mem>>
    %dma_start3A_82 = arith.constant 0 : i32
    %dma_start3A_83 = arith.constant 0 : i32
    %dma_start3A_84 = tpu.memref_slice %arg8[%dma_start3A_70, %dma_start3A_82, %dma_start3A_83] : memref<2x5x80xi32, #tpu.memory_space<vmem>> -> memref<1x5x80xi32, #tpu.memory_space<vmem>>
    %dma_start3A_85 = tpu.memref_squeeze %dma_start3A_84 : memref<1x5x80xi32, #tpu.memory_space<vmem>> -> memref<5x80xi32, #tpu.memory_space<vmem>>
    %dma_start3A_86 = arith.constant 0 : i32
    %dma_start3A_87 = arith.constant 0 : i32
    %dma_start3A_88 = tpu.memref_slice %arg3[%dma_start3A_68, %add3A, %dma_start3A_69, %dma_start3A_86, %dma_start3A_87] : memref<2x32x25x5x80xi32, #tpu.memory_space<hbm>> -> memref<1x1x1x5x80xi32, #tpu.memory_space<hbm>>
    %dma_start3A_89 = tpu.memref_squeeze %dma_start3A_88 : memref<1x1x1x5x80xi32, #tpu.memory_space<hbm>> -> memref<5x80xi32, #tpu.memory_space<hbm>>
    tpu.enqueue_dma source(%dma_start3A_89 : memref<5x80xi32, #tpu.memory_space<hbm>>) target(%dma_start3A_85 : memref<5x80xi32, #tpu.memory_space<vmem>>) target_semaphore(%dma_start3A_81 : memref<!tpu.dma_semaphore, #tpu.memory_space<semaphore_mem>>)
    %dma_wait3A = arith.constant 0 : i32
    %dma_wait3A_90 = arith.constant 0 : i32
    %dma_wait3A_91 = arith.constant 0 : i32
    %dma_wait3A_92 = arith.constant 0 : i32
    %dma_wait3A_93 = arith.constant 0 : i32
    %dma_wait3A_94 = arith.constant 0 : i32
    %dma_wait3A_95 = tpu.memref_slice %arg7[%dma_wait3A_91, %dma_wait3A_93, %dma_wait3A_94] : memref<2x5x80xi32, #tpu.memory_space<vmem>> -> memref<1x5x80xi32, #tpu.memory_space<vmem>>
    %dma_wait3A_96 = tpu.memref_squeeze %dma_wait3A_95 : memref<1x5x80xi32, #tpu.memory_space<vmem>> -> memref<5x80xi32, #tpu.memory_space<vmem>>
    %dma_wait3A_97 = arith.constant 0 : i32
    %dma_wait3A_98 = arith.constant 0 : i32
    %dma_wait3A_99 = tpu.memref_slice %arg3[%dma_wait3A, %add3A, %dma_wait3A_90, %dma_wait3A_97, %dma_wait3A_98] : memref<2x32x25x5x80xi32, #tpu.memory_space<hbm>> -> memref<1x1x1x5x80xi32, #tpu.memory_space<hbm>>
    %dma_wait3A_100 = tpu.memref_squeeze %dma_wait3A_99 : memref<1x1x1x5x80xi32, #tpu.memory_space<hbm>> -> memref<5x80xi32, #tpu.memory_space<hbm>>
    %dma_wait3A_101 = tpu.memref_slice %arg10[%dma_wait3A_92] : memref<2x!tpu.dma_semaphore, #tpu.memory_space<semaphore_mem>> -> memref<1x!tpu.dma_semaphore, #tpu.memory_space<semaphore_mem>>
    %dma_wait3A_102 = tpu.memref_squeeze %dma_wait3A_101 : memref<1x!tpu.dma_semaphore, #tpu.memory_space<semaphore_mem>> -> memref<!tpu.dma_semaphore, #tpu.memory_space<semaphore_mem>>
    %dma_wait3A_103 = arith.constant 0 : i32
    %dma_wait3A_104 = arith.constant 0 : i32
    %dma_wait3A_105 = tpu.memref_slice %arg7[%dma_wait3A_91, %dma_wait3A_103, %dma_wait3A_104] : memref<2x5x80xi32, #tpu.memory_space<vmem>> -> memref<1x5x80xi32, #tpu.memory_space<vmem>>
    %dma_wait3A_106 = tpu.memref_squeeze %dma_wait3A_105 : memref<1x5x80xi32, #tpu.memory_space<vmem>> -> memref<5x80xi32, #tpu.memory_space<vmem>>
    %dma_wait3A_107 = arith.constant 0 : i32
    %dma_wait3A_108 = arith.constant 0 : i32
    %dma_wait3A_109 = tpu.memref_slice %arg3[%dma_wait3A, %add3A, %dma_wait3A_90, %dma_wait3A_107, %dma_wait3A_108] : memref<2x32x25x5x80xi32, #tpu.memory_space<hbm>> -> memref<1x1x1x5x80xi32, #tpu.memory_space<hbm>>
    %dma_wait3A_110 = tpu.memref_squeeze %dma_wait3A_109 : memref<1x1x1x5x80xi32, #tpu.memory_space<hbm>> -> memref<5x80xi32, #tpu.memory_space<hbm>>
    tpu.wait_dma2 semaphore(%dma_wait3A_102 : memref<!tpu.dma_semaphore, #tpu.memory_space<semaphore_mem>>) src(%dma_wait3A_110 : memref<5x80xi32, #tpu.memory_space<hbm>>) dst(%dma_wait3A_106 : memref<5x80xi32, #tpu.memory_space<vmem>>)
    %dma_wait3A_111 = arith.constant 1 : i32
    %dma_wait3A_112 = arith.constant 0 : i32
    %dma_wait3A_113 = arith.constant 0 : i32
    %dma_wait3A_114 = arith.constant 0 : i32
    %dma_wait3A_115 = arith.constant 0 : i32
    %dma_wait3A_116 = arith.constant 0 : i32
    %dma_wait3A_117 = tpu.memref_slice %arg8[%dma_wait3A_113, %dma_wait3A_115, %dma_wait3A_116] : memref<2x5x80xi32, #tpu.memory_space<vmem>> -> memref<1x5x80xi32, #tpu.memory_space<vmem>>
    %dma_wait3A_118 = tpu.memref_squeeze %dma_wait3A_117 : memref<1x5x80xi32, #tpu.memory_space<vmem>> -> memref<5x80xi32, #tpu.memory_space<vmem>>
    %dma_wait3A_119 = arith.constant 0 : i32
    %dma_wait3A_120 = arith.constant 0 : i32
    %dma_wait3A_121 = tpu.memref_slice %arg3[%dma_wait3A_111, %add3A, %dma_wait3A_112, %dma_wait3A_119, %dma_wait3A_120] : memref<2x32x25x5x80xi32, #tpu.memory_space<hbm>> -> memref<1x1x1x5x80xi32, #tpu.memory_space<hbm>>
    %dma_wait3A_122 = tpu.memref_squeeze %dma_wait3A_121 : memref<1x1x1x5x80xi32, #tpu.memory_space<hbm>> -> memref<5x80xi32, #tpu.memory_space<hbm>>
    %dma_wait3A_123 = tpu.memref_slice %arg10[%dma_wait3A_114] : memref<2x!tpu.dma_semaphore, #tpu.memory_space<semaphore_mem>> -> memref<1x!tpu.dma_semaphore, #tpu.memory_space<semaphore_mem>>
    %dma_wait3A_124 = tpu.memref_squeeze %dma_wait3A_123 : memref<1x!tpu.dma_semaphore, #tpu.memory_space<semaphore_mem>> -> memref<!tpu.dma_semaphore, #tpu.memory_space<semaphore_mem>>
    %dma_wait3A_125 = arith.constant 0 : i32
    %dma_wait3A_126 = arith.constant 0 : i32
    %dma_wait3A_127 = tpu.memref_slice %arg8[%dma_wait3A_113, %dma_wait3A_125, %dma_wait3A_126] : memref<2x5x80xi32, #tpu.memory_space<vmem>> -> memref<1x5x80xi32, #tpu.memory_space<vmem>>
    %dma_wait3A_128 = tpu.memref_squeeze %dma_wait3A_127 : memref<1x5x80xi32, #tpu.memory_space<vmem>> -> memref<5x80xi32, #tpu.memory_space<vmem>>
    %dma_wait3A_129 = arith.constant 0 : i32
    %dma_wait3A_130 = arith.constant 0 : i32
    %dma_wait3A_131 = tpu.memref_slice %arg3[%dma_wait3A_111, %add3A, %dma_wait3A_112, %dma_wait3A_129, %dma_wait3A_130] : memref<2x32x25x5x80xi32, #tpu.memory_space<hbm>> -> memref<1x1x1x5x80xi32, #tpu.memory_space<hbm>>
    %dma_wait3A_132 = tpu.memref_squeeze %dma_wait3A_131 : memref<1x1x1x5x80xi32, #tpu.memory_space<hbm>> -> memref<5x80xi32, #tpu.memory_space<hbm>>
    tpu.wait_dma2 semaphore(%dma_wait3A_124 : memref<!tpu.dma_semaphore, #tpu.memory_space<semaphore_mem>>) src(%dma_wait3A_132 : memref<5x80xi32, #tpu.memory_space<hbm>>) dst(%dma_wait3A_128 : memref<5x80xi32, #tpu.memory_space<vmem>>)
    %barrier3A = arith.constant 0 : index
    tpu.barrier barrier_id(%barrier3A)
    %rem3A = arith.constant 0 : i32
    %rem3A_133 = arith.constant 3 : i32
    %rem3A_134 = arith.remsi %rem3A, %rem3A_133 : i32
    %dma_start3A_135 = arith.constant 0 : i32
    %dma_start3A_136 = arith.constant 0 : i32
    %dma_start3A_137 = arith.constant 0 : i32
    %dma_start3A_138 = arith.constant 0 : i32
    %dma_start3A_139 = tpu.memref_slice %arg9[%rem3A_134, %dma_start3A_137, %dma_start3A_138] : memref<3x80x128xf32, #tpu.memory_space<vmem>> -> memref<1x80x128xf32, #tpu.memory_space<vmem>>
    %dma_start3A_140 = tpu.memref_squeeze %dma_start3A_139 : memref<1x80x128xf32, #tpu.memory_space<vmem>> -> memref<80x128xf32, #tpu.memory_space<vmem>>
    %dma_start3A_141 = arith.constant 0 : i32
    %dma_start3A_142 = tpu.memref_slice %arg7[%dma_start3A_135, %dma_start3A_136, %dma_start3A_141] : memref<2x5x80xi32, #tpu.memory_space<vmem>> -> memref<1x1x80xi32, #tpu.memory_space<vmem>>
    %dma_start3A_143 = tpu.memref_squeeze %dma_start3A_142 : memref<1x1x80xi32, #tpu.memory_space<vmem>> -> memref<80xi32, #tpu.memory_space<vmem>>
    %dma_start3A_144 = arith.constant 0 : i32
    %dma_start3A_145 = arith.constant 0 : i32
    %dma_start3A_146 = tpu.memref_slice %arg2[%dma_start3A_144, %dma_start3A_145] : memref<10000x128xf32, #tpu.memory_space<hbm>> -> memref<10000x128xf32, #tpu.memory_space<hbm>>
    %dma_start3A_147 = tpu.memref_slice %arg11[%rem3A_134] : memref<3x!tpu.dma_semaphore, #tpu.memory_space<semaphore_mem>> -> memref<1x!tpu.dma_semaphore, #tpu.memory_space<semaphore_mem>>
    %dma_start3A_148 = tpu.memref_squeeze %dma_start3A_147 : memref<1x!tpu.dma_semaphore, #tpu.memory_space<semaphore_mem>> -> memref<!tpu.dma_semaphore, #tpu.memory_space<semaphore_mem>>
    tpu.enqueue_indirect_dma source(%dma_start3A_146 : memref<10000x128xf32, #tpu.memory_space<hbm>>) target(%dma_start3A_140 : memref<80x128xf32, #tpu.memory_space<vmem>>) offsets(%dma_start3A_143 : memref<80xi32, #tpu.memory_space<vmem>>) semaphore(%dma_start3A_148 : memref<!tpu.dma_semaphore, #tpu.memory_space<semaphore_mem>>)
    %rem3A_149 = arith.constant 1 : i32
    %rem3A_150 = arith.constant 3 : i32
    %rem3A_151 = arith.remsi %rem3A_149, %rem3A_150 : i32
    %dma_start3A_152 = arith.constant 0 : i32
    %dma_start3A_153 = arith.constant 1 : i32
    %dma_start3A_154 = arith.constant 0 : i32
    %dma_start3A_155 = arith.constant 0 : i32
    %dma_start3A_156 = tpu.memref_slice %arg9[%rem3A_151, %dma_start3A_154, %dma_start3A_155] : memref<3x80x128xf32, #tpu.memory_space<vmem>> -> memref<1x80x128xf32, #tpu.memory_space<vmem>>
    %dma_start3A_157 = tpu.memref_squeeze %dma_start3A_156 : memref<1x80x128xf32, #tpu.memory_space<vmem>> -> memref<80x128xf32, #tpu.memory_space<vmem>>
    %dma_start3A_158 = arith.constant 0 : i32
    %dma_start3A_159 = tpu.memref_slice %arg7[%dma_start3A_152, %dma_start3A_153, %dma_start3A_158] : memref<2x5x80xi32, #tpu.memory_space<vmem>> -> memref<1x1x80xi32, #tpu.memory_space<vmem>>
    %dma_start3A_160 = tpu.memref_squeeze %dma_start3A_159 : memref<1x1x80xi32, #tpu.memory_space<vmem>> -> memref<80xi32, #tpu.memory_space<vmem>>
    %dma_start3A_161 = arith.constant 0 : i32
    %dma_start3A_162 = arith.constant 0 : i32
    %dma_start3A_163 = tpu.memref_slice %arg2[%dma_start3A_161, %dma_start3A_162] : memref<10000x128xf32, #tpu.memory_space<hbm>> -> memref<10000x128xf32, #tpu.memory_space<hbm>>
    %dma_start3A_164 = tpu.memref_slice %arg11[%rem3A_151] : memref<3x!tpu.dma_semaphore, #tpu.memory_space<semaphore_mem>> -> memref<1x!tpu.dma_semaphore, #tpu.memory_space<semaphore_mem>>
    %dma_start3A_165 = tpu.memref_squeeze %dma_start3A_164 : memref<1x!tpu.dma_semaphore, #tpu.memory_space<semaphore_mem>> -> memref<!tpu.dma_semaphore, #tpu.memory_space<semaphore_mem>>
    tpu.enqueue_indirect_dma source(%dma_start3A_163 : memref<10000x128xf32, #tpu.memory_space<hbm>>) target(%dma_start3A_157 : memref<80x128xf32, #tpu.memory_space<vmem>>) offsets(%dma_start3A_160 : memref<80xi32, #tpu.memory_space<vmem>>) semaphore(%dma_start3A_165 : memref<!tpu.dma_semaphore, #tpu.memory_space<semaphore_mem>>)
    %rem3A_166 = arith.constant 2 : i32
    %rem3A_167 = arith.constant 3 : i32
    %rem3A_168 = arith.remsi %rem3A_166, %rem3A_167 : i32
    %dma_start3A_169 = arith.constant 0 : i32
    %dma_start3A_170 = arith.constant 2 : i32
    %dma_start3A_171 = arith.constant 0 : i32
    %dma_start3A_172 = arith.constant 0 : i32
    %dma_start3A_173 = tpu.memref_slice %arg9[%rem3A_168, %dma_start3A_171, %dma_start3A_172] : memref<3x80x128xf32, #tpu.memory_space<vmem>> -> memref<1x80x128xf32, #tpu.memory_space<vmem>>
    %dma_start3A_174 = tpu.memref_squeeze %dma_start3A_173 : memref<1x80x128xf32, #tpu.memory_space<vmem>> -> memref<80x128xf32, #tpu.memory_space<vmem>>
    %dma_start3A_175 = arith.constant 0 : i32
    %dma_start3A_176 = tpu.memref_slice %arg7[%dma_start3A_169, %dma_start3A_170, %dma_start3A_175] : memref<2x5x80xi32, #tpu.memory_space<vmem>> -> memref<1x1x80xi32, #tpu.memory_space<vmem>>
    %dma_start3A_177 = tpu.memref_squeeze %dma_start3A_176 : memref<1x1x80xi32, #tpu.memory_space<vmem>> -> memref<80xi32, #tpu.memory_space<vmem>>
    %dma_start3A_178 = arith.constant 0 : i32
    %dma_start3A_179 = arith.constant 0 : i32
    %dma_start3A_180 = tpu.memref_slice %arg2[%dma_start3A_178, %dma_start3A_179] : memref<10000x128xf32, #tpu.memory_space<hbm>> -> memref<10000x128xf32, #tpu.memory_space<hbm>>
    %dma_start3A_181 = tpu.memref_slice %arg11[%rem3A_168] : memref<3x!tpu.dma_semaphore, #tpu.memory_space<semaphore_mem>> -> memref<1x!tpu.dma_semaphore, #tpu.memory_space<semaphore_mem>>
    %dma_start3A_182 = tpu.memref_squeeze %dma_start3A_181 : memref<1x!tpu.dma_semaphore, #tpu.memory_space<semaphore_mem>> -> memref<!tpu.dma_semaphore, #tpu.memory_space<semaphore_mem>>
    tpu.enqueue_indirect_dma source(%dma_start3A_180 : memref<10000x128xf32, #tpu.memory_space<hbm>>) target(%dma_start3A_174 : memref<80x128xf32, #tpu.memory_space<vmem>>) offsets(%dma_start3A_177 : memref<80xi32, #tpu.memory_space<vmem>>) semaphore(%dma_start3A_182 : memref<!tpu.dma_semaphore, #tpu.memory_space<semaphore_mem>>)
    %scan3A = arith.constant 0 : i32
    %scan3A_183 = arith.constant 0 : i32
    %scan3A_184 = arith.constant 25 : i32
    %scan3A_185 = arith.addi %scan3A_183, %scan3A_184 : i32
    %scan3A_186 = arith.constant 1 : i32
    scf.for %scan3A_210 = %scan3A_183 to %scan3A_185 step %scan3A_186  : i32 {
      %rem3A_211 = arith.constant 2 : i32
      %rem3A_212 = arith.remsi %scan3A_210, %rem3A_211 : i32
      %mul3A_213 = arith.constant 5 : i32
      %mul3A_214 = arith.muli %scan3A_210, %mul3A_213 : i32
      %add3A_215 = arith.constant 0 : i32
      %add3A_216 = arith.addi %mul3A_214, %add3A_215 : i32
      %ge3A = arith.constant 1 : i32
      %ge3A_217 = arith.cmpi sge, %scan3A_210, %ge3A : i32
      %convert_element_type3A = arith.extui %ge3A_217 : i1 to i32
      %cond3A = arith.constant 0 : i32
      %cond3A_218 = arith.cmpi ne, %convert_element_type3A, %cond3A : i32
      scf.if %cond3A_218 {
        %sub3A_507 = arith.constant 1 : i32
        %sub3A_508 = arith.subi %add3A_216, %sub3A_507 : i32
        %sub3A_509 = arith.constant 1 : i32
        %sub3A_510 = arith.subi %sub3A_509, %rem3A_212 : i32
        %rem3A_511 = arith.constant 3 : i32
        %rem3A_512 = arith.remsi %sub3A_508, %rem3A_511 : i32
        %dma_wait3A_513 = arith.constant 4 : i32
        %dma_wait3A_514 = arith.constant 0 : i32
        %dma_wait3A_515 = arith.constant 0 : i32
        %dma_wait3A_516 = tpu.memref_slice %arg9[%rem3A_512, %dma_wait3A_514, %dma_wait3A_515] : memref<3x80x128xf32, #tpu.memory_space<vmem>> -> memref<1x80x128xf32, #tpu.memory_space<vmem>>
        %dma_wait3A_517 = tpu.memref_squeeze %dma_wait3A_516 : memref<1x80x128xf32, #tpu.memory_space<vmem>> -> memref<80x128xf32, #tpu.memory_space<vmem>>
        %dma_wait3A_518 = arith.constant 0 : i32
        %dma_wait3A_519 = tpu.memref_slice %arg8[%sub3A_510, %dma_wait3A_513, %dma_wait3A_518] : memref<2x5x80xi32, #tpu.memory_space<vmem>> -> memref<1x1x80xi32, #tpu.memory_space<vmem>>
        %dma_wait3A_520 = tpu.memref_squeeze %dma_wait3A_519 : memref<1x1x80xi32, #tpu.memory_space<vmem>> -> memref<80xi32, #tpu.memory_space<vmem>>
        %dma_wait3A_521 = arith.constant 0 : i32
        %dma_wait3A_522 = arith.constant 0 : i32
        %dma_wait3A_523 = tpu.memref_slice %arg6[%dma_wait3A_521, %dma_wait3A_522] : memref<10240x128xf32, #tpu.memory_space<vmem_shared>> -> memref<10240x128xf32, #tpu.memory_space<vmem_shared>>
        %dma_wait3A_524 = tpu.memref_slice %arg12[%rem3A_512] : memref<3x!tpu.dma_semaphore, #tpu.memory_space<semaphore_mem>> -> memref<1x!tpu.dma_semaphore, #tpu.memory_space<semaphore_mem>>
        %dma_wait3A_525 = tpu.memref_squeeze %dma_wait3A_524 : memref<1x!tpu.dma_semaphore, #tpu.memory_space<semaphore_mem>> -> memref<!tpu.dma_semaphore, #tpu.memory_space<semaphore_mem>>
        tpu.wait_indirect_dma semaphore(%dma_wait3A_525 : memref<!tpu.dma_semaphore, #tpu.memory_space<semaphore_mem>>) src(%dma_wait3A_517 : memref<80x128xf32, #tpu.memory_space<vmem>>) dst(%dma_wait3A_523 : memref<10240x128xf32, #tpu.memory_space<vmem_shared>>)
        %add3A_526 = arith.constant 2 : i32
        %add3A_527 = arith.addi %add3A_216, %add3A_526 : i32
        %rem3A_528 = arith.constant 3 : i32
        %rem3A_529 = arith.remsi %add3A_527, %rem3A_528 : i32
        %dma_start3A_530 = arith.constant 2 : i32
        %dma_start3A_531 = arith.constant 0 : i32
        %dma_start3A_532 = arith.constant 0 : i32
        %dma_start3A_533 = tpu.memref_slice %arg9[%rem3A_529, %dma_start3A_531, %dma_start3A_532] : memref<3x80x128xf32, #tpu.memory_space<vmem>> -> memref<1x80x128xf32, #tpu.memory_space<vmem>>
        %dma_start3A_534 = tpu.memref_squeeze %dma_start3A_533 : memref<1x80x128xf32, #tpu.memory_space<vmem>> -> memref<80x128xf32, #tpu.memory_space<vmem>>
        %dma_start3A_535 = arith.constant 0 : i32
        %dma_start3A_536 = tpu.memref_slice %arg7[%rem3A_212, %dma_start3A_530, %dma_start3A_535] : memref<2x5x80xi32, #tpu.memory_space<vmem>> -> memref<1x1x80xi32, #tpu.memory_space<vmem>>
        %dma_start3A_537 = tpu.memref_squeeze %dma_start3A_536 : memref<1x1x80xi32, #tpu.memory_space<vmem>> -> memref<80xi32, #tpu.memory_space<vmem>>
        %dma_start3A_538 = arith.constant 0 : i32
        %dma_start3A_539 = arith.constant 0 : i32
        %dma_start3A_540 = tpu.memref_slice %arg2[%dma_start3A_538, %dma_start3A_539] : memref<10000x128xf32, #tpu.memory_space<hbm>> -> memref<10000x128xf32, #tpu.memory_space<hbm>>
        %dma_start3A_541 = tpu.memref_slice %arg11[%rem3A_529] : memref<3x!tpu.dma_semaphore, #tpu.memory_space<semaphore_mem>> -> memref<1x!tpu.dma_semaphore, #tpu.memory_space<semaphore_mem>>
        %dma_start3A_542 = tpu.memref_squeeze %dma_start3A_541 : memref<1x!tpu.dma_semaphore, #tpu.memory_space<semaphore_mem>> -> memref<!tpu.dma_semaphore, #tpu.memory_space<semaphore_mem>>
        tpu.enqueue_indirect_dma source(%dma_start3A_540 : memref<10000x128xf32, #tpu.memory_space<hbm>>) target(%dma_start3A_534 : memref<80x128xf32, #tpu.memory_space<vmem>>) offsets(%dma_start3A_537 : memref<80xi32, #tpu.memory_space<vmem>>) semaphore(%dma_start3A_542 : memref<!tpu.dma_semaphore, #tpu.memory_space<semaphore_mem>>)
      } else {
      }
      %rem3A_219 = arith.constant 3 : i32
      %rem3A_220 = arith.remsi %add3A_216, %rem3A_219 : i32
      %dma_wait3A_221 = arith.constant 0 : i32
      %dma_wait3A_222 = arith.constant 0 : i32
      %dma_wait3A_223 = arith.constant 0 : i32
      %dma_wait3A_224 = tpu.memref_slice %arg9[%rem3A_220, %dma_wait3A_222, %dma_wait3A_223] : memref<3x80x128xf32, #tpu.memory_space<vmem>> -> memref<1x80x128xf32, #tpu.memory_space<vmem>>
      %dma_wait3A_225 = tpu.memref_squeeze %dma_wait3A_224 : memref<1x80x128xf32, #tpu.memory_space<vmem>> -> memref<80x128xf32, #tpu.memory_space<vmem>>
      %dma_wait3A_226 = arith.constant 0 : i32
      %dma_wait3A_227 = tpu.memref_slice %arg7[%rem3A_212, %dma_wait3A_221, %dma_wait3A_226] : memref<2x5x80xi32, #tpu.memory_space<vmem>> -> memref<1x1x80xi32, #tpu.memory_space<vmem>>
      %dma_wait3A_228 = tpu.memref_squeeze %dma_wait3A_227 : memref<1x1x80xi32, #tpu.memory_space<vmem>> -> memref<80xi32, #tpu.memory_space<vmem>>
      %dma_wait3A_229 = arith.constant 0 : i32
      %dma_wait3A_230 = arith.constant 0 : i32
      %dma_wait3A_231 = tpu.memref_slice %arg2[%dma_wait3A_229, %dma_wait3A_230] : memref<10000x128xf32, #tpu.memory_space<hbm>> -> memref<10000x128xf32, #tpu.memory_space<hbm>>
      %dma_wait3A_232 = tpu.memref_slice %arg11[%rem3A_220] : memref<3x!tpu.dma_semaphore, #tpu.memory_space<semaphore_mem>> -> memref<1x!tpu.dma_semaphore, #tpu.memory_space<semaphore_mem>>
      %dma_wait3A_233 = tpu.memref_squeeze %dma_wait3A_232 : memref<1x!tpu.dma_semaphore, #tpu.memory_space<semaphore_mem>> -> memref<!tpu.dma_semaphore, #tpu.memory_space<semaphore_mem>>
      tpu.wait_indirect_dma semaphore(%dma_wait3A_233 : memref<!tpu.dma_semaphore, #tpu.memory_space<semaphore_mem>>) src(%dma_wait3A_231 : memref<10000x128xf32, #tpu.memory_space<hbm>>) dst(%dma_wait3A_225 : memref<80x128xf32, #tpu.memory_space<vmem>>)
      %rem3A_234 = arith.constant 3 : i32
      %rem3A_235 = arith.remsi %add3A_216, %rem3A_234 : i32
      %dma_start3A_236 = arith.constant 0 : i32
      %dma_start3A_237 = arith.constant 0 : i32
      %dma_start3A_238 = arith.constant 0 : i32
      %dma_start3A_239 = tpu.memref_slice %arg9[%rem3A_235, %dma_start3A_237, %dma_start3A_238] : memref<3x80x128xf32, #tpu.memory_space<vmem>> -> memref<1x80x128xf32, #tpu.memory_space<vmem>>
      %dma_start3A_240 = tpu.memref_squeeze %dma_start3A_239 : memref<1x80x128xf32, #tpu.memory_space<vmem>> -> memref<80x128xf32, #tpu.memory_space<vmem>>
      %dma_start3A_241 = arith.constant 0 : i32
      %dma_start3A_242 = tpu.memref_slice %arg8[%rem3A_212, %dma_start3A_236, %dma_start3A_241] : memref<2x5x80xi32, #tpu.memory_space<vmem>> -> memref<1x1x80xi32, #tpu.memory_space<vmem>>
      %dma_start3A_243 = tpu.memref_squeeze %dma_start3A_242 : memref<1x1x80xi32, #tpu.memory_space<vmem>> -> memref<80xi32, #tpu.memory_space<vmem>>
      %dma_start3A_244 = arith.constant 0 : i32
      %dma_start3A_245 = arith.constant 0 : i32
      %dma_start3A_246 = tpu.memref_slice %arg6[%dma_start3A_244, %dma_start3A_245] : memref<10240x128xf32, #tpu.memory_space<vmem_shared>> -> memref<10240x128xf32, #tpu.memory_space<vmem_shared>>
      %dma_start3A_247 = tpu.memref_slice %arg12[%rem3A_235] : memref<3x!tpu.dma_semaphore, #tpu.memory_space<semaphore_mem>> -> memref<1x!tpu.dma_semaphore, #tpu.memory_space<semaphore_mem>>
      %dma_start3A_248 = tpu.memref_squeeze %dma_start3A_247 : memref<1x!tpu.dma_semaphore, #tpu.memory_space<semaphore_mem>> -> memref<!tpu.dma_semaphore, #tpu.memory_space<semaphore_mem>>
      tpu.enqueue_indirect_dma source(%dma_start3A_240 : memref<80x128xf32, #tpu.memory_space<vmem>>) target(%dma_start3A_246 : memref<10240x128xf32, #tpu.memory_space<vmem_shared>>) offsets(%dma_start3A_243 : memref<80xi32, #tpu.memory_space<vmem>>) semaphore(%dma_start3A_248 : memref<!tpu.dma_semaphore, #tpu.memory_space<semaphore_mem>>) {add = true}
      %mul3A_249 = arith.constant 5 : i32
      %mul3A_250 = arith.muli %scan3A_210, %mul3A_249 : i32
      %add3A_251 = arith.constant 1 : i32
      %add3A_252 = arith.addi %mul3A_250, %add3A_251 : i32
      %sub3A = arith.constant 1 : i32
      %sub3A_253 = arith.subi %add3A_252, %sub3A : i32
      %rem3A_254 = arith.constant 3 : i32
      %rem3A_255 = arith.remsi %sub3A_253, %rem3A_254 : i32
      %dma_wait3A_256 = arith.constant 0 : i32
      %dma_wait3A_257 = arith.constant 0 : i32
      %dma_wait3A_258 = arith.constant 0 : i32
      %dma_wait3A_259 = tpu.memref_slice %arg9[%rem3A_255, %dma_wait3A_257, %dma_wait3A_258] : memref<3x80x128xf32, #tpu.memory_space<vmem>> -> memref<1x80x128xf32, #tpu.memory_space<vmem>>
      %dma_wait3A_260 = tpu.memref_squeeze %dma_wait3A_259 : memref<1x80x128xf32, #tpu.memory_space<vmem>> -> memref<80x128xf32, #tpu.memory_space<vmem>>
      %dma_wait3A_261 = arith.constant 0 : i32
      %dma_wait3A_262 = tpu.memref_slice %arg8[%rem3A_212, %dma_wait3A_256, %dma_wait3A_261] : memref<2x5x80xi32, #tpu.memory_space<vmem>> -> memref<1x1x80xi32, #tpu.memory_space<vmem>>
      %dma_wait3A_263 = tpu.memref_squeeze %dma_wait3A_262 : memref<1x1x80xi32, #tpu.memory_space<vmem>> -> memref<80xi32, #tpu.memory_space<vmem>>
      %dma_wait3A_264 = arith.constant 0 : i32
      %dma_wait3A_265 = arith.constant 0 : i32
      %dma_wait3A_266 = tpu.memref_slice %arg6[%dma_wait3A_264, %dma_wait3A_265] : memref<10240x128xf32, #tpu.memory_space<vmem_shared>> -> memref<10240x128xf32, #tpu.memory_space<vmem_shared>>
      %dma_wait3A_267 = tpu.memref_slice %arg12[%rem3A_255] : memref<3x!tpu.dma_semaphore, #tpu.memory_space<semaphore_mem>> -> memref<1x!tpu.dma_semaphore, #tpu.memory_space<semaphore_mem>>
      %dma_wait3A_268 = tpu.memref_squeeze %dma_wait3A_267 : memref<1x!tpu.dma_semaphore, #tpu.memory_space<semaphore_mem>> -> memref<!tpu.dma_semaphore, #tpu.memory_space<semaphore_mem>>
      tpu.wait_indirect_dma semaphore(%dma_wait3A_268 : memref<!tpu.dma_semaphore, #tpu.memory_space<semaphore_mem>>) src(%dma_wait3A_260 : memref<80x128xf32, #tpu.memory_space<vmem>>) dst(%dma_wait3A_266 : memref<10240x128xf32, #tpu.memory_space<vmem_shared>>)
      %add3A_269 = arith.constant 2 : i32
      %add3A_270 = arith.addi %add3A_252, %add3A_269 : i32
      %rem3A_271 = arith.constant 3 : i32
      %rem3A_272 = arith.remsi %add3A_270, %rem3A_271 : i32
      %dma_start3A_273 = arith.constant 3 : i32
      %dma_start3A_274 = arith.constant 0 : i32
      %dma_start3A_275 = arith.constant 0 : i32
      %dma_start3A_276 = tpu.memref_slice %arg9[%rem3A_272, %dma_start3A_274, %dma_start3A_275] : memref<3x80x128xf32, #tpu.memory_space<vmem>> -> memref<1x80x128xf32, #tpu.memory_space<vmem>>
      %dma_start3A_277 = tpu.memref_squeeze %dma_start3A_276 : memref<1x80x128xf32, #tpu.memory_space<vmem>> -> memref<80x128xf32, #tpu.memory_space<vmem>>
      %dma_start3A_278 = arith.constant 0 : i32
      %dma_start3A_279 = tpu.memref_slice %arg7[%rem3A_212, %dma_start3A_273, %dma_start3A_278] : memref<2x5x80xi32, #tpu.memory_space<vmem>> -> memref<1x1x80xi32, #tpu.memory_space<vmem>>
      %dma_start3A_280 = tpu.memref_squeeze %dma_start3A_279 : memref<1x1x80xi32, #tpu.memory_space<vmem>> -> memref<80xi32, #tpu.memory_space<vmem>>
      %dma_start3A_281 = arith.constant 0 : i32
      %dma_start3A_282 = arith.constant 0 : i32
      %dma_start3A_283 = tpu.memref_slice %arg2[%dma_start3A_281, %dma_start3A_282] : memref<10000x128xf32, #tpu.memory_space<hbm>> -> memref<10000x128xf32, #tpu.memory_space<hbm>>
      %dma_start3A_284 = tpu.memref_slice %arg11[%rem3A_272] : memref<3x!tpu.dma_semaphore, #tpu.memory_space<semaphore_mem>> -> memref<1x!tpu.dma_semaphore, #tpu.memory_space<semaphore_mem>>
      %dma_start3A_285 = tpu.memref_squeeze %dma_start3A_284 : memref<1x!tpu.dma_semaphore, #tpu.memory_space<semaphore_mem>> -> memref<!tpu.dma_semaphore, #tpu.memory_space<semaphore_mem>>
      tpu.enqueue_indirect_dma source(%dma_start3A_283 : memref<10000x128xf32, #tpu.memory_space<hbm>>) target(%dma_start3A_277 : memref<80x128xf32, #tpu.memory_space<vmem>>) offsets(%dma_start3A_280 : memref<80xi32, #tpu.memory_space<vmem>>) semaphore(%dma_start3A_285 : memref<!tpu.dma_semaphore, #tpu.memory_space<semaphore_mem>>)
      %ge3A_286 = arith.constant 1 : i32
      %ge3A_287 = arith.cmpi sge, %scan3A_210, %ge3A_286 : i32
      %lt3A = arith.constant 24 : i32
      %lt3A_288 = arith.cmpi slt, %scan3A_210, %lt3A : i32
      %and3A = arith.andi %ge3A_287, %lt3A_288 : i1
      %convert_element_type3A_289 = arith.extui %and3A : i1 to i32
      %cond3A_290 = arith.constant 0 : i32
      %cond3A_291 = arith.cmpi ne, %convert_element_type3A_289, %cond3A_290 : i32
      scf.if %cond3A_291 {
        %add3A_507 = arith.constant 1 : i32
        %add3A_508 = arith.addi %scan3A_210, %add3A_507 : i32
        %sub3A_509 = arith.constant 1 : i32
        %sub3A_510 = arith.subi %sub3A_509, %rem3A_212 : i32
        %dma_start3A_511 = arith.constant 0 : i32
        %dma_start3A_512 = arith.constant 0 : i32
        %dma_start3A_513 = arith.constant 0 : i32
        %dma_start3A_514 = tpu.memref_slice %arg7[%sub3A_510, %dma_start3A_512, %dma_start3A_513] : memref<2x5x80xi32, #tpu.memory_space<vmem>> -> memref<1x5x80xi32, #tpu.memory_space<vmem>>
        %dma_start3A_515 = tpu.memref_squeeze %dma_start3A_514 : memref<1x5x80xi32, #tpu.memory_space<vmem>> -> memref<5x80xi32, #tpu.memory_space<vmem>>
        %dma_start3A_516 = arith.constant 0 : i32
        %dma_start3A_517 = arith.constant 0 : i32
        %dma_start3A_518 = tpu.memref_slice %arg3[%dma_start3A_511, %add3A, %add3A_508, %dma_start3A_516, %dma_start3A_517] : memref<2x32x25x5x80xi32, #tpu.memory_space<hbm>> -> memref<1x1x1x5x80xi32, #tpu.memory_space<hbm>>
        %dma_start3A_519 = tpu.memref_squeeze %dma_start3A_518 : memref<1x1x1x5x80xi32, #tpu.memory_space<hbm>> -> memref<5x80xi32, #tpu.memory_space<hbm>>
        %dma_start3A_520 = tpu.memref_slice %arg10[%sub3A_510] : memref<2x!tpu.dma_semaphore, #tpu.memory_space<semaphore_mem>> -> memref<1x!tpu.dma_semaphore, #tpu.memory_space<semaphore_mem>>
        %dma_start3A_521 = tpu.memref_squeeze %dma_start3A_520 : memref<1x!tpu.dma_semaphore, #tpu.memory_space<semaphore_mem>> -> memref<!tpu.dma_semaphore, #tpu.memory_space<semaphore_mem>>
        %dma_start3A_522 = arith.constant 0 : i32
        %dma_start3A_523 = arith.constant 0 : i32
        %dma_start3A_524 = tpu.memref_slice %arg7[%sub3A_510, %dma_start3A_522, %dma_start3A_523] : memref<2x5x80xi32, #tpu.memory_space<vmem>> -> memref<1x5x80xi32, #tpu.memory_space<vmem>>
        %dma_start3A_525 = tpu.memref_squeeze %dma_start3A_524 : memref<1x5x80xi32, #tpu.memory_space<vmem>> -> memref<5x80xi32, #tpu.memory_space<vmem>>
        %dma_start3A_526 = arith.constant 0 : i32
        %dma_start3A_527 = arith.constant 0 : i32
        %dma_start3A_528 = tpu.memref_slice %arg3[%dma_start3A_511, %add3A, %add3A_508, %dma_start3A_526, %dma_start3A_527] : memref<2x32x25x5x80xi32, #tpu.memory_space<hbm>> -> memref<1x1x1x5x80xi32, #tpu.memory_space<hbm>>
        %dma_start3A_529 = tpu.memref_squeeze %dma_start3A_528 : memref<1x1x1x5x80xi32, #tpu.memory_space<hbm>> -> memref<5x80xi32, #tpu.memory_space<hbm>>
        tpu.enqueue_dma source(%dma_start3A_529 : memref<5x80xi32, #tpu.memory_space<hbm>>) target(%dma_start3A_525 : memref<5x80xi32, #tpu.memory_space<vmem>>) target_semaphore(%dma_start3A_521 : memref<!tpu.dma_semaphore, #tpu.memory_space<semaphore_mem>>)
        %dma_start3A_530 = arith.constant 1 : i32
        %dma_start3A_531 = arith.constant 0 : i32
        %dma_start3A_532 = arith.constant 0 : i32
        %dma_start3A_533 = tpu.memref_slice %arg8[%sub3A_510, %dma_start3A_531, %dma_start3A_532] : memref<2x5x80xi32, #tpu.memory_space<vmem>> -> memref<1x5x80xi32, #tpu.memory_space<vmem>>
        %dma_start3A_534 = tpu.memref_squeeze %dma_start3A_533 : memref<1x5x80xi32, #tpu.memory_space<vmem>> -> memref<5x80xi32, #tpu.memory_space<vmem>>
        %dma_start3A_535 = arith.constant 0 : i32
        %dma_start3A_536 = arith.constant 0 : i32
        %dma_start3A_537 = tpu.memref_slice %arg3[%dma_start3A_530, %add3A, %add3A_508, %dma_start3A_535, %dma_start3A_536] : memref<2x32x25x5x80xi32, #tpu.memory_space<hbm>> -> memref<1x1x1x5x80xi32, #tpu.memory_space<hbm>>
        %dma_start3A_538 = tpu.memref_squeeze %dma_start3A_537 : memref<1x1x1x5x80xi32, #tpu.memory_space<hbm>> -> memref<5x80xi32, #tpu.memory_space<hbm>>
        %dma_start3A_539 = tpu.memref_slice %arg10[%sub3A_510] : memref<2x!tpu.dma_semaphore, #tpu.memory_space<semaphore_mem>> -> memref<1x!tpu.dma_semaphore, #tpu.memory_space<semaphore_mem>>
        %dma_start3A_540 = tpu.memref_squeeze %dma_start3A_539 : memref<1x!tpu.dma_semaphore, #tpu.memory_space<semaphore_mem>> -> memref<!tpu.dma_semaphore, #tpu.memory_space<semaphore_mem>>
        %dma_start3A_541 = arith.constant 0 : i32
        %dma_start3A_542 = arith.constant 0 : i32
        %dma_start3A_543 = tpu.memref_slice %arg8[%sub3A_510, %dma_start3A_541, %dma_start3A_542] : memref<2x5x80xi32, #tpu.memory_space<vmem>> -> memref<1x5x80xi32, #tpu.memory_space<vmem>>
        %dma_start3A_544 = tpu.memref_squeeze %dma_start3A_543 : memref<1x5x80xi32, #tpu.memory_space<vmem>> -> memref<5x80xi32, #tpu.memory_space<vmem>>
        %dma_start3A_545 = arith.constant 0 : i32
        %dma_start3A_546 = arith.constant 0 : i32
        %dma_start3A_547 = tpu.memref_slice %arg3[%dma_start3A_530, %add3A, %add3A_508, %dma_start3A_545, %dma_start3A_546] : memref<2x32x25x5x80xi32, #tpu.memory_space<hbm>> -> memref<1x1x1x5x80xi32, #tpu.memory_space<hbm>>
        %dma_start3A_548 = tpu.memref_squeeze %dma_start3A_547 : memref<1x1x1x5x80xi32, #tpu.memory_space<hbm>> -> memref<5x80xi32, #tpu.memory_space<hbm>>
        tpu.enqueue_dma source(%dma_start3A_548 : memref<5x80xi32, #tpu.memory_space<hbm>>) target(%dma_start3A_544 : memref<5x80xi32, #tpu.memory_space<vmem>>) target_semaphore(%dma_start3A_540 : memref<!tpu.dma_semaphore, #tpu.memory_space<semaphore_mem>>)
      } else {
      }
      %rem3A_292 = arith.constant 3 : i32
      %rem3A_293 = arith.remsi %add3A_252, %rem3A_292 : i32
      %dma_wait3A_294 = arith.constant 1 : i32
      %dma_wait3A_295 = arith.constant 0 : i32
      %dma_wait3A_296 = arith.constant 0 : i32
      %dma_wait3A_297 = tpu.memref_slice %arg9[%rem3A_293, %dma_wait3A_295, %dma_wait3A_296] : memref<3x80x128xf32, #tpu.memory_space<vmem>> -> memref<1x80x128xf32, #tpu.memory_space<vmem>>
      %dma_wait3A_298 = tpu.memref_squeeze %dma_wait3A_297 : memref<1x80x128xf32, #tpu.memory_space<vmem>> -> memref<80x128xf32, #tpu.memory_space<vmem>>
      %dma_wait3A_299 = arith.constant 0 : i32
      %dma_wait3A_300 = tpu.memref_slice %arg7[%rem3A_212, %dma_wait3A_294, %dma_wait3A_299] : memref<2x5x80xi32, #tpu.memory_space<vmem>> -> memref<1x1x80xi32, #tpu.memory_space<vmem>>
      %dma_wait3A_301 = tpu.memref_squeeze %dma_wait3A_300 : memref<1x1x80xi32, #tpu.memory_space<vmem>> -> memref<80xi32, #tpu.memory_space<vmem>>
      %dma_wait3A_302 = arith.constant 0 : i32
      %dma_wait3A_303 = arith.constant 0 : i32
      %dma_wait3A_304 = tpu.memref_slice %arg2[%dma_wait3A_302, %dma_wait3A_303] : memref<10000x128xf32, #tpu.memory_space<hbm>> -> memref<10000x128xf32, #tpu.memory_space<hbm>>
      %dma_wait3A_305 = tpu.memref_slice %arg11[%rem3A_293] : memref<3x!tpu.dma_semaphore, #tpu.memory_space<semaphore_mem>> -> memref<1x!tpu.dma_semaphore, #tpu.memory_space<semaphore_mem>>
      %dma_wait3A_306 = tpu.memref_squeeze %dma_wait3A_305 : memref<1x!tpu.dma_semaphore, #tpu.memory_space<semaphore_mem>> -> memref<!tpu.dma_semaphore, #tpu.memory_space<semaphore_mem>>
      tpu.wait_indirect_dma semaphore(%dma_wait3A_306 : memref<!tpu.dma_semaphore, #tpu.memory_space<semaphore_mem>>) src(%dma_wait3A_304 : memref<10000x128xf32, #tpu.memory_space<hbm>>) dst(%dma_wait3A_298 : memref<80x128xf32, #tpu.memory_space<vmem>>)
      %rem3A_307 = arith.constant 3 : i32
      %rem3A_308 = arith.remsi %add3A_252, %rem3A_307 : i32
      %dma_start3A_309 = arith.constant 1 : i32
      %dma_start3A_310 = arith.constant 0 : i32
      %dma_start3A_311 = arith.constant 0 : i32
      %dma_start3A_312 = tpu.memref_slice %arg9[%rem3A_308, %dma_start3A_310, %dma_start3A_311] : memref<3x80x128xf32, #tpu.memory_space<vmem>> -> memref<1x80x128xf32, #tpu.memory_space<vmem>>
      %dma_start3A_313 = tpu.memref_squeeze %dma_start3A_312 : memref<1x80x128xf32, #tpu.memory_space<vmem>> -> memref<80x128xf32, #tpu.memory_space<vmem>>
      %dma_start3A_314 = arith.constant 0 : i32
      %dma_start3A_315 = tpu.memref_slice %arg8[%rem3A_212, %dma_start3A_309, %dma_start3A_314] : memref<2x5x80xi32, #tpu.memory_space<vmem>> -> memref<1x1x80xi32, #tpu.memory_space<vmem>>
      %dma_start3A_316 = tpu.memref_squeeze %dma_start3A_315 : memref<1x1x80xi32, #tpu.memory_space<vmem>> -> memref<80xi32, #tpu.memory_space<vmem>>
      %dma_start3A_317 = arith.constant 0 : i32
      %dma_start3A_318 = arith.constant 0 : i32
      %dma_start3A_319 = tpu.memref_slice %arg6[%dma_start3A_317, %dma_start3A_318] : memref<10240x128xf32, #tpu.memory_space<vmem_shared>> -> memref<10240x128xf32, #tpu.memory_space<vmem_shared>>
      %dma_start3A_320 = tpu.memref_slice %arg12[%rem3A_308] : memref<3x!tpu.dma_semaphore, #tpu.memory_space<semaphore_mem>> -> memref<1x!tpu.dma_semaphore, #tpu.memory_space<semaphore_mem>>
      %dma_start3A_321 = tpu.memref_squeeze %dma_start3A_320 : memref<1x!tpu.dma_semaphore, #tpu.memory_space<semaphore_mem>> -> memref<!tpu.dma_semaphore, #tpu.memory_space<semaphore_mem>>
      tpu.enqueue_indirect_dma source(%dma_start3A_313 : memref<80x128xf32, #tpu.memory_space<vmem>>) target(%dma_start3A_319 : memref<10240x128xf32, #tpu.memory_space<vmem_shared>>) offsets(%dma_start3A_316 : memref<80xi32, #tpu.memory_space<vmem>>) semaphore(%dma_start3A_321 : memref<!tpu.dma_semaphore, #tpu.memory_space<semaphore_mem>>) {add = true}
      %mul3A_322 = arith.constant 5 : i32
      %mul3A_323 = arith.muli %scan3A_210, %mul3A_322 : i32
      %add3A_324 = arith.constant 2 : i32
      %add3A_325 = arith.addi %mul3A_323, %add3A_324 : i32
      %sub3A_326 = arith.constant 1 : i32
      %sub3A_327 = arith.subi %add3A_325, %sub3A_326 : i32
      %rem3A_328 = arith.constant 3 : i32
      %rem3A_329 = arith.remsi %sub3A_327, %rem3A_328 : i32
      %dma_wait3A_330 = arith.constant 1 : i32
      %dma_wait3A_331 = arith.constant 0 : i32
      %dma_wait3A_332 = arith.constant 0 : i32
      %dma_wait3A_333 = tpu.memref_slice %arg9[%rem3A_329, %dma_wait3A_331, %dma_wait3A_332] : memref<3x80x128xf32, #tpu.memory_space<vmem>> -> memref<1x80x128xf32, #tpu.memory_space<vmem>>
      %dma_wait3A_334 = tpu.memref_squeeze %dma_wait3A_333 : memref<1x80x128xf32, #tpu.memory_space<vmem>> -> memref<80x128xf32, #tpu.memory_space<vmem>>
      %dma_wait3A_335 = arith.constant 0 : i32
      %dma_wait3A_336 = tpu.memref_slice %arg8[%rem3A_212, %dma_wait3A_330, %dma_wait3A_335] : memref<2x5x80xi32, #tpu.memory_space<vmem>> -> memref<1x1x80xi32, #tpu.memory_space<vmem>>
      %dma_wait3A_337 = tpu.memref_squeeze %dma_wait3A_336 : memref<1x1x80xi32, #tpu.memory_space<vmem>> -> memref<80xi32, #tpu.memory_space<vmem>>
      %dma_wait3A_338 = arith.constant 0 : i32
      %dma_wait3A_339 = arith.constant 0 : i32
      %dma_wait3A_340 = tpu.memref_slice %arg6[%dma_wait3A_338, %dma_wait3A_339] : memref<10240x128xf32, #tpu.memory_space<vmem_shared>> -> memref<10240x128xf32, #tpu.memory_space<vmem_shared>>
      %dma_wait3A_341 = tpu.memref_slice %arg12[%rem3A_329] : memref<3x!tpu.dma_semaphore, #tpu.memory_space<semaphore_mem>> -> memref<1x!tpu.dma_semaphore, #tpu.memory_space<semaphore_mem>>
      %dma_wait3A_342 = tpu.memref_squeeze %dma_wait3A_341 : memref<1x!tpu.dma_semaphore, #tpu.memory_space<semaphore_mem>> -> memref<!tpu.dma_semaphore, #tpu.memory_space<semaphore_mem>>
      tpu.wait_indirect_dma semaphore(%dma_wait3A_342 : memref<!tpu.dma_semaphore, #tpu.memory_space<semaphore_mem>>) src(%dma_wait3A_334 : memref<80x128xf32, #tpu.memory_space<vmem>>) dst(%dma_wait3A_340 : memref<10240x128xf32, #tpu.memory_space<vmem_shared>>)
      %add3A_343 = arith.constant 2 : i32
      %add3A_344 = arith.addi %add3A_325, %add3A_343 : i32
      %rem3A_345 = arith.constant 3 : i32
      %rem3A_346 = arith.remsi %add3A_344, %rem3A_345 : i32
      %dma_start3A_347 = arith.constant 4 : i32
      %dma_start3A_348 = arith.constant 0 : i32
      %dma_start3A_349 = arith.constant 0 : i32
      %dma_start3A_350 = tpu.memref_slice %arg9[%rem3A_346, %dma_start3A_348, %dma_start3A_349] : memref<3x80x128xf32, #tpu.memory_space<vmem>> -> memref<1x80x128xf32, #tpu.memory_space<vmem>>
      %dma_start3A_351 = tpu.memref_squeeze %dma_start3A_350 : memref<1x80x128xf32, #tpu.memory_space<vmem>> -> memref<80x128xf32, #tpu.memory_space<vmem>>
      %dma_start3A_352 = arith.constant 0 : i32
      %dma_start3A_353 = tpu.memref_slice %arg7[%rem3A_212, %dma_start3A_347, %dma_start3A_352] : memref<2x5x80xi32, #tpu.memory_space<vmem>> -> memref<1x1x80xi32, #tpu.memory_space<vmem>>
      %dma_start3A_354 = tpu.memref_squeeze %dma_start3A_353 : memref<1x1x80xi32, #tpu.memory_space<vmem>> -> memref<80xi32, #tpu.memory_space<vmem>>
      %dma_start3A_355 = arith.constant 0 : i32
      %dma_start3A_356 = arith.constant 0 : i32
      %dma_start3A_357 = tpu.memref_slice %arg2[%dma_start3A_355, %dma_start3A_356] : memref<10000x128xf32, #tpu.memory_space<hbm>> -> memref<10000x128xf32, #tpu.memory_space<hbm>>
      %dma_start3A_358 = tpu.memref_slice %arg11[%rem3A_346] : memref<3x!tpu.dma_semaphore, #tpu.memory_space<semaphore_mem>> -> memref<1x!tpu.dma_semaphore, #tpu.memory_space<semaphore_mem>>
      %dma_start3A_359 = tpu.memref_squeeze %dma_start3A_358 : memref<1x!tpu.dma_semaphore, #tpu.memory_space<semaphore_mem>> -> memref<!tpu.dma_semaphore, #tpu.memory_space<semaphore_mem>>
      tpu.enqueue_indirect_dma source(%dma_start3A_357 : memref<10000x128xf32, #tpu.memory_space<hbm>>) target(%dma_start3A_351 : memref<80x128xf32, #tpu.memory_space<vmem>>) offsets(%dma_start3A_354 : memref<80xi32, #tpu.memory_space<vmem>>) semaphore(%dma_start3A_359 : memref<!tpu.dma_semaphore, #tpu.memory_space<semaphore_mem>>)
      %lt3A_360 = arith.constant 24 : i32
      %lt3A_361 = arith.cmpi slt, %scan3A_210, %lt3A_360 : i32
      %convert_element_type3A_362 = arith.extui %lt3A_361 : i1 to i32
      %cond3A_363 = arith.constant 0 : i32
      %cond3A_364 = arith.cmpi ne, %convert_element_type3A_362, %cond3A_363 : i32
      scf.if %cond3A_364 {
        %add3A_507 = arith.constant 1 : i32
        %add3A_508 = arith.addi %scan3A_210, %add3A_507 : i32
        %sub3A_509 = arith.constant 1 : i32
        %sub3A_510 = arith.subi %sub3A_509, %rem3A_212 : i32
        %dma_wait3A_511 = arith.constant 0 : i32
        %dma_wait3A_512 = arith.constant 0 : i32
        %dma_wait3A_513 = arith.constant 0 : i32
        %dma_wait3A_514 = tpu.memref_slice %arg7[%sub3A_510, %dma_wait3A_512, %dma_wait3A_513] : memref<2x5x80xi32, #tpu.memory_space<vmem>> -> memref<1x5x80xi32, #tpu.memory_space<vmem>>
        %dma_wait3A_515 = tpu.memref_squeeze %dma_wait3A_514 : memref<1x5x80xi32, #tpu.memory_space<vmem>> -> memref<5x80xi32, #tpu.memory_space<vmem>>
        %dma_wait3A_516 = arith.constant 0 : i32
        %dma_wait3A_517 = arith.constant 0 : i32
        %dma_wait3A_518 = tpu.memref_slice %arg3[%dma_wait3A_511, %add3A, %add3A_508, %dma_wait3A_516, %dma_wait3A_517] : memref<2x32x25x5x80xi32, #tpu.memory_space<hbm>> -> memref<1x1x1x5x80xi32, #tpu.memory_space<hbm>>
        %dma_wait3A_519 = tpu.memref_squeeze %dma_wait3A_518 : memref<1x1x1x5x80xi32, #tpu.memory_space<hbm>> -> memref<5x80xi32, #tpu.memory_space<hbm>>
        %dma_wait3A_520 = tpu.memref_slice %arg10[%sub3A_510] : memref<2x!tpu.dma_semaphore, #tpu.memory_space<semaphore_mem>> -> memref<1x!tpu.dma_semaphore, #tpu.memory_space<semaphore_mem>>
        %dma_wait3A_521 = tpu.memref_squeeze %dma_wait3A_520 : memref<1x!tpu.dma_semaphore, #tpu.memory_space<semaphore_mem>> -> memref<!tpu.dma_semaphore, #tpu.memory_space<semaphore_mem>>
        %dma_wait3A_522 = arith.constant 0 : i32
        %dma_wait3A_523 = arith.constant 0 : i32
        %dma_wait3A_524 = tpu.memref_slice %arg7[%sub3A_510, %dma_wait3A_522, %dma_wait3A_523] : memref<2x5x80xi32, #tpu.memory_space<vmem>> -> memref<1x5x80xi32, #tpu.memory_space<vmem>>
        %dma_wait3A_525 = tpu.memref_squeeze %dma_wait3A_524 : memref<1x5x80xi32, #tpu.memory_space<vmem>> -> memref<5x80xi32, #tpu.memory_space<vmem>>
        %dma_wait3A_526 = arith.constant 0 : i32
        %dma_wait3A_527 = arith.constant 0 : i32
        %dma_wait3A_528 = tpu.memref_slice %arg3[%dma_wait3A_511, %add3A, %add3A_508, %dma_wait3A_526, %dma_wait3A_527] : memref<2x32x25x5x80xi32, #tpu.memory_space<hbm>> -> memref<1x1x1x5x80xi32, #tpu.memory_space<hbm>>
        %dma_wait3A_529 = tpu.memref_squeeze %dma_wait3A_528 : memref<1x1x1x5x80xi32, #tpu.memory_space<hbm>> -> memref<5x80xi32, #tpu.memory_space<hbm>>
        tpu.wait_dma2 semaphore(%dma_wait3A_521 : memref<!tpu.dma_semaphore, #tpu.memory_space<semaphore_mem>>) src(%dma_wait3A_529 : memref<5x80xi32, #tpu.memory_space<hbm>>) dst(%dma_wait3A_525 : memref<5x80xi32, #tpu.memory_space<vmem>>)
        %dma_wait3A_530 = arith.constant 1 : i32
        %dma_wait3A_531 = arith.constant 0 : i32
        %dma_wait3A_532 = arith.constant 0 : i32
        %dma_wait3A_533 = tpu.memref_slice %arg8[%sub3A_510, %dma_wait3A_531, %dma_wait3A_532] : memref<2x5x80xi32, #tpu.memory_space<vmem>> -> memref<1x5x80xi32, #tpu.memory_space<vmem>>
        %dma_wait3A_534 = tpu.memref_squeeze %dma_wait3A_533 : memref<1x5x80xi32, #tpu.memory_space<vmem>> -> memref<5x80xi32, #tpu.memory_space<vmem>>
        %dma_wait3A_535 = arith.constant 0 : i32
        %dma_wait3A_536 = arith.constant 0 : i32
        %dma_wait3A_537 = tpu.memref_slice %arg3[%dma_wait3A_530, %add3A, %add3A_508, %dma_wait3A_535, %dma_wait3A_536] : memref<2x32x25x5x80xi32, #tpu.memory_space<hbm>> -> memref<1x1x1x5x80xi32, #tpu.memory_space<hbm>>
        %dma_wait3A_538 = tpu.memref_squeeze %dma_wait3A_537 : memref<1x1x1x5x80xi32, #tpu.memory_space<hbm>> -> memref<5x80xi32, #tpu.memory_space<hbm>>
        %dma_wait3A_539 = tpu.memref_slice %arg10[%sub3A_510] : memref<2x!tpu.dma_semaphore, #tpu.memory_space<semaphore_mem>> -> memref<1x!tpu.dma_semaphore, #tpu.memory_space<semaphore_mem>>
        %dma_wait3A_540 = tpu.memref_squeeze %dma_wait3A_539 : memref<1x!tpu.dma_semaphore, #tpu.memory_space<semaphore_mem>> -> memref<!tpu.dma_semaphore, #tpu.memory_space<semaphore_mem>>
        %dma_wait3A_541 = arith.constant 0 : i32
        %dma_wait3A_542 = arith.constant 0 : i32
        %dma_wait3A_543 = tpu.memref_slice %arg8[%sub3A_510, %dma_wait3A_541, %dma_wait3A_542] : memref<2x5x80xi32, #tpu.memory_space<vmem>> -> memref<1x5x80xi32, #tpu.memory_space<vmem>>
        %dma_wait3A_544 = tpu.memref_squeeze %dma_wait3A_543 : memref<1x5x80xi32, #tpu.memory_space<vmem>> -> memref<5x80xi32, #tpu.memory_space<vmem>>
        %dma_wait3A_545 = arith.constant 0 : i32
        %dma_wait3A_546 = arith.constant 0 : i32
        %dma_wait3A_547 = tpu.memref_slice %arg3[%dma_wait3A_530, %add3A, %add3A_508, %dma_wait3A_545, %dma_wait3A_546] : memref<2x32x25x5x80xi32, #tpu.memory_space<hbm>> -> memref<1x1x1x5x80xi32, #tpu.memory_space<hbm>>
        %dma_wait3A_548 = tpu.memref_squeeze %dma_wait3A_547 : memref<1x1x1x5x80xi32, #tpu.memory_space<hbm>> -> memref<5x80xi32, #tpu.memory_space<hbm>>
        tpu.wait_dma2 semaphore(%dma_wait3A_540 : memref<!tpu.dma_semaphore, #tpu.memory_space<semaphore_mem>>) src(%dma_wait3A_548 : memref<5x80xi32, #tpu.memory_space<hbm>>) dst(%dma_wait3A_544 : memref<5x80xi32, #tpu.memory_space<vmem>>)
      } else {
      }
      %rem3A_365 = arith.constant 3 : i32
      %rem3A_366 = arith.remsi %add3A_325, %rem3A_365 : i32
      %dma_wait3A_367 = arith.constant 2 : i32
      %dma_wait3A_368 = arith.constant 0 : i32
      %dma_wait3A_369 = arith.constant 0 : i32
      %dma_wait3A_370 = tpu.memref_slice %arg9[%rem3A_366, %dma_wait3A_368, %dma_wait3A_369] : memref<3x80x128xf32, #tpu.memory_space<vmem>> -> memref<1x80x128xf32, #tpu.memory_space<vmem>>
      %dma_wait3A_371 = tpu.memref_squeeze %dma_wait3A_370 : memref<1x80x128xf32, #tpu.memory_space<vmem>> -> memref<80x128xf32, #tpu.memory_space<vmem>>
      %dma_wait3A_372 = arith.constant 0 : i32
      %dma_wait3A_373 = tpu.memref_slice %arg7[%rem3A_212, %dma_wait3A_367, %dma_wait3A_372] : memref<2x5x80xi32, #tpu.memory_space<vmem>> -> memref<1x1x80xi32, #tpu.memory_space<vmem>>
      %dma_wait3A_374 = tpu.memref_squeeze %dma_wait3A_373 : memref<1x1x80xi32, #tpu.memory_space<vmem>> -> memref<80xi32, #tpu.memory_space<vmem>>
      %dma_wait3A_375 = arith.constant 0 : i32
      %dma_wait3A_376 = arith.constant 0 : i32
      %dma_wait3A_377 = tpu.memref_slice %arg2[%dma_wait3A_375, %dma_wait3A_376] : memref<10000x128xf32, #tpu.memory_space<hbm>> -> memref<10000x128xf32, #tpu.memory_space<hbm>>
      %dma_wait3A_378 = tpu.memref_slice %arg11[%rem3A_366] : memref<3x!tpu.dma_semaphore, #tpu.memory_space<semaphore_mem>> -> memref<1x!tpu.dma_semaphore, #tpu.memory_space<semaphore_mem>>
      %dma_wait3A_379 = tpu.memref_squeeze %dma_wait3A_378 : memref<1x!tpu.dma_semaphore, #tpu.memory_space<semaphore_mem>> -> memref<!tpu.dma_semaphore, #tpu.memory_space<semaphore_mem>>
      tpu.wait_indirect_dma semaphore(%dma_wait3A_379 : memref<!tpu.dma_semaphore, #tpu.memory_space<semaphore_mem>>) src(%dma_wait3A_377 : memref<10000x128xf32, #tpu.memory_space<hbm>>) dst(%dma_wait3A_371 : memref<80x128xf32, #tpu.memory_space<vmem>>)
      %rem3A_380 = arith.constant 3 : i32
      %rem3A_381 = arith.remsi %add3A_325, %rem3A_380 : i32
      %dma_start3A_382 = arith.constant 2 : i32
      %dma_start3A_383 = arith.constant 0 : i32
      %dma_start3A_384 = arith.constant 0 : i32
      %dma_start3A_385 = tpu.memref_slice %arg9[%rem3A_381, %dma_start3A_383, %dma_start3A_384] : memref<3x80x128xf32, #tpu.memory_space<vmem>> -> memref<1x80x128xf32, #tpu.memory_space<vmem>>
      %dma_start3A_386 = tpu.memref_squeeze %dma_start3A_385 : memref<1x80x128xf32, #tpu.memory_space<vmem>> -> memref<80x128xf32, #tpu.memory_space<vmem>>
      %dma_start3A_387 = arith.constant 0 : i32
      %dma_start3A_388 = tpu.memref_slice %arg8[%rem3A_212, %dma_start3A_382, %dma_start3A_387] : memref<2x5x80xi32, #tpu.memory_space<vmem>> -> memref<1x1x80xi32, #tpu.memory_space<vmem>>
      %dma_start3A_389 = tpu.memref_squeeze %dma_start3A_388 : memref<1x1x80xi32, #tpu.memory_space<vmem>> -> memref<80xi32, #tpu.memory_space<vmem>>
      %dma_start3A_390 = arith.constant 0 : i32
      %dma_start3A_391 = arith.constant 0 : i32
      %dma_start3A_392 = tpu.memref_slice %arg6[%dma_start3A_390, %dma_start3A_391] : memref<10240x128xf32, #tpu.memory_space<vmem_shared>> -> memref<10240x128xf32, #tpu.memory_space<vmem_shared>>
      %dma_start3A_393 = tpu.memref_slice %arg12[%rem3A_381] : memref<3x!tpu.dma_semaphore, #tpu.memory_space<semaphore_mem>> -> memref<1x!tpu.dma_semaphore, #tpu.memory_space<semaphore_mem>>
      %dma_start3A_394 = tpu.memref_squeeze %dma_start3A_393 : memref<1x!tpu.dma_semaphore, #tpu.memory_space<semaphore_mem>> -> memref<!tpu.dma_semaphore, #tpu.memory_space<semaphore_mem>>
      tpu.enqueue_indirect_dma source(%dma_start3A_386 : memref<80x128xf32, #tpu.memory_space<vmem>>) target(%dma_start3A_392 : memref<10240x128xf32, #tpu.memory_space<vmem_shared>>) offsets(%dma_start3A_389 : memref<80xi32, #tpu.memory_space<vmem>>) semaphore(%dma_start3A_394 : memref<!tpu.dma_semaphore, #tpu.memory_space<semaphore_mem>>) {add = true}
      %mul3A_395 = arith.constant 5 : i32
      %mul3A_396 = arith.muli %scan3A_210, %mul3A_395 : i32
      %add3A_397 = arith.constant 3 : i32
      %add3A_398 = arith.addi %mul3A_396, %add3A_397 : i32
      %sub3A_399 = arith.constant 1 : i32
      %sub3A_400 = arith.subi %add3A_398, %sub3A_399 : i32
      %rem3A_401 = arith.constant 3 : i32
      %rem3A_402 = arith.remsi %sub3A_400, %rem3A_401 : i32
      %dma_wait3A_403 = arith.constant 2 : i32
      %dma_wait3A_404 = arith.constant 0 : i32
      %dma_wait3A_405 = arith.constant 0 : i32
      %dma_wait3A_406 = tpu.memref_slice %arg9[%rem3A_402, %dma_wait3A_404, %dma_wait3A_405] : memref<3x80x128xf32, #tpu.memory_space<vmem>> -> memref<1x80x128xf32, #tpu.memory_space<vmem>>
      %dma_wait3A_407 = tpu.memref_squeeze %dma_wait3A_406 : memref<1x80x128xf32, #tpu.memory_space<vmem>> -> memref<80x128xf32, #tpu.memory_space<vmem>>
      %dma_wait3A_408 = arith.constant 0 : i32
      %dma_wait3A_409 = tpu.memref_slice %arg8[%rem3A_212, %dma_wait3A_403, %dma_wait3A_408] : memref<2x5x80xi32, #tpu.memory_space<vmem>> -> memref<1x1x80xi32, #tpu.memory_space<vmem>>
      %dma_wait3A_410 = tpu.memref_squeeze %dma_wait3A_409 : memref<1x1x80xi32, #tpu.memory_space<vmem>> -> memref<80xi32, #tpu.memory_space<vmem>>
      %dma_wait3A_411 = arith.constant 0 : i32
      %dma_wait3A_412 = arith.constant 0 : i32
      %dma_wait3A_413 = tpu.memref_slice %arg6[%dma_wait3A_411, %dma_wait3A_412] : memref<10240x128xf32, #tpu.memory_space<vmem_shared>> -> memref<10240x128xf32, #tpu.memory_space<vmem_shared>>
      %dma_wait3A_414 = tpu.memref_slice %arg12[%rem3A_402] : memref<3x!tpu.dma_semaphore, #tpu.memory_space<semaphore_mem>> -> memref<1x!tpu.dma_semaphore, #tpu.memory_space<semaphore_mem>>
      %dma_wait3A_415 = tpu.memref_squeeze %dma_wait3A_414 : memref<1x!tpu.dma_semaphore, #tpu.memory_space<semaphore_mem>> -> memref<!tpu.dma_semaphore, #tpu.memory_space<semaphore_mem>>
      tpu.wait_indirect_dma semaphore(%dma_wait3A_415 : memref<!tpu.dma_semaphore, #tpu.memory_space<semaphore_mem>>) src(%dma_wait3A_407 : memref<80x128xf32, #tpu.memory_space<vmem>>) dst(%dma_wait3A_413 : memref<10240x128xf32, #tpu.memory_space<vmem_shared>>)
      %lt3A_416 = arith.constant 24 : i32
      %lt3A_417 = arith.cmpi slt, %scan3A_210, %lt3A_416 : i32
      %convert_element_type3A_418 = arith.extui %lt3A_417 : i1 to i32
      %cond3A_419 = arith.constant 0 : i32
      %cond3A_420 = arith.cmpi ne, %convert_element_type3A_418, %cond3A_419 : i32
      scf.if %cond3A_420 {
        %add3A_507 = arith.constant 2 : i32
        %add3A_508 = arith.addi %add3A_398, %add3A_507 : i32
        %sub3A_509 = arith.constant 1 : i32
        %sub3A_510 = arith.subi %sub3A_509, %rem3A_212 : i32
        %rem3A_511 = arith.constant 3 : i32
        %rem3A_512 = arith.remsi %add3A_508, %rem3A_511 : i32
        %dma_start3A_513 = arith.constant 0 : i32
        %dma_start3A_514 = arith.constant 0 : i32
        %dma_start3A_515 = arith.constant 0 : i32
        %dma_start3A_516 = tpu.memref_slice %arg9[%rem3A_512, %dma_start3A_514, %dma_start3A_515] : memref<3x80x128xf32, #tpu.memory_space<vmem>> -> memref<1x80x128xf32, #tpu.memory_space<vmem>>
        %dma_start3A_517 = tpu.memref_squeeze %dma_start3A_516 : memref<1x80x128xf32, #tpu.memory_space<vmem>> -> memref<80x128xf32, #tpu.memory_space<vmem>>
        %dma_start3A_518 = arith.constant 0 : i32
        %dma_start3A_519 = tpu.memref_slice %arg7[%sub3A_510, %dma_start3A_513, %dma_start3A_518] : memref<2x5x80xi32, #tpu.memory_space<vmem>> -> memref<1x1x80xi32, #tpu.memory_space<vmem>>
        %dma_start3A_520 = tpu.memref_squeeze %dma_start3A_519 : memref<1x1x80xi32, #tpu.memory_space<vmem>> -> memref<80xi32, #tpu.memory_space<vmem>>
        %dma_start3A_521 = arith.constant 0 : i32
        %dma_start3A_522 = arith.constant 0 : i32
        %dma_start3A_523 = tpu.memref_slice %arg2[%dma_start3A_521, %dma_start3A_522] : memref<10000x128xf32, #tpu.memory_space<hbm>> -> memref<10000x128xf32, #tpu.memory_space<hbm>>
        %dma_start3A_524 = tpu.memref_slice %arg11[%rem3A_512] : memref<3x!tpu.dma_semaphore, #tpu.memory_space<semaphore_mem>> -> memref<1x!tpu.dma_semaphore, #tpu.memory_space<semaphore_mem>>
        %dma_start3A_525 = tpu.memref_squeeze %dma_start3A_524 : memref<1x!tpu.dma_semaphore, #tpu.memory_space<semaphore_mem>> -> memref<!tpu.dma_semaphore, #tpu.memory_space<semaphore_mem>>
        tpu.enqueue_indirect_dma source(%dma_start3A_523 : memref<10000x128xf32, #tpu.memory_space<hbm>>) target(%dma_start3A_517 : memref<80x128xf32, #tpu.memory_space<vmem>>) offsets(%dma_start3A_520 : memref<80xi32, #tpu.memory_space<vmem>>) semaphore(%dma_start3A_525 : memref<!tpu.dma_semaphore, #tpu.memory_space<semaphore_mem>>)
      } else {
      }
      %rem3A_421 = arith.constant 3 : i32
      %rem3A_422 = arith.remsi %add3A_398, %rem3A_421 : i32
      %dma_wait3A_423 = arith.constant 3 : i32
      %dma_wait3A_424 = arith.constant 0 : i32
      %dma_wait3A_425 = arith.constant 0 : i32
      %dma_wait3A_426 = tpu.memref_slice %arg9[%rem3A_422, %dma_wait3A_424, %dma_wait3A_425] : memref<3x80x128xf32, #tpu.memory_space<vmem>> -> memref<1x80x128xf32, #tpu.memory_space<vmem>>
      %dma_wait3A_427 = tpu.memref_squeeze %dma_wait3A_426 : memref<1x80x128xf32, #tpu.memory_space<vmem>> -> memref<80x128xf32, #tpu.memory_space<vmem>>
      %dma_wait3A_428 = arith.constant 0 : i32
      %dma_wait3A_429 = tpu.memref_slice %arg7[%rem3A_212, %dma_wait3A_423, %dma_wait3A_428] : memref<2x5x80xi32, #tpu.memory_space<vmem>> -> memref<1x1x80xi32, #tpu.memory_space<vmem>>
      %dma_wait3A_430 = tpu.memref_squeeze %dma_wait3A_429 : memref<1x1x80xi32, #tpu.memory_space<vmem>> -> memref<80xi32, #tpu.memory_space<vmem>>
      %dma_wait3A_431 = arith.constant 0 : i32
      %dma_wait3A_432 = arith.constant 0 : i32
      %dma_wait3A_433 = tpu.memref_slice %arg2[%dma_wait3A_431, %dma_wait3A_432] : memref<10000x128xf32, #tpu.memory_space<hbm>> -> memref<10000x128xf32, #tpu.memory_space<hbm>>
      %dma_wait3A_434 = tpu.memref_slice %arg11[%rem3A_422] : memref<3x!tpu.dma_semaphore, #tpu.memory_space<semaphore_mem>> -> memref<1x!tpu.dma_semaphore, #tpu.memory_space<semaphore_mem>>
      %dma_wait3A_435 = tpu.memref_squeeze %dma_wait3A_434 : memref<1x!tpu.dma_semaphore, #tpu.memory_space<semaphore_mem>> -> memref<!tpu.dma_semaphore, #tpu.memory_space<semaphore_mem>>
      tpu.wait_indirect_dma semaphore(%dma_wait3A_435 : memref<!tpu.dma_semaphore, #tpu.memory_space<semaphore_mem>>) src(%dma_wait3A_433 : memref<10000x128xf32, #tpu.memory_space<hbm>>) dst(%dma_wait3A_427 : memref<80x128xf32, #tpu.memory_space<vmem>>)
      %rem3A_436 = arith.constant 3 : i32
      %rem3A_437 = arith.remsi %add3A_398, %rem3A_436 : i32
      %dma_start3A_438 = arith.constant 3 : i32
      %dma_start3A_439 = arith.constant 0 : i32
      %dma_start3A_440 = arith.constant 0 : i32
      %dma_start3A_441 = tpu.memref_slice %arg9[%rem3A_437, %dma_start3A_439, %dma_start3A_440] : memref<3x80x128xf32, #tpu.memory_space<vmem>> -> memref<1x80x128xf32, #tpu.memory_space<vmem>>
      %dma_start3A_442 = tpu.memref_squeeze %dma_start3A_441 : memref<1x80x128xf32, #tpu.memory_space<vmem>> -> memref<80x128xf32, #tpu.memory_space<vmem>>
      %dma_start3A_443 = arith.constant 0 : i32
      %dma_start3A_444 = tpu.memref_slice %arg8[%rem3A_212, %dma_start3A_438, %dma_start3A_443] : memref<2x5x80xi32, #tpu.memory_space<vmem>> -> memref<1x1x80xi32, #tpu.memory_space<vmem>>
      %dma_start3A_445 = tpu.memref_squeeze %dma_start3A_444 : memref<1x1x80xi32, #tpu.memory_space<vmem>> -> memref<80xi32, #tpu.memory_space<vmem>>
      %dma_start3A_446 = arith.constant 0 : i32
      %dma_start3A_447 = arith.constant 0 : i32
      %dma_start3A_448 = tpu.memref_slice %arg6[%dma_start3A_446, %dma_start3A_447] : memref<10240x128xf32, #tpu.memory_space<vmem_shared>> -> memref<10240x128xf32, #tpu.memory_space<vmem_shared>>
      %dma_start3A_449 = tpu.memref_slice %arg12[%rem3A_437] : memref<3x!tpu.dma_semaphore, #tpu.memory_space<semaphore_mem>> -> memref<1x!tpu.dma_semaphore, #tpu.memory_space<semaphore_mem>>
      %dma_start3A_450 = tpu.memref_squeeze %dma_start3A_449 : memref<1x!tpu.dma_semaphore, #tpu.memory_space<semaphore_mem>> -> memref<!tpu.dma_semaphore, #tpu.memory_space<semaphore_mem>>
      tpu.enqueue_indirect_dma source(%dma_start3A_442 : memref<80x128xf32, #tpu.memory_space<vmem>>) target(%dma_start3A_448 : memref<10240x128xf32, #tpu.memory_space<vmem_shared>>) offsets(%dma_start3A_445 : memref<80xi32, #tpu.memory_space<vmem>>) semaphore(%dma_start3A_450 : memref<!tpu.dma_semaphore, #tpu.memory_space<semaphore_mem>>) {add = true}
      %mul3A_451 = arith.constant 5 : i32
      %mul3A_452 = arith.muli %scan3A_210, %mul3A_451 : i32
      %add3A_453 = arith.constant 4 : i32
      %add3A_454 = arith.addi %mul3A_452, %add3A_453 : i32
      %sub3A_455 = arith.constant 1 : i32
      %sub3A_456 = arith.subi %add3A_454, %sub3A_455 : i32
      %rem3A_457 = arith.constant 3 : i32
      %rem3A_458 = arith.remsi %sub3A_456, %rem3A_457 : i32
      %dma_wait3A_459 = arith.constant 3 : i32
      %dma_wait3A_460 = arith.constant 0 : i32
      %dma_wait3A_461 = arith.constant 0 : i32
      %dma_wait3A_462 = tpu.memref_slice %arg9[%rem3A_458, %dma_wait3A_460, %dma_wait3A_461] : memref<3x80x128xf32, #tpu.memory_space<vmem>> -> memref<1x80x128xf32, #tpu.memory_space<vmem>>
      %dma_wait3A_463 = tpu.memref_squeeze %dma_wait3A_462 : memref<1x80x128xf32, #tpu.memory_space<vmem>> -> memref<80x128xf32, #tpu.memory_space<vmem>>
      %dma_wait3A_464 = arith.constant 0 : i32
      %dma_wait3A_465 = tpu.memref_slice %arg8[%rem3A_212, %dma_wait3A_459, %dma_wait3A_464] : memref<2x5x80xi32, #tpu.memory_space<vmem>> -> memref<1x1x80xi32, #tpu.memory_space<vmem>>
      %dma_wait3A_466 = tpu.memref_squeeze %dma_wait3A_465 : memref<1x1x80xi32, #tpu.memory_space<vmem>> -> memref<80xi32, #tpu.memory_space<vmem>>
      %dma_wait3A_467 = arith.constant 0 : i32
      %dma_wait3A_468 = arith.constant 0 : i32
      %dma_wait3A_469 = tpu.memref_slice %arg6[%dma_wait3A_467, %dma_wait3A_468] : memref<10240x128xf32, #tpu.memory_space<vmem_shared>> -> memref<10240x128xf32, #tpu.memory_space<vmem_shared>>
      %dma_wait3A_470 = tpu.memref_slice %arg12[%rem3A_458] : memref<3x!tpu.dma_semaphore, #tpu.memory_space<semaphore_mem>> -> memref<1x!tpu.dma_semaphore, #tpu.memory_space<semaphore_mem>>
      %dma_wait3A_471 = tpu.memref_squeeze %dma_wait3A_470 : memref<1x!tpu.dma_semaphore, #tpu.memory_space<semaphore_mem>> -> memref<!tpu.dma_semaphore, #tpu.memory_space<semaphore_mem>>
      tpu.wait_indirect_dma semaphore(%dma_wait3A_471 : memref<!tpu.dma_semaphore, #tpu.memory_space<semaphore_mem>>) src(%dma_wait3A_463 : memref<80x128xf32, #tpu.memory_space<vmem>>) dst(%dma_wait3A_469 : memref<10240x128xf32, #tpu.memory_space<vmem_shared>>)
      %lt3A_472 = arith.constant 24 : i32
      %lt3A_473 = arith.cmpi slt, %scan3A_210, %lt3A_472 : i32
      %convert_element_type3A_474 = arith.extui %lt3A_473 : i1 to i32
      %cond3A_475 = arith.constant 0 : i32
      %cond3A_476 = arith.cmpi ne, %convert_element_type3A_474, %cond3A_475 : i32
      scf.if %cond3A_476 {
        %add3A_507 = arith.constant 2 : i32
        %add3A_508 = arith.addi %add3A_454, %add3A_507 : i32
        %sub3A_509 = arith.constant 1 : i32
        %sub3A_510 = arith.subi %sub3A_509, %rem3A_212 : i32
        %rem3A_511 = arith.constant 3 : i32
        %rem3A_512 = arith.remsi %add3A_508, %rem3A_511 : i32
        %dma_start3A_513 = arith.constant 1 : i32
        %dma_start3A_514 = arith.constant 0 : i32
        %dma_start3A_515 = arith.constant 0 : i32
        %dma_start3A_516 = tpu.memref_slice %arg9[%rem3A_512, %dma_start3A_514, %dma_start3A_515] : memref<3x80x128xf32, #tpu.memory_space<vmem>> -> memref<1x80x128xf32, #tpu.memory_space<vmem>>
        %dma_start3A_517 = tpu.memref_squeeze %dma_start3A_516 : memref<1x80x128xf32, #tpu.memory_space<vmem>> -> memref<80x128xf32, #tpu.memory_space<vmem>>
        %dma_start3A_518 = arith.constant 0 : i32
        %dma_start3A_519 = tpu.memref_slice %arg7[%sub3A_510, %dma_start3A_513, %dma_start3A_518] : memref<2x5x80xi32, #tpu.memory_space<vmem>> -> memref<1x1x80xi32, #tpu.memory_space<vmem>>
        %dma_start3A_520 = tpu.memref_squeeze %dma_start3A_519 : memref<1x1x80xi32, #tpu.memory_space<vmem>> -> memref<80xi32, #tpu.memory_space<vmem>>
        %dma_start3A_521 = arith.constant 0 : i32
        %dma_start3A_522 = arith.constant 0 : i32
        %dma_start3A_523 = tpu.memref_slice %arg2[%dma_start3A_521, %dma_start3A_522] : memref<10000x128xf32, #tpu.memory_space<hbm>> -> memref<10000x128xf32, #tpu.memory_space<hbm>>
        %dma_start3A_524 = tpu.memref_slice %arg11[%rem3A_512] : memref<3x!tpu.dma_semaphore, #tpu.memory_space<semaphore_mem>> -> memref<1x!tpu.dma_semaphore, #tpu.memory_space<semaphore_mem>>
        %dma_start3A_525 = tpu.memref_squeeze %dma_start3A_524 : memref<1x!tpu.dma_semaphore, #tpu.memory_space<semaphore_mem>> -> memref<!tpu.dma_semaphore, #tpu.memory_space<semaphore_mem>>
        tpu.enqueue_indirect_dma source(%dma_start3A_523 : memref<10000x128xf32, #tpu.memory_space<hbm>>) target(%dma_start3A_517 : memref<80x128xf32, #tpu.memory_space<vmem>>) offsets(%dma_start3A_520 : memref<80xi32, #tpu.memory_space<vmem>>) semaphore(%dma_start3A_525 : memref<!tpu.dma_semaphore, #tpu.memory_space<semaphore_mem>>)
      } else {
      }
      %rem3A_477 = arith.constant 3 : i32
      %rem3A_478 = arith.remsi %add3A_454, %rem3A_477 : i32
      %dma_wait3A_479 = arith.constant 4 : i32
      %dma_wait3A_480 = arith.constant 0 : i32
      %dma_wait3A_481 = arith.constant 0 : i32
      %dma_wait3A_482 = tpu.memref_slice %arg9[%rem3A_478, %dma_wait3A_480, %dma_wait3A_481] : memref<3x80x128xf32, #tpu.memory_space<vmem>> -> memref<1x80x128xf32, #tpu.memory_space<vmem>>
      %dma_wait3A_483 = tpu.memref_squeeze %dma_wait3A_482 : memref<1x80x128xf32, #tpu.memory_space<vmem>> -> memref<80x128xf32, #tpu.memory_space<vmem>>
      %dma_wait3A_484 = arith.constant 0 : i32
      %dma_wait3A_485 = tpu.memref_slice %arg7[%rem3A_212, %dma_wait3A_479, %dma_wait3A_484] : memref<2x5x80xi32, #tpu.memory_space<vmem>> -> memref<1x1x80xi32, #tpu.memory_space<vmem>>
      %dma_wait3A_486 = tpu.memref_squeeze %dma_wait3A_485 : memref<1x1x80xi32, #tpu.memory_space<vmem>> -> memref<80xi32, #tpu.memory_space<vmem>>
      %dma_wait3A_487 = arith.constant 0 : i32
      %dma_wait3A_488 = arith.constant 0 : i32
      %dma_wait3A_489 = tpu.memref_slice %arg2[%dma_wait3A_487, %dma_wait3A_488] : memref<10000x128xf32, #tpu.memory_space<hbm>> -> memref<10000x128xf32, #tpu.memory_space<hbm>>
      %dma_wait3A_490 = tpu.memref_slice %arg11[%rem3A_478] : memref<3x!tpu.dma_semaphore, #tpu.memory_space<semaphore_mem>> -> memref<1x!tpu.dma_semaphore, #tpu.memory_space<semaphore_mem>>
      %dma_wait3A_491 = tpu.memref_squeeze %dma_wait3A_490 : memref<1x!tpu.dma_semaphore, #tpu.memory_space<semaphore_mem>> -> memref<!tpu.dma_semaphore, #tpu.memory_space<semaphore_mem>>
      tpu.wait_indirect_dma semaphore(%dma_wait3A_491 : memref<!tpu.dma_semaphore, #tpu.memory_space<semaphore_mem>>) src(%dma_wait3A_489 : memref<10000x128xf32, #tpu.memory_space<hbm>>) dst(%dma_wait3A_483 : memref<80x128xf32, #tpu.memory_space<vmem>>)
      %rem3A_492 = arith.constant 3 : i32
      %rem3A_493 = arith.remsi %add3A_454, %rem3A_492 : i32
      %dma_start3A_494 = arith.constant 4 : i32
      %dma_start3A_495 = arith.constant 0 : i32
      %dma_start3A_496 = arith.constant 0 : i32
      %dma_start3A_497 = tpu.memref_slice %arg9[%rem3A_493, %dma_start3A_495, %dma_start3A_496] : memref<3x80x128xf32, #tpu.memory_space<vmem>> -> memref<1x80x128xf32, #tpu.memory_space<vmem>>
      %dma_start3A_498 = tpu.memref_squeeze %dma_start3A_497 : memref<1x80x128xf32, #tpu.memory_space<vmem>> -> memref<80x128xf32, #tpu.memory_space<vmem>>
      %dma_start3A_499 = arith.constant 0 : i32
      %dma_start3A_500 = tpu.memref_slice %arg8[%rem3A_212, %dma_start3A_494, %dma_start3A_499] : memref<2x5x80xi32, #tpu.memory_space<vmem>> -> memref<1x1x80xi32, #tpu.memory_space<vmem>>
      %dma_start3A_501 = tpu.memref_squeeze %dma_start3A_500 : memref<1x1x80xi32, #tpu.memory_space<vmem>> -> memref<80xi32, #tpu.memory_space<vmem>>
      %dma_start3A_502 = arith.constant 0 : i32
      %dma_start3A_503 = arith.constant 0 : i32
      %dma_start3A_504 = tpu.memref_slice %arg6[%dma_start3A_502, %dma_start3A_503] : memref<10240x128xf32, #tpu.memory_space<vmem_shared>> -> memref<10240x128xf32, #tpu.memory_space<vmem_shared>>
      %dma_start3A_505 = tpu.memref_slice %arg12[%rem3A_493] : memref<3x!tpu.dma_semaphore, #tpu.memory_space<semaphore_mem>> -> memref<1x!tpu.dma_semaphore, #tpu.memory_space<semaphore_mem>>
      %dma_start3A_506 = tpu.memref_squeeze %dma_start3A_505 : memref<1x!tpu.dma_semaphore, #tpu.memory_space<semaphore_mem>> -> memref<!tpu.dma_semaphore, #tpu.memory_space<semaphore_mem>>
      tpu.enqueue_indirect_dma source(%dma_start3A_498 : memref<80x128xf32, #tpu.memory_space<vmem>>) target(%dma_start3A_504 : memref<10240x128xf32, #tpu.memory_space<vmem_shared>>) offsets(%dma_start3A_501 : memref<80xi32, #tpu.memory_space<vmem>>) semaphore(%dma_start3A_506 : memref<!tpu.dma_semaphore, #tpu.memory_space<semaphore_mem>>) {add = true}
    }
    %scan3A_187 = arith.constant 25 : i32
    %rem3A_188 = arith.constant 124 : i32
    %rem3A_189 = arith.constant 3 : i32
    %rem3A_190 = arith.remsi %rem3A_188, %rem3A_189 : i32
    %dma_wait3A_191 = arith.constant 0 : i32
    %dma_wait3A_192 = arith.constant 4 : i32
    %dma_wait3A_193 = arith.constant 0 : i32
    %dma_wait3A_194 = arith.constant 0 : i32
    %dma_wait3A_195 = tpu.memref_slice %arg9[%rem3A_190, %dma_wait3A_193, %dma_wait3A_194] : memref<3x80x128xf32, #tpu.memory_space<vmem>> -> memref<1x80x128xf32, #tpu.memory_space<vmem>>
    %dma_wait3A_196 = tpu.memref_squeeze %dma_wait3A_195 : memref<1x80x128xf32, #tpu.memory_space<vmem>> -> memref<80x128xf32, #tpu.memory_space<vmem>>
    %dma_wait3A_197 = arith.constant 0 : i32
    %dma_wait3A_198 = tpu.memref_slice %arg8[%dma_wait3A_191, %dma_wait3A_192, %dma_wait3A_197] : memref<2x5x80xi32, #tpu.memory_space<vmem>> -> memref<1x1x80xi32, #tpu.memory_space<vmem>>
    %dma_wait3A_199 = tpu.memref_squeeze %dma_wait3A_198 : memref<1x1x80xi32, #tpu.memory_space<vmem>> -> memref<80xi32, #tpu.memory_space<vmem>>
    %dma_wait3A_200 = arith.constant 0 : i32
    %dma_wait3A_201 = arith.constant 0 : i32
    %dma_wait3A_202 = tpu.memref_slice %arg6[%dma_wait3A_200, %dma_wait3A_201] : memref<10240x128xf32, #tpu.memory_space<vmem_shared>> -> memref<10240x128xf32, #tpu.memory_space<vmem_shared>>
    %dma_wait3A_203 = tpu.memref_slice %arg12[%rem3A_190] : memref<3x!tpu.dma_semaphore, #tpu.memory_space<semaphore_mem>> -> memref<1x!tpu.dma_semaphore, #tpu.memory_space<semaphore_mem>>
    %dma_wait3A_204 = tpu.memref_squeeze %dma_wait3A_203 : memref<1x!tpu.dma_semaphore, #tpu.memory_space<semaphore_mem>> -> memref<!tpu.dma_semaphore, #tpu.memory_space<semaphore_mem>>
    tpu.wait_indirect_dma semaphore(%dma_wait3A_204 : memref<!tpu.dma_semaphore, #tpu.memory_space<semaphore_mem>>) src(%dma_wait3A_196 : memref<80x128xf32, #tpu.memory_space<vmem>>) dst(%dma_wait3A_202 : memref<10240x128xf32, #tpu.memory_space<vmem_shared>>)
    %barrier3A_205 = arith.constant 0 : index
    tpu.barrier barrier_id(%barrier3A_205)
    %mul3A_206 = arith.constant 640 : i32
    %mul3A_207 = arith.muli %arg1, %mul3A_206 : i32
    %mul3A_208 = arith.constant 640 : i32
    %mul3A_209 = arith.muli %arg1, %mul3A_208 : i32
    "tpu.region"() ({
      %run_scoped3A = tpu.sem_alloc : memref<!tpu.dma_semaphore, #tpu.memory_space<semaphore_mem>>
      %dma_start3A_210 = arith.constant 0 : i32
      %dma_start3A_211 = tpu.memref_slice %arg5[%arg0, %mul3A_209, %dma_start3A_210] : memref<2x10240x128xf32, #tpu.memory_space<hbm>> -> memref<1x640x128xf32, #tpu.memory_space<hbm>>
      %dma_start3A_212 = tpu.memref_squeeze %dma_start3A_211 : memref<1x640x128xf32, #tpu.memory_space<hbm>> -> memref<640x128xf32, #tpu.memory_space<hbm>>
      %dma_start3A_213 = arith.constant 0 : i32
      %dma_start3A_214 = tpu.memref_slice %arg6[%mul3A_207, %dma_start3A_213] : memref<10240x128xf32, #tpu.memory_space<vmem_shared>> -> memref<640x128xf32, #tpu.memory_space<vmem_shared>>
      tpu.enqueue_dma source(%dma_start3A_214 : memref<640x128xf32, #tpu.memory_space<vmem_shared>>) target(%dma_start3A_212 : memref<640x128xf32, #tpu.memory_space<hbm>>) target_semaphore(%run_scoped3A : memref<!tpu.dma_semaphore, #tpu.memory_space<semaphore_mem>>)
      %dma_wait3A_215 = arith.constant 0 : i32
      %dma_wait3A_216 = tpu.memref_slice %arg5[%arg0, %mul3A_209, %dma_wait3A_215] : memref<2x10240x128xf32, #tpu.memory_space<hbm>> -> memref<1x640x128xf32, #tpu.memory_space<hbm>>
      %dma_wait3A_217 = tpu.memref_squeeze %dma_wait3A_216 : memref<1x640x128xf32, #tpu.memory_space<hbm>> -> memref<640x128xf32, #tpu.memory_space<hbm>>
      %dma_wait3A_218 = arith.constant 0 : i32
      %dma_wait3A_219 = tpu.memref_slice %arg6[%mul3A_207, %dma_wait3A_218] : memref<10240x128xf32, #tpu.memory_space<vmem_shared>> -> memref<640x128xf32, #tpu.memory_space<vmem_shared>>
      tpu.wait_dma2 semaphore(%run_scoped3A : memref<!tpu.dma_semaphore, #tpu.memory_space<semaphore_mem>>) src(%dma_wait3A_219 : memref<640x128xf32, #tpu.memory_space<vmem_shared>>) dst(%dma_wait3A_217 : memref<640x128xf32, #tpu.memory_space<hbm>>)
      tpu.yield
    }) : () -> ()
    return
  }
}

#map = affine_map<(d0, d1) -> (0, 0)>
#map1 = affine_map<(d0, d1) -> (0, 0, 0, 0, 0)>
#map2 = affine_map<(d0, d1) -> (0, 0, 0)>
module attributes {stable_mosaic.version = 14 : i64} {
  func.func @_agg_body(%arg0: i32, %arg1: i32, %arg2: memref<10000x128xf32, #tpu.memory_space<hbm>>, %arg3: memref<2x32x25x5x80xi32, #tpu.memory_space<hbm>>, %arg4: memref<640x128xf32, #tpu.memory_space<hbm>>, %arg5: memref<2x10240x128xf32, #tpu.memory_space<hbm>>, %arg6: memref<10240x128xf32, #tpu.memory_space<vmem_shared>>, %arg7: memref<2x5x80xi32, #tpu.memory_space<vmem>>, %arg8: memref<2x5x80xi32, #tpu.memory_space<vmem>>, %arg9: memref<3x80x128xf32, #tpu.memory_space<vmem>>, %arg10: memref<2x!tpu.dma_semaphore, #tpu.memory_space<semaphore_mem>>, %arg11: memref<3x!tpu.dma_semaphore, #tpu.memory_space<semaphore_mem>>, %arg12: memref<3x!tpu.dma_semaphore, #tpu.memory_space<semaphore_mem>>) attributes {dimension_semantics = [#tpu.dimension_semantics<core_parallel>, #tpu.dimension_semantics<subcore_parallel>], iteration_bounds = array<i64: 2, 16>, scalar_prefetch = 0 : i64, scratch_operands = 7 : i64, tpu.core_type = #tpu.core_type<sc_vector_subcore>, window_params = [{transform_indices = #map}, {transform_indices = #map1}, {transform_indices = #map}, {transform_indices = #map2}]} {
    %mul3A = arith.constant 2 : i32
    %mul3A_0 = arith.muli %arg1, %mul3A : i32
    %add3A = arith.addi %mul3A_0, %arg0 : i32
    %mul3A_1 = arith.constant 640 : i32
    %mul3A_2 = arith.muli %arg1, %mul3A_1 : i32
    "tpu.region"() ({
      %run_scoped3A = tpu.sem_alloc : memref<!tpu.dma_semaphore, #tpu.memory_space<semaphore_mem>>
      %dma_start3A_210 = arith.constant 0 : i32
      %dma_start3A_211 = tpu.memref_slice %arg6[%mul3A_2, %dma_start3A_210] : memref<10240x128xf32, #tpu.memory_space<vmem_shared>> -> memref<640x128xf32, #tpu.memory_space<vmem_shared>>
      tpu.enqueue_dma source(%arg4 : memref<640x128xf32, #tpu.memory_space<hbm>>) target(%dma_start3A_211 : memref<640x128xf32, #tpu.memory_space<vmem_shared>>) target_semaphore(%run_scoped3A : memref<!tpu.dma_semaphore, #tpu.memory_space<semaphore_mem>>)
      %dma_wait3A_212 = arith.constant 0 : i32
      %dma_wait3A_213 = tpu.memref_slice %arg6[%mul3A_2, %dma_wait3A_212] : memref<10240x128xf32, #tpu.memory_space<vmem_shared>> -> memref<640x128xf32, #tpu.memory_space<vmem_shared>>
      tpu.wait_dma2 semaphore(%run_scoped3A : memref<!tpu.dma_semaphore, #tpu.memory_space<semaphore_mem>>) src(%arg4 : memref<640x128xf32, #tpu.memory_space<hbm>>) dst(%dma_wait3A_213 : memref<640x128xf32, #tpu.memory_space<vmem_shared>>)
      tpu.yield
    }) : () -> ()
    %dma_start3A = arith.constant 0 : i32
    %dma_start3A_3 = arith.constant 0 : i32
    %dma_start3A_4 = arith.constant 0 : i32
    %dma_start3A_5 = arith.constant 0 : i32
    %dma_start3A_6 = arith.constant 0 : i32
    %dma_start3A_7 = arith.constant 0 : i32
    %dma_start3A_8 = tpu.memref_slice %arg7[%dma_start3A_4, %dma_start3A_6, %dma_start3A_7] : memref<2x5x80xi32, #tpu.memory_space<vmem>> -> memref<1x5x80xi32, #tpu.memory_space<vmem>>
    %dma_start3A_9 = tpu.memref_squeeze %dma_start3A_8 : memref<1x5x80xi32, #tpu.memory_space<vmem>> -> memref<5x80xi32, #tpu.memory_space<vmem>>
    %dma_start3A_10 = arith.constant 0 : i32
    %dma_start3A_11 = arith.constant 0 : i32
    %dma_start3A_12 = tpu.memref_slice %arg3[%dma_start3A, %add3A, %dma_start3A_3, %dma_start3A_10, %dma_start3A_11] : memref<2x32x25x5x80xi32, #tpu.memory_space<hbm>> -> memref<1x1x1x5x80xi32, #tpu.memory_space<hbm>>
    %dma_start3A_13 = tpu.memref_squeeze %dma_start3A_12 : memref<1x1x1x5x80xi32, #tpu.memory_space<hbm>> -> memref<5x80xi32, #tpu.memory_space<hbm>>
    %dma_start3A_14 = tpu.memref_slice %arg10[%dma_start3A_5] : memref<2x!tpu.dma_semaphore, #tpu.memory_space<semaphore_mem>> -> memref<1x!tpu.dma_semaphore, #tpu.memory_space<semaphore_mem>>
    %dma_start3A_15 = tpu.memref_squeeze %dma_start3A_14 : memref<1x!tpu.dma_semaphore, #tpu.memory_space<semaphore_mem>> -> memref<!tpu.dma_semaphore, #tpu.memory_space<semaphore_mem>>
    %dma_start3A_16 = arith.constant 0 : i32
    %dma_start3A_17 = arith.constant 0 : i32
    %dma_start3A_18 = tpu.memref_slice %arg7[%dma_start3A_4, %dma_start3A_16, %dma_start3A_17] : memref<2x5x80xi32, #tpu.memory_space<vmem>> -> memref<1x5x80xi32, #tpu.memory_space<vmem>>
    %dma_start3A_19 = tpu.memref_squeeze %dma_start3A_18 : memref<1x5x80xi32, #tpu.memory_space<vmem>> -> memref<5x80xi32, #tpu.memory_space<vmem>>
    %dma_start3A_20 = arith.constant 0 : i32
    %dma_start3A_21 = arith.constant 0 : i32
    %dma_start3A_22 = tpu.memref_slice %arg3[%dma_start3A, %add3A, %dma_start3A_3, %dma_start3A_20, %dma_start3A_21] : memref<2x32x25x5x80xi32, #tpu.memory_space<hbm>> -> memref<1x1x1x5x80xi32, #tpu.memory_space<hbm>>
    %dma_start3A_23 = tpu.memref_squeeze %dma_start3A_22 : memref<1x1x1x5x80xi32, #tpu.memory_space<hbm>> -> memref<5x80xi32, #tpu.memory_space<hbm>>
    tpu.enqueue_dma source(%dma_start3A_23 : memref<5x80xi32, #tpu.memory_space<hbm>>) target(%dma_start3A_19 : memref<5x80xi32, #tpu.memory_space<vmem>>) target_semaphore(%dma_start3A_15 : memref<!tpu.dma_semaphore, #tpu.memory_space<semaphore_mem>>)
    %dma_start3A_24 = arith.constant 1 : i32
    %dma_start3A_25 = arith.constant 0 : i32
    %dma_start3A_26 = arith.constant 0 : i32
    %dma_start3A_27 = arith.constant 0 : i32
    %dma_start3A_28 = arith.constant 0 : i32
    %dma_start3A_29 = arith.constant 0 : i32
    %dma_start3A_30 = tpu.memref_slice %arg8[%dma_start3A_26, %dma_start3A_28, %dma_start3A_29] : memref<2x5x80xi32, #tpu.memory_space<vmem>> -> memref<1x5x80xi32, #tpu.memory_space<vmem>>
    %dma_start3A_31 = tpu.memref_squeeze %dma_start3A_30 : memref<1x5x80xi32, #tpu.memory_space<vmem>> -> memref<5x80xi32, #tpu.memory_space<vmem>>
    %dma_start3A_32 = arith.constant 0 : i32
    %dma_start3A_33 = arith.constant 0 : i32
    %dma_start3A_34 = tpu.memref_slice %arg3[%dma_start3A_24, %add3A, %dma_start3A_25, %dma_start3A_32, %dma_start3A_33] : memref<2x32x25x5x80xi32, #tpu.memory_space<hbm>> -> memref<1x1x1x5x80xi32, #tpu.memory_space<hbm>>
    %dma_start3A_35 = tpu.memref_squeeze %dma_start3A_34 : memref<1x1x1x5x80xi32, #tpu.memory_space<hbm>> -> memref<5x80xi32, #tpu.memory_space<hbm>>
    %dma_start3A_36 = tpu.memref_slice %arg10[%dma_start3A_27] : memref<2x!tpu.dma_semaphore, #tpu.memory_space<semaphore_mem>> -> memref<1x!tpu.dma_semaphore, #tpu.memory_space<semaphore_mem>>
    %dma_start3A_37 = tpu.memref_squeeze %dma_start3A_36 : memref<1x!tpu.dma_semaphore, #tpu.memory_space<semaphore_mem>> -> memref<!tpu.dma_semaphore, #tpu.memory_space<semaphore_mem>>
    %dma_start3A_38 = arith.constant 0 : i32
    %dma_start3A_39 = arith.constant 0 : i32
    %dma_start3A_40 = tpu.memref_slice %arg8[%dma_start3A_26, %dma_start3A_38, %dma_start3A_39] : memref<2x5x80xi32, #tpu.memory_space<vmem>> -> memref<1x5x80xi32, #tpu.memory_space<vmem>>
    %dma_start3A_41 = tpu.memref_squeeze %dma_start3A_40 : memref<1x5x80xi32, #tpu.memory_space<vmem>> -> memref<5x80xi32, #tpu.memory_space<vmem>>
    %dma_start3A_42 = arith.constant 0 : i32
    %dma_start3A_43 = arith.constant 0 : i32
    %dma_start3A_44 = tpu.memref_slice %arg3[%dma_start3A_24, %add3A, %dma_start3A_25, %dma_start3A_42, %dma_start3A_43] : memref<2x32x25x5x80xi32, #tpu.memory_space<hbm>> -> memref<1x1x1x5x80xi32, #tpu.memory_space<hbm>>
    %dma_start3A_45 = tpu.memref_squeeze %dma_start3A_44 : memref<1x1x1x5x80xi32, #tpu.memory_space<hbm>> -> memref<5x80xi32, #tpu.memory_space<hbm>>
    tpu.enqueue_dma source(%dma_start3A_45 : memref<5x80xi32, #tpu.memory_space<hbm>>) target(%dma_start3A_41 : memref<5x80xi32, #tpu.memory_space<vmem>>) target_semaphore(%dma_start3A_37 : memref<!tpu.dma_semaphore, #tpu.memory_space<semaphore_mem>>)
    %dma_start3A_46 = arith.constant 0 : i32
    %dma_start3A_47 = arith.constant 1 : i32
    %dma_start3A_48 = arith.constant 1 : i32
    %dma_start3A_49 = arith.constant 1 : i32
    %dma_start3A_50 = arith.constant 0 : i32
    %dma_start3A_51 = arith.constant 0 : i32
    %dma_start3A_52 = tpu.memref_slice %arg7[%dma_start3A_48, %dma_start3A_50, %dma_start3A_51] : memref<2x5x80xi32, #tpu.memory_space<vmem>> -> memref<1x5x80xi32, #tpu.memory_space<vmem>>
    %dma_start3A_53 = tpu.memref_squeeze %dma_start3A_52 : memref<1x5x80xi32, #tpu.memory_space<vmem>> -> memref<5x80xi32, #tpu.memory_space<vmem>>
    %dma_start3A_54 = arith.constant 0 : i32
    %dma_start3A_55 = arith.constant 0 : i32
    %dma_start3A_56 = tpu.memref_slice %arg3[%dma_start3A_46, %add3A, %dma_start3A_47, %dma_start3A_54, %dma_start3A_55] : memref<2x32x25x5x80xi32, #tpu.memory_space<hbm>> -> memref<1x1x1x5x80xi32, #tpu.memory_space<hbm>>
    %dma_start3A_57 = tpu.memref_squeeze %dma_start3A_56 : memref<1x1x1x5x80xi32, #tpu.memory_space<hbm>> -> memref<5x80xi32, #tpu.memory_space<hbm>>
    %dma_start3A_58 = tpu.memref_slice %arg10[%dma_start3A_49] : memref<2x!tpu.dma_semaphore, #tpu.memory_space<semaphore_mem>> -> memref<1x!tpu.dma_semaphore, #tpu.memory_space<semaphore_mem>>
    %dma_start3A_59 = tpu.memref_squeeze %dma_start3A_58 : memref<1x!tpu.dma_semaphore, #tpu.memory_space<semaphore_mem>> -> memref<!tpu.dma_semaphore, #tpu.memory_space<semaphore_mem>>
    %dma_start3A_60 = arith.constant 0 : i32
    %dma_start3A_61 = arith.constant 0 : i32
    %dma_start3A_62 = tpu.memref_slice %arg7[%dma_start3A_48, %dma_start3A_60, %dma_start3A_61] : memref<2x5x80xi32, #tpu.memory_space<vmem>> -> memref<1x5x80xi32, #tpu.memory_space<vmem>>
    %dma_start3A_63 = tpu.memref_squeeze %dma_start3A_62 : memref<1x5x80xi32, #tpu.memory_space<vmem>> -> memref<5x80xi32, #tpu.memory_space<vmem>>
    %dma_start3A_64 = arith.constant 0 : i32
    %dma_start3A_65 = arith.constant 0 : i32
    %dma_start3A_66 = tpu.memref_slice %arg3[%dma_start3A_46, %add3A, %dma_start3A_47, %dma_start3A_64, %dma_start3A_65] : memref<2x32x25x5x80xi32, #tpu.memory_space<hbm>> -> memref<1x1x1x5x80xi32, #tpu.memory_space<hbm>>
    %dma_start3A_67 = tpu.memref_squeeze %dma_start3A_66 : memref<1x1x1x5x80xi32, #tpu.memory_space<hbm>> -> memref<5x80xi32, #tpu.memory_space<hbm>>
    tpu.enqueue_dma source(%dma_start3A_67 : memref<5x80xi32, #tpu.memory_space<hbm>>) target(%dma_start3A_63 : memref<5x80xi32, #tpu.memory_space<vmem>>) target_semaphore(%dma_start3A_59 : memref<!tpu.dma_semaphore, #tpu.memory_space<semaphore_mem>>)
    %dma_start3A_68 = arith.constant 1 : i32
    %dma_start3A_69 = arith.constant 1 : i32
    %dma_start3A_70 = arith.constant 1 : i32
    %dma_start3A_71 = arith.constant 1 : i32
    %dma_start3A_72 = arith.constant 0 : i32
    %dma_start3A_73 = arith.constant 0 : i32
    %dma_start3A_74 = tpu.memref_slice %arg8[%dma_start3A_70, %dma_start3A_72, %dma_start3A_73] : memref<2x5x80xi32, #tpu.memory_space<vmem>> -> memref<1x5x80xi32, #tpu.memory_space<vmem>>
    %dma_start3A_75 = tpu.memref_squeeze %dma_start3A_74 : memref<1x5x80xi32, #tpu.memory_space<vmem>> -> memref<5x80xi32, #tpu.memory_space<vmem>>
    %dma_start3A_76 = arith.constant 0 : i32
    %dma_start3A_77 = arith.constant 0 : i32
    %dma_start3A_78 = tpu.memref_slice %arg3[%dma_start3A_68, %add3A, %dma_start3A_69, %dma_start3A_76, %dma_start3A_77] : memref<2x32x25x5x80xi32, #tpu.memory_space<hbm>> -> memref<1x1x1x5x80xi32, #tpu.memory_space<hbm>>
    %dma_start3A_79 = tpu.memref_squeeze %dma_start3A_78 : memref<1x1x1x5x80xi32, #tpu.memory_space<hbm>> -> memref<5x80xi32, #tpu.memory_space<hbm>>
    %dma_start3A_80 = tpu.memref_slice %arg10[%dma_start3A_71] : memref<2x!tpu.dma_semaphore, #tpu.memory_space<semaphore_mem>> -> memref<1x!tpu.dma_semaphore, #tpu.memory_space<semaphore_mem>>
    %dma_start3A_81 = tpu.memref_squeeze %dma_start3A_80 : memref<1x!tpu.dma_semaphore, #tpu.memory_space<semaphore_mem>> -> memref<!tpu.dma_semaphore, #tpu.memory_space<semaphore_mem>>
    %dma_start3A_82 = arith.constant 0 : i32
    %dma_start3A_83 = arith.constant 0 : i32
    %dma_start3A_84 = tpu.memref_slice %arg8[%dma_start3A_70, %dma_start3A_82, %dma_start3A_83] : memref<2x5x80xi32, #tpu.memory_space<vmem>> -> memref<1x5x80xi32, #tpu.memory_space<vmem>>
    %dma_start3A_85 = tpu.memref_squeeze %dma_start3A_84 : memref<1x5x80xi32, #tpu.memory_space<vmem>> -> memref<5x80xi32, #tpu.memory_space<vmem>>
    %dma_start3A_86 = arith.constant 0 : i32
    %dma_start3A_87 = arith.constant 0 : i32
    %dma_start3A_88 = tpu.memref_slice %arg3[%dma_start3A_68, %add3A, %dma_start3A_69, %dma_start3A_86, %dma_start3A_87] : memref<2x32x25x5x80xi32, #tpu.memory_space<hbm>> -> memref<1x1x1x5x80xi32, #tpu.memory_space<hbm>>
    %dma_start3A_89 = tpu.memref_squeeze %dma_start3A_88 : memref<1x1x1x5x80xi32, #tpu.memory_space<hbm>> -> memref<5x80xi32, #tpu.memory_space<hbm>>
    tpu.enqueue_dma source(%dma_start3A_89 : memref<5x80xi32, #tpu.memory_space<hbm>>) target(%dma_start3A_85 : memref<5x80xi32, #tpu.memory_space<vmem>>) target_semaphore(%dma_start3A_81 : memref<!tpu.dma_semaphore, #tpu.memory_space<semaphore_mem>>)
    %dma_wait3A = arith.constant 0 : i32
    %dma_wait3A_90 = arith.constant 0 : i32
    %dma_wait3A_91 = arith.constant 0 : i32
    %dma_wait3A_92 = arith.constant 0 : i32
    %dma_wait3A_93 = arith.constant 0 : i32
    %dma_wait3A_94 = arith.constant 0 : i32
    %dma_wait3A_95 = tpu.memref_slice %arg7[%dma_wait3A_91, %dma_wait3A_93, %dma_wait3A_94] : memref<2x5x80xi32, #tpu.memory_space<vmem>> -> memref<1x5x80xi32, #tpu.memory_space<vmem>>
    %dma_wait3A_96 = tpu.memref_squeeze %dma_wait3A_95 : memref<1x5x80xi32, #tpu.memory_space<vmem>> -> memref<5x80xi32, #tpu.memory_space<vmem>>
    %dma_wait3A_97 = arith.constant 0 : i32
    %dma_wait3A_98 = arith.constant 0 : i32
    %dma_wait3A_99 = tpu.memref_slice %arg3[%dma_wait3A, %add3A, %dma_wait3A_90, %dma_wait3A_97, %dma_wait3A_98] : memref<2x32x25x5x80xi32, #tpu.memory_space<hbm>> -> memref<1x1x1x5x80xi32, #tpu.memory_space<hbm>>
    %dma_wait3A_100 = tpu.memref_squeeze %dma_wait3A_99 : memref<1x1x1x5x80xi32, #tpu.memory_space<hbm>> -> memref<5x80xi32, #tpu.memory_space<hbm>>
    %dma_wait3A_101 = tpu.memref_slice %arg10[%dma_wait3A_92] : memref<2x!tpu.dma_semaphore, #tpu.memory_space<semaphore_mem>> -> memref<1x!tpu.dma_semaphore, #tpu.memory_space<semaphore_mem>>
    %dma_wait3A_102 = tpu.memref_squeeze %dma_wait3A_101 : memref<1x!tpu.dma_semaphore, #tpu.memory_space<semaphore_mem>> -> memref<!tpu.dma_semaphore, #tpu.memory_space<semaphore_mem>>
    %dma_wait3A_103 = arith.constant 0 : i32
    %dma_wait3A_104 = arith.constant 0 : i32
    %dma_wait3A_105 = tpu.memref_slice %arg7[%dma_wait3A_91, %dma_wait3A_103, %dma_wait3A_104] : memref<2x5x80xi32, #tpu.memory_space<vmem>> -> memref<1x5x80xi32, #tpu.memory_space<vmem>>
    %dma_wait3A_106 = tpu.memref_squeeze %dma_wait3A_105 : memref<1x5x80xi32, #tpu.memory_space<vmem>> -> memref<5x80xi32, #tpu.memory_space<vmem>>
    %dma_wait3A_107 = arith.constant 0 : i32
    %dma_wait3A_108 = arith.constant 0 : i32
    %dma_wait3A_109 = tpu.memref_slice %arg3[%dma_wait3A, %add3A, %dma_wait3A_90, %dma_wait3A_107, %dma_wait3A_108] : memref<2x32x25x5x80xi32, #tpu.memory_space<hbm>> -> memref<1x1x1x5x80xi32, #tpu.memory_space<hbm>>
    %dma_wait3A_110 = tpu.memref_squeeze %dma_wait3A_109 : memref<1x1x1x5x80xi32, #tpu.memory_space<hbm>> -> memref<5x80xi32, #tpu.memory_space<hbm>>
    tpu.wait_dma2 semaphore(%dma_wait3A_102 : memref<!tpu.dma_semaphore, #tpu.memory_space<semaphore_mem>>) src(%dma_wait3A_110 : memref<5x80xi32, #tpu.memory_space<hbm>>) dst(%dma_wait3A_106 : memref<5x80xi32, #tpu.memory_space<vmem>>)
    %dma_wait3A_111 = arith.constant 1 : i32
    %dma_wait3A_112 = arith.constant 0 : i32
    %dma_wait3A_113 = arith.constant 0 : i32
    %dma_wait3A_114 = arith.constant 0 : i32
    %dma_wait3A_115 = arith.constant 0 : i32
    %dma_wait3A_116 = arith.constant 0 : i32
    %dma_wait3A_117 = tpu.memref_slice %arg8[%dma_wait3A_113, %dma_wait3A_115, %dma_wait3A_116] : memref<2x5x80xi32, #tpu.memory_space<vmem>> -> memref<1x5x80xi32, #tpu.memory_space<vmem>>
    %dma_wait3A_118 = tpu.memref_squeeze %dma_wait3A_117 : memref<1x5x80xi32, #tpu.memory_space<vmem>> -> memref<5x80xi32, #tpu.memory_space<vmem>>
    %dma_wait3A_119 = arith.constant 0 : i32
    %dma_wait3A_120 = arith.constant 0 : i32
    %dma_wait3A_121 = tpu.memref_slice %arg3[%dma_wait3A_111, %add3A, %dma_wait3A_112, %dma_wait3A_119, %dma_wait3A_120] : memref<2x32x25x5x80xi32, #tpu.memory_space<hbm>> -> memref<1x1x1x5x80xi32, #tpu.memory_space<hbm>>
    %dma_wait3A_122 = tpu.memref_squeeze %dma_wait3A_121 : memref<1x1x1x5x80xi32, #tpu.memory_space<hbm>> -> memref<5x80xi32, #tpu.memory_space<hbm>>
    %dma_wait3A_123 = tpu.memref_slice %arg10[%dma_wait3A_114] : memref<2x!tpu.dma_semaphore, #tpu.memory_space<semaphore_mem>> -> memref<1x!tpu.dma_semaphore, #tpu.memory_space<semaphore_mem>>
    %dma_wait3A_124 = tpu.memref_squeeze %dma_wait3A_123 : memref<1x!tpu.dma_semaphore, #tpu.memory_space<semaphore_mem>> -> memref<!tpu.dma_semaphore, #tpu.memory_space<semaphore_mem>>
    %dma_wait3A_125 = arith.constant 0 : i32
    %dma_wait3A_126 = arith.constant 0 : i32
    %dma_wait3A_127 = tpu.memref_slice %arg8[%dma_wait3A_113, %dma_wait3A_125, %dma_wait3A_126] : memref<2x5x80xi32, #tpu.memory_space<vmem>> -> memref<1x5x80xi32, #tpu.memory_space<vmem>>
    %dma_wait3A_128 = tpu.memref_squeeze %dma_wait3A_127 : memref<1x5x80xi32, #tpu.memory_space<vmem>> -> memref<5x80xi32, #tpu.memory_space<vmem>>
    %dma_wait3A_129 = arith.constant 0 : i32
    %dma_wait3A_130 = arith.constant 0 : i32
    %dma_wait3A_131 = tpu.memref_slice %arg3[%dma_wait3A_111, %add3A, %dma_wait3A_112, %dma_wait3A_129, %dma_wait3A_130] : memref<2x32x25x5x80xi32, #tpu.memory_space<hbm>> -> memref<1x1x1x5x80xi32, #tpu.memory_space<hbm>>
    %dma_wait3A_132 = tpu.memref_squeeze %dma_wait3A_131 : memref<1x1x1x5x80xi32, #tpu.memory_space<hbm>> -> memref<5x80xi32, #tpu.memory_space<hbm>>
    tpu.wait_dma2 semaphore(%dma_wait3A_124 : memref<!tpu.dma_semaphore, #tpu.memory_space<semaphore_mem>>) src(%dma_wait3A_132 : memref<5x80xi32, #tpu.memory_space<hbm>>) dst(%dma_wait3A_128 : memref<5x80xi32, #tpu.memory_space<vmem>>)
    %barrier3A = arith.constant 0 : index
    tpu.barrier barrier_id(%barrier3A)
    %rem3A = arith.constant 0 : i32
    %rem3A_133 = arith.constant 3 : i32
    %rem3A_134 = arith.remsi %rem3A, %rem3A_133 : i32
    %dma_start3A_135 = arith.constant 0 : i32
    %dma_start3A_136 = arith.constant 0 : i32
    %dma_start3A_137 = arith.constant 0 : i32
    %dma_start3A_138 = arith.constant 0 : i32
    %dma_start3A_139 = tpu.memref_slice %arg9[%rem3A_134, %dma_start3A_137, %dma_start3A_138] : memref<3x80x128xf32, #tpu.memory_space<vmem>> -> memref<1x80x128xf32, #tpu.memory_space<vmem>>
    %dma_start3A_140 = tpu.memref_squeeze %dma_start3A_139 : memref<1x80x128xf32, #tpu.memory_space<vmem>> -> memref<80x128xf32, #tpu.memory_space<vmem>>
    %dma_start3A_141 = arith.constant 0 : i32
    %dma_start3A_142 = tpu.memref_slice %arg7[%dma_start3A_135, %dma_start3A_136, %dma_start3A_141] : memref<2x5x80xi32, #tpu.memory_space<vmem>> -> memref<1x1x80xi32, #tpu.memory_space<vmem>>
    %dma_start3A_143 = tpu.memref_squeeze %dma_start3A_142 : memref<1x1x80xi32, #tpu.memory_space<vmem>> -> memref<80xi32, #tpu.memory_space<vmem>>
    %dma_start3A_144 = arith.constant 0 : i32
    %dma_start3A_145 = arith.constant 0 : i32
    %dma_start3A_146 = tpu.memref_slice %arg2[%dma_start3A_144, %dma_start3A_145] : memref<10000x128xf32, #tpu.memory_space<hbm>> -> memref<10000x128xf32, #tpu.memory_space<hbm>>
    %dma_start3A_147 = tpu.memref_slice %arg11[%rem3A_134] : memref<3x!tpu.dma_semaphore, #tpu.memory_space<semaphore_mem>> -> memref<1x!tpu.dma_semaphore, #tpu.memory_space<semaphore_mem>>
    %dma_start3A_148 = tpu.memref_squeeze %dma_start3A_147 : memref<1x!tpu.dma_semaphore, #tpu.memory_space<semaphore_mem>> -> memref<!tpu.dma_semaphore, #tpu.memory_space<semaphore_mem>>
    tpu.enqueue_indirect_dma source(%dma_start3A_146 : memref<10000x128xf32, #tpu.memory_space<hbm>>) target(%dma_start3A_140 : memref<80x128xf32, #tpu.memory_space<vmem>>) offsets(%dma_start3A_143 : memref<80xi32, #tpu.memory_space<vmem>>) semaphore(%dma_start3A_148 : memref<!tpu.dma_semaphore, #tpu.memory_space<semaphore_mem>>)
    %rem3A_149 = arith.constant 1 : i32
    %rem3A_150 = arith.constant 3 : i32
    %rem3A_151 = arith.remsi %rem3A_149, %rem3A_150 : i32
    %dma_start3A_152 = arith.constant 0 : i32
    %dma_start3A_153 = arith.constant 1 : i32
    %dma_start3A_154 = arith.constant 0 : i32
    %dma_start3A_155 = arith.constant 0 : i32
    %dma_start3A_156 = tpu.memref_slice %arg9[%rem3A_151, %dma_start3A_154, %dma_start3A_155] : memref<3x80x128xf32, #tpu.memory_space<vmem>> -> memref<1x80x128xf32, #tpu.memory_space<vmem>>
    %dma_start3A_157 = tpu.memref_squeeze %dma_start3A_156 : memref<1x80x128xf32, #tpu.memory_space<vmem>> -> memref<80x128xf32, #tpu.memory_space<vmem>>
    %dma_start3A_158 = arith.constant 0 : i32
    %dma_start3A_159 = tpu.memref_slice %arg7[%dma_start3A_152, %dma_start3A_153, %dma_start3A_158] : memref<2x5x80xi32, #tpu.memory_space<vmem>> -> memref<1x1x80xi32, #tpu.memory_space<vmem>>
    %dma_start3A_160 = tpu.memref_squeeze %dma_start3A_159 : memref<1x1x80xi32, #tpu.memory_space<vmem>> -> memref<80xi32, #tpu.memory_space<vmem>>
    %dma_start3A_161 = arith.constant 0 : i32
    %dma_start3A_162 = arith.constant 0 : i32
    %dma_start3A_163 = tpu.memref_slice %arg2[%dma_start3A_161, %dma_start3A_162] : memref<10000x128xf32, #tpu.memory_space<hbm>> -> memref<10000x128xf32, #tpu.memory_space<hbm>>
    %dma_start3A_164 = tpu.memref_slice %arg11[%rem3A_151] : memref<3x!tpu.dma_semaphore, #tpu.memory_space<semaphore_mem>> -> memref<1x!tpu.dma_semaphore, #tpu.memory_space<semaphore_mem>>
    %dma_start3A_165 = tpu.memref_squeeze %dma_start3A_164 : memref<1x!tpu.dma_semaphore, #tpu.memory_space<semaphore_mem>> -> memref<!tpu.dma_semaphore, #tpu.memory_space<semaphore_mem>>
    tpu.enqueue_indirect_dma source(%dma_start3A_163 : memref<10000x128xf32, #tpu.memory_space<hbm>>) target(%dma_start3A_157 : memref<80x128xf32, #tpu.memory_space<vmem>>) offsets(%dma_start3A_160 : memref<80xi32, #tpu.memory_space<vmem>>) semaphore(%dma_start3A_165 : memref<!tpu.dma_semaphore, #tpu.memory_space<semaphore_mem>>)
    %rem3A_166 = arith.constant 2 : i32
    %rem3A_167 = arith.constant 3 : i32
    %rem3A_168 = arith.remsi %rem3A_166, %rem3A_167 : i32
    %dma_start3A_169 = arith.constant 0 : i32
    %dma_start3A_170 = arith.constant 2 : i32
    %dma_start3A_171 = arith.constant 0 : i32
    %dma_start3A_172 = arith.constant 0 : i32
    %dma_start3A_173 = tpu.memref_slice %arg9[%rem3A_168, %dma_start3A_171, %dma_start3A_172] : memref<3x80x128xf32, #tpu.memory_space<vmem>> -> memref<1x80x128xf32, #tpu.memory_space<vmem>>
    %dma_start3A_174 = tpu.memref_squeeze %dma_start3A_173 : memref<1x80x128xf32, #tpu.memory_space<vmem>> -> memref<80x128xf32, #tpu.memory_space<vmem>>
    %dma_start3A_175 = arith.constant 0 : i32
    %dma_start3A_176 = tpu.memref_slice %arg7[%dma_start3A_169, %dma_start3A_170, %dma_start3A_175] : memref<2x5x80xi32, #tpu.memory_space<vmem>> -> memref<1x1x80xi32, #tpu.memory_space<vmem>>
    %dma_start3A_177 = tpu.memref_squeeze %dma_start3A_176 : memref<1x1x80xi32, #tpu.memory_space<vmem>> -> memref<80xi32, #tpu.memory_space<vmem>>
    %dma_start3A_178 = arith.constant 0 : i32
    %dma_start3A_179 = arith.constant 0 : i32
    %dma_start3A_180 = tpu.memref_slice %arg2[%dma_start3A_178, %dma_start3A_179] : memref<10000x128xf32, #tpu.memory_space<hbm>> -> memref<10000x128xf32, #tpu.memory_space<hbm>>
    %dma_start3A_181 = tpu.memref_slice %arg11[%rem3A_168] : memref<3x!tpu.dma_semaphore, #tpu.memory_space<semaphore_mem>> -> memref<1x!tpu.dma_semaphore, #tpu.memory_space<semaphore_mem>>
    %dma_start3A_182 = tpu.memref_squeeze %dma_start3A_181 : memref<1x!tpu.dma_semaphore, #tpu.memory_space<semaphore_mem>> -> memref<!tpu.dma_semaphore, #tpu.memory_space<semaphore_mem>>
    tpu.enqueue_indirect_dma source(%dma_start3A_180 : memref<10000x128xf32, #tpu.memory_space<hbm>>) target(%dma_start3A_174 : memref<80x128xf32, #tpu.memory_space<vmem>>) offsets(%dma_start3A_177 : memref<80xi32, #tpu.memory_space<vmem>>) semaphore(%dma_start3A_182 : memref<!tpu.dma_semaphore, #tpu.memory_space<semaphore_mem>>)
    %scan3A = arith.constant 0 : i32
    %scan3A_183 = arith.constant 0 : i32
    %scan3A_184 = arith.constant 25 : i32
    %scan3A_185 = arith.addi %scan3A_183, %scan3A_184 : i32
    %scan3A_186 = arith.constant 1 : i32
    scf.for %scan3A_210 = %scan3A_183 to %scan3A_185 step %scan3A_186  : i32 {
      %rem3A_211 = arith.constant 2 : i32
      %rem3A_212 = arith.remsi %scan3A_210, %rem3A_211 : i32
      %mul3A_213 = arith.constant 5 : i32
      %mul3A_214 = arith.muli %scan3A_210, %mul3A_213 : i32
      %add3A_215 = arith.constant 0 : i32
      %add3A_216 = arith.addi %mul3A_214, %add3A_215 : i32
      %ge3A = arith.constant 1 : i32
      %ge3A_217 = arith.cmpi sge, %scan3A_210, %ge3A : i32
      %convert_element_type3A = arith.extui %ge3A_217 : i1 to i32
      %cond3A = arith.constant 0 : i32
      %cond3A_218 = arith.cmpi ne, %convert_element_type3A, %cond3A : i32
      scf.if %cond3A_218 {
        %sub3A_507 = arith.constant 1 : i32
        %sub3A_508 = arith.subi %add3A_216, %sub3A_507 : i32
        %sub3A_509 = arith.constant 1 : i32
        %sub3A_510 = arith.subi %sub3A_509, %rem3A_212 : i32
        %rem3A_511 = arith.constant 3 : i32
        %rem3A_512 = arith.remsi %sub3A_508, %rem3A_511 : i32
        %dma_wait3A_513 = arith.constant 4 : i32
        %dma_wait3A_514 = arith.constant 0 : i32
        %dma_wait3A_515 = arith.constant 0 : i32
        %dma_wait3A_516 = tpu.memref_slice %arg9[%rem3A_512, %dma_wait3A_514, %dma_wait3A_515] : memref<3x80x128xf32, #tpu.memory_space<vmem>> -> memref<1x80x128xf32, #tpu.memory_space<vmem>>
        %dma_wait3A_517 = tpu.memref_squeeze %dma_wait3A_516 : memref<1x80x128xf32, #tpu.memory_space<vmem>> -> memref<80x128xf32, #tpu.memory_space<vmem>>
        %dma_wait3A_518 = arith.constant 0 : i32
        %dma_wait3A_519 = tpu.memref_slice %arg8[%sub3A_510, %dma_wait3A_513, %dma_wait3A_518] : memref<2x5x80xi32, #tpu.memory_space<vmem>> -> memref<1x1x80xi32, #tpu.memory_space<vmem>>
        %dma_wait3A_520 = tpu.memref_squeeze %dma_wait3A_519 : memref<1x1x80xi32, #tpu.memory_space<vmem>> -> memref<80xi32, #tpu.memory_space<vmem>>
        %dma_wait3A_521 = arith.constant 0 : i32
        %dma_wait3A_522 = arith.constant 0 : i32
        %dma_wait3A_523 = tpu.memref_slice %arg6[%dma_wait3A_521, %dma_wait3A_522] : memref<10240x128xf32, #tpu.memory_space<vmem_shared>> -> memref<10240x128xf32, #tpu.memory_space<vmem_shared>>
        %dma_wait3A_524 = tpu.memref_slice %arg12[%rem3A_512] : memref<3x!tpu.dma_semaphore, #tpu.memory_space<semaphore_mem>> -> memref<1x!tpu.dma_semaphore, #tpu.memory_space<semaphore_mem>>
        %dma_wait3A_525 = tpu.memref_squeeze %dma_wait3A_524 : memref<1x!tpu.dma_semaphore, #tpu.memory_space<semaphore_mem>> -> memref<!tpu.dma_semaphore, #tpu.memory_space<semaphore_mem>>
        tpu.wait_indirect_dma semaphore(%dma_wait3A_525 : memref<!tpu.dma_semaphore, #tpu.memory_space<semaphore_mem>>) src(%dma_wait3A_517 : memref<80x128xf32, #tpu.memory_space<vmem>>) dst(%dma_wait3A_523 : memref<10240x128xf32, #tpu.memory_space<vmem_shared>>)
        %add3A_526 = arith.constant 2 : i32
        %add3A_527 = arith.addi %add3A_216, %add3A_526 : i32
        %rem3A_528 = arith.constant 3 : i32
        %rem3A_529 = arith.remsi %add3A_527, %rem3A_528 : i32
        %dma_start3A_530 = arith.constant 2 : i32
        %dma_start3A_531 = arith.constant 0 : i32
        %dma_start3A_532 = arith.constant 0 : i32
        %dma_start3A_533 = tpu.memref_slice %arg9[%rem3A_529, %dma_start3A_531, %dma_start3A_532] : memref<3x80x128xf32, #tpu.memory_space<vmem>> -> memref<1x80x128xf32, #tpu.memory_space<vmem>>
        %dma_start3A_534 = tpu.memref_squeeze %dma_start3A_533 : memref<1x80x128xf32, #tpu.memory_space<vmem>> -> memref<80x128xf32, #tpu.memory_space<vmem>>
        %dma_start3A_535 = arith.constant 0 : i32
        %dma_start3A_536 = tpu.memref_slice %arg7[%rem3A_212, %dma_start3A_530, %dma_start3A_535] : memref<2x5x80xi32, #tpu.memory_space<vmem>> -> memref<1x1x80xi32, #tpu.memory_space<vmem>>
        %dma_start3A_537 = tpu.memref_squeeze %dma_start3A_536 : memref<1x1x80xi32, #tpu.memory_space<vmem>> -> memref<80xi32, #tpu.memory_space<vmem>>
        %dma_start3A_538 = arith.constant 0 : i32
        %dma_start3A_539 = arith.constant 0 : i32
        %dma_start3A_540 = tpu.memref_slice %arg2[%dma_start3A_538, %dma_start3A_539] : memref<10000x128xf32, #tpu.memory_space<hbm>> -> memref<10000x128xf32, #tpu.memory_space<hbm>>
        %dma_start3A_541 = tpu.memref_slice %arg11[%rem3A_529] : memref<3x!tpu.dma_semaphore, #tpu.memory_space<semaphore_mem>> -> memref<1x!tpu.dma_semaphore, #tpu.memory_space<semaphore_mem>>
        %dma_start3A_542 = tpu.memref_squeeze %dma_start3A_541 : memref<1x!tpu.dma_semaphore, #tpu.memory_space<semaphore_mem>> -> memref<!tpu.dma_semaphore, #tpu.memory_space<semaphore_mem>>
        tpu.enqueue_indirect_dma source(%dma_start3A_540 : memref<10000x128xf32, #tpu.memory_space<hbm>>) target(%dma_start3A_534 : memref<80x128xf32, #tpu.memory_space<vmem>>) offsets(%dma_start3A_537 : memref<80xi32, #tpu.memory_space<vmem>>) semaphore(%dma_start3A_542 : memref<!tpu.dma_semaphore, #tpu.memory_space<semaphore_mem>>)
      } else {
      }
      %rem3A_219 = arith.constant 3 : i32
      %rem3A_220 = arith.remsi %add3A_216, %rem3A_219 : i32
      %dma_wait3A_221 = arith.constant 0 : i32
      %dma_wait3A_222 = arith.constant 0 : i32
      %dma_wait3A_223 = arith.constant 0 : i32
      %dma_wait3A_224 = tpu.memref_slice %arg9[%rem3A_220, %dma_wait3A_222, %dma_wait3A_223] : memref<3x80x128xf32, #tpu.memory_space<vmem>> -> memref<1x80x128xf32, #tpu.memory_space<vmem>>
      %dma_wait3A_225 = tpu.memref_squeeze %dma_wait3A_224 : memref<1x80x128xf32, #tpu.memory_space<vmem>> -> memref<80x128xf32, #tpu.memory_space<vmem>>
      %dma_wait3A_226 = arith.constant 0 : i32
      %dma_wait3A_227 = tpu.memref_slice %arg7[%rem3A_212, %dma_wait3A_221, %dma_wait3A_226] : memref<2x5x80xi32, #tpu.memory_space<vmem>> -> memref<1x1x80xi32, #tpu.memory_space<vmem>>
      %dma_wait3A_228 = tpu.memref_squeeze %dma_wait3A_227 : memref<1x1x80xi32, #tpu.memory_space<vmem>> -> memref<80xi32, #tpu.memory_space<vmem>>
      %dma_wait3A_229 = arith.constant 0 : i32
      %dma_wait3A_230 = arith.constant 0 : i32
      %dma_wait3A_231 = tpu.memref_slice %arg2[%dma_wait3A_229, %dma_wait3A_230] : memref<10000x128xf32, #tpu.memory_space<hbm>> -> memref<10000x128xf32, #tpu.memory_space<hbm>>
      %dma_wait3A_232 = tpu.memref_slice %arg11[%rem3A_220] : memref<3x!tpu.dma_semaphore, #tpu.memory_space<semaphore_mem>> -> memref<1x!tpu.dma_semaphore, #tpu.memory_space<semaphore_mem>>
      %dma_wait3A_233 = tpu.memref_squeeze %dma_wait3A_232 : memref<1x!tpu.dma_semaphore, #tpu.memory_space<semaphore_mem>> -> memref<!tpu.dma_semaphore, #tpu.memory_space<semaphore_mem>>
      tpu.wait_indirect_dma semaphore(%dma_wait3A_233 : memref<!tpu.dma_semaphore, #tpu.memory_space<semaphore_mem>>) src(%dma_wait3A_231 : memref<10000x128xf32, #tpu.memory_space<hbm>>) dst(%dma_wait3A_225 : memref<80x128xf32, #tpu.memory_space<vmem>>)
      %rem3A_234 = arith.constant 3 : i32
      %rem3A_235 = arith.remsi %add3A_216, %rem3A_234 : i32
      %dma_start3A_236 = arith.constant 0 : i32
      %dma_start3A_237 = arith.constant 0 : i32
      %dma_start3A_238 = arith.constant 0 : i32
      %dma_start3A_239 = tpu.memref_slice %arg9[%rem3A_235, %dma_start3A_237, %dma_start3A_238] : memref<3x80x128xf32, #tpu.memory_space<vmem>> -> memref<1x80x128xf32, #tpu.memory_space<vmem>>
      %dma_start3A_240 = tpu.memref_squeeze %dma_start3A_239 : memref<1x80x128xf32, #tpu.memory_space<vmem>> -> memref<80x128xf32, #tpu.memory_space<vmem>>
      %dma_start3A_241 = arith.constant 0 : i32
      %dma_start3A_242 = tpu.memref_slice %arg8[%rem3A_212, %dma_start3A_236, %dma_start3A_241] : memref<2x5x80xi32, #tpu.memory_space<vmem>> -> memref<1x1x80xi32, #tpu.memory_space<vmem>>
      %dma_start3A_243 = tpu.memref_squeeze %dma_start3A_242 : memref<1x1x80xi32, #tpu.memory_space<vmem>> -> memref<80xi32, #tpu.memory_space<vmem>>
      %dma_start3A_244 = arith.constant 0 : i32
      %dma_start3A_245 = arith.constant 0 : i32
      %dma_start3A_246 = tpu.memref_slice %arg6[%dma_start3A_244, %dma_start3A_245] : memref<10240x128xf32, #tpu.memory_space<vmem_shared>> -> memref<10240x128xf32, #tpu.memory_space<vmem_shared>>
      %dma_start3A_247 = tpu.memref_slice %arg12[%rem3A_235] : memref<3x!tpu.dma_semaphore, #tpu.memory_space<semaphore_mem>> -> memref<1x!tpu.dma_semaphore, #tpu.memory_space<semaphore_mem>>
      %dma_start3A_248 = tpu.memref_squeeze %dma_start3A_247 : memref<1x!tpu.dma_semaphore, #tpu.memory_space<semaphore_mem>> -> memref<!tpu.dma_semaphore, #tpu.memory_space<semaphore_mem>>
      tpu.enqueue_indirect_dma source(%dma_start3A_240 : memref<80x128xf32, #tpu.memory_space<vmem>>) target(%dma_start3A_246 : memref<10240x128xf32, #tpu.memory_space<vmem_shared>>) offsets(%dma_start3A_243 : memref<80xi32, #tpu.memory_space<vmem>>) semaphore(%dma_start3A_248 : memref<!tpu.dma_semaphore, #tpu.memory_space<semaphore_mem>>) {add = true}
      %mul3A_249 = arith.constant 5 : i32
      %mul3A_250 = arith.muli %scan3A_210, %mul3A_249 : i32
      %add3A_251 = arith.constant 1 : i32
      %add3A_252 = arith.addi %mul3A_250, %add3A_251 : i32
      %sub3A = arith.constant 1 : i32
      %sub3A_253 = arith.subi %add3A_252, %sub3A : i32
      %rem3A_254 = arith.constant 3 : i32
      %rem3A_255 = arith.remsi %sub3A_253, %rem3A_254 : i32
      %dma_wait3A_256 = arith.constant 0 : i32
      %dma_wait3A_257 = arith.constant 0 : i32
      %dma_wait3A_258 = arith.constant 0 : i32
      %dma_wait3A_259 = tpu.memref_slice %arg9[%rem3A_255, %dma_wait3A_257, %dma_wait3A_258] : memref<3x80x128xf32, #tpu.memory_space<vmem>> -> memref<1x80x128xf32, #tpu.memory_space<vmem>>
      %dma_wait3A_260 = tpu.memref_squeeze %dma_wait3A_259 : memref<1x80x128xf32, #tpu.memory_space<vmem>> -> memref<80x128xf32, #tpu.memory_space<vmem>>
      %dma_wait3A_261 = arith.constant 0 : i32
      %dma_wait3A_262 = tpu.memref_slice %arg8[%rem3A_212, %dma_wait3A_256, %dma_wait3A_261] : memref<2x5x80xi32, #tpu.memory_space<vmem>> -> memref<1x1x80xi32, #tpu.memory_space<vmem>>
      %dma_wait3A_263 = tpu.memref_squeeze %dma_wait3A_262 : memref<1x1x80xi32, #tpu.memory_space<vmem>> -> memref<80xi32, #tpu.memory_space<vmem>>
      %dma_wait3A_264 = arith.constant 0 : i32
      %dma_wait3A_265 = arith.constant 0 : i32
      %dma_wait3A_266 = tpu.memref_slice %arg6[%dma_wait3A_264, %dma_wait3A_265] : memref<10240x128xf32, #tpu.memory_space<vmem_shared>> -> memref<10240x128xf32, #tpu.memory_space<vmem_shared>>
      %dma_wait3A_267 = tpu.memref_slice %arg12[%rem3A_255] : memref<3x!tpu.dma_semaphore, #tpu.memory_space<semaphore_mem>> -> memref<1x!tpu.dma_semaphore, #tpu.memory_space<semaphore_mem>>
      %dma_wait3A_268 = tpu.memref_squeeze %dma_wait3A_267 : memref<1x!tpu.dma_semaphore, #tpu.memory_space<semaphore_mem>> -> memref<!tpu.dma_semaphore, #tpu.memory_space<semaphore_mem>>
      tpu.wait_indirect_dma semaphore(%dma_wait3A_268 : memref<!tpu.dma_semaphore, #tpu.memory_space<semaphore_mem>>) src(%dma_wait3A_260 : memref<80x128xf32, #tpu.memory_space<vmem>>) dst(%dma_wait3A_266 : memref<10240x128xf32, #tpu.memory_space<vmem_shared>>)
      %add3A_269 = arith.constant 2 : i32
      %add3A_270 = arith.addi %add3A_252, %add3A_269 : i32
      %rem3A_271 = arith.constant 3 : i32
      %rem3A_272 = arith.remsi %add3A_270, %rem3A_271 : i32
      %dma_start3A_273 = arith.constant 3 : i32
      %dma_start3A_274 = arith.constant 0 : i32
      %dma_start3A_275 = arith.constant 0 : i32
      %dma_start3A_276 = tpu.memref_slice %arg9[%rem3A_272, %dma_start3A_274, %dma_start3A_275] : memref<3x80x128xf32, #tpu.memory_space<vmem>> -> memref<1x80x128xf32, #tpu.memory_space<vmem>>
      %dma_start3A_277 = tpu.memref_squeeze %dma_start3A_276 : memref<1x80x128xf32, #tpu.memory_space<vmem>> -> memref<80x128xf32, #tpu.memory_space<vmem>>
      %dma_start3A_278 = arith.constant 0 : i32
      %dma_start3A_279 = tpu.memref_slice %arg7[%rem3A_212, %dma_start3A_273, %dma_start3A_278] : memref<2x5x80xi32, #tpu.memory_space<vmem>> -> memref<1x1x80xi32, #tpu.memory_space<vmem>>
      %dma_start3A_280 = tpu.memref_squeeze %dma_start3A_279 : memref<1x1x80xi32, #tpu.memory_space<vmem>> -> memref<80xi32, #tpu.memory_space<vmem>>
      %dma_start3A_281 = arith.constant 0 : i32
      %dma_start3A_282 = arith.constant 0 : i32
      %dma_start3A_283 = tpu.memref_slice %arg2[%dma_start3A_281, %dma_start3A_282] : memref<10000x128xf32, #tpu.memory_space<hbm>> -> memref<10000x128xf32, #tpu.memory_space<hbm>>
      %dma_start3A_284 = tpu.memref_slice %arg11[%rem3A_272] : memref<3x!tpu.dma_semaphore, #tpu.memory_space<semaphore_mem>> -> memref<1x!tpu.dma_semaphore, #tpu.memory_space<semaphore_mem>>
      %dma_start3A_285 = tpu.memref_squeeze %dma_start3A_284 : memref<1x!tpu.dma_semaphore, #tpu.memory_space<semaphore_mem>> -> memref<!tpu.dma_semaphore, #tpu.memory_space<semaphore_mem>>
      tpu.enqueue_indirect_dma source(%dma_start3A_283 : memref<10000x128xf32, #tpu.memory_space<hbm>>) target(%dma_start3A_277 : memref<80x128xf32, #tpu.memory_space<vmem>>) offsets(%dma_start3A_280 : memref<80xi32, #tpu.memory_space<vmem>>) semaphore(%dma_start3A_285 : memref<!tpu.dma_semaphore, #tpu.memory_space<semaphore_mem>>)
      %ge3A_286 = arith.constant 1 : i32
      %ge3A_287 = arith.cmpi sge, %scan3A_210, %ge3A_286 : i32
      %lt3A = arith.constant 24 : i32
      %lt3A_288 = arith.cmpi slt, %scan3A_210, %lt3A : i32
      %and3A = arith.andi %ge3A_287, %lt3A_288 : i1
      %convert_element_type3A_289 = arith.extui %and3A : i1 to i32
      %cond3A_290 = arith.constant 0 : i32
      %cond3A_291 = arith.cmpi ne, %convert_element_type3A_289, %cond3A_290 : i32
      scf.if %cond3A_291 {
        %add3A_507 = arith.constant 1 : i32
        %add3A_508 = arith.addi %scan3A_210, %add3A_507 : i32
        %sub3A_509 = arith.constant 1 : i32
        %sub3A_510 = arith.subi %sub3A_509, %rem3A_212 : i32
        %dma_start3A_511 = arith.constant 0 : i32
        %dma_start3A_512 = arith.constant 0 : i32
        %dma_start3A_513 = arith.constant 0 : i32
        %dma_start3A_514 = tpu.memref_slice %arg7[%sub3A_510, %dma_start3A_512, %dma_start3A_513] : memref<2x5x80xi32, #tpu.memory_space<vmem>> -> memref<1x5x80xi32, #tpu.memory_space<vmem>>
        %dma_start3A_515 = tpu.memref_squeeze %dma_start3A_514 : memref<1x5x80xi32, #tpu.memory_space<vmem>> -> memref<5x80xi32, #tpu.memory_space<vmem>>
        %dma_start3A_516 = arith.constant 0 : i32
        %dma_start3A_517 = arith.constant 0 : i32
        %dma_start3A_518 = tpu.memref_slice %arg3[%dma_start3A_511, %add3A, %add3A_508, %dma_start3A_516, %dma_start3A_517] : memref<2x32x25x5x80xi32, #tpu.memory_space<hbm>> -> memref<1x1x1x5x80xi32, #tpu.memory_space<hbm>>
        %dma_start3A_519 = tpu.memref_squeeze %dma_start3A_518 : memref<1x1x1x5x80xi32, #tpu.memory_space<hbm>> -> memref<5x80xi32, #tpu.memory_space<hbm>>
        %dma_start3A_520 = tpu.memref_slice %arg10[%sub3A_510] : memref<2x!tpu.dma_semaphore, #tpu.memory_space<semaphore_mem>> -> memref<1x!tpu.dma_semaphore, #tpu.memory_space<semaphore_mem>>
        %dma_start3A_521 = tpu.memref_squeeze %dma_start3A_520 : memref<1x!tpu.dma_semaphore, #tpu.memory_space<semaphore_mem>> -> memref<!tpu.dma_semaphore, #tpu.memory_space<semaphore_mem>>
        %dma_start3A_522 = arith.constant 0 : i32
        %dma_start3A_523 = arith.constant 0 : i32
        %dma_start3A_524 = tpu.memref_slice %arg7[%sub3A_510, %dma_start3A_522, %dma_start3A_523] : memref<2x5x80xi32, #tpu.memory_space<vmem>> -> memref<1x5x80xi32, #tpu.memory_space<vmem>>
        %dma_start3A_525 = tpu.memref_squeeze %dma_start3A_524 : memref<1x5x80xi32, #tpu.memory_space<vmem>> -> memref<5x80xi32, #tpu.memory_space<vmem>>
        %dma_start3A_526 = arith.constant 0 : i32
        %dma_start3A_527 = arith.constant 0 : i32
        %dma_start3A_528 = tpu.memref_slice %arg3[%dma_start3A_511, %add3A, %add3A_508, %dma_start3A_526, %dma_start3A_527] : memref<2x32x25x5x80xi32, #tpu.memory_space<hbm>> -> memref<1x1x1x5x80xi32, #tpu.memory_space<hbm>>
        %dma_start3A_529 = tpu.memref_squeeze %dma_start3A_528 : memref<1x1x1x5x80xi32, #tpu.memory_space<hbm>> -> memref<5x80xi32, #tpu.memory_space<hbm>>
        tpu.enqueue_dma source(%dma_start3A_529 : memref<5x80xi32, #tpu.memory_space<hbm>>) target(%dma_start3A_525 : memref<5x80xi32, #tpu.memory_space<vmem>>) target_semaphore(%dma_start3A_521 : memref<!tpu.dma_semaphore, #tpu.memory_space<semaphore_mem>>)
        %dma_start3A_530 = arith.constant 1 : i32
        %dma_start3A_531 = arith.constant 0 : i32
        %dma_start3A_532 = arith.constant 0 : i32
        %dma_start3A_533 = tpu.memref_slice %arg8[%sub3A_510, %dma_start3A_531, %dma_start3A_532] : memref<2x5x80xi32, #tpu.memory_space<vmem>> -> memref<1x5x80xi32, #tpu.memory_space<vmem>>
        %dma_start3A_534 = tpu.memref_squeeze %dma_start3A_533 : memref<1x5x80xi32, #tpu.memory_space<vmem>> -> memref<5x80xi32, #tpu.memory_space<vmem>>
        %dma_start3A_535 = arith.constant 0 : i32
        %dma_start3A_536 = arith.constant 0 : i32
        %dma_start3A_537 = tpu.memref_slice %arg3[%dma_start3A_530, %add3A, %add3A_508, %dma_start3A_535, %dma_start3A_536] : memref<2x32x25x5x80xi32, #tpu.memory_space<hbm>> -> memref<1x1x1x5x80xi32, #tpu.memory_space<hbm>>
        %dma_start3A_538 = tpu.memref_squeeze %dma_start3A_537 : memref<1x1x1x5x80xi32, #tpu.memory_space<hbm>> -> memref<5x80xi32, #tpu.memory_space<hbm>>
        %dma_start3A_539 = tpu.memref_slice %arg10[%sub3A_510] : memref<2x!tpu.dma_semaphore, #tpu.memory_space<semaphore_mem>> -> memref<1x!tpu.dma_semaphore, #tpu.memory_space<semaphore_mem>>
        %dma_start3A_540 = tpu.memref_squeeze %dma_start3A_539 : memref<1x!tpu.dma_semaphore, #tpu.memory_space<semaphore_mem>> -> memref<!tpu.dma_semaphore, #tpu.memory_space<semaphore_mem>>
        %dma_start3A_541 = arith.constant 0 : i32
        %dma_start3A_542 = arith.constant 0 : i32
        %dma_start3A_543 = tpu.memref_slice %arg8[%sub3A_510, %dma_start3A_541, %dma_start3A_542] : memref<2x5x80xi32, #tpu.memory_space<vmem>> -> memref<1x5x80xi32, #tpu.memory_space<vmem>>
        %dma_start3A_544 = tpu.memref_squeeze %dma_start3A_543 : memref<1x5x80xi32, #tpu.memory_space<vmem>> -> memref<5x80xi32, #tpu.memory_space<vmem>>
        %dma_start3A_545 = arith.constant 0 : i32
        %dma_start3A_546 = arith.constant 0 : i32
        %dma_start3A_547 = tpu.memref_slice %arg3[%dma_start3A_530, %add3A, %add3A_508, %dma_start3A_545, %dma_start3A_546] : memref<2x32x25x5x80xi32, #tpu.memory_space<hbm>> -> memref<1x1x1x5x80xi32, #tpu.memory_space<hbm>>
        %dma_start3A_548 = tpu.memref_squeeze %dma_start3A_547 : memref<1x1x1x5x80xi32, #tpu.memory_space<hbm>> -> memref<5x80xi32, #tpu.memory_space<hbm>>
        tpu.enqueue_dma source(%dma_start3A_548 : memref<5x80xi32, #tpu.memory_space<hbm>>) target(%dma_start3A_544 : memref<5x80xi32, #tpu.memory_space<vmem>>) target_semaphore(%dma_start3A_540 : memref<!tpu.dma_semaphore, #tpu.memory_space<semaphore_mem>>)
      } else {
      }
      %rem3A_292 = arith.constant 3 : i32
      %rem3A_293 = arith.remsi %add3A_252, %rem3A_292 : i32
      %dma_wait3A_294 = arith.constant 1 : i32
      %dma_wait3A_295 = arith.constant 0 : i32
      %dma_wait3A_296 = arith.constant 0 : i32
      %dma_wait3A_297 = tpu.memref_slice %arg9[%rem3A_293, %dma_wait3A_295, %dma_wait3A_296] : memref<3x80x128xf32, #tpu.memory_space<vmem>> -> memref<1x80x128xf32, #tpu.memory_space<vmem>>
      %dma_wait3A_298 = tpu.memref_squeeze %dma_wait3A_297 : memref<1x80x128xf32, #tpu.memory_space<vmem>> -> memref<80x128xf32, #tpu.memory_space<vmem>>
      %dma_wait3A_299 = arith.constant 0 : i32
      %dma_wait3A_300 = tpu.memref_slice %arg7[%rem3A_212, %dma_wait3A_294, %dma_wait3A_299] : memref<2x5x80xi32, #tpu.memory_space<vmem>> -> memref<1x1x80xi32, #tpu.memory_space<vmem>>
      %dma_wait3A_301 = tpu.memref_squeeze %dma_wait3A_300 : memref<1x1x80xi32, #tpu.memory_space<vmem>> -> memref<80xi32, #tpu.memory_space<vmem>>
      %dma_wait3A_302 = arith.constant 0 : i32
      %dma_wait3A_303 = arith.constant 0 : i32
      %dma_wait3A_304 = tpu.memref_slice %arg2[%dma_wait3A_302, %dma_wait3A_303] : memref<10000x128xf32, #tpu.memory_space<hbm>> -> memref<10000x128xf32, #tpu.memory_space<hbm>>
      %dma_wait3A_305 = tpu.memref_slice %arg11[%rem3A_293] : memref<3x!tpu.dma_semaphore, #tpu.memory_space<semaphore_mem>> -> memref<1x!tpu.dma_semaphore, #tpu.memory_space<semaphore_mem>>
      %dma_wait3A_306 = tpu.memref_squeeze %dma_wait3A_305 : memref<1x!tpu.dma_semaphore, #tpu.memory_space<semaphore_mem>> -> memref<!tpu.dma_semaphore, #tpu.memory_space<semaphore_mem>>
      tpu.wait_indirect_dma semaphore(%dma_wait3A_306 : memref<!tpu.dma_semaphore, #tpu.memory_space<semaphore_mem>>) src(%dma_wait3A_304 : memref<10000x128xf32, #tpu.memory_space<hbm>>) dst(%dma_wait3A_298 : memref<80x128xf32, #tpu.memory_space<vmem>>)
      %rem3A_307 = arith.constant 3 : i32
      %rem3A_308 = arith.remsi %add3A_252, %rem3A_307 : i32
      %dma_start3A_309 = arith.constant 1 : i32
      %dma_start3A_310 = arith.constant 0 : i32
      %dma_start3A_311 = arith.constant 0 : i32
      %dma_start3A_312 = tpu.memref_slice %arg9[%rem3A_308, %dma_start3A_310, %dma_start3A_311] : memref<3x80x128xf32, #tpu.memory_space<vmem>> -> memref<1x80x128xf32, #tpu.memory_space<vmem>>
      %dma_start3A_313 = tpu.memref_squeeze %dma_start3A_312 : memref<1x80x128xf32, #tpu.memory_space<vmem>> -> memref<80x128xf32, #tpu.memory_space<vmem>>
      %dma_start3A_314 = arith.constant 0 : i32
      %dma_start3A_315 = tpu.memref_slice %arg8[%rem3A_212, %dma_start3A_309, %dma_start3A_314] : memref<2x5x80xi32, #tpu.memory_space<vmem>> -> memref<1x1x80xi32, #tpu.memory_space<vmem>>
      %dma_start3A_316 = tpu.memref_squeeze %dma_start3A_315 : memref<1x1x80xi32, #tpu.memory_space<vmem>> -> memref<80xi32, #tpu.memory_space<vmem>>
      %dma_start3A_317 = arith.constant 0 : i32
      %dma_start3A_318 = arith.constant 0 : i32
      %dma_start3A_319 = tpu.memref_slice %arg6[%dma_start3A_317, %dma_start3A_318] : memref<10240x128xf32, #tpu.memory_space<vmem_shared>> -> memref<10240x128xf32, #tpu.memory_space<vmem_shared>>
      %dma_start3A_320 = tpu.memref_slice %arg12[%rem3A_308] : memref<3x!tpu.dma_semaphore, #tpu.memory_space<semaphore_mem>> -> memref<1x!tpu.dma_semaphore, #tpu.memory_space<semaphore_mem>>
      %dma_start3A_321 = tpu.memref_squeeze %dma_start3A_320 : memref<1x!tpu.dma_semaphore, #tpu.memory_space<semaphore_mem>> -> memref<!tpu.dma_semaphore, #tpu.memory_space<semaphore_mem>>
      tpu.enqueue_indirect_dma source(%dma_start3A_313 : memref<80x128xf32, #tpu.memory_space<vmem>>) target(%dma_start3A_319 : memref<10240x128xf32, #tpu.memory_space<vmem_shared>>) offsets(%dma_start3A_316 : memref<80xi32, #tpu.memory_space<vmem>>) semaphore(%dma_start3A_321 : memref<!tpu.dma_semaphore, #tpu.memory_space<semaphore_mem>>) {add = true}
      %mul3A_322 = arith.constant 5 : i32
      %mul3A_323 = arith.muli %scan3A_210, %mul3A_322 : i32
      %add3A_324 = arith.constant 2 : i32
      %add3A_325 = arith.addi %mul3A_323, %add3A_324 : i32
      %sub3A_326 = arith.constant 1 : i32
      %sub3A_327 = arith.subi %add3A_325, %sub3A_326 : i32
      %rem3A_328 = arith.constant 3 : i32
      %rem3A_329 = arith.remsi %sub3A_327, %rem3A_328 : i32
      %dma_wait3A_330 = arith.constant 1 : i32
      %dma_wait3A_331 = arith.constant 0 : i32
      %dma_wait3A_332 = arith.constant 0 : i32
      %dma_wait3A_333 = tpu.memref_slice %arg9[%rem3A_329, %dma_wait3A_331, %dma_wait3A_332] : memref<3x80x128xf32, #tpu.memory_space<vmem>> -> memref<1x80x128xf32, #tpu.memory_space<vmem>>
      %dma_wait3A_334 = tpu.memref_squeeze %dma_wait3A_333 : memref<1x80x128xf32, #tpu.memory_space<vmem>> -> memref<80x128xf32, #tpu.memory_space<vmem>>
      %dma_wait3A_335 = arith.constant 0 : i32
      %dma_wait3A_336 = tpu.memref_slice %arg8[%rem3A_212, %dma_wait3A_330, %dma_wait3A_335] : memref<2x5x80xi32, #tpu.memory_space<vmem>> -> memref<1x1x80xi32, #tpu.memory_space<vmem>>
      %dma_wait3A_337 = tpu.memref_squeeze %dma_wait3A_336 : memref<1x1x80xi32, #tpu.memory_space<vmem>> -> memref<80xi32, #tpu.memory_space<vmem>>
      %dma_wait3A_338 = arith.constant 0 : i32
      %dma_wait3A_339 = arith.constant 0 : i32
      %dma_wait3A_340 = tpu.memref_slice %arg6[%dma_wait3A_338, %dma_wait3A_339] : memref<10240x128xf32, #tpu.memory_space<vmem_shared>> -> memref<10240x128xf32, #tpu.memory_space<vmem_shared>>
      %dma_wait3A_341 = tpu.memref_slice %arg12[%rem3A_329] : memref<3x!tpu.dma_semaphore, #tpu.memory_space<semaphore_mem>> -> memref<1x!tpu.dma_semaphore, #tpu.memory_space<semaphore_mem>>
      %dma_wait3A_342 = tpu.memref_squeeze %dma_wait3A_341 : memref<1x!tpu.dma_semaphore, #tpu.memory_space<semaphore_mem>> -> memref<!tpu.dma_semaphore, #tpu.memory_space<semaphore_mem>>
      tpu.wait_indirect_dma semaphore(%dma_wait3A_342 : memref<!tpu.dma_semaphore, #tpu.memory_space<semaphore_mem>>) src(%dma_wait3A_334 : memref<80x128xf32, #tpu.memory_space<vmem>>) dst(%dma_wait3A_340 : memref<10240x128xf32, #tpu.memory_space<vmem_shared>>)
      %add3A_343 = arith.constant 2 : i32
      %add3A_344 = arith.addi %add3A_325, %add3A_343 : i32
      %rem3A_345 = arith.constant 3 : i32
      %rem3A_346 = arith.remsi %add3A_344, %rem3A_345 : i32
      %dma_start3A_347 = arith.constant 4 : i32
      %dma_start3A_348 = arith.constant 0 : i32
      %dma_start3A_349 = arith.constant 0 : i32
      %dma_start3A_350 = tpu.memref_slice %arg9[%rem3A_346, %dma_start3A_348, %dma_start3A_349] : memref<3x80x128xf32, #tpu.memory_space<vmem>> -> memref<1x80x128xf32, #tpu.memory_space<vmem>>
      %dma_start3A_351 = tpu.memref_squeeze %dma_start3A_350 : memref<1x80x128xf32, #tpu.memory_space<vmem>> -> memref<80x128xf32, #tpu.memory_space<vmem>>
      %dma_start3A_352 = arith.constant 0 : i32
      %dma_start3A_353 = tpu.memref_slice %arg7[%rem3A_212, %dma_start3A_347, %dma_start3A_352] : memref<2x5x80xi32, #tpu.memory_space<vmem>> -> memref<1x1x80xi32, #tpu.memory_space<vmem>>
      %dma_start3A_354 = tpu.memref_squeeze %dma_start3A_353 : memref<1x1x80xi32, #tpu.memory_space<vmem>> -> memref<80xi32, #tpu.memory_space<vmem>>
      %dma_start3A_355 = arith.constant 0 : i32
      %dma_start3A_356 = arith.constant 0 : i32
      %dma_start3A_357 = tpu.memref_slice %arg2[%dma_start3A_355, %dma_start3A_356] : memref<10000x128xf32, #tpu.memory_space<hbm>> -> memref<10000x128xf32, #tpu.memory_space<hbm>>
      %dma_start3A_358 = tpu.memref_slice %arg11[%rem3A_346] : memref<3x!tpu.dma_semaphore, #tpu.memory_space<semaphore_mem>> -> memref<1x!tpu.dma_semaphore, #tpu.memory_space<semaphore_mem>>
      %dma_start3A_359 = tpu.memref_squeeze %dma_start3A_358 : memref<1x!tpu.dma_semaphore, #tpu.memory_space<semaphore_mem>> -> memref<!tpu.dma_semaphore, #tpu.memory_space<semaphore_mem>>
      tpu.enqueue_indirect_dma source(%dma_start3A_357 : memref<10000x128xf32, #tpu.memory_space<hbm>>) target(%dma_start3A_351 : memref<80x128xf32, #tpu.memory_space<vmem>>) offsets(%dma_start3A_354 : memref<80xi32, #tpu.memory_space<vmem>>) semaphore(%dma_start3A_359 : memref<!tpu.dma_semaphore, #tpu.memory_space<semaphore_mem>>)
      %lt3A_360 = arith.constant 24 : i32
      %lt3A_361 = arith.cmpi slt, %scan3A_210, %lt3A_360 : i32
      %convert_element_type3A_362 = arith.extui %lt3A_361 : i1 to i32
      %cond3A_363 = arith.constant 0 : i32
      %cond3A_364 = arith.cmpi ne, %convert_element_type3A_362, %cond3A_363 : i32
      scf.if %cond3A_364 {
        %add3A_507 = arith.constant 1 : i32
        %add3A_508 = arith.addi %scan3A_210, %add3A_507 : i32
        %sub3A_509 = arith.constant 1 : i32
        %sub3A_510 = arith.subi %sub3A_509, %rem3A_212 : i32
        %dma_wait3A_511 = arith.constant 0 : i32
        %dma_wait3A_512 = arith.constant 0 : i32
        %dma_wait3A_513 = arith.constant 0 : i32
        %dma_wait3A_514 = tpu.memref_slice %arg7[%sub3A_510, %dma_wait3A_512, %dma_wait3A_513] : memref<2x5x80xi32, #tpu.memory_space<vmem>> -> memref<1x5x80xi32, #tpu.memory_space<vmem>>
        %dma_wait3A_515 = tpu.memref_squeeze %dma_wait3A_514 : memref<1x5x80xi32, #tpu.memory_space<vmem>> -> memref<5x80xi32, #tpu.memory_space<vmem>>
        %dma_wait3A_516 = arith.constant 0 : i32
        %dma_wait3A_517 = arith.constant 0 : i32
        %dma_wait3A_518 = tpu.memref_slice %arg3[%dma_wait3A_511, %add3A, %add3A_508, %dma_wait3A_516, %dma_wait3A_517] : memref<2x32x25x5x80xi32, #tpu.memory_space<hbm>> -> memref<1x1x1x5x80xi32, #tpu.memory_space<hbm>>
        %dma_wait3A_519 = tpu.memref_squeeze %dma_wait3A_518 : memref<1x1x1x5x80xi32, #tpu.memory_space<hbm>> -> memref<5x80xi32, #tpu.memory_space<hbm>>
        %dma_wait3A_520 = tpu.memref_slice %arg10[%sub3A_510] : memref<2x!tpu.dma_semaphore, #tpu.memory_space<semaphore_mem>> -> memref<1x!tpu.dma_semaphore, #tpu.memory_space<semaphore_mem>>
        %dma_wait3A_521 = tpu.memref_squeeze %dma_wait3A_520 : memref<1x!tpu.dma_semaphore, #tpu.memory_space<semaphore_mem>> -> memref<!tpu.dma_semaphore, #tpu.memory_space<semaphore_mem>>
        %dma_wait3A_522 = arith.constant 0 : i32
        %dma_wait3A_523 = arith.constant 0 : i32
        %dma_wait3A_524 = tpu.memref_slice %arg7[%sub3A_510, %dma_wait3A_522, %dma_wait3A_523] : memref<2x5x80xi32, #tpu.memory_space<vmem>> -> memref<1x5x80xi32, #tpu.memory_space<vmem>>
        %dma_wait3A_525 = tpu.memref_squeeze %dma_wait3A_524 : memref<1x5x80xi32, #tpu.memory_space<vmem>> -> memref<5x80xi32, #tpu.memory_space<vmem>>
        %dma_wait3A_526 = arith.constant 0 : i32
        %dma_wait3A_527 = arith.constant 0 : i32
        %dma_wait3A_528 = tpu.memref_slice %arg3[%dma_wait3A_511, %add3A, %add3A_508, %dma_wait3A_526, %dma_wait3A_527] : memref<2x32x25x5x80xi32, #tpu.memory_space<hbm>> -> memref<1x1x1x5x80xi32, #tpu.memory_space<hbm>>
        %dma_wait3A_529 = tpu.memref_squeeze %dma_wait3A_528 : memref<1x1x1x5x80xi32, #tpu.memory_space<hbm>> -> memref<5x80xi32, #tpu.memory_space<hbm>>
        tpu.wait_dma2 semaphore(%dma_wait3A_521 : memref<!tpu.dma_semaphore, #tpu.memory_space<semaphore_mem>>) src(%dma_wait3A_529 : memref<5x80xi32, #tpu.memory_space<hbm>>) dst(%dma_wait3A_525 : memref<5x80xi32, #tpu.memory_space<vmem>>)
        %dma_wait3A_530 = arith.constant 1 : i32
        %dma_wait3A_531 = arith.constant 0 : i32
        %dma_wait3A_532 = arith.constant 0 : i32
        %dma_wait3A_533 = tpu.memref_slice %arg8[%sub3A_510, %dma_wait3A_531, %dma_wait3A_532] : memref<2x5x80xi32, #tpu.memory_space<vmem>> -> memref<1x5x80xi32, #tpu.memory_space<vmem>>
        %dma_wait3A_534 = tpu.memref_squeeze %dma_wait3A_533 : memref<1x5x80xi32, #tpu.memory_space<vmem>> -> memref<5x80xi32, #tpu.memory_space<vmem>>
        %dma_wait3A_535 = arith.constant 0 : i32
        %dma_wait3A_536 = arith.constant 0 : i32
        %dma_wait3A_537 = tpu.memref_slice %arg3[%dma_wait3A_530, %add3A, %add3A_508, %dma_wait3A_535, %dma_wait3A_536] : memref<2x32x25x5x80xi32, #tpu.memory_space<hbm>> -> memref<1x1x1x5x80xi32, #tpu.memory_space<hbm>>
        %dma_wait3A_538 = tpu.memref_squeeze %dma_wait3A_537 : memref<1x1x1x5x80xi32, #tpu.memory_space<hbm>> -> memref<5x80xi32, #tpu.memory_space<hbm>>
        %dma_wait3A_539 = tpu.memref_slice %arg10[%sub3A_510] : memref<2x!tpu.dma_semaphore, #tpu.memory_space<semaphore_mem>> -> memref<1x!tpu.dma_semaphore, #tpu.memory_space<semaphore_mem>>
        %dma_wait3A_540 = tpu.memref_squeeze %dma_wait3A_539 : memref<1x!tpu.dma_semaphore, #tpu.memory_space<semaphore_mem>> -> memref<!tpu.dma_semaphore, #tpu.memory_space<semaphore_mem>>
        %dma_wait3A_541 = arith.constant 0 : i32
        %dma_wait3A_542 = arith.constant 0 : i32
        %dma_wait3A_543 = tpu.memref_slice %arg8[%sub3A_510, %dma_wait3A_541, %dma_wait3A_542] : memref<2x5x80xi32, #tpu.memory_space<vmem>> -> memref<1x5x80xi32, #tpu.memory_space<vmem>>
        %dma_wait3A_544 = tpu.memref_squeeze %dma_wait3A_543 : memref<1x5x80xi32, #tpu.memory_space<vmem>> -> memref<5x80xi32, #tpu.memory_space<vmem>>
        %dma_wait3A_545 = arith.constant 0 : i32
        %dma_wait3A_546 = arith.constant 0 : i32
        %dma_wait3A_547 = tpu.memref_slice %arg3[%dma_wait3A_530, %add3A, %add3A_508, %dma_wait3A_545, %dma_wait3A_546] : memref<2x32x25x5x80xi32, #tpu.memory_space<hbm>> -> memref<1x1x1x5x80xi32, #tpu.memory_space<hbm>>
        %dma_wait3A_548 = tpu.memref_squeeze %dma_wait3A_547 : memref<1x1x1x5x80xi32, #tpu.memory_space<hbm>> -> memref<5x80xi32, #tpu.memory_space<hbm>>
        tpu.wait_dma2 semaphore(%dma_wait3A_540 : memref<!tpu.dma_semaphore, #tpu.memory_space<semaphore_mem>>) src(%dma_wait3A_548 : memref<5x80xi32, #tpu.memory_space<hbm>>) dst(%dma_wait3A_544 : memref<5x80xi32, #tpu.memory_space<vmem>>)
      } else {
      }
      %rem3A_365 = arith.constant 3 : i32
      %rem3A_366 = arith.remsi %add3A_325, %rem3A_365 : i32
      %dma_wait3A_367 = arith.constant 2 : i32
      %dma_wait3A_368 = arith.constant 0 : i32
      %dma_wait3A_369 = arith.constant 0 : i32
      %dma_wait3A_370 = tpu.memref_slice %arg9[%rem3A_366, %dma_wait3A_368, %dma_wait3A_369] : memref<3x80x128xf32, #tpu.memory_space<vmem>> -> memref<1x80x128xf32, #tpu.memory_space<vmem>>
      %dma_wait3A_371 = tpu.memref_squeeze %dma_wait3A_370 : memref<1x80x128xf32, #tpu.memory_space<vmem>> -> memref<80x128xf32, #tpu.memory_space<vmem>>
      %dma_wait3A_372 = arith.constant 0 : i32
      %dma_wait3A_373 = tpu.memref_slice %arg7[%rem3A_212, %dma_wait3A_367, %dma_wait3A_372] : memref<2x5x80xi32, #tpu.memory_space<vmem>> -> memref<1x1x80xi32, #tpu.memory_space<vmem>>
      %dma_wait3A_374 = tpu.memref_squeeze %dma_wait3A_373 : memref<1x1x80xi32, #tpu.memory_space<vmem>> -> memref<80xi32, #tpu.memory_space<vmem>>
      %dma_wait3A_375 = arith.constant 0 : i32
      %dma_wait3A_376 = arith.constant 0 : i32
      %dma_wait3A_377 = tpu.memref_slice %arg2[%dma_wait3A_375, %dma_wait3A_376] : memref<10000x128xf32, #tpu.memory_space<hbm>> -> memref<10000x128xf32, #tpu.memory_space<hbm>>
      %dma_wait3A_378 = tpu.memref_slice %arg11[%rem3A_366] : memref<3x!tpu.dma_semaphore, #tpu.memory_space<semaphore_mem>> -> memref<1x!tpu.dma_semaphore, #tpu.memory_space<semaphore_mem>>
      %dma_wait3A_379 = tpu.memref_squeeze %dma_wait3A_378 : memref<1x!tpu.dma_semaphore, #tpu.memory_space<semaphore_mem>> -> memref<!tpu.dma_semaphore, #tpu.memory_space<semaphore_mem>>
      tpu.wait_indirect_dma semaphore(%dma_wait3A_379 : memref<!tpu.dma_semaphore, #tpu.memory_space<semaphore_mem>>) src(%dma_wait3A_377 : memref<10000x128xf32, #tpu.memory_space<hbm>>) dst(%dma_wait3A_371 : memref<80x128xf32, #tpu.memory_space<vmem>>)
      %rem3A_380 = arith.constant 3 : i32
      %rem3A_381 = arith.remsi %add3A_325, %rem3A_380 : i32
      %dma_start3A_382 = arith.constant 2 : i32
      %dma_start3A_383 = arith.constant 0 : i32
      %dma_start3A_384 = arith.constant 0 : i32
      %dma_start3A_385 = tpu.memref_slice %arg9[%rem3A_381, %dma_start3A_383, %dma_start3A_384] : memref<3x80x128xf32, #tpu.memory_space<vmem>> -> memref<1x80x128xf32, #tpu.memory_space<vmem>>
      %dma_start3A_386 = tpu.memref_squeeze %dma_start3A_385 : memref<1x80x128xf32, #tpu.memory_space<vmem>> -> memref<80x128xf32, #tpu.memory_space<vmem>>
      %dma_start3A_387 = arith.constant 0 : i32
      %dma_start3A_388 = tpu.memref_slice %arg8[%rem3A_212, %dma_start3A_382, %dma_start3A_387] : memref<2x5x80xi32, #tpu.memory_space<vmem>> -> memref<1x1x80xi32, #tpu.memory_space<vmem>>
      %dma_start3A_389 = tpu.memref_squeeze %dma_start3A_388 : memref<1x1x80xi32, #tpu.memory_space<vmem>> -> memref<80xi32, #tpu.memory_space<vmem>>
      %dma_start3A_390 = arith.constant 0 : i32
      %dma_start3A_391 = arith.constant 0 : i32
      %dma_start3A_392 = tpu.memref_slice %arg6[%dma_start3A_390, %dma_start3A_391] : memref<10240x128xf32, #tpu.memory_space<vmem_shared>> -> memref<10240x128xf32, #tpu.memory_space<vmem_shared>>
      %dma_start3A_393 = tpu.memref_slice %arg12[%rem3A_381] : memref<3x!tpu.dma_semaphore, #tpu.memory_space<semaphore_mem>> -> memref<1x!tpu.dma_semaphore, #tpu.memory_space<semaphore_mem>>
      %dma_start3A_394 = tpu.memref_squeeze %dma_start3A_393 : memref<1x!tpu.dma_semaphore, #tpu.memory_space<semaphore_mem>> -> memref<!tpu.dma_semaphore, #tpu.memory_space<semaphore_mem>>
      tpu.enqueue_indirect_dma source(%dma_start3A_386 : memref<80x128xf32, #tpu.memory_space<vmem>>) target(%dma_start3A_392 : memref<10240x128xf32, #tpu.memory_space<vmem_shared>>) offsets(%dma_start3A_389 : memref<80xi32, #tpu.memory_space<vmem>>) semaphore(%dma_start3A_394 : memref<!tpu.dma_semaphore, #tpu.memory_space<semaphore_mem>>) {add = true}
      %mul3A_395 = arith.constant 5 : i32
      %mul3A_396 = arith.muli %scan3A_210, %mul3A_395 : i32
      %add3A_397 = arith.constant 3 : i32
      %add3A_398 = arith.addi %mul3A_396, %add3A_397 : i32
      %sub3A_399 = arith.constant 1 : i32
      %sub3A_400 = arith.subi %add3A_398, %sub3A_399 : i32
      %rem3A_401 = arith.constant 3 : i32
      %rem3A_402 = arith.remsi %sub3A_400, %rem3A_401 : i32
      %dma_wait3A_403 = arith.constant 2 : i32
      %dma_wait3A_404 = arith.constant 0 : i32
      %dma_wait3A_405 = arith.constant 0 : i32
      %dma_wait3A_406 = tpu.memref_slice %arg9[%rem3A_402, %dma_wait3A_404, %dma_wait3A_405] : memref<3x80x128xf32, #tpu.memory_space<vmem>> -> memref<1x80x128xf32, #tpu.memory_space<vmem>>
      %dma_wait3A_407 = tpu.memref_squeeze %dma_wait3A_406 : memref<1x80x128xf32, #tpu.memory_space<vmem>> -> memref<80x128xf32, #tpu.memory_space<vmem>>
      %dma_wait3A_408 = arith.constant 0 : i32
      %dma_wait3A_409 = tpu.memref_slice %arg8[%rem3A_212, %dma_wait3A_403, %dma_wait3A_408] : memref<2x5x80xi32, #tpu.memory_space<vmem>> -> memref<1x1x80xi32, #tpu.memory_space<vmem>>
      %dma_wait3A_410 = tpu.memref_squeeze %dma_wait3A_409 : memref<1x1x80xi32, #tpu.memory_space<vmem>> -> memref<80xi32, #tpu.memory_space<vmem>>
      %dma_wait3A_411 = arith.constant 0 : i32
      %dma_wait3A_412 = arith.constant 0 : i32
      %dma_wait3A_413 = tpu.memref_slice %arg6[%dma_wait3A_411, %dma_wait3A_412] : memref<10240x128xf32, #tpu.memory_space<vmem_shared>> -> memref<10240x128xf32, #tpu.memory_space<vmem_shared>>
      %dma_wait3A_414 = tpu.memref_slice %arg12[%rem3A_402] : memref<3x!tpu.dma_semaphore, #tpu.memory_space<semaphore_mem>> -> memref<1x!tpu.dma_semaphore, #tpu.memory_space<semaphore_mem>>
      %dma_wait3A_415 = tpu.memref_squeeze %dma_wait3A_414 : memref<1x!tpu.dma_semaphore, #tpu.memory_space<semaphore_mem>> -> memref<!tpu.dma_semaphore, #tpu.memory_space<semaphore_mem>>
      tpu.wait_indirect_dma semaphore(%dma_wait3A_415 : memref<!tpu.dma_semaphore, #tpu.memory_space<semaphore_mem>>) src(%dma_wait3A_407 : memref<80x128xf32, #tpu.memory_space<vmem>>) dst(%dma_wait3A_413 : memref<10240x128xf32, #tpu.memory_space<vmem_shared>>)
      %lt3A_416 = arith.constant 24 : i32
      %lt3A_417 = arith.cmpi slt, %scan3A_210, %lt3A_416 : i32
      %convert_element_type3A_418 = arith.extui %lt3A_417 : i1 to i32
      %cond3A_419 = arith.constant 0 : i32
      %cond3A_420 = arith.cmpi ne, %convert_element_type3A_418, %cond3A_419 : i32
      scf.if %cond3A_420 {
        %add3A_507 = arith.constant 2 : i32
        %add3A_508 = arith.addi %add3A_398, %add3A_507 : i32
        %sub3A_509 = arith.constant 1 : i32
        %sub3A_510 = arith.subi %sub3A_509, %rem3A_212 : i32
        %rem3A_511 = arith.constant 3 : i32
        %rem3A_512 = arith.remsi %add3A_508, %rem3A_511 : i32
        %dma_start3A_513 = arith.constant 0 : i32
        %dma_start3A_514 = arith.constant 0 : i32
        %dma_start3A_515 = arith.constant 0 : i32
        %dma_start3A_516 = tpu.memref_slice %arg9[%rem3A_512, %dma_start3A_514, %dma_start3A_515] : memref<3x80x128xf32, #tpu.memory_space<vmem>> -> memref<1x80x128xf32, #tpu.memory_space<vmem>>
        %dma_start3A_517 = tpu.memref_squeeze %dma_start3A_516 : memref<1x80x128xf32, #tpu.memory_space<vmem>> -> memref<80x128xf32, #tpu.memory_space<vmem>>
        %dma_start3A_518 = arith.constant 0 : i32
        %dma_start3A_519 = tpu.memref_slice %arg7[%sub3A_510, %dma_start3A_513, %dma_start3A_518] : memref<2x5x80xi32, #tpu.memory_space<vmem>> -> memref<1x1x80xi32, #tpu.memory_space<vmem>>
        %dma_start3A_520 = tpu.memref_squeeze %dma_start3A_519 : memref<1x1x80xi32, #tpu.memory_space<vmem>> -> memref<80xi32, #tpu.memory_space<vmem>>
        %dma_start3A_521 = arith.constant 0 : i32
        %dma_start3A_522 = arith.constant 0 : i32
        %dma_start3A_523 = tpu.memref_slice %arg2[%dma_start3A_521, %dma_start3A_522] : memref<10000x128xf32, #tpu.memory_space<hbm>> -> memref<10000x128xf32, #tpu.memory_space<hbm>>
        %dma_start3A_524 = tpu.memref_slice %arg11[%rem3A_512] : memref<3x!tpu.dma_semaphore, #tpu.memory_space<semaphore_mem>> -> memref<1x!tpu.dma_semaphore, #tpu.memory_space<semaphore_mem>>
        %dma_start3A_525 = tpu.memref_squeeze %dma_start3A_524 : memref<1x!tpu.dma_semaphore, #tpu.memory_space<semaphore_mem>> -> memref<!tpu.dma_semaphore, #tpu.memory_space<semaphore_mem>>
        tpu.enqueue_indirect_dma source(%dma_start3A_523 : memref<10000x128xf32, #tpu.memory_space<hbm>>) target(%dma_start3A_517 : memref<80x128xf32, #tpu.memory_space<vmem>>) offsets(%dma_start3A_520 : memref<80xi32, #tpu.memory_space<vmem>>) semaphore(%dma_start3A_525 : memref<!tpu.dma_semaphore, #tpu.memory_space<semaphore_mem>>)
      } else {
      }
      %rem3A_421 = arith.constant 3 : i32
      %rem3A_422 = arith.remsi %add3A_398, %rem3A_421 : i32
      %dma_wait3A_423 = arith.constant 3 : i32
      %dma_wait3A_424 = arith.constant 0 : i32
      %dma_wait3A_425 = arith.constant 0 : i32
      %dma_wait3A_426 = tpu.memref_slice %arg9[%rem3A_422, %dma_wait3A_424, %dma_wait3A_425] : memref<3x80x128xf32, #tpu.memory_space<vmem>> -> memref<1x80x128xf32, #tpu.memory_space<vmem>>
      %dma_wait3A_427 = tpu.memref_squeeze %dma_wait3A_426 : memref<1x80x128xf32, #tpu.memory_space<vmem>> -> memref<80x128xf32, #tpu.memory_space<vmem>>
      %dma_wait3A_428 = arith.constant 0 : i32
      %dma_wait3A_429 = tpu.memref_slice %arg7[%rem3A_212, %dma_wait3A_423, %dma_wait3A_428] : memref<2x5x80xi32, #tpu.memory_space<vmem>> -> memref<1x1x80xi32, #tpu.memory_space<vmem>>
      %dma_wait3A_430 = tpu.memref_squeeze %dma_wait3A_429 : memref<1x1x80xi32, #tpu.memory_space<vmem>> -> memref<80xi32, #tpu.memory_space<vmem>>
      %dma_wait3A_431 = arith.constant 0 : i32
      %dma_wait3A_432 = arith.constant 0 : i32
      %dma_wait3A_433 = tpu.memref_slice %arg2[%dma_wait3A_431, %dma_wait3A_432] : memref<10000x128xf32, #tpu.memory_space<hbm>> -> memref<10000x128xf32, #tpu.memory_space<hbm>>
      %dma_wait3A_434 = tpu.memref_slice %arg11[%rem3A_422] : memref<3x!tpu.dma_semaphore, #tpu.memory_space<semaphore_mem>> -> memref<1x!tpu.dma_semaphore, #tpu.memory_space<semaphore_mem>>
      %dma_wait3A_435 = tpu.memref_squeeze %dma_wait3A_434 : memref<1x!tpu.dma_semaphore, #tpu.memory_space<semaphore_mem>> -> memref<!tpu.dma_semaphore, #tpu.memory_space<semaphore_mem>>
      tpu.wait_indirect_dma semaphore(%dma_wait3A_435 : memref<!tpu.dma_semaphore, #tpu.memory_space<semaphore_mem>>) src(%dma_wait3A_433 : memref<10000x128xf32, #tpu.memory_space<hbm>>) dst(%dma_wait3A_427 : memref<80x128xf32, #tpu.memory_space<vmem>>)
      %rem3A_436 = arith.constant 3 : i32
      %rem3A_437 = arith.remsi %add3A_398, %rem3A_436 : i32
      %dma_start3A_438 = arith.constant 3 : i32
      %dma_start3A_439 = arith.constant 0 : i32
      %dma_start3A_440 = arith.constant 0 : i32
      %dma_start3A_441 = tpu.memref_slice %arg9[%rem3A_437, %dma_start3A_439, %dma_start3A_440] : memref<3x80x128xf32, #tpu.memory_space<vmem>> -> memref<1x80x128xf32, #tpu.memory_space<vmem>>
      %dma_start3A_442 = tpu.memref_squeeze %dma_start3A_441 : memref<1x80x128xf32, #tpu.memory_space<vmem>> -> memref<80x128xf32, #tpu.memory_space<vmem>>
      %dma_start3A_443 = arith.constant 0 : i32
      %dma_start3A_444 = tpu.memref_slice %arg8[%rem3A_212, %dma_start3A_438, %dma_start3A_443] : memref<2x5x80xi32, #tpu.memory_space<vmem>> -> memref<1x1x80xi32, #tpu.memory_space<vmem>>
      %dma_start3A_445 = tpu.memref_squeeze %dma_start3A_444 : memref<1x1x80xi32, #tpu.memory_space<vmem>> -> memref<80xi32, #tpu.memory_space<vmem>>
      %dma_start3A_446 = arith.constant 0 : i32
      %dma_start3A_447 = arith.constant 0 : i32
      %dma_start3A_448 = tpu.memref_slice %arg6[%dma_start3A_446, %dma_start3A_447] : memref<10240x128xf32, #tpu.memory_space<vmem_shared>> -> memref<10240x128xf32, #tpu.memory_space<vmem_shared>>
      %dma_start3A_449 = tpu.memref_slice %arg12[%rem3A_437] : memref<3x!tpu.dma_semaphore, #tpu.memory_space<semaphore_mem>> -> memref<1x!tpu.dma_semaphore, #tpu.memory_space<semaphore_mem>>
      %dma_start3A_450 = tpu.memref_squeeze %dma_start3A_449 : memref<1x!tpu.dma_semaphore, #tpu.memory_space<semaphore_mem>> -> memref<!tpu.dma_semaphore, #tpu.memory_space<semaphore_mem>>
      tpu.enqueue_indirect_dma source(%dma_start3A_442 : memref<80x128xf32, #tpu.memory_space<vmem>>) target(%dma_start3A_448 : memref<10240x128xf32, #tpu.memory_space<vmem_shared>>) offsets(%dma_start3A_445 : memref<80xi32, #tpu.memory_space<vmem>>) semaphore(%dma_start3A_450 : memref<!tpu.dma_semaphore, #tpu.memory_space<semaphore_mem>>) {add = true}
      %mul3A_451 = arith.constant 5 : i32
      %mul3A_452 = arith.muli %scan3A_210, %mul3A_451 : i32
      %add3A_453 = arith.constant 4 : i32
      %add3A_454 = arith.addi %mul3A_452, %add3A_453 : i32
      %sub3A_455 = arith.constant 1 : i32
      %sub3A_456 = arith.subi %add3A_454, %sub3A_455 : i32
      %rem3A_457 = arith.constant 3 : i32
      %rem3A_458 = arith.remsi %sub3A_456, %rem3A_457 : i32
      %dma_wait3A_459 = arith.constant 3 : i32
      %dma_wait3A_460 = arith.constant 0 : i32
      %dma_wait3A_461 = arith.constant 0 : i32
      %dma_wait3A_462 = tpu.memref_slice %arg9[%rem3A_458, %dma_wait3A_460, %dma_wait3A_461] : memref<3x80x128xf32, #tpu.memory_space<vmem>> -> memref<1x80x128xf32, #tpu.memory_space<vmem>>
      %dma_wait3A_463 = tpu.memref_squeeze %dma_wait3A_462 : memref<1x80x128xf32, #tpu.memory_space<vmem>> -> memref<80x128xf32, #tpu.memory_space<vmem>>
      %dma_wait3A_464 = arith.constant 0 : i32
      %dma_wait3A_465 = tpu.memref_slice %arg8[%rem3A_212, %dma_wait3A_459, %dma_wait3A_464] : memref<2x5x80xi32, #tpu.memory_space<vmem>> -> memref<1x1x80xi32, #tpu.memory_space<vmem>>
      %dma_wait3A_466 = tpu.memref_squeeze %dma_wait3A_465 : memref<1x1x80xi32, #tpu.memory_space<vmem>> -> memref<80xi32, #tpu.memory_space<vmem>>
      %dma_wait3A_467 = arith.constant 0 : i32
      %dma_wait3A_468 = arith.constant 0 : i32
      %dma_wait3A_469 = tpu.memref_slice %arg6[%dma_wait3A_467, %dma_wait3A_468] : memref<10240x128xf32, #tpu.memory_space<vmem_shared>> -> memref<10240x128xf32, #tpu.memory_space<vmem_shared>>
      %dma_wait3A_470 = tpu.memref_slice %arg12[%rem3A_458] : memref<3x!tpu.dma_semaphore, #tpu.memory_space<semaphore_mem>> -> memref<1x!tpu.dma_semaphore, #tpu.memory_space<semaphore_mem>>
      %dma_wait3A_471 = tpu.memref_squeeze %dma_wait3A_470 : memref<1x!tpu.dma_semaphore, #tpu.memory_space<semaphore_mem>> -> memref<!tpu.dma_semaphore, #tpu.memory_space<semaphore_mem>>
      tpu.wait_indirect_dma semaphore(%dma_wait3A_471 : memref<!tpu.dma_semaphore, #tpu.memory_space<semaphore_mem>>) src(%dma_wait3A_463 : memref<80x128xf32, #tpu.memory_space<vmem>>) dst(%dma_wait3A_469 : memref<10240x128xf32, #tpu.memory_space<vmem_shared>>)
      %lt3A_472 = arith.constant 24 : i32
      %lt3A_473 = arith.cmpi slt, %scan3A_210, %lt3A_472 : i32
      %convert_element_type3A_474 = arith.extui %lt3A_473 : i1 to i32
      %cond3A_475 = arith.constant 0 : i32
      %cond3A_476 = arith.cmpi ne, %convert_element_type3A_474, %cond3A_475 : i32
      scf.if %cond3A_476 {
        %add3A_507 = arith.constant 2 : i32
        %add3A_508 = arith.addi %add3A_454, %add3A_507 : i32
        %sub3A_509 = arith.constant 1 : i32
        %sub3A_510 = arith.subi %sub3A_509, %rem3A_212 : i32
        %rem3A_511 = arith.constant 3 : i32
        %rem3A_512 = arith.remsi %add3A_508, %rem3A_511 : i32
        %dma_start3A_513 = arith.constant 1 : i32
        %dma_start3A_514 = arith.constant 0 : i32
        %dma_start3A_515 = arith.constant 0 : i32
        %dma_start3A_516 = tpu.memref_slice %arg9[%rem3A_512, %dma_start3A_514, %dma_start3A_515] : memref<3x80x128xf32, #tpu.memory_space<vmem>> -> memref<1x80x128xf32, #tpu.memory_space<vmem>>
        %dma_start3A_517 = tpu.memref_squeeze %dma_start3A_516 : memref<1x80x128xf32, #tpu.memory_space<vmem>> -> memref<80x128xf32, #tpu.memory_space<vmem>>
        %dma_start3A_518 = arith.constant 0 : i32
        %dma_start3A_519 = tpu.memref_slice %arg7[%sub3A_510, %dma_start3A_513, %dma_start3A_518] : memref<2x5x80xi32, #tpu.memory_space<vmem>> -> memref<1x1x80xi32, #tpu.memory_space<vmem>>
        %dma_start3A_520 = tpu.memref_squeeze %dma_start3A_519 : memref<1x1x80xi32, #tpu.memory_space<vmem>> -> memref<80xi32, #tpu.memory_space<vmem>>
        %dma_start3A_521 = arith.constant 0 : i32
        %dma_start3A_522 = arith.constant 0 : i32
        %dma_start3A_523 = tpu.memref_slice %arg2[%dma_start3A_521, %dma_start3A_522] : memref<10000x128xf32, #tpu.memory_space<hbm>> -> memref<10000x128xf32, #tpu.memory_space<hbm>>
        %dma_start3A_524 = tpu.memref_slice %arg11[%rem3A_512] : memref<3x!tpu.dma_semaphore, #tpu.memory_space<semaphore_mem>> -> memref<1x!tpu.dma_semaphore, #tpu.memory_space<semaphore_mem>>
        %dma_start3A_525 = tpu.memref_squeeze %dma_start3A_524 : memref<1x!tpu.dma_semaphore, #tpu.memory_space<semaphore_mem>> -> memref<!tpu.dma_semaphore, #tpu.memory_space<semaphore_mem>>
        tpu.enqueue_indirect_dma source(%dma_start3A_523 : memref<10000x128xf32, #tpu.memory_space<hbm>>) target(%dma_start3A_517 : memref<80x128xf32, #tpu.memory_space<vmem>>) offsets(%dma_start3A_520 : memref<80xi32, #tpu.memory_space<vmem>>) semaphore(%dma_start3A_525 : memref<!tpu.dma_semaphore, #tpu.memory_space<semaphore_mem>>)
      } else {
      }
      %rem3A_477 = arith.constant 3 : i32
      %rem3A_478 = arith.remsi %add3A_454, %rem3A_477 : i32
      %dma_wait3A_479 = arith.constant 4 : i32
      %dma_wait3A_480 = arith.constant 0 : i32
      %dma_wait3A_481 = arith.constant 0 : i32
      %dma_wait3A_482 = tpu.memref_slice %arg9[%rem3A_478, %dma_wait3A_480, %dma_wait3A_481] : memref<3x80x128xf32, #tpu.memory_space<vmem>> -> memref<1x80x128xf32, #tpu.memory_space<vmem>>
      %dma_wait3A_483 = tpu.memref_squeeze %dma_wait3A_482 : memref<1x80x128xf32, #tpu.memory_space<vmem>> -> memref<80x128xf32, #tpu.memory_space<vmem>>
      %dma_wait3A_484 = arith.constant 0 : i32
      %dma_wait3A_485 = tpu.memref_slice %arg7[%rem3A_212, %dma_wait3A_479, %dma_wait3A_484] : memref<2x5x80xi32, #tpu.memory_space<vmem>> -> memref<1x1x80xi32, #tpu.memory_space<vmem>>
      %dma_wait3A_486 = tpu.memref_squeeze %dma_wait3A_485 : memref<1x1x80xi32, #tpu.memory_space<vmem>> -> memref<80xi32, #tpu.memory_space<vmem>>
      %dma_wait3A_487 = arith.constant 0 : i32
      %dma_wait3A_488 = arith.constant 0 : i32
      %dma_wait3A_489 = tpu.memref_slice %arg2[%dma_wait3A_487, %dma_wait3A_488] : memref<10000x128xf32, #tpu.memory_space<hbm>> -> memref<10000x128xf32, #tpu.memory_space<hbm>>
      %dma_wait3A_490 = tpu.memref_slice %arg11[%rem3A_478] : memref<3x!tpu.dma_semaphore, #tpu.memory_space<semaphore_mem>> -> memref<1x!tpu.dma_semaphore, #tpu.memory_space<semaphore_mem>>
      %dma_wait3A_491 = tpu.memref_squeeze %dma_wait3A_490 : memref<1x!tpu.dma_semaphore, #tpu.memory_space<semaphore_mem>> -> memref<!tpu.dma_semaphore, #tpu.memory_space<semaphore_mem>>
      tpu.wait_indirect_dma semaphore(%dma_wait3A_491 : memref<!tpu.dma_semaphore, #tpu.memory_space<semaphore_mem>>) src(%dma_wait3A_489 : memref<10000x128xf32, #tpu.memory_space<hbm>>) dst(%dma_wait3A_483 : memref<80x128xf32, #tpu.memory_space<vmem>>)
      %rem3A_492 = arith.constant 3 : i32
      %rem3A_493 = arith.remsi %add3A_454, %rem3A_492 : i32
      %dma_start3A_494 = arith.constant 4 : i32
      %dma_start3A_495 = arith.constant 0 : i32
      %dma_start3A_496 = arith.constant 0 : i32
      %dma_start3A_497 = tpu.memref_slice %arg9[%rem3A_493, %dma_start3A_495, %dma_start3A_496] : memref<3x80x128xf32, #tpu.memory_space<vmem>> -> memref<1x80x128xf32, #tpu.memory_space<vmem>>
      %dma_start3A_498 = tpu.memref_squeeze %dma_start3A_497 : memref<1x80x128xf32, #tpu.memory_space<vmem>> -> memref<80x128xf32, #tpu.memory_space<vmem>>
      %dma_start3A_499 = arith.constant 0 : i32
      %dma_start3A_500 = tpu.memref_slice %arg8[%rem3A_212, %dma_start3A_494, %dma_start3A_499] : memref<2x5x80xi32, #tpu.memory_space<vmem>> -> memref<1x1x80xi32, #tpu.memory_space<vmem>>
      %dma_start3A_501 = tpu.memref_squeeze %dma_start3A_500 : memref<1x1x80xi32, #tpu.memory_space<vmem>> -> memref<80xi32, #tpu.memory_space<vmem>>
      %dma_start3A_502 = arith.constant 0 : i32
      %dma_start3A_503 = arith.constant 0 : i32
      %dma_start3A_504 = tpu.memref_slice %arg6[%dma_start3A_502, %dma_start3A_503] : memref<10240x128xf32, #tpu.memory_space<vmem_shared>> -> memref<10240x128xf32, #tpu.memory_space<vmem_shared>>
      %dma_start3A_505 = tpu.memref_slice %arg12[%rem3A_493] : memref<3x!tpu.dma_semaphore, #tpu.memory_space<semaphore_mem>> -> memref<1x!tpu.dma_semaphore, #tpu.memory_space<semaphore_mem>>
      %dma_start3A_506 = tpu.memref_squeeze %dma_start3A_505 : memref<1x!tpu.dma_semaphore, #tpu.memory_space<semaphore_mem>> -> memref<!tpu.dma_semaphore, #tpu.memory_space<semaphore_mem>>
      tpu.enqueue_indirect_dma source(%dma_start3A_498 : memref<80x128xf32, #tpu.memory_space<vmem>>) target(%dma_start3A_504 : memref<10240x128xf32, #tpu.memory_space<vmem_shared>>) offsets(%dma_start3A_501 : memref<80xi32, #tpu.memory_space<vmem>>) semaphore(%dma_start3A_506 : memref<!tpu.dma_semaphore, #tpu.memory_space<semaphore_mem>>) {add = true}
    }
    %scan3A_187 = arith.constant 25 : i32
    %rem3A_188 = arith.constant 124 : i32
    %rem3A_189 = arith.constant 3 : i32
    %rem3A_190 = arith.remsi %rem3A_188, %rem3A_189 : i32
    %dma_wait3A_191 = arith.constant 0 : i32
    %dma_wait3A_192 = arith.constant 4 : i32
    %dma_wait3A_193 = arith.constant 0 : i32
    %dma_wait3A_194 = arith.constant 0 : i32
    %dma_wait3A_195 = tpu.memref_slice %arg9[%rem3A_190, %dma_wait3A_193, %dma_wait3A_194] : memref<3x80x128xf32, #tpu.memory_space<vmem>> -> memref<1x80x128xf32, #tpu.memory_space<vmem>>
    %dma_wait3A_196 = tpu.memref_squeeze %dma_wait3A_195 : memref<1x80x128xf32, #tpu.memory_space<vmem>> -> memref<80x128xf32, #tpu.memory_space<vmem>>
    %dma_wait3A_197 = arith.constant 0 : i32
    %dma_wait3A_198 = tpu.memref_slice %arg8[%dma_wait3A_191, %dma_wait3A_192, %dma_wait3A_197] : memref<2x5x80xi32, #tpu.memory_space<vmem>> -> memref<1x1x80xi32, #tpu.memory_space<vmem>>
    %dma_wait3A_199 = tpu.memref_squeeze %dma_wait3A_198 : memref<1x1x80xi32, #tpu.memory_space<vmem>> -> memref<80xi32, #tpu.memory_space<vmem>>
    %dma_wait3A_200 = arith.constant 0 : i32
    %dma_wait3A_201 = arith.constant 0 : i32
    %dma_wait3A_202 = tpu.memref_slice %arg6[%dma_wait3A_200, %dma_wait3A_201] : memref<10240x128xf32, #tpu.memory_space<vmem_shared>> -> memref<10240x128xf32, #tpu.memory_space<vmem_shared>>
    %dma_wait3A_203 = tpu.memref_slice %arg12[%rem3A_190] : memref<3x!tpu.dma_semaphore, #tpu.memory_space<semaphore_mem>> -> memref<1x!tpu.dma_semaphore, #tpu.memory_space<semaphore_mem>>
    %dma_wait3A_204 = tpu.memref_squeeze %dma_wait3A_203 : memref<1x!tpu.dma_semaphore, #tpu.memory_space<semaphore_mem>> -> memref<!tpu.dma_semaphore, #tpu.memory_space<semaphore_mem>>
    tpu.wait_indirect_dma semaphore(%dma_wait3A_204 : memref<!tpu.dma_semaphore, #tpu.memory_space<semaphore_mem>>) src(%dma_wait3A_196 : memref<80x128xf32, #tpu.memory_space<vmem>>) dst(%dma_wait3A_202 : memref<10240x128xf32, #tpu.memory_space<vmem_shared>>)
    %barrier3A_205 = arith.constant 0 : index
    tpu.barrier barrier_id(%barrier3A_205)
    %mul3A_206 = arith.constant 640 : i32
    %mul3A_207 = arith.muli %arg1, %mul3A_206 : i32
    %mul3A_208 = arith.constant 640 : i32
    %mul3A_209 = arith.muli %arg1, %mul3A_208 : i32
    "tpu.region"() ({
      %run_scoped3A = tpu.sem_alloc : memref<!tpu.dma_semaphore, #tpu.memory_space<semaphore_mem>>
      %dma_start3A_210 = arith.constant 0 : i32
      %dma_start3A_211 = tpu.memref_slice %arg5[%arg0, %mul3A_209, %dma_start3A_210] : memref<2x10240x128xf32, #tpu.memory_space<hbm>> -> memref<1x640x128xf32, #tpu.memory_space<hbm>>
      %dma_start3A_212 = tpu.memref_squeeze %dma_start3A_211 : memref<1x640x128xf32, #tpu.memory_space<hbm>> -> memref<640x128xf32, #tpu.memory_space<hbm>>
      %dma_start3A_213 = arith.constant 0 : i32
      %dma_start3A_214 = tpu.memref_slice %arg6[%mul3A_207, %dma_start3A_213] : memref<10240x128xf32, #tpu.memory_space<vmem_shared>> -> memref<640x128xf32, #tpu.memory_space<vmem_shared>>
      tpu.enqueue_dma source(%dma_start3A_214 : memref<640x128xf32, #tpu.memory_space<vmem_shared>>) target(%dma_start3A_212 : memref<640x128xf32, #tpu.memory_space<hbm>>) target_semaphore(%run_scoped3A : memref<!tpu.dma_semaphore, #tpu.memory_space<semaphore_mem>>)
      %dma_wait3A_215 = arith.constant 0 : i32
      %dma_wait3A_216 = tpu.memref_slice %arg5[%arg0, %mul3A_209, %dma_wait3A_215] : memref<2x10240x128xf32, #tpu.memory_space<hbm>> -> memref<1x640x128xf32, #tpu.memory_space<hbm>>
      %dma_wait3A_217 = tpu.memref_squeeze %dma_wait3A_216 : memref<1x640x128xf32, #tpu.memory_space<hbm>> -> memref<640x128xf32, #tpu.memory_space<hbm>>
      %dma_wait3A_218 = arith.constant 0 : i32
      %dma_wait3A_219 = tpu.memref_slice %arg6[%mul3A_207, %dma_wait3A_218] : memref<10240x128xf32, #tpu.memory_space<vmem_shared>> -> memref<640x128xf32, #tpu.memory_space<vmem_shared>>
      tpu.wait_dma2 semaphore(%run_scoped3A : memref<!tpu.dma_semaphore, #tpu.memory_space<semaphore_mem>>) src(%dma_wait3A_219 : memref<640x128xf32, #tpu.memory_space<vmem_shared>>) dst(%dma_wait3A_217 : memref<640x128xf32, #tpu.memory_space<hbm>>)
      tpu.yield
    }) : () -> ()
    return
  }
}

module attributes {stable_mosaic.version = 14 : i64} {
  func.func @_prep_kernel(%arg0: i32, %arg1: memref<1000x128xf32, #tpu.memory_space<vmem>>, %arg2: memref<2x1000x8xf32, #tpu.memory_space<vmem>>, %arg3: memref<1000x128xf32, #tpu.memory_space<vmem>>) attributes {dimension_semantics = [#tpu.dimension_semantics<arbitrary>], iteration_bounds = array<i64: 10>, scalar_prefetch = 0 : i64, scratch_operands = 0 : i64, tpu.core_type = #tpu.core_type<tc>, window_params = [{transform_indices = @transform_0, window_bounds = array<i64: 1000, 128>}, {transform_indices = @transform_1, window_bounds = array<i64: 2, 1000, 8>}, {transform_indices = @transform_2, window_bounds = array<i64: 1000, 128>}]} {
    %get3A = arith.constant 0 : index
    %get3A_0 = arith.constant 0 : index
    %get3A_1 = arith.constant 0 : index
    %get3A_2 = vector.load %arg2[%get3A, %get3A_0, %get3A_1] : memref<2x1000x8xf32, #tpu.memory_space<vmem>>, vector<1x1000x1xf32>
    %get3A_3 = vector.shape_cast %get3A_2 : vector<1x1000x1xf32> to vector<1000x1xf32>
    %get3A_4 = arith.constant 0 : index
    %get3A_5 = arith.constant 0 : index
    %get3A_6 = vector.load %arg1[%get3A_4, %get3A_5] : memref<1000x128xf32, #tpu.memory_space<vmem>>, vector<1000x128xf32>
    %mul3A = vector.broadcast %get3A_3 : vector<1000x1xf32> to vector<1000x128xf32>
    %mul3A_7 = arith.mulf %get3A_6, %mul3A : vector<1000x128xf32>
    %swap3A = arith.constant 0 : index
    %swap3A_8 = arith.constant 0 : index
    %swap3A_9 = vector.load %arg3[%swap3A, %swap3A_8] : memref<1000x128xf32, #tpu.memory_space<vmem>>, vector<1000x128xf32>
    tpu.vector_store %arg3[%swap3A, %swap3A_8], %mul3A_7 {strides = array<i32>} : memref<1000x128xf32, #tpu.memory_space<vmem>>, vector<1000x128xf32>,
    return
  }
  func.func @transform_0(%arg0: i32) -> (i32, i32) {
    %c0_i32 = arith.constant 0 : i32
    %c0_i32_0 = arith.constant 0 : i32
    return %arg0, %c0_i32 : i32, i32
  }
  func.func @transform_1(%arg0: i32) -> (i32, i32, i32) {
    %c0_i32 = arith.constant 0 : i32
    %c0_i32_0 = arith.constant 0 : i32
    %c0_i32_1 = arith.constant 0 : i32
    return %c0_i32, %arg0, %c0_i32_0 : i32, i32, i32
  }
  func.func @transform_2(%arg0: i32) -> (i32, i32) {
    %c0_i32 = arith.constant 0 : i32
    %c0_i32_0 = arith.constant 0 : i32
    return %arg0, %c0_i32 : i32, i32
  }
}

module attributes {stable_mosaic.version = 14 : i64} {
  func.func @_mm_kernel(%arg0: i32, %arg1: memref<1000x128xf32, #tpu.memory_space<vmem>>, %arg2: memref<128x128xf32, #tpu.memory_space<vmem>>, %arg3: memref<1000x128xf32, #tpu.memory_space<vmem>>) attributes {dimension_semantics = [#tpu.dimension_semantics<arbitrary>], iteration_bounds = array<i64: 10>, scalar_prefetch = 0 : i64, scratch_operands = 0 : i64, tpu.core_type = #tpu.core_type<tc>, window_params = [{transform_indices = @transform_0, window_bounds = array<i64: 1000, 128>}, {pipeline_mode = #tpu.pipeline_mode<synchronous>, transform_indices = @transform_1, window_bounds = array<i64: 128, 128>}, {transform_indices = @transform_2, window_bounds = array<i64: 1000, 128>}]} {
    %get3A = arith.constant 0 : index
    %get3A_0 = arith.constant 0 : index
    %get3A_1 = vector.load %arg1[%get3A, %get3A_0] : memref<1000x128xf32, #tpu.memory_space<vmem>>, vector<1000x128xf32>
    %get3A_2 = arith.constant 0 : index
    %get3A_3 = arith.constant 0 : index
    %get3A_4 = vector.load %arg2[%get3A_2, %get3A_3] : memref<128x128xf32, #tpu.memory_space<vmem>>, vector<128x128xf32>
    %dot_general3A = arith.constant dense<0.000000e+00> : vector<1000x128xf32>
    %dot_general3A_5 = tpu.matmul %get3A_1, %get3A_4, %dot_general3A {dimension_numbers = #tpu.dot_dimension_numbers<[1], [0], [0], [1], [0, 0, 1, 1], [], []>, transpose_lhs_hint = false} : vector<1000x128xf32>, vector<128x128xf32>, vector<1000x128xf32> -> vector<1000x128xf32>
    %swap3A = arith.constant 0 : index
    %swap3A_6 = arith.constant 0 : index
    %swap3A_7 = vector.load %arg3[%swap3A, %swap3A_6] : memref<1000x128xf32, #tpu.memory_space<vmem>>, vector<1000x128xf32>
    tpu.vector_store %arg3[%swap3A, %swap3A_6], %dot_general3A_5 {strides = array<i32>} : memref<1000x128xf32, #tpu.memory_space<vmem>>, vector<1000x128xf32>,
    return
  }
  func.func @transform_0(%arg0: i32) -> (i32, i32) {
    %c0_i32 = arith.constant 0 : i32
    %c0_i32_0 = arith.constant 0 : i32
    return %arg0, %c0_i32 : i32, i32
  }
  func.func @transform_1(%arg0: i32) -> (i32, i32) {
    %c0_i32 = arith.constant 0 : i32
    %c0_i32_0 = arith.constant 0 : i32
    %c0_i32_1 = arith.constant 0 : i32
    return %c0_i32, %c0_i32_0 : i32, i32
  }
  func.func @transform_2(%arg0: i32) -> (i32, i32) {
    %c0_i32 = arith.constant 0 : i32
    %c0_i32_0 = arith.constant 0 : i32
    return %arg0, %c0_i32 : i32, i32
  }
}

module attributes {stable_mosaic.version = 14 : i64} {
  func.func @_layer_kernel(%arg0: i32, %arg1: memref<2x1000x128xf32, #tpu.memory_space<vmem>>, %arg2: memref<128x128xf32, #tpu.memory_space<vmem>>, %arg3: memref<2x1000x8xf32, #tpu.memory_space<vmem>>, %arg4: memref<1000x128xf32, #tpu.memory_space<vmem>>) attributes {dimension_semantics = [#tpu.dimension_semantics<arbitrary>], iteration_bounds = array<i64: 10>, scalar_prefetch = 0 : i64, scratch_operands = 0 : i64, tpu.core_type = #tpu.core_type<tc>, window_params = [{transform_indices = @transform_0, window_bounds = array<i64: 2, 1000, 128>}, {pipeline_mode = #tpu.pipeline_mode<synchronous>, transform_indices = @transform_1, window_bounds = array<i64: 128, 128>}, {transform_indices = @transform_2, window_bounds = array<i64: 2, 1000, 8>}, {transform_indices = @transform_3, window_bounds = array<i64: 1000, 128>}]} {
    %get3A = arith.constant 1 : index
    %get3A_0 = arith.constant 0 : index
    %get3A_1 = arith.constant 0 : index
    %get3A_2 = vector.load %arg3[%get3A, %get3A_0, %get3A_1] : memref<2x1000x8xf32, #tpu.memory_space<vmem>>, vector<1x1000x1xf32>
    %get3A_3 = vector.shape_cast %get3A_2 : vector<1x1000x1xf32> to vector<1000x1xf32>
    %get3A_4 = arith.constant 0 : index
    %get3A_5 = arith.constant 0 : index
    %get3A_6 = arith.constant 0 : index
    %get3A_7 = vector.load %arg3[%get3A_4, %get3A_5, %get3A_6] : memref<2x1000x8xf32, #tpu.memory_space<vmem>>, vector<1x1000x1xf32>
    %get3A_8 = vector.shape_cast %get3A_7 : vector<1x1000x1xf32> to vector<1000x1xf32>
    %get3A_9 = arith.constant 0 : index
    %get3A_10 = arith.constant 0 : index
    %get3A_11 = arith.constant 0 : index
    %get3A_12 = vector.load %arg1[%get3A_9, %get3A_10, %get3A_11] : memref<2x1000x128xf32, #tpu.memory_space<vmem>>, vector<1x1000x128xf32>
    %get3A_13 = vector.shape_cast %get3A_12 : vector<1x1000x128xf32> to vector<1000x128xf32>
    %get3A_14 = arith.constant 1 : index
    %get3A_15 = arith.constant 0 : index
    %get3A_16 = arith.constant 0 : index
    %get3A_17 = vector.load %arg1[%get3A_14, %get3A_15, %get3A_16] : memref<2x1000x128xf32, #tpu.memory_space<vmem>>, vector<1x1000x128xf32>
    %get3A_18 = vector.shape_cast %get3A_17 : vector<1x1000x128xf32> to vector<1000x128xf32>
    %add3A = arith.addf %get3A_13, %get3A_18 : vector<1000x128xf32>
    %mul3A = vector.broadcast %get3A_3 : vector<1000x1xf32> to vector<1000x128xf32>
    %mul3A_19 = arith.mulf %add3A, %mul3A : vector<1000x128xf32>
    %max3A = arith.constant 0.000000e+00 : f32
    %max3A_20 = vector.broadcast %max3A : f32 to vector<1000x128xf32>
    %max3A_21 = arith.maximumf %mul3A_19, %max3A_20 : vector<1000x128xf32>
    %mul3A_22 = vector.broadcast %get3A_8 : vector<1000x1xf32> to vector<1000x128xf32>
    %mul3A_23 = arith.mulf %max3A_21, %mul3A_22 : vector<1000x128xf32>
    %get3A_24 = arith.constant 0 : index
    %get3A_25 = arith.constant 0 : index
    %get3A_26 = vector.load %arg2[%get3A_24, %get3A_25] : memref<128x128xf32, #tpu.memory_space<vmem>>, vector<128x128xf32>
    %dot_general3A = arith.constant dense<0.000000e+00> : vector<1000x128xf32>
    %dot_general3A_27 = tpu.matmul %mul3A_23, %get3A_26, %dot_general3A {dimension_numbers = #tpu.dot_dimension_numbers<[1], [0], [0], [1], [0, 0, 1, 1], [], []>, transpose_lhs_hint = false} : vector<1000x128xf32>, vector<128x128xf32>, vector<1000x128xf32> -> vector<1000x128xf32>
    %swap3A = arith.constant 0 : index
    %swap3A_28 = arith.constant 0 : index
    %swap3A_29 = vector.load %arg4[%swap3A, %swap3A_28] : memref<1000x128xf32, #tpu.memory_space<vmem>>, vector<1000x128xf32>
    tpu.vector_store %arg4[%swap3A, %swap3A_28], %dot_general3A_27 {strides = array<i32>} : memref<1000x128xf32, #tpu.memory_space<vmem>>, vector<1000x128xf32>,
    return
  }
  func.func @transform_0(%arg0: i32) -> (i32, i32, i32) {
    %c0_i32 = arith.constant 0 : i32
    %c0_i32_0 = arith.constant 0 : i32
    %c0_i32_1 = arith.constant 0 : i32
    return %c0_i32, %arg0, %c0_i32_0 : i32, i32, i32
  }
  func.func @transform_1(%arg0: i32) -> (i32, i32) {
    %c0_i32 = arith.constant 0 : i32
    %c0_i32_0 = arith.constant 0 : i32
    %c0_i32_1 = arith.constant 0 : i32
    return %c0_i32, %c0_i32_0 : i32, i32
  }
  func.func @transform_2(%arg0: i32) -> (i32, i32, i32) {
    %c0_i32 = arith.constant 0 : i32
    %c0_i32_0 = arith.constant 0 : i32
    %c0_i32_1 = arith.constant 0 : i32
    return %c0_i32, %arg0, %c0_i32_0 : i32, i32, i32
  }
  func.func @transform_3(%arg0: i32) -> (i32, i32) {
    %c0_i32 = arith.constant 0 : i32
    %c0_i32_0 = arith.constant 0 : i32
    return %arg0, %c0_i32 : i32, i32
  }
}

module attributes {stable_mosaic.version = 14 : i64} {
  func.func @_final_kernel(%arg0: i32, %arg1: memref<2x1000x128xf32, #tpu.memory_space<vmem>>, %arg2: memref<2x1000x8xf32, #tpu.memory_space<vmem>>, %arg3: memref<40x128xf32, #tpu.memory_space<vmem>>, %arg4: memref<1x40xf32, #tpu.memory_space<vmem>>, %arg5: memref<1x128xf32, #tpu.memory_space<vmem>>) attributes {dimension_semantics = [#tpu.dimension_semantics<arbitrary>], iteration_bounds = array<i64: 10>, scalar_prefetch = 0 : i64, scratch_operands = 1 : i64, tpu.core_type = #tpu.core_type<tc>, window_params = [{transform_indices = @transform_0, window_bounds = array<i64: 2, 1000, 128>}, {transform_indices = @transform_1, window_bounds = array<i64: 2, 1000, 8>}, {pipeline_mode = #tpu.pipeline_mode<synchronous>, transform_indices = @transform_2, window_bounds = array<i64: 40, 128>}, {pipeline_mode = #tpu.pipeline_mode<synchronous>, transform_indices = @transform_3, window_bounds = array<i64: 1, 40>}]} {
    %get3A = arith.constant 1 : index
    %get3A_0 = arith.constant 0 : index
    %get3A_1 = arith.constant 0 : index
    %get3A_2 = vector.load %arg2[%get3A, %get3A_0, %get3A_1] : memref<2x1000x8xf32, #tpu.memory_space<vmem>>, vector<1x1000x1xf32>
    %get3A_3 = vector.shape_cast %get3A_2 : vector<1x1000x1xf32> to vector<1000x1xf32>
    %get3A_4 = arith.constant 0 : index
    %get3A_5 = arith.constant 0 : index
    %get3A_6 = arith.constant 0 : index
    %get3A_7 = vector.load %arg1[%get3A_4, %get3A_5, %get3A_6] : memref<2x1000x128xf32, #tpu.memory_space<vmem>>, vector<1x1000x128xf32>
    %get3A_8 = vector.shape_cast %get3A_7 : vector<1x1000x128xf32> to vector<1000x128xf32>
    %get3A_9 = arith.constant 1 : index
    %get3A_10 = arith.constant 0 : index
    %get3A_11 = arith.constant 0 : index
    %get3A_12 = vector.load %arg1[%get3A_9, %get3A_10, %get3A_11] : memref<2x1000x128xf32, #tpu.memory_space<vmem>>, vector<1x1000x128xf32>
    %get3A_13 = vector.shape_cast %get3A_12 : vector<1x1000x128xf32> to vector<1000x128xf32>
    %add3A = arith.addf %get3A_8, %get3A_13 : vector<1000x128xf32>
    %mul3A = vector.broadcast %get3A_3 : vector<1000x1xf32> to vector<1000x128xf32>
    %mul3A_14 = arith.mulf %add3A, %mul3A : vector<1000x128xf32>
    %max3A = arith.constant 0.000000e+00 : f32
    %max3A_15 = vector.broadcast %max3A : f32 to vector<1000x128xf32>
    %max3A_16 = arith.maximumf %mul3A_14, %max3A_15 : vector<1000x128xf32>
    %reduce_sum3A = arith.constant dense<0.000000e+00> : vector<128xf32>
    %reduce_sum3A_17 = vector.multi_reduction <add>, %max3A_16, %reduce_sum3A [0] : vector<1000x128xf32> to vector<128xf32>
    %broadcast_in_dim3A = vector.shape_cast %reduce_sum3A_17 : vector<128xf32> to vector<1x128xf32>
    %eq3A = arith.constant 0 : i32
    %eq3A_18 = arith.cmpi eq, %arg0, %eq3A : i32
    %convert_element_type3A = arith.extui %eq3A_18 : i1 to i32
    %cond3A = arith.constant 0 : i32
    %cond3A_19 = arith.cmpi ne, %convert_element_type3A, %cond3A : i32
    scf.if %cond3A_19 {
      %swap3A = arith.constant 0 : index
      %swap3A_29 = arith.constant 0 : index
      %swap3A_30 = vector.load %arg5[%swap3A, %swap3A_29] : memref<1x128xf32, #tpu.memory_space<vmem>>, vector<1x128xf32>
      tpu.vector_store %arg5[%swap3A, %swap3A_29], %broadcast_in_dim3A {strides = array<i32>} : memref<1x128xf32, #tpu.memory_space<vmem>>, vector<1x128xf32>,
    } else {
    }
    %gt3A = arith.constant 0 : i32
    %gt3A_20 = arith.cmpi sgt, %arg0, %gt3A : i32
    %convert_element_type3A_21 = arith.extui %gt3A_20 : i1 to i32
    %cond3A_22 = arith.constant 0 : i32
    %cond3A_23 = arith.cmpi ne, %convert_element_type3A_21, %cond3A_22 : i32
    scf.if %cond3A_23 {
      %get3A_29 = arith.constant 0 : index
      %get3A_30 = arith.constant 0 : index
      %get3A_31 = vector.load %arg5[%get3A_29, %get3A_30] : memref<1x128xf32, #tpu.memory_space<vmem>>, vector<1x128xf32>
      %add3A_32 = arith.addf %get3A_31, %broadcast_in_dim3A : vector<1x128xf32>
      %swap3A = arith.constant 0 : index
      %swap3A_33 = arith.constant 0 : index
      %swap3A_34 = vector.load %arg5[%swap3A, %swap3A_33] : memref<1x128xf32, #tpu.memory_space<vmem>>, vector<1x128xf32>
      tpu.vector_store %arg5[%swap3A, %swap3A_33], %add3A_32 {strides = array<i32>} : memref<1x128xf32, #tpu.memory_space<vmem>>, vector<1x128xf32>,
    } else {
    }
    %eq3A_24 = arith.constant 9 : i32
    %eq3A_25 = arith.cmpi eq, %arg0, %eq3A_24 : i32
    %convert_element_type3A_26 = arith.extui %eq3A_25 : i1 to i32
    %cond3A_27 = arith.constant 0 : i32
    %cond3A_28 = arith.cmpi ne, %convert_element_type3A_26, %cond3A_27 : i32
    scf.if %cond3A_28 {
      %get3A_29 = arith.constant 0 : index
      %get3A_30 = arith.constant 0 : index
      %get3A_31 = vector.load %arg5[%get3A_29, %get3A_30] : memref<1x128xf32, #tpu.memory_space<vmem>>, vector<1x128xf32>
      %mul3A_32 = arith.constant 9.99999974E-5 : f32
      %mul3A_33 = vector.broadcast %mul3A_32 : f32 to vector<1x128xf32>
      %mul3A_34 = arith.mulf %get3A_31, %mul3A_33 : vector<1x128xf32>
      %get3A_35 = arith.constant 0 : index
      %get3A_36 = arith.constant 0 : index
      %get3A_37 = vector.load %arg3[%get3A_35, %get3A_36] : memref<40x128xf32, #tpu.memory_space<vmem>>, vector<40x128xf32>
      %dot_general3A = arith.constant dense<0.000000e+00> : vector<1x40xf32>
      %dot_general3A_38 = tpu.matmul %mul3A_34, %get3A_37, %dot_general3A {dimension_numbers = #tpu.dot_dimension_numbers<[1], [1], [0], [0], [0, 0, 1, 0], [], []>, transpose_lhs_hint = false} : vector<1x128xf32>, vector<40x128xf32>, vector<1x40xf32> -> vector<1x40xf32>
      %swap3A = arith.constant 0 : index
      %swap3A_39 = arith.constant 0 : index
      %swap3A_40 = vector.load %arg4[%swap3A, %swap3A_39] : memref<1x40xf32, #tpu.memory_space<vmem>>, vector<1x40xf32>
      tpu.vector_store %arg4[%swap3A, %swap3A_39], %dot_general3A_38 {strides = array<i32>} : memref<1x40xf32, #tpu.memory_space<vmem>>, vector<1x40xf32>,
    } else {
    }
    return
  }
  func.func @transform_0(%arg0: i32) -> (i32, i32, i32) {
    %c0_i32 = arith.constant 0 : i32
    %c0_i32_0 = arith.constant 0 : i32
    %c0_i32_1 = arith.constant 0 : i32
    return %c0_i32, %arg0, %c0_i32_0 : i32, i32, i32
  }
  func.func @transform_1(%arg0: i32) -> (i32, i32, i32) {
    %c0_i32 = arith.constant 0 : i32
    %c0_i32_0 = arith.constant 0 : i32
    %c0_i32_1 = arith.constant 0 : i32
    return %c0_i32, %arg0, %c0_i32_0 : i32, i32, i32
  }
  func.func @transform_2(%arg0: i32) -> (i32, i32) {
    %c0_i32 = arith.constant 0 : i32
    %c0_i32_0 = arith.constant 0 : i32
    %c0_i32_1 = arith.constant 0 : i32
    return %c0_i32, %c0_i32_0 : i32, i32
  }
  func.func @transform_3(%arg0: i32) -> (i32, i32) {
    %c0_i32 = arith.constant 0 : i32
    %c0_i32_0 = arith.constant 0 : i32
    %c0_i32_1 = arith.constant 0 : i32
    return %c0_i32, %c0_i32_0 : i32, i32
  }
}

</mosaic_0001>

<sc_bundles>
// kernel: kernel.12.cloned.1.call-start
scs
__scs_entry_jumppad:
0x0: {  	(pc) =	sbr.rel $0x88, $3  }
0x1: {  	(tag) =	ssettag $0x0;
	lr =	simm.s32 $0x1  }
0x2: {  	[smem:$0x3F9C] =	sst lr;
	_ =	strace $0xD0000000  }
0x3: {  	_ = 	snop  }
0x4: {  	_ = 	snop  }
0x5: {  	_ = 	snop  }
0x6: {  	_ = 	snop  }
0x7: {  	_ = 	snop  }
__scs_overlays_trampoline_lowered:
0x8: {  	[smem:$0x3FAB] =	sst s0  }
0x9: {  	[smem:$0x3FAC] =	sst s1  }
0xa: {  	[smem:$0x3FAD] =	sst s2  }
0xb: {  	[smem:$0x3FAE] =	sst s3  }
0xc: {  	[smem:$0x3FAF] =	sst s4  }
0xd: {  	[smem:$0x3FB0] =	sst s5  }
0xe: {  	[smem:$0x3FB1] =	sst s6  }
0xf: {  	[smem:$0x3FB2] =	sst s7  }
0x10: {  	[smem:$0x3FB3] =	sst s8  }
0x11: {  	[smem:$0x3FB4] =	sst s9;
	s0 =	simm.s32 @!p0 $0x0  }
0x12: {  	s1 =	sld [smem:$0x3F9A];
	s0 =	simm.s32 @p0 $0x1  }
0x13: {  	[smem:$0x3FB5] =	sst s0;
	s0 =	simm.s32 @!p1 $0x0  }
0x14: {  	s2 =	sld [smem:$0x3F99];
	s0 =	simm.s32 @p1 $0x1  }
0x15: {  	[smem:$0x3FB6] =	sst s0;
	s0 =	simm.s32 @!p2 $0x0  }
0x16: {  	s3 =	sld [smem:$0x3FDB];
	s0 =	simm.s32 @p2 $0x1  }
0x17: {  	s4 =	simm.s32 $0x1BF5;
	[smem:$0x3FB8] =	sst s0  }
0x18: {  	s0 =	sld [smem:$0x3F9B];
	_ =	swait.ge [sflag:s4], $0x0  }
0x19: {  	s7 =	sld [smem:$0x3F9C]  }
0x1a: {  	s8 =	sadd.s32 $0xFFFFE003, lr  }
0x1b: {  	s9 =	sadd.s32 $0xFFFFFEF7, lr;
	s5 =	simm.s32 $0xFFFFFFFF;
	p2 =	slt.u32 s8, $0xFFFFF086  }
0x1c: {  	p1 =	slt.u32 s9, $0xF7A;
	s5 =	simm.s32 @!p2 $0x0  }
0x1d: {  	s5 =	simm.s32 @p1 $0x1;
	p0 =	seq.s32 s7, s2  }
0x1e: {  	s7 =	smul.u32 @!p0 $0xF7A, s2;
	p2 =	seq.s32 @!p0 s5, $0x0  }
0x1f: {  	s9 =	smul.u32 $0xF7A, s1;
	s8 =	simm.s32 @!p0 $0x1BF5;
	p2 =	por !p2, p0  }
0x20: {  	[sflag:s8] =	ssyncset.s32 @!p0 $0xFFFFF086;
	s6 =	sadd.s32 @!p0 s3, s7;
	s7 =	simm.s32 @!p0 $0x108  }
0x21: {  	s3 =	sadd.s32 s3, s9;
	s6 =	sadd.s32 @!p0 $0x88, s6;
	s7 =	simm.s32 @p2 $0x1082  }
0x22: {  	[simem:s7], [sflag:s8] =	dma.local @!p0 [hbm:s6], $0xF7A  }
0x23: {  	s9 =	sor.u32 $0xD0000000, s2;
	s6 =	simm.s32 $0x108;
	_ =	swait.ge @!p0 [sflag:s8], $0x0  }
0x24: {  	s3 =	sadd.s32 $0x88, s3;
	s6 =	simm.s32 @!p1 $0x1082;
	[sflag:s4] =	ssyncset.s32 $0xFFFFF086  }
0x25: {  	[simem:s6], [sflag:s4] =	dma.local [hbm:s3], $0xF7A  }
0x26: {  	[smem:$0x3F9C] =	sst s1;
	(tag) =	ssettag s2;
	_ =	strace s9  }
0x27: {  	s1 =	sld [smem:$0x3FAC]  }
0x28: {  	s2 =	sld [smem:$0x3FAD]  }
0x29: {  	s4 =	sld [smem:$0x3FAF]  }
0x2a: {  	p0 =	seq.s32 s5, $0x0;
	s5 =	sld [smem:$0x3FB0]  }
0x2b: {  	s6 =	sld [smem:$0x3FB1]  }
0x2c: {  	s7 =	sld [smem:$0x3FB2]  }
0x2d: {  	s3 =	simm.s32 $0x108;
	s8 =	sld [smem:$0x3FB3]  }
0x2e: {  	s3 =	simm.s32 @!p0 $0x1082;
	s9 =	sld [smem:$0x3FB4]  }
0x2f: {  	lr =	sadd.s32 s0, s3;
	s0 =	sld [smem:$0x3FAB]  }
0x30: {  	s3 =	sld [smem:$0x3FAE]  }
0x31: {  	[smem:$0x3FB7] =	sst s10  }
0x32: {  	s10 =	sld [smem:$0x3FB5];
	_ =	sdelay $0x3  }
0x33: {  	p0 =	seq.s32 s10, $0x1;
	s10 =	sld [smem:$0x3FB7];
	_ =	sdelay $0x3  }
0x34: {  	[smem:$0x3FB7] =	sst s10  }
0x35: {  	s10 =	sld [smem:$0x3FB6];
	_ =	sdelay $0x3  }
0x36: {  	p1 =	seq.s32 s10, $0x1;
	s10 =	sld [smem:$0x3FB7];
	_ =	sdelay $0x3  }
0x37: {  	[smem:$0x3FB7] =	sst s10  }
0x38: {  	s10 =	sld [smem:$0x3FB8]  }
0x39: {  	_ = 	snop;
	(pc) =	sbr.ind lr, $3  }
0x3a: {  	_ = 	snop  }
0x3b: {  	_ = 	snop  }
0x3c: {  	p2 =	seq.s32 s10, $0x1;
	s10 =	sld [smem:$0x3FB7]  }
0x3d: {  	_ =	shalt  }
0x3e: {  	_ =	shalt  }
0x3f: {  	_ =	shalt  }
0x40: {  	_ =	shalt  }
0x41: {  	_ =	shalt  }
0x42: {  	_ =	shalt  }
0x43: {  	_ =	shalt  }
0x44: {  	_ =	shalt  }
0x45: {  	_ =	shalt  }
0x46: {  	_ =	shalt  }
0x47: {  	_ =	shalt  }
0x48: {  	_ =	shalt  }
0x49: {  	_ =	shalt  }
0x4a: {  	_ =	shalt  }
0x4b: {  	_ =	shalt  }
0x4c: {  	_ =	shalt  }
0x4d: {  	_ =	shalt  }
0x4e: {  	_ =	shalt  }
0x4f: {  	_ =	shalt  }
0x50: {  	_ =	shalt  }
0x51: {  	_ =	shalt  }
0x52: {  	_ =	shalt  }
0x53: {  	_ =	shalt  }
0x54: {  	_ =	shalt  }
0x55: {  	_ =	shalt  }
0x56: {  	_ =	shalt  }
0x57: {  	_ =	shalt  }
0x58: {  	_ =	shalt  }
0x59: {  	_ =	shalt  }
0x5a: {  	_ =	shalt  }
0x5b: {  	_ =	shalt  }
0x5c: {  	_ =	shalt  }
0x5d: {  	_ =	shalt  }
0x5e: {  	_ =	shalt  }
0x5f: {  	_ =	shalt  }
0x60: {  	_ =	shalt  }
0x61: {  	_ =	shalt  }
0x62: {  	_ =	shalt  }
0x63: {  	_ =	shalt  }
0x64: {  	_ =	shalt  }
0x65: {  	_ =	shalt  }
0x66: {  	_ =	shalt  }
0x67: {  	_ =	shalt  }
0x68: {  	_ =	shalt  }
0x69: {  	_ =	shalt  }
0x6a: {  	_ =	shalt  }
0x6b: {  	_ =	shalt  }
0x6c: {  	_ =	shalt  }
0x6d: {  	_ =	shalt  }
0x6e: {  	_ =	shalt  }
0x6f: {  	_ =	shalt  }
0x70: {  	_ =	shalt  }
0x71: {  	_ =	shalt  }
0x72: {  	_ =	shalt  }
0x73: {  	_ =	shalt  }
0x74: {  	_ =	shalt  }
0x75: {  	_ =	shalt  }
0x76: {  	_ =	shalt  }
0x77: {  	_ =	shalt  }
0x78: {  	_ =	shalt  }
0x79: {  	_ =	shalt  }
0x7a: {  	_ =	shalt  }
0x7b: {  	_ =	shalt  }
0x7c: {  	_ =	shalt  }
0x7d: {  	_ =	shalt  }
0x7e: {  	_ =	shalt  }
0x7f: {  	_ =	shalt  }
0x80: {  	_ =	shalt  }
0x81: {  	_ =	shalt  }
0x82: {  	_ =	shalt  }
0x83: {  	_ =	shalt  }
0x84: {  	_ =	shalt  }
0x85: {  	_ =	shalt  }
0x86: {  	_ =	shalt  }
0x87: {  	_ =	shalt  }
.Lfunc_end0:
.L_simem_size_0:
called_computation.1_lowered:
.L_overlay_start_0:
0x88: {  	s2 =	sld [smem:$0x3FD9]  }
0x89: {  	s3 =	sld [smem:$0x3FFE];
	_ =	sdelay $0x1  }
0x8a: {  	s1 =	srdreg.scid  }
0x8b: {  	s0 =	sand.u32 $0x1, s1  }
0x8c: {  	s16 =	sshll.u32 s0, $0xA;
	s2 =	sadd.s32 s3, s2  }
0x8d: {  	s2 =	sadd.s32 s2, s16  }
0x8e: {  	[smem:$0x3FC3] =	sst s2  }
0x8f: {  	_ = 	snop  }
0x90: {  	(tm) =	ssettm $0x1  }
0x91: {  	s17 =	sld [smem:$0x3FFB];
	_ =	sdelay $0x3  }
0x92: {  	_ =	strace s17  }
0x93: {  	s2 =	sld [smem:$0x3FFC];
	_ =	sdelay $0x3  }
0x94: {  	_ =	strace s2  }
0x95: {  	s2 =	sld [smem:$0x3FFD];
	_ =	sdelay $0x3  }
0x96: {  	_ =	strace s2  }
0x97: {  	_ =	strace $0x8FFFFFFF  }
0x98: {  	s18 =	sld [smem:$0x3FDB];
	_ =	sdelay $0x1  }
0x99: {  	s19 =	simm.s32 $_scs_section_size  }
0x9a: {  	s4 =	simm.s32 $_size__tile_overlayer_lowered;
	s5 =	simm.s32 $_tile_overlayer_lowered  }
0x9b: {  	s22 =	simm.s32 $0x1BFF;
	s21 =	sshll.u32 s5, $0x1;
	s2 =	sadd.s32 s19, s18  }
0x9c: {  	s6 =	simm.s32 $0x0;
	s20 =	sshll.u32 s4, $0x1;
	s4 =	sadd.s32 s21, s2  }
0x9d: {  	[timem:s6], [sflag:s22] =	dma.local [hbm:s4], s20  }
0x9e: {  	_ =	swait.ge [sflag:s22], s20  }
0x9f: {  	s3 =	ssub.s32 $0x0, s20;
	[sflag:s22] =	ssyncset.done $0x0  }
0xa0: {  	[sflag:s22] =	ssyncadd.s32 s3;
	_ =	sdelay $0x1  }
0xa1: {  	s23 =	simm.s32 $0x1B8B  }
0xa2: {  	_ =	swait.ge [sflag:s23], $0x1  }
0xa3: {  	[sflag:s23] =	ssyncset.done $0x0  }
0xa4: {  	s25 =	simm.s32 $0x1B8E;
	s24 =	sld [smem:$0x3FFE];
	[sflag:s23] =	ssyncadd.s32 $0xFFFFFFFF  }
0xa5: {  	s26 =	simm.s32 $execute0_lowered;
	[smem:$0x3FD2] =	sst s25  }
0xa6: {  	s4 =	sshll.u32 s26, $0x1;
	_ =	strace $0x80000049;
	[dreg:$0x1] =	wrdreg $0xFFFFFFFF  }
0xa7: {  	s28 =	simm.s32 $_size_execute0_lowered;
	s2 =	sadd.s32 s2, s4;
	[dreg:$0x0] =	wrdreg $0x0  }
0xa8: {  	s4 =	sshll.u32 s28, $0x1;
	[dreg:$0x2] =	wrdreg s2  }
0xa9: {  	[dreg:$0x3] =	wrdreg s4  }
0xaa: {  	[dreg:$0x4] =	wrdreg $0xC0  }
0xab: {  	_ =	task [dreg:s6], $0x5FFFF  }
0xac: {  	[dreg:$0x1] =	wrdreg $0xFFFFFFFF  }
0xad: {  	[dreg:$0x0] =	wrdreg $0x60  }
0xae: {  	[dreg:$0x2] =	wrdreg s24  }
0xaf: {  	[dreg:$0x3] =	wrdreg $0x0  }
0xb0: {  	[dreg:$0x4] =	wrdreg $0x9  }
0xb1: {  	_ =	task.clear_ibuf [dreg:s6], $0x5FFFF;
	_ =	strace $0x90000049  }
0xb2: {  	s29 =	simm.s32 $0x9;
	_ =	strace $0x8000004B  }
0xb3: {  	_ =	swait.ge [sflag:s29], $0x1  }
0xb4: {  	[sflag:s29] =	ssyncadd.s32 $0xFFFFFFFF  }
0xb5: {  	_ =	strace $0x9000004B  }
0xb6: {  	_ =	sfence  }
0xb7: {  	s30 =	sld [smem:$0x0];
	_ =	sdelay $0x2  }
0xb8: {  	s31 =	sshll.u32 s1, $0xD;
	s1 =	sshrl.u32 s1, $0x2  }
0xb9: {  	s3 =	sand.u32 $0x4000, s31;
	s1 =	sadd.s32 s1, s30  }
0xba: {  	s0 =	sor.u32 s3, s0;
	s1 =	sshll.u32 s1, $0x11  }
0xbb: {  	s0 =	sor.u32 s1, s0  }
0xbc: {  	s0 =	sadd.s32 $0x8F2B, s0  }
0xbd: {  	[sflag:s0] =	ssyncadd.remote.s32 $0x1  }
0xbe: {  	_ =	sfence.sel $0xFFFF  }
0xbf: {  	[dreg:$0x0] =	wrdreg $0xFFFFFFFF;
	(pc) =	sbr.abs _section_cstart, $3  }
0xc0: {  	[dreg:$0x1] =	wrdreg $0xFFFFFFFF  }
0xc1: {  	_ =	task.clear_ibuf [dreg:s6], $0x2FFFF;
	_ =	strace $0x9FFFFFFF  }
0xc2: {  	(tm) =	ssettm $0x7FFFFFFF  }
0xc3: {  	_ =	shalt  }
tec
execute0_lowered:
.L_overlay_start_1:
0x0: {  	(tag) =	ssettag $0x1  }
0x1: {  	s0 =	rddreg [dreg:$0x0]  }
0x2: {  	s1 =	rddreg [dreg:$0x1]  }
0x3: {  	s3 =	simm.s32 $0x0;
	s2 =	srdreg.scid;
	s11 =	stileid.u32  }
0x4: {  	[smem:$0x7FF] =	sst s3;
	s2 =	sand.u32 $0x1, s2;
	s7 =	smul.u32 $0x14000, s11  }
0x5: {  	s4 =	sadd.s32 $0x98C00, s0;
	s5 =	sadd.s32 $0x66C00, s0;
	s19 =	smul.u32 $0x50000, s11  }
0x6: {  	s8 =	sadd.s32 $0x3200, s0;
	s17 =	sshll.u32 s11, $0x1;
	s10 =	smul.u32 $0xC800, s11  }
0x7: {  	s6 =	smul.u32 $0x140000, s2;
	_ =	strace $0x8000004A;
	[dreg:$0x3] =	wrdreg s8  }
0x8: {  	s18 =	sor.u32 s2, s17;
	s9 =	ssub.s32 $0x2, s2;
	s2 =	smul.u32 $0x6400, s2  }
0x9: {  	s20 =	sshrl.u32 s9, $0x1;
	s8 =	sshrl.u32 s19, $0x2;
	s6 =	sadd.s32 s7, s6  }
0xa: {  	s7 =	smul.u32 $0x6400, s18;
	s21 =	sadd.s32 s8, s1;
	s2 =	sadd.s32 s2, s10  }
0xb: {  	s6 =	sshrl.u32 s6, $0x3;
	s28 =	sadd.s32 $0xC8400, s2;
	s30 =	sadd.s32 $0x400, s2  }
0xc: {  	s2 =	sshrl.u32 s21, $0x3;
	s23 =	sshrl.u32 s7, $0x3;
	[dreg:$0xb] =	wrdreg s30  }
0xd: {  	s0 =	sadd.s32 s6, s0;
	[dreg:$0xc] =	wrdreg s2;
	s24 =	sadd.s32 s5, s23  }
0xe: {  	s6 =	ssub.s32 s9, s20;
	s0 =	sadd.s32 $0xBFE00, s0;
	[dreg:$0x4] =	wrdreg s24  }
0xf: {  	s31 =	simm.s32 $0x0;
	s6 =	smax.u32 s6, $0x1;
	[dreg:$0x8] =	wrdreg s0  }
0x10: {  	s22 =	sshll.u32 s11, $0x6;
	s25 =	sadd.s32 $0x19000, s24;
	[dreg:$0x9] =	wrdreg s6  }
0x11: {  	s17 =	simm.s32 $0x9;
	s26 =	sadd.s32 $0x80, s24;
	[dreg:$0x5] =	wrdreg s25  }
0x12: {  	s29 =	sshrl.u32 s28, $0x3;
	s8 =	sadd.s32 $0x19080, s24;
	[dreg:$0x6] =	wrdreg s26  }
0x13: {  	s7 =	sor.u32 $0x1C09, s22;
	s0 =	sadd.s32 s29, s5;
	[dreg:$0x7] =	wrdreg s8  }
0x14: {  	s22 =	simm.s32 $0x1;
	s23 =	simm.s32 $0x50;
	[dreg:$0xa] =	wrdreg s0  }
.LBB2_1:
0x15: {  	s0 =	rddreg [dreg:$0x3]  }
0x16: {  	[spmem:s2], [sflag:s7] =	dma.local [hbm:s0], $0x2800  }
0x17: {  	_ =	swait.ge [sflag:s17], $0x2800  }
0x18: {  	[sflag:s17] =	ssyncset.done $0x0  }
0x19: {  	s21 =	simm.s32 $0x14000;
	s20 =	rddreg [dreg:$0x4];
	[sflag:s17] =	ssyncadd.s32 $0xFFFFD800  }
0x1a: {  	[tilespmem:s21], [sflag:$0x1] =	stream.linear.gather [hbm4b:s20+s3], $0x280, $0x38;
	[tilespmem:$0x1C800] =	vst v63  }
0x1b: {  	s6 =	simm.s32 $0x14800;
	s24 =	rddreg [dreg:$0x5]  }
0x1c: {  	[tilespmem:s6], [sflag:$0x1] =	stream.linear.gather [hbm4b:s24+s3], $0x280, $0x38;
	[tilespmem:$0x1C800] =	vst v63  }
0x1d: {  	s26 =	simm.s32 $0x14400;
	s25 =	rddreg [dreg:$0x6]  }
0x1e: {  	[tilespmem:s26], [sflag:$0x2] =	stream.linear.gather [hbm4b:s25+s3], $0x280, $0x38;
	[tilespmem:$0x1C800] =	vst v63  }
0x1f: {  	s30 =	simm.s32 $0x14C00;
	s29 =	rddreg [dreg:$0x7]  }
0x20: {  	[tilespmem:s30], [sflag:$0x2] =	stream.linear.gather [hbm4b:s29+s3], $0x280, $0x38;
	[tilespmem:$0x1C800] =	vst v63  }
0x21: {  	s19 =	smov.u32 s7;
	p0 =	por $0x1, $0x1;
	_ =	swait.ge [sflag:s22], $0x280  }
0x22: {  	s8 =	simm.s32 $0x14080;
	s0 =	smul.u32 @!p0 $0x5, s3;
	[sflag:s22] =	ssyncset.done $0x0  }
0x23: {  	s9 =	simm.s32 $0x17800;
	s10 =	simm.s32 $0x14100;
	[sflag:s22] =	ssyncadd.s32 $0xFFFFFD80  }
0x24: {  	s11 =	simm.s32 $0x1A000;
	s6 =	sadd.s32 @!p0 $0xFFFFFFFF, s0;
	_ =	swait.ge [sflag:s22], $0x280  }
0x25: {  	s7 =	simm.s32 $0x15000;
	s2 =	sshll.u32 @!p0 s6, $0x18;
	[sflag:s22] =	ssyncset.done $0x0  }
0x26: {  	p1 =	por @!p0 $0x0, $0x0;
	s2 =	sshra.s32 @!p0 s2, $0x18;
	[sflag:s22] =	ssyncadd.s32 $0xFFFFFD80  }
0x27: {  	s20 =	sand.u32 $0x1, s3;
	s2 =	smul.u32 @!p0 $0x56, s2;
	[bflag:$0x0] =	sbarrier.arrive $0xFFFF  }
0x28: {  	[tilespmem:s7], [sflag:$0x3] =	stream.indirect.gather [hbm4b:s4+s23], $0x80, s21, s23, $0xb8;
	[tilespmem:$0x1C800] =	vst v63  }
0x29: {  	s18 =	sshrl.u32 @!p0 s2, $0x1F;
	s21 =	sshrl.u32 @!p0 s2, $0x8;
	s2 =	sshll.u32 s20, $0xA  }
0x2a: {  	s28 =	simm.s32 @!p0 $0x50;
	s18 =	sadd.s32 @!p0 s18, s21;
	s21 =	sor.u32 $0x14180, s2  }
0x2b: {  	[tilespmem:s9], [sflag:$0x4] =	stream.indirect.gather [hbm4b:s4+s23], $0x80, s8, s23, $0xb8;
	[tilespmem:$0x1C800] =	vst v63  }
0x2c: {  	s15 =	sor.u32 $0x14800, s2;
	s9 =	sshll.u32 @!p0 s20, $0xA;
	s18 =	smul.u32 @!p0 $0x3, s18  }
0x2d: {  	[tilespmem:s11], [sflag:$0x5] =	stream.indirect.gather [hbm4b:s4+s23], $0x80, s10, s23, $0xb8;
	[tilespmem:$0x1C800] =	vst v63  }
0x2e: {  	s14 =	sor.u32 @!p0 $0x14100, s9;
	s10 =	sadd.s32 @!p0 $0x2, s0;
	s0 =	simm.s32 @p0 $0x0  }
0x2f: {  	s6 =	ssub.s32 @!p0 s6, s18;
	s11 =	sand.u32 @!p0 $0xFF, s10;
	s12 =	sand.u32 $0xFF, s0  }
0x30: {  	s24 =	sadd.s32 $0x1, s0;
	s25 =	sadd.s32 $0x3, s0;
	s9 =	smul.u32 @!p0 $0xAB, s11  }
0x31: {  	s6 =	sshll.u32 @!p0 s6, $0x18;
	s11 =	smul.u32 $0xAB, s12;
	s13 =	sand.u32 $0xFF, s25  }
0x32: {  	s6 =	sshra.s32 @!p0 s6, $0x18;
	s18 =	smul.u32 $0xAB, s13;
	s9 =	sshrl.u32 @!p0 s9, $0x9  }
0x33: {  	s30 =	sand.u32 $0xFF, s24;
	s6 =	sadd.s32 @!p0 $0x6, s6;
	s26 =	smul.u32 @!p0 $0x3, s9  }
0x34: {  	s11 =	sshrl.u32 s11, $0x9;
	_ =	swait.ge @!p0 [sflag:s6], $0x2800;
	s9 =	sadd.s32 $0x4, s0  }
0x35: {  	s11 =	smul.u32 $0x3, s11;
	s18 =	sshrl.u32 s18, $0x9;
	s10 =	ssub.s32 @!p0 s10, s26  }
0x36: {  	[sflag:s6] =	ssyncset.done @!p0 $0x0;
	s18 =	smul.u32 $0x3, s18;
	s10 =	sand.u32 @!p0 $0xFF, s10  }
0x37: {  	[sflag:s6] =	ssyncadd.s32 @!p0 $0xFFFFD800;
	s11 =	ssub.s32 s0, s11;
	s26 =	smul.u32 @!p0 $0xA000, s10  }
0x38: {  	s16 =	sand.u32 $0xFF, s9;
	s11 =	sand.u32 $0xFF, s11;
	s7 =	ssub.s32 s25, s18  }
0x39: {  	s29 =	smul.u32 $0xA000, s11;
	s6 =	sand.u32 $0xFF, s7;
	s26 =	sshrl.u32 @!p0 s26, $0x2  }
0x3a: {  	s10 =	sadd.s32 @!p0 $0x3, s10;
	s13 =	smul.u32 $0xA000, s6;
	s26 =	sadd.s32 @!p0 $0x15000, s26  }
0x3b: {  	[tilespmem:s26], [sflag:s10] =	stream.indirect.gather @!p0 [hbm4b:s4+s28], $0x80, s14, s28, $0xb8;
	[tilespmem:$0x1C800] =	vst v63  }
0x3c: {  	s28 =	sadd.s32 $0x3, s11;
	s26 =	smul.u32 $0xAB, s30;
	s14 =	sshrl.u32 s29, $0x2  }
0x3d: {  	s11 =	sadd.s32 $0x6, s11;
	s10 =	smul.u32 $0xAB, s16;
	_ =	swait.ge [sflag:s28], $0x2800  }
0x3e: {  	s14 =	sadd.s32 $0x15000, s14;
	[sflag:s28] =	ssyncset.done $0x0;
	s8 =	sshrl.u32 s26, $0x9  }
0x3f: {  	s10 =	sshrl.u32 s10, $0x9;
	[sflag:s28] =	ssyncadd.s32 $0xFFFFD800;
	s12 =	smul.u32 $0x3, s8  }
0x40: {  	[spmem:s1] =	stream.indirect.scatter.add.f32 [tilespmem:s14], [sflag:s11], $0x80, s15, s23, $0xb8;
	[tilespmem:$0x1C800] =	vst v63  }
0x41: {  	p0 =	por p1, p0;
	s10 =	smul.u32 $0x3, s10;
	s14 =	sadd.s32 $0x3, s6  }
0x42: {  	s15 =	sshrl.u32 s13, $0x2;
	_ =	swait.ge [sflag:s11], $0x2800;
	s18 =	ssub.s32 s24, s12  }
0x43: {  	s9 =	ssub.s32 s9, s10;
	[sflag:s11] =	ssyncset.done $0x0;
	s8 =	rddreg [dreg:$0xb]  }
0x44: {  	s18 =	sand.u32 $0xFF, s18;
	s7 =	rddreg [dreg:$0xa];
	s26 =	sshrl.u32 @!p0 s8, $0x3  }
0x45: {  	[sflag:s11] =	ssyncadd.s32 $0xFFFFD800;
	s11 =	sxor.u32 @!p0 $0x1, s20;
	s16 =	smul.u32 $0xA000, s18  }
0x46: {  	s12 =	sadd.s32 $0x3, s18;
	s18 =	sadd.s32 $0x6, s18;
	s28 =	sadd.s32 @!p0 s5, s26  }
0x47: {  	s25 =	sshll.u32 @!p0 s11, $0xA;
	s11 =	sadd.s32 @!p0 $0x1, s11;
	s26 =	sadd.s32 $0x15000, s15  }
0x48: {  	[tilespmem:s26], [sflag:s14] =	stream.indirect.gather [hbm4b:s4+s23], $0x80, s21, s23, $0xb8;
	[tilespmem:$0x1C800] =	vst v63  }
0x49: {  	s15 =	sadd.s32 $0x14880, s2;
	s24 =	sor.u32 @!p0 $0x14000, s25;
	s21 =	simm.s32 @!p0 $0x0  }
0x4a: {  	[tilespmem:s24], [sflag:s11] =	stream.linear.gather @!p0 [hbm4b:s28+s21], $0x280, $0x38;
	[tilespmem:$0x1C800] =	vst v63  }
0x4b: {  	s25 =	sor.u32 @!p0 $0x14800, s25;
	s30 =	sshrl.u32 s16, $0x2;
	s28 =	sadd.s32 $0x2, s0  }
0x4c: {  	[tilespmem:s25], [sflag:s11] =	stream.linear.gather @!p0 [hbm4b:s7+s21], $0x280, $0x38;
	[tilespmem:$0x1C800] =	vst v63  }
0x4d: {  	s16 =	sadd.s32 $0x15000, s30;
	s29 =	sand.u32 $0xFF, s28;
	_ =	swait.ge [sflag:s12], $0x2800  }
0x4e: {  	s13 =	smul.u32 $0xAB, s29;
	s21 =	sand.u32 $0xFF, s9;
	[sflag:s12] =	ssyncset.done $0x0  }
0x4f: {  	p0 =	por $0x0, $0x0;
	s9 =	smul.u32 $0xA000, s21;
	[sflag:s12] =	ssyncadd.s32 $0xFFFFD800  }
0x50: {  	[spmem:s1] =	stream.indirect.scatter.add.f32 [tilespmem:s16], [sflag:s18], $0x80, s15, s23, $0xb8;
	[tilespmem:$0x1C800] =	vst v63  }
0x51: {  	s11 =	sxor.u32 @!p0 $0x1, s20;
	s24 =	sadd.s32 $0x3, s21;
	_ =	swait.ge [sflag:s18], $0x2800  }
0x52: {  	s11 =	sadd.s32 @!p0 $0x1, s11;
	s9 =	sshrl.u32 s9, $0x2;
	[sflag:s18] =	ssyncset.done $0x0  }
0x53: {  	s25 =	sadd.s32 $0x15000, s9;
	[sflag:s18] =	ssyncadd.s32 $0xFFFFD800;
	s18 =	sor.u32 $0x14200, s2  }
0x54: {  	[tilespmem:s25], [sflag:s24] =	stream.indirect.gather [hbm4b:s4+s23], $0x80, s18, s23, $0xb8;
	[tilespmem:$0x1C800] =	vst v63  }
0x55: {  	s10 =	sshrl.u32 s13, $0x9;
	_ =	swait.ge @!p0 [sflag:s11], $0x280  }
0x56: {  	s20 =	smul.u32 $0x3, s10;
	[sflag:s11] =	ssyncset.done @!p0 $0x0  }
0x57: {  	[sflag:s11] =	ssyncadd.s32 @!p0 $0xFFFFFD80  }
0x58: {  	s9 =	ssub.s32 s28, s20;
	_ =	swait.ge @!p0 [sflag:s11], $0x280  }
0x59: {  	s10 =	sadd.s32 @!p0 $0x5, s0;
	s9 =	sand.u32 $0xFF, s9;
	[sflag:s11] =	ssyncset.done @!p0 $0x0  }
0x5a: {  	s29 =	smul.u32 $0xA000, s9;
	s30 =	sadd.s32 $0x3, s9;
	[sflag:s11] =	ssyncadd.s32 @!p0 $0xFFFFFD80  }
0x5b: {  	s20 =	sand.u32 @!p0 $0xFF, s10;
	s28 =	sadd.s32 $0x14900, s2;
	_ =	swait.ge [sflag:s30], $0x2800  }
0x5c: {  	s20 =	smul.u32 @!p0 $0xAB, s20;
	s18 =	sshrl.u32 s29, $0x2;
	[sflag:s30] =	ssyncset.done $0x0  }
0x5d: {  	s9 =	sadd.s32 $0x6, s9;
	s18 =	sadd.s32 $0x15000, s18;
	[sflag:s30] =	ssyncadd.s32 $0xFFFFD800  }
0x5e: {  	[spmem:s1] =	stream.indirect.scatter.add.f32 [tilespmem:s18], [sflag:s9], $0x80, s28, s23, $0xb8;
	[tilespmem:$0x1C800] =	vst v63  }
0x5f: {  	s11 =	sshrl.u32 @!p0 s20, $0x9;
	_ =	swait.ge [sflag:s9], $0x2800  }
0x60: {  	s11 =	smul.u32 @!p0 $0x3, s11;
	[sflag:s9] =	ssyncset.done $0x0  }
0x61: {  	s20 =	sadd.s32 @p0 $0x6, s6;
	[sflag:s9] =	ssyncadd.s32 $0xFFFFD800  }
0x62: {  	s10 =	ssub.s32 @!p0 s10, s11;
	s11 =	sadd.s32 @!p0 $0x6, s0;
	_ =	swait.ge @p0 [sflag:s14], $0x2800  }
0x63: {  	s18 =	sor.u32 $0x180, s2;
	s0 =	sand.u32 @!p0 $0xFF, s10;
	[sflag:s14] =	ssyncset.done @p0 $0x0  }
0x64: {  	s10 =	simm.s32 @p0 $0x50;
	s9 =	sor.u32 @p0 $0x14800, s18;
	[sflag:s14] =	ssyncadd.s32 @p0 $0xFFFFD800  }
0x65: {  	[spmem:s1] =	stream.indirect.scatter.add.f32 @p0 [tilespmem:s26], [sflag:s20], $0x80, s9, s10, $0xb8;
	[tilespmem:$0x1C800] =	vst v63  }
0x66: {  	s29 =	ssub.s32 @!p0 $0x14400, s2;
	s10 =	smul.u32 @!p0 $0xA000, s0  }
0x67: {  	s9 =	sand.u32 @!p0 $0xFF, s11;
	s0 =	sadd.s32 @!p0 $0x3, s0;
	_ =	swait.ge @p0 [sflag:s20], $0x2800  }
0x68: {  	s28 =	smul.u32 @!p0 $0xAB, s9;
	s9 =	sshrl.u32 @!p0 s10, $0x2;
	[sflag:s20] =	ssyncset.done @p0 $0x0  }
0x69: {  	s10 =	sadd.s32 @!p0 $0x15000, s9;
	[sflag:s20] =	ssyncadd.s32 @p0 $0xFFFFD800;
	s9 =	simm.s32 @!p0 $0x50  }
0x6a: {  	[tilespmem:s10], [sflag:s0] =	stream.indirect.gather @!p0 [hbm4b:s4+s9], $0x80, s29, s9, $0xb8;
	[tilespmem:$0x1C800] =	vst v63  }
0x6b: {  	s0 =	sshrl.u32 @!p0 s28, $0x9  }
0x6c: {  	s10 =	smul.u32 @!p0 $0x3, s0  }
0x6d: {  	_ =	swait.ge @!p0 [sflag:s14], $0x2800  }
0x6e: {  	s18 =	sor.u32 @!p0 $0x14800, s18;
	[sflag:s14] =	ssyncset.done @!p0 $0x0;
	s10 =	ssub.s32 @!p0 s11, s10  }
0x6f: {  	s28 =	sadd.s32 @!p0 $0x6, s6;
	[sflag:s14] =	ssyncadd.s32 @!p0 $0xFFFFD800;
	s11 =	sand.u32 @!p0 $0xFF, s10  }
0x70: {  	[spmem:s1] =	stream.indirect.scatter.add.f32 @!p0 [tilespmem:s26], [sflag:s28], $0x80, s18, s9, $0xb8;
	[tilespmem:$0x1C800] =	vst v63  }
0x71: {  	s0 =	simm.s32 $0x1;
	s14 =	smul.u32 @!p0 $0xA000, s11  }
0x72: {  	s10 =	ssub.s32 @!p0 $0x14480, s2;
	s18 =	sor.u32 $0x200, s2;
	_ =	swait.ge @!p0 [sflag:s28], $0x2800  }
0x73: {  	s11 =	sadd.s32 @!p0 $0x3, s11;
	[sflag:s28] =	ssyncset.done @!p0 $0x0;
	s2 =	sshrl.u32 @!p0 s14, $0x2  }
0x74: {  	s14 =	smov.u32 s7;
	s20 =	sadd.s32 @!p0 $0x15000, s2;
	s2 =	sadd.s32 $0x400, s8  }
.LBB2_2:
0x75: {  	[sflag:s28] =	ssyncadd.s32 @!p0 $0xFFFFD800  }
0x76: {  	s14 =	sadd.s32 $0x80, s14;
	s28 =	smov.u32 s0;
	s0 =	sadd.s32 $0x1, s0  }
0x77: {  	[tilespmem:s20], [sflag:s11] =	stream.indirect.gather @!p0 [hbm4b:s4+s9], $0x80, s10, s9, $0xb8;
	[tilespmem:$0x1C800] =	vst v63  }
0x78: {  	p1 =	sne.s32 s0, $0x19;
	s9 =	sor.u32 $0x14800, s18;
	_ =	swait.ge [sflag:s24], $0x2800  }
0x79: {  	p0 =	seq.s32 s28, $0x18;
	s10 =	sadd.s32 $0x6, s21;
	[sflag:s24] =	ssyncset.done $0x0  }
0x7a: {  	s6 =	sand.u32 $0x1, s28;
	p2 =	seq.s32 s28, $0x0;
	[sflag:s24] =	ssyncadd.s32 $0xFFFFD800  }
0x7b: {  	[spmem:s1] =	stream.indirect.scatter.add.f32 [tilespmem:s25], [sflag:s10], $0x80, s9, s23, $0xb8;
	[tilespmem:$0x1C800] =	vst v63  }
0x7c: {  	s26 =	smul.u32 @!p2 $0x5, s28;
	p3 =	seq.s32 @!p2 s28, $0x18;
	s9 =	sshll.u32 @!p2 s6, $0xA  }
0x7d: {  	s20 =	sshll.u32 s6, $0xA;
	s24 =	sxor.u32 @!p0 $0x1, s6;
	s10 =	sor.u32 @!p2 $0x14100, s9  }
0x7e: {  	s11 =	sadd.s32 @!p2 $0xFFFFFFFF, s26;
	s18 =	sadd.s32 @!p2 $0x2, s26;
	s26 =	simm.s32 @p2 $0x0  }
0x7f: {  	s21 =	sand.u32 @!p2 $0xFF, s18;
	s25 =	sor.u32 $0x14180, s20;
	s9 =	sshll.u32 @!p2 s11, $0x18  }
0x80: {  	s21 =	smul.u32 @!p2 $0xAB, s21;
	s28 =	sshra.s32 @!p2 s9, $0x18;
	s9 =	sadd.s32 $0x1, s26  }
0x81: {  	s29 =	sand.u32 $0xFF, s26;
	s12 =	sadd.s32 $0x3, s26;
	s28 =	smul.u32 @!p2 $0x56, s28  }
0x82: {  	s29 =	smul.u32 $0xAB, s29;
	s13 =	sshrl.u32 @!p2 s21, $0x9;
	s21 =	sadd.s32 $0x4, s26  }
0x83: {  	s13 =	smul.u32 @!p2 $0x3, s13;
	s8 =	sshrl.u32 @!p2 s28, $0x1F;
	s28 =	sshrl.u32 @!p2 s28, $0x8  }
0x84: {  	s8 =	sadd.s32 @!p2 s8, s28;
	s28 =	sshrl.u32 s29, $0x9;
	s29 =	sand.u32 $0xFF, s12  }
0x85: {  	s30 =	sor.u32 $0x14800, s20;
	s13 =	ssub.s32 @!p2 s18, s13;
	s8 =	smul.u32 @!p2 $0x3, s8  }
0x86: {  	s18 =	sand.u32 $0xFF, s21;
	s13 =	sand.u32 @!p2 $0xFF, s13;
	s28 =	smul.u32 $0x3, s28  }
0x87: {  	s8 =	ssub.s32 @!p2 s11, s8;
	s11 =	smul.u32 @!p2 $0xA000, s13;
	s13 =	sadd.s32 @!p2 $0x3, s13  }
0x88: {  	s29 =	smul.u32 $0xAB, s29;
	s28 =	ssub.s32 s26, s28;
	s8 =	sshll.u32 @!p2 s8, $0x18  }
0x89: {  	s28 =	sand.u32 $0xFF, s28;
	s8 =	sshra.s32 @!p2 s8, $0x18;
	s11 =	sshrl.u32 @!p2 s11, $0x2  }
0x8a: {  	s7 =	smul.u32 $0xA000, s28;
	s8 =	sadd.s32 @!p2 $0x6, s8;
	s11 =	sadd.s32 @!p2 $0x15000, s11  }
0x8b: {  	s15 =	sand.u32 $0xFF, s9;
	s29 =	sshrl.u32 s29, $0x9;
	_ =	swait.ge @!p2 [sflag:s8], $0x2800  }
0x8c: {  	s16 =	simm.s32 @!p2 $0x50;
	s29 =	smul.u32 $0x3, s29;
	[sflag:s8] =	ssyncset.done @!p2 $0x0  }
0x8d: {  	p3 =	por p3, p2;
	[sflag:s8] =	ssyncadd.s32 @!p2 $0xFFFFD800;
	s8 =	sadd.s32 $0x3, s28  }
0x8e: {  	[tilespmem:s11], [sflag:s13] =	stream.indirect.gather @!p2 [hbm4b:s4+s16], $0x80, s10, s16, $0xb8;
	[tilespmem:$0x1C800] =	vst v63  }
0x8f: {  	s11 =	ssub.s32 s12, s29;
	s12 =	smul.u32 $0xAB, s15;
	_ =	swait.ge [sflag:s8], $0x2800  }
0x90: {  	s7 =	sshrl.u32 s7, $0x2;
	s10 =	sadd.s32 $0x2, s26;
	[sflag:s8] =	ssyncset.done $0x0  }
0x91: {  	s7 =	sadd.s32 $0x15000, s7;
	[sflag:s8] =	ssyncadd.s32 $0xFFFFD800;
	s8 =	sadd.s32 $0x6, s28  }
0x92: {  	[spmem:s1] =	stream.indirect.scatter.add.f32 [tilespmem:s7], [sflag:s8], $0x80, s30, s23, $0xb8;
	[tilespmem:$0x1C800] =	vst v63  }
0x93: {  	s28 =	sand.u32 $0xFF, s11;
	s7 =	sshrl.u32 s12, $0x9;
	_ =	swait.ge [sflag:s8], $0x2800  }
0x94: {  	s29 =	sadd.s32 $0x3, s28;
	s7 =	smul.u32 $0x3, s7;
	[sflag:s8] =	ssyncset.done $0x0  }
0x95: {  	s11 =	sshrl.u32 @!p3 s2, $0x3;
	[sflag:s8] =	ssyncadd.s32 $0xFFFFD800;
	s8 =	smul.u32 $0xA000, s28  }
0x96: {  	s6 =	sxor.u32 @!p3 $0x1, s6;
	s11 =	sadd.s32 @!p3 s5, s11;
	s7 =	ssub.s32 s9, s7  }
0x97: {  	s12 =	sshll.u32 @!p3 s6, $0xA;
	s9 =	sadd.s32 @!p3 $0x1, s6;
	s8 =	sshrl.u32 s8, $0x2  }
0x98: {  	s6 =	sadd.s32 $0x15000, s8;
	s8 =	sor.u32 @!p3 $0x14000, s12;
	s12 =	sor.u32 @!p3 $0x14800, s12  }
0x99: {  	s13 =	smul.u32 $0xAB, s18;
	s15 =	sand.u32 $0xFF, s10;
	s7 =	sand.u32 $0xFF, s7  }
0x9a: {  	[tilespmem:s6], [sflag:s29] =	stream.indirect.gather [hbm4b:s4+s23], $0x80, s25, s23, $0xb8;
	[tilespmem:$0x1C800] =	vst v63  }
0x9b: {  	s16 =	simm.s32 @!p3 $0x0;
	s13 =	sshrl.u32 s13, $0x9;
	s18 =	smul.u32 $0xA000, s7  }
0x9c: {  	[tilespmem:s8], [sflag:s9] =	stream.linear.gather @!p3 [hbm4b:s11+s16], $0x280, $0x38;
	[tilespmem:$0x1C800] =	vst v63  }
0x9d: {  	s13 =	smul.u32 $0x3, s13;
	s8 =	sshrl.u32 s18, $0x2;
	s11 =	sadd.s32 $0x3, s7  }
0x9e: {  	[tilespmem:s12], [sflag:s9] =	stream.linear.gather @!p3 [hbm4b:s14+s16], $0x280, $0x38;
	[tilespmem:$0x1C800] =	vst v63  }
0x9f: {  	s9 =	ssub.s32 s21, s13;
	s12 =	smul.u32 $0xAB, s15;
	_ =	swait.ge [sflag:s11], $0x2800  }
0xa0: {  	s7 =	sadd.s32 $0x6, s7;
	s13 =	sadd.s32 $0x14880, s20;
	[sflag:s11] =	ssyncset.done $0x0  }
0xa1: {  	s8 =	sadd.s32 $0x15000, s8;
	s21 =	sand.u32 $0xFF, s9;
	[sflag:s11] =	ssyncadd.s32 $0xFFFFD800  }
0xa2: {  	[spmem:s1] =	stream.indirect.scatter.add.f32 [tilespmem:s8], [sflag:s7], $0x80, s13, s23, $0xb8;
	[tilespmem:$0x1C800] =	vst v63  }
0xa3: {  	s9 =	sshrl.u32 s12, $0x9;
	s8 =	smul.u32 $0xA000, s21;
	_ =	swait.ge [sflag:s7], $0x2800  }
0xa4: {  	s11 =	sadd.s32 @!p0 $0x1, s24;
	s9 =	smul.u32 $0x3, s9;
	[sflag:s7] =	ssyncset.done $0x0  }
0xa5: {  	s24 =	sadd.s32 $0x3, s21;
	[sflag:s7] =	ssyncadd.s32 $0xFFFFD800;
	s7 =	sshrl.u32 s8, $0x2  }
0xa6: {  	s8 =	ssub.s32 s10, s9;
	s25 =	sadd.s32 $0x15000, s7;
	s7 =	sor.u32 $0x14200, s20  }
0xa7: {  	[tilespmem:s25], [sflag:s24] =	stream.indirect.gather [hbm4b:s4+s23], $0x80, s7, s23, $0xb8;
	[tilespmem:$0x1C800] =	vst v63  }
0xa8: {  	s7 =	sand.u32 $0xFF, s8;
	s8 =	sadd.s32 @!p0 $0x5, s26;
	_ =	swait.ge @!p0 [sflag:s11], $0x280  }
0xa9: {  	s9 =	smul.u32 $0xA000, s7;
	s10 =	sand.u32 @!p0 $0xFF, s8;
	[sflag:s11] =	ssyncset.done @!p0 $0x0  }
0xaa: {  	s12 =	sor.u32 $0x180, s20;
	s10 =	smul.u32 @!p0 $0xAB, s10;
	[sflag:s11] =	ssyncadd.s32 @!p0 $0xFFFFFD80  }
0xab: {  	s13 =	sor.u32 @p0 $0x14800, s12;
	s9 =	sshrl.u32 s9, $0x2;
	_ =	swait.ge @!p0 [sflag:s11], $0x280  }
0xac: {  	s15 =	sadd.s32 @!p0 $0x6, s26;
	s10 =	sshrl.u32 @!p0 s10, $0x9;
	[sflag:s11] =	ssyncset.done @!p0 $0x0  }
0xad: {  	s10 =	smul.u32 @!p0 $0x3, s10;
	[sflag:s11] =	ssyncadd.s32 @!p0 $0xFFFFFD80;
	s11 =	sadd.s32 $0x3, s7  }
0xae: {  	s16 =	sand.u32 @!p0 $0xFF, s15;
	s12 =	sor.u32 @!p0 $0x14800, s12;
	_ =	swait.ge [sflag:s11], $0x2800  }
0xaf: {  	s18 =	sadd.s32 $0x14900, s20;
	s8 =	ssub.s32 @!p0 s8, s10;
	[sflag:s11] =	ssyncset.done $0x0  }
0xb0: {  	s9 =	sadd.s32 $0x15000, s9;
	s7 =	sadd.s32 $0x6, s7;
	[sflag:s11] =	ssyncadd.s32 $0xFFFFD800  }
0xb1: {  	[spmem:s1] =	stream.indirect.scatter.add.f32 [tilespmem:s9], [sflag:s7], $0x80, s18, s23, $0xb8;
	[tilespmem:$0x1C800] =	vst v63  }
0xb2: {  	s8 =	sand.u32 @!p0 $0xFF, s8;
	s9 =	smul.u32 @!p0 $0xAB, s16;
	_ =	swait.ge [sflag:s7], $0x2800  }
0xb3: {  	s10 =	smul.u32 @!p0 $0xA000, s8;
	s8 =	sadd.s32 @!p0 $0x3, s8;
	[sflag:s7] =	ssyncset.done $0x0  }
0xb4: {  	s9 =	sshrl.u32 @!p0 s9, $0x9;
	[sflag:s7] =	ssyncadd.s32 $0xFFFFD800;
	s7 =	ssub.s32 @!p0 $0x14400, s20  }
0xb5: {  	s10 =	sshrl.u32 @!p0 s10, $0x2;
	s9 =	smul.u32 @!p0 $0x3, s9;
	_ =	swait.ge @p0 [sflag:s29], $0x2800  }
0xb6: {  	s11 =	simm.s32 @p0 $0x50;
	s16 =	sadd.s32 @!p0 $0x15000, s10;
	[sflag:s29] =	ssyncset.done @p0 $0x0  }
0xb7: {  	s26 =	sadd.s32 @p0 $0x6, s28;
	s9 =	ssub.s32 @!p0 s15, s9;
	[sflag:s29] =	ssyncadd.s32 @p0 $0xFFFFD800  }
0xb8: {  	[spmem:s1] =	stream.indirect.scatter.add.f32 @p0 [tilespmem:s6], [sflag:s26], $0x80, s13, s11, $0xb8;
	[tilespmem:$0x1C800] =	vst v63  }
0xb9: {  	s10 =	ssub.s32 @!p0 $0x14480, s20;
	s9 =	sand.u32 @!p0 $0xFF, s9;
	_ =	swait.ge @p0 [sflag:s26], $0x2800  }
0xba: {  	s13 =	smul.u32 @!p0 $0xA000, s9;
	s11 =	sadd.s32 @!p0 $0x3, s9;
	[sflag:s26] =	ssyncset.done @p0 $0x0  }
0xbb: {  	s18 =	sor.u32 $0x200, s20;
	s9 =	simm.s32 @!p0 $0x50;
	[sflag:s26] =	ssyncadd.s32 @p0 $0xFFFFD800  }
0xbc: {  	[tilespmem:s16], [sflag:s8] =	stream.indirect.gather @!p0 [hbm4b:s4+s9], $0x80, s7, s9, $0xb8;
	[tilespmem:$0x1C800] =	vst v63  }
0xbd: {  	s7 =	sshrl.u32 @!p0 s13, $0x2;
	_ =	swait.ge @!p0 [sflag:s29], $0x2800  }
.Ltmp0:
0xbe: {  	s20 =	sadd.s32 @!p0 $0x15000, s7;
	[sflag:s29] =	ssyncset.done @!p0 $0x0;
	(pc) =	sbr.rel @p1 .LBB2_2-.Ltmp0, $4  }
0xbf: {  	s28 =	sadd.s32 @!p0 $0x6, s28;
	[sflag:s29] =	ssyncadd.s32 @!p0 $0xFFFFD800  }
0xc0: {  	[spmem:s1] =	stream.indirect.scatter.add.f32 @!p0 [tilespmem:s6], [sflag:s28], $0x80, s12, s9, $0xb8;
	[tilespmem:$0x1C800] =	vst v63  }
0xc1: {  	_ =	swait.ge @!p0 [sflag:s28], $0x2800  }
0xc2: {  	s2 =	sadd.s32 $0x400, s2;
	[sflag:s28] =	ssyncset.done @!p0 $0x0  }
0xc3: {  	[sflag:s28] =	ssyncadd.s32 @!p0 $0xFFFFD800  }
0xc4: {  	[tilespmem:s20], [sflag:s11] =	stream.indirect.gather @!p0 [hbm4b:s4+s9], $0x80, s10, s9, $0xb8;
	[tilespmem:$0x1C800] =	vst v63  }
0xc5: {  	_ =	swait.ge [sflag:s24], $0x2800  }
0xc6: {  	s0 =	sor.u32 $0x14800, s18;
	[sflag:s24] =	ssyncset.done $0x0  }
0xc7: {  	s2 =	sadd.s32 $0x6, s21;
	s28 =	simm.s32 $0x7;
	[sflag:s24] =	ssyncadd.s32 $0xFFFFD800  }
0xc8: {  	[spmem:s1] =	stream.indirect.scatter.add.f32 [tilespmem:s25], [sflag:s2], $0x80, s0, s23, $0xb8;
	[tilespmem:$0x1C800] =	vst v63  }
0xc9: {  	_ =	swait.ge [sflag:s28], $0x2800  }
0xca: {  	[sflag:s28] =	ssyncset.done $0x0  }
0xcb: {  	[sflag:s28] =	ssyncadd.s32 $0xFFFFD800  }
0xcc: {  	[bflag:$0x0] =	sbarrier.arrive $0xFFFF  }
0xcd: {  	s29 =	rddreg [dreg:$0x8]  }
0xce: {  	s2 =	rddreg [dreg:$0xc]  }
0xcf: {  	[hbm:s29], [sflag:s19] =	dma.local [spmem:s2], $0x2800  }
0xd0: {  	_ =	swait.ge [sflag:s17], $0x2800  }
0xd1: {  	s31 =	sadd.s32 $0x1, s31;
	s30 =	rddreg [dreg:$0x9]  }
0xd2: {  	p0 =	sne.s32 s31, s30  }
.Ltmp1:
0xd3: {  	_ = 	snop;
	(pc) =	sbr.rel @p0 .LBB2_1-.Ltmp1, $3  }
0xd4: {  	_ =	sdelay $0x1  }
0xd5: {  	[sflag:s17] =	ssyncset.done $0x0  }
0xd6: {  	s7 =	smov.u32 s19;
	[sflag:s17] =	ssyncadd.s32 $0xFFFFD800  }
0xd7: {  	_ =	sfence.sel $0x180000  }
0xd8: {  	[bflag:$0x0] =	sbarrier.arrive $0xFFFF  }
0xd9: {  	_ =	strace $0x9000004A  }
0xda: {  	s0 =	stileid.u32;
	[bflag:$0x2] =	sbarrier.arrive $0xFFFF  }
0xdb: {  	p0 =	sne.s32 s0, $0x0;
	s0 =	rddreg [dreg:$0x2]  }
0xdc: {  	s0 =	sadd.s32 @!p0 $0x100000, s0  }
0xdd: {  	[sflag:s0] =	ssyncadd.tile.s32 @!p0 $0x1;
	_ =	shalt  }
.Lfunc_end2:
_tile_overlayer_lowered:
.L_overlay_start_2:
0xde: {  	(tag) =	ssettag $0x2  }
0xdf: {  	s0 =	rddreg [dreg:$0x0];
	s2 =	stileid.u32  }
0xe0: {  	s1 =	rddreg [dreg:$0x1];
	p0 =	sne.s32 s2, $0x0  }
0xe1: {  	s3 =	rddreg [dreg:$0x2];
	[bflag:$0x3] =	sbarrier.arrive $0xFFFF;
	s2 =	simm.s32 @!p0 $0x1C09  }
0xe2: {  	[timem:s3], [sflag:s2] =	dma.local @!p0 [hbm:s0], s1  }
0xe3: {  	s0 =	simm.s32 @!p0 $0x9  }
0xe4: {  	_ =	swait.ge @!p0 [sflag:s0], s1  }
0xe5: {  	s1 =	ssub.s32 @!p0 $0x0, s1;
	[sflag:s0] =	ssyncset.done @!p0 $0x0  }
0xe6: {  	[sflag:s0] =	ssyncadd.s32 @!p0 s1  }
0xe7: {  	[bflag:$0x3] =	sbarrier.arrive $0xFFFF  }
0xe8: {  	_ =	shalt  }

// kernel: kernel.15.cloned.1.call-start
scs
__scs_entry_jumppad:
0x0: {  	(pc) =	sbr.rel $0x88, $3  }
0x1: {  	(tag) =	ssettag $0x0;
	lr =	simm.s32 $0x1  }
0x2: {  	[smem:$0x3F9C] =	sst lr;
	_ =	strace $0xD0000000  }
0x3: {  	_ = 	snop  }
0x4: {  	_ = 	snop  }
0x5: {  	_ = 	snop  }
0x6: {  	_ = 	snop  }
0x7: {  	_ = 	snop  }
__scs_overlays_trampoline_lowered:
0x8: {  	[smem:$0x3FAB] =	sst s0  }
0x9: {  	[smem:$0x3FAC] =	sst s1  }
0xa: {  	[smem:$0x3FAD] =	sst s2  }
0xb: {  	[smem:$0x3FAE] =	sst s3  }
0xc: {  	[smem:$0x3FAF] =	sst s4  }
0xd: {  	[smem:$0x3FB0] =	sst s5  }
0xe: {  	[smem:$0x3FB1] =	sst s6  }
0xf: {  	[smem:$0x3FB2] =	sst s7  }
0x10: {  	[smem:$0x3FB3] =	sst s8  }
0x11: {  	[smem:$0x3FB4] =	sst s9;
	s0 =	simm.s32 @!p0 $0x0  }
0x12: {  	s1 =	sld [smem:$0x3F9A];
	s0 =	simm.s32 @p0 $0x1  }
0x13: {  	[smem:$0x3FB5] =	sst s0;
	s0 =	simm.s32 @!p1 $0x0  }
0x14: {  	s2 =	sld [smem:$0x3F99];
	s0 =	simm.s32 @p1 $0x1  }
0x15: {  	[smem:$0x3FB6] =	sst s0;
	s0 =	simm.s32 @!p2 $0x0  }
0x16: {  	s3 =	sld [smem:$0x3FDB];
	s0 =	simm.s32 @p2 $0x1  }
0x17: {  	s4 =	simm.s32 $0x1BF5;
	[smem:$0x3FB8] =	sst s0  }
0x18: {  	s0 =	sld [smem:$0x3F9B];
	_ =	swait.ge [sflag:s4], $0x0  }
0x19: {  	s7 =	sld [smem:$0x3F9C]  }
0x1a: {  	s8 =	sadd.s32 $0xFFFFE003, lr  }
0x1b: {  	s9 =	sadd.s32 $0xFFFFFEF7, lr;
	s5 =	simm.s32 $0xFFFFFFFF;
	p2 =	slt.u32 s8, $0xFFFFF086  }
0x1c: {  	p1 =	slt.u32 s9, $0xF7A;
	s5 =	simm.s32 @!p2 $0x0  }
0x1d: {  	s5 =	simm.s32 @p1 $0x1;
	p0 =	seq.s32 s7, s2  }
0x1e: {  	s7 =	smul.u32 @!p0 $0xF7A, s2;
	p2 =	seq.s32 @!p0 s5, $0x0  }
0x1f: {  	s9 =	smul.u32 $0xF7A, s1;
	s8 =	simm.s32 @!p0 $0x1BF5;
	p2 =	por !p2, p0  }
0x20: {  	[sflag:s8] =	ssyncset.s32 @!p0 $0xFFFFF086;
	s6 =	sadd.s32 @!p0 s3, s7;
	s7 =	simm.s32 @!p0 $0x108  }
0x21: {  	s3 =	sadd.s32 s3, s9;
	s6 =	sadd.s32 @!p0 $0x88, s6;
	s7 =	simm.s32 @p2 $0x1082  }
0x22: {  	[simem:s7], [sflag:s8] =	dma.local @!p0 [hbm:s6], $0xF7A  }
0x23: {  	s9 =	sor.u32 $0xD0000000, s2;
	s6 =	simm.s32 $0x108;
	_ =	swait.ge @!p0 [sflag:s8], $0x0  }
0x24: {  	s3 =	sadd.s32 $0x88, s3;
	s6 =	simm.s32 @!p1 $0x1082;
	[sflag:s4] =	ssyncset.s32 $0xFFFFF086  }
0x25: {  	[simem:s6], [sflag:s4] =	dma.local [hbm:s3], $0xF7A  }
0x26: {  	[smem:$0x3F9C] =	sst s1;
	(tag) =	ssettag s2;
	_ =	strace s9  }
0x27: {  	s1 =	sld [smem:$0x3FAC]  }
0x28: {  	s2 =	sld [smem:$0x3FAD]  }
0x29: {  	s4 =	sld [smem:$0x3FAF]  }
0x2a: {  	p0 =	seq.s32 s5, $0x0;
	s5 =	sld [smem:$0x3FB0]  }
0x2b: {  	s6 =	sld [smem:$0x3FB1]  }
0x2c: {  	s7 =	sld [smem:$0x3FB2]  }
0x2d: {  	s3 =	simm.s32 $0x108;
	s8 =	sld [smem:$0x3FB3]  }
0x2e: {  	s3 =	simm.s32 @!p0 $0x1082;
	s9 =	sld [smem:$0x3FB4]  }
0x2f: {  	lr =	sadd.s32 s0, s3;
	s0 =	sld [smem:$0x3FAB]  }
0x30: {  	s3 =	sld [smem:$0x3FAE]  }
0x31: {  	[smem:$0x3FB7] =	sst s10  }
0x32: {  	s10 =	sld [smem:$0x3FB5];
	_ =	sdelay $0x3  }
0x33: {  	p0 =	seq.s32 s10, $0x1;
	s10 =	sld [smem:$0x3FB7];
	_ =	sdelay $0x3  }
0x34: {  	[smem:$0x3FB7] =	sst s10  }
0x35: {  	s10 =	sld [smem:$0x3FB6];
	_ =	sdelay $0x3  }
0x36: {  	p1 =	seq.s32 s10, $0x1;
	s10 =	sld [smem:$0x3FB7];
	_ =	sdelay $0x3  }
0x37: {  	[smem:$0x3FB7] =	sst s10  }
0x38: {  	s10 =	sld [smem:$0x3FB8]  }
0x39: {  	_ = 	snop;
	(pc) =	sbr.ind lr, $3  }
0x3a: {  	_ = 	snop  }
0x3b: {  	_ = 	snop  }
0x3c: {  	p2 =	seq.s32 s10, $0x1;
	s10 =	sld [smem:$0x3FB7]  }
0x3d: {  	_ =	shalt  }
0x3e: {  	_ =	shalt  }
0x3f: {  	_ =	shalt  }
0x40: {  	_ =	shalt  }
0x41: {  	_ =	shalt  }
0x42: {  	_ =	shalt  }
0x43: {  	_ =	shalt  }
0x44: {  	_ =	shalt  }
0x45: {  	_ =	shalt  }
0x46: {  	_ =	shalt  }
0x47: {  	_ =	shalt  }
0x48: {  	_ =	shalt  }
0x49: {  	_ =	shalt  }
0x4a: {  	_ =	shalt  }
0x4b: {  	_ =	shalt  }
0x4c: {  	_ =	shalt  }
0x4d: {  	_ =	shalt  }
0x4e: {  	_ =	shalt  }
0x4f: {  	_ =	shalt  }
0x50: {  	_ =	shalt  }
0x51: {  	_ =	shalt  }
0x52: {  	_ =	shalt  }
0x53: {  	_ =	shalt  }
0x54: {  	_ =	shalt  }
0x55: {  	_ =	shalt  }
0x56: {  	_ =	shalt  }
0x57: {  	_ =	shalt  }
0x58: {  	_ =	shalt  }
0x59: {  	_ =	shalt  }
0x5a: {  	_ =	shalt  }
0x5b: {  	_ =	shalt  }
0x5c: {  	_ =	shalt  }
0x5d: {  	_ =	shalt  }
0x5e: {  	_ =	shalt  }
0x5f: {  	_ =	shalt  }
0x60: {  	_ =	shalt  }
0x61: {  	_ =	shalt  }
0x62: {  	_ =	shalt  }
0x63: {  	_ =	shalt  }
0x64: {  	_ =	shalt  }
0x65: {  	_ =	shalt  }
0x66: {  	_ =	shalt  }
0x67: {  	_ =	shalt  }
0x68: {  	_ =	shalt  }
0x69: {  	_ =	shalt  }
0x6a: {  	_ =	shalt  }
0x6b: {  	_ =	shalt  }
0x6c: {  	_ =	shalt  }
0x6d: {  	_ =	shalt  }
0x6e: {  	_ =	shalt  }
0x6f: {  	_ =	shalt  }
0x70: {  	_ =	shalt  }
0x71: {  	_ =	shalt  }
0x72: {  	_ =	shalt  }
0x73: {  	_ =	shalt  }
0x74: {  	_ =	shalt  }
0x75: {  	_ =	shalt  }
0x76: {  	_ =	shalt  }
0x77: {  	_ =	shalt  }
0x78: {  	_ =	shalt  }
0x79: {  	_ =	shalt  }
0x7a: {  	_ =	shalt  }
0x7b: {  	_ =	shalt  }
0x7c: {  	_ =	shalt  }
0x7d: {  	_ =	shalt  }
0x7e: {  	_ =	shalt  }
0x7f: {  	_ =	shalt  }
0x80: {  	_ =	shalt  }
0x81: {  	_ =	shalt  }
0x82: {  	_ =	shalt  }
0x83: {  	_ =	shalt  }
0x84: {  	_ =	shalt  }
0x85: {  	_ =	shalt  }
0x86: {  	_ =	shalt  }
0x87: {  	_ =	shalt  }
.Lfunc_end0:
.L_simem_size_0:
called_computation.2_lowered:
.L_overlay_start_0:
0x88: {  	s2 =	sld [smem:$0x3FD9]  }
0x89: {  	s3 =	sld [smem:$0x3FFE];
	_ =	sdelay $0x1  }
0x8a: {  	s1 =	srdreg.scid  }
0x8b: {  	s0 =	sand.u32 $0x1, s1  }
0x8c: {  	s16 =	sshll.u32 s0, $0xA;
	s2 =	sadd.s32 s3, s2  }
0x8d: {  	s2 =	sadd.s32 s2, s16  }
0x8e: {  	[smem:$0x3FC3] =	sst s2  }
0x8f: {  	_ = 	snop  }
0x90: {  	(tm) =	ssettm $0x1  }
0x91: {  	s17 =	sld [smem:$0x3FFB];
	_ =	sdelay $0x3  }
0x92: {  	_ =	strace s17  }
0x93: {  	s2 =	sld [smem:$0x3FFC];
	_ =	sdelay $0x3  }
0x94: {  	_ =	strace s2  }
0x95: {  	s2 =	sld [smem:$0x3FFD];
	_ =	sdelay $0x3  }
0x96: {  	_ =	strace s2  }
0x97: {  	_ =	strace $0x8FFFFFFF  }
0x98: {  	s18 =	sld [smem:$0x3FDB];
	_ =	sdelay $0x1  }
0x99: {  	s19 =	simm.s32 $_scs_section_size  }
0x9a: {  	s4 =	simm.s32 $_size__tile_overlayer_lowered;
	s5 =	simm.s32 $_tile_overlayer_lowered  }
0x9b: {  	s22 =	simm.s32 $0x1BFF;
	s21 =	sshll.u32 s5, $0x1;
	s2 =	sadd.s32 s19, s18  }
0x9c: {  	s6 =	simm.s32 $0x0;
	s20 =	sshll.u32 s4, $0x1;
	s4 =	sadd.s32 s21, s2  }
0x9d: {  	[timem:s6], [sflag:s22] =	dma.local [hbm:s4], s20  }
0x9e: {  	_ =	swait.ge [sflag:s22], s20  }
0x9f: {  	s3 =	ssub.s32 $0x0, s20;
	[sflag:s22] =	ssyncset.done $0x0  }
0xa0: {  	[sflag:s22] =	ssyncadd.s32 s3;
	_ =	sdelay $0x1  }
0xa1: {  	s23 =	simm.s32 $0x1B8B  }
0xa2: {  	_ =	swait.ge [sflag:s23], $0x1  }
0xa3: {  	[sflag:s23] =	ssyncset.done $0x0  }
0xa4: {  	s25 =	simm.s32 $0x1B8E;
	s24 =	sld [smem:$0x3FFE];
	[sflag:s23] =	ssyncadd.s32 $0xFFFFFFFF  }
0xa5: {  	s26 =	simm.s32 $execute0_lowered;
	[smem:$0x3FD2] =	sst s25  }
0xa6: {  	s4 =	sshll.u32 s26, $0x1;
	_ =	strace $0x8000004C;
	[dreg:$0x1] =	wrdreg $0xFFFFFFFF  }
0xa7: {  	s28 =	simm.s32 $_size_execute0_lowered;
	s2 =	sadd.s32 s2, s4;
	[dreg:$0x0] =	wrdreg $0x0  }
0xa8: {  	s4 =	sshll.u32 s28, $0x1;
	[dreg:$0x2] =	wrdreg s2  }
0xa9: {  	[dreg:$0x3] =	wrdreg s4  }
0xaa: {  	[dreg:$0x4] =	wrdreg $0xC0  }
0xab: {  	_ =	task [dreg:s6], $0x5FFFF  }
0xac: {  	[dreg:$0x1] =	wrdreg $0xFFFFFFFF  }
0xad: {  	[dreg:$0x0] =	wrdreg $0x60  }
0xae: {  	[dreg:$0x2] =	wrdreg s24  }
0xaf: {  	[dreg:$0x3] =	wrdreg $0x0  }
0xb0: {  	[dreg:$0x4] =	wrdreg $0x9  }
0xb1: {  	_ =	task.clear_ibuf [dreg:s6], $0x5FFFF;
	_ =	strace $0x9000004C  }
0xb2: {  	s29 =	simm.s32 $0x9;
	_ =	strace $0x8000004E  }
0xb3: {  	_ =	swait.ge [sflag:s29], $0x1  }
0xb4: {  	[sflag:s29] =	ssyncadd.s32 $0xFFFFFFFF  }
0xb5: {  	_ =	strace $0x9000004E  }
0xb6: {  	_ =	sfence  }
0xb7: {  	s30 =	sld [smem:$0x0];
	_ =	sdelay $0x2  }
0xb8: {  	s31 =	sshll.u32 s1, $0xD;
	s1 =	sshrl.u32 s1, $0x2  }
0xb9: {  	s3 =	sand.u32 $0x4000, s31;
	s1 =	sadd.s32 s1, s30  }
0xba: {  	s0 =	sor.u32 s3, s0;
	s1 =	sshll.u32 s1, $0x11  }
0xbb: {  	s0 =	sor.u32 s1, s0  }
0xbc: {  	s0 =	sadd.s32 $0x8F2B, s0  }
0xbd: {  	[sflag:s0] =	ssyncadd.remote.s32 $0x1  }
0xbe: {  	_ =	sfence.sel $0xFFFF  }
0xbf: {  	[dreg:$0x0] =	wrdreg $0xFFFFFFFF;
	(pc) =	sbr.abs _section_cstart, $3  }
0xc0: {  	[dreg:$0x1] =	wrdreg $0xFFFFFFFF  }
0xc1: {  	_ =	task.clear_ibuf [dreg:s6], $0x2FFFF;
	_ =	strace $0x9FFFFFFF  }
0xc2: {  	(tm) =	ssettm $0x7FFFFFFF  }
0xc3: {  	_ =	shalt  }
tec
execute0_lowered:
.L_overlay_start_1:
0x0: {  	(tag) =	ssettag $0x1  }
0x1: {  	s0 =	rddreg [dreg:$0x0]  }
0x2: {  	s1 =	rddreg [dreg:$0x1]  }
0x3: {  	s3 =	simm.s32 $0x0;
	s2 =	srdreg.scid;
	s11 =	stileid.u32  }
0x4: {  	[smem:$0x7FF] =	sst s3;
	s2 =	sand.u32 $0x1, s2;
	s7 =	smul.u32 $0x14000, s11  }
0x5: {  	s4 =	sadd.s32 $0x98C00, s0;
	s5 =	sadd.s32 $0x66C00, s0;
	s19 =	smul.u32 $0x50000, s11  }
0x6: {  	s8 =	sadd.s32 $0x3200, s0;
	s17 =	sshll.u32 s11, $0x1;
	s10 =	smul.u32 $0xC800, s11  }
0x7: {  	s6 =	smul.u32 $0x140000, s2;
	_ =	strace $0x8000004D;
	[dreg:$0x3] =	wrdreg s8  }
0x8: {  	s18 =	sor.u32 s2, s17;
	s9 =	ssub.s32 $0x2, s2;
	s2 =	smul.u32 $0x6400, s2  }
0x9: {  	s20 =	sshrl.u32 s9, $0x1;
	s8 =	sshrl.u32 s19, $0x2;
	s6 =	sadd.s32 s7, s6  }
0xa: {  	s7 =	smul.u32 $0x6400, s18;
	s21 =	sadd.s32 s8, s1;
	s2 =	sadd.s32 s2, s10  }
0xb: {  	s6 =	sshrl.u32 s6, $0x3;
	s28 =	sadd.s32 $0xC8400, s2;
	s30 =	sadd.s32 $0x400, s2  }
0xc: {  	s2 =	sshrl.u32 s21, $0x3;
	s23 =	sshrl.u32 s7, $0x3;
	[dreg:$0xb] =	wrdreg s30  }
0xd: {  	s0 =	sadd.s32 s6, s0;
	[dreg:$0xc] =	wrdreg s2;
	s24 =	sadd.s32 s5, s23  }
0xe: {  	s6 =	ssub.s32 s9, s20;
	s0 =	sadd.s32 $0xBFE00, s0;
	[dreg:$0x4] =	wrdreg s24  }
0xf: {  	s31 =	simm.s32 $0x0;
	s6 =	smax.u32 s6, $0x1;
	[dreg:$0x8] =	wrdreg s0  }
0x10: {  	s22 =	sshll.u32 s11, $0x6;
	s25 =	sadd.s32 $0x19000, s24;
	[dreg:$0x9] =	wrdreg s6  }
0x11: {  	s17 =	simm.s32 $0x9;
	s26 =	sadd.s32 $0x80, s24;
	[dreg:$0x5] =	wrdreg s25  }
0x12: {  	s29 =	sshrl.u32 s28, $0x3;
	s8 =	sadd.s32 $0x19080, s24;
	[dreg:$0x6] =	wrdreg s26  }
0x13: {  	s7 =	sor.u32 $0x1C09, s22;
	s0 =	sadd.s32 s29, s5;
	[dreg:$0x7] =	wrdreg s8  }
0x14: {  	s22 =	simm.s32 $0x1;
	s23 =	simm.s32 $0x50;
	[dreg:$0xa] =	wrdreg s0  }
.LBB2_1:
0x15: {  	s0 =	rddreg [dreg:$0x3]  }
0x16: {  	[spmem:s2], [sflag:s7] =	dma.local [hbm:s0], $0x2800  }
0x17: {  	_ =	swait.ge [sflag:s17], $0x2800  }
0x18: {  	[sflag:s17] =	ssyncset.done $0x0  }
0x19: {  	s21 =	simm.s32 $0x14000;
	s20 =	rddreg [dreg:$0x4];
	[sflag:s17] =	ssyncadd.s32 $0xFFFFD800  }
0x1a: {  	[tilespmem:s21], [sflag:$0x1] =	stream.linear.gather [hbm4b:s20+s3], $0x280, $0x38;
	[tilespmem:$0x1C800] =	vst v63  }
0x1b: {  	s6 =	simm.s32 $0x14800;
	s24 =	rddreg [dreg:$0x5]  }
0x1c: {  	[tilespmem:s6], [sflag:$0x1] =	stream.linear.gather [hbm4b:s24+s3], $0x280, $0x38;
	[tilespmem:$0x1C800] =	vst v63  }
0x1d: {  	s26 =	simm.s32 $0x14400;
	s25 =	rddreg [dreg:$0x6]  }
0x1e: {  	[tilespmem:s26], [sflag:$0x2] =	stream.linear.gather [hbm4b:s25+s3], $0x280, $0x38;
	[tilespmem:$0x1C800] =	vst v63  }
0x1f: {  	s30 =	simm.s32 $0x14C00;
	s29 =	rddreg [dreg:$0x7]  }
0x20: {  	[tilespmem:s30], [sflag:$0x2] =	stream.linear.gather [hbm4b:s29+s3], $0x280, $0x38;
	[tilespmem:$0x1C800] =	vst v63  }
0x21: {  	s19 =	smov.u32 s7;
	p0 =	por $0x1, $0x1;
	_ =	swait.ge [sflag:s22], $0x280  }
0x22: {  	s8 =	simm.s32 $0x14080;
	s0 =	smul.u32 @!p0 $0x5, s3;
	[sflag:s22] =	ssyncset.done $0x0  }
0x23: {  	s9 =	simm.s32 $0x17800;
	s10 =	simm.s32 $0x14100;
	[sflag:s22] =	ssyncadd.s32 $0xFFFFFD80  }
0x24: {  	s11 =	simm.s32 $0x1A000;
	s6 =	sadd.s32 @!p0 $0xFFFFFFFF, s0;
	_ =	swait.ge [sflag:s22], $0x280  }
0x25: {  	s7 =	simm.s32 $0x15000;
	s2 =	sshll.u32 @!p0 s6, $0x18;
	[sflag:s22] =	ssyncset.done $0x0  }
0x26: {  	p1 =	por @!p0 $0x0, $0x0;
	s2 =	sshra.s32 @!p0 s2, $0x18;
	[sflag:s22] =	ssyncadd.s32 $0xFFFFFD80  }
0x27: {  	s20 =	sand.u32 $0x1, s3;
	s2 =	smul.u32 @!p0 $0x56, s2;
	[bflag:$0x0] =	sbarrier.arrive $0xFFFF  }
0x28: {  	[tilespmem:s7], [sflag:$0x3] =	stream.indirect.gather [hbm4b:s4+s23], $0x80, s21, s23, $0xb8;
	[tilespmem:$0x1C800] =	vst v63  }
0x29: {  	s18 =	sshrl.u32 @!p0 s2, $0x1F;
	s21 =	sshrl.u32 @!p0 s2, $0x8;
	s2 =	sshll.u32 s20, $0xA  }
0x2a: {  	s28 =	simm.s32 @!p0 $0x50;
	s18 =	sadd.s32 @!p0 s18, s21;
	s21 =	sor.u32 $0x14180, s2  }
0x2b: {  	[tilespmem:s9], [sflag:$0x4] =	stream.indirect.gather [hbm4b:s4+s23], $0x80, s8, s23, $0xb8;
	[tilespmem:$0x1C800] =	vst v63  }
0x2c: {  	s15 =	sor.u32 $0x14800, s2;
	s9 =	sshll.u32 @!p0 s20, $0xA;
	s18 =	smul.u32 @!p0 $0x3, s18  }
0x2d: {  	[tilespmem:s11], [sflag:$0x5] =	stream.indirect.gather [hbm4b:s4+s23], $0x80, s10, s23, $0xb8;
	[tilespmem:$0x1C800] =	vst v63  }
0x2e: {  	s14 =	sor.u32 @!p0 $0x14100, s9;
	s10 =	sadd.s32 @!p0 $0x2, s0;
	s0 =	simm.s32 @p0 $0x0  }
0x2f: {  	s6 =	ssub.s32 @!p0 s6, s18;
	s11 =	sand.u32 @!p0 $0xFF, s10;
	s12 =	sand.u32 $0xFF, s0  }
0x30: {  	s24 =	sadd.s32 $0x1, s0;
	s25 =	sadd.s32 $0x3, s0;
	s9 =	smul.u32 @!p0 $0xAB, s11  }
0x31: {  	s6 =	sshll.u32 @!p0 s6, $0x18;
	s11 =	smul.u32 $0xAB, s12;
	s13 =	sand.u32 $0xFF, s25  }
0x32: {  	s6 =	sshra.s32 @!p0 s6, $0x18;
	s18 =	smul.u32 $0xAB, s13;
	s9 =	sshrl.u32 @!p0 s9, $0x9  }
0x33: {  	s30 =	sand.u32 $0xFF, s24;
	s6 =	sadd.s32 @!p0 $0x6, s6;
	s26 =	smul.u32 @!p0 $0x3, s9  }
0x34: {  	s11 =	sshrl.u32 s11, $0x9;
	_ =	swait.ge @!p0 [sflag:s6], $0x2800;
	s9 =	sadd.s32 $0x4, s0  }
0x35: {  	s11 =	smul.u32 $0x3, s11;
	s18 =	sshrl.u32 s18, $0x9;
	s10 =	ssub.s32 @!p0 s10, s26  }
0x36: {  	[sflag:s6] =	ssyncset.done @!p0 $0x0;
	s18 =	smul.u32 $0x3, s18;
	s10 =	sand.u32 @!p0 $0xFF, s10  }
0x37: {  	[sflag:s6] =	ssyncadd.s32 @!p0 $0xFFFFD800;
	s11 =	ssub.s32 s0, s11;
	s26 =	smul.u32 @!p0 $0xA000, s10  }
0x38: {  	s16 =	sand.u32 $0xFF, s9;
	s11 =	sand.u32 $0xFF, s11;
	s7 =	ssub.s32 s25, s18  }
0x39: {  	s29 =	smul.u32 $0xA000, s11;
	s6 =	sand.u32 $0xFF, s7;
	s26 =	sshrl.u32 @!p0 s26, $0x2  }
0x3a: {  	s10 =	sadd.s32 @!p0 $0x3, s10;
	s13 =	smul.u32 $0xA000, s6;
	s26 =	sadd.s32 @!p0 $0x15000, s26  }
0x3b: {  	[tilespmem:s26], [sflag:s10] =	stream.indirect.gather @!p0 [hbm4b:s4+s28], $0x80, s14, s28, $0xb8;
	[tilespmem:$0x1C800] =	vst v63  }
0x3c: {  	s28 =	sadd.s32 $0x3, s11;
	s26 =	smul.u32 $0xAB, s30;
	s14 =	sshrl.u32 s29, $0x2  }
0x3d: {  	s11 =	sadd.s32 $0x6, s11;
	s10 =	smul.u32 $0xAB, s16;
	_ =	swait.ge [sflag:s28], $0x2800  }
0x3e: {  	s14 =	sadd.s32 $0x15000, s14;
	[sflag:s28] =	ssyncset.done $0x0;
	s8 =	sshrl.u32 s26, $0x9  }
0x3f: {  	s10 =	sshrl.u32 s10, $0x9;
	[sflag:s28] =	ssyncadd.s32 $0xFFFFD800;
	s12 =	smul.u32 $0x3, s8  }
0x40: {  	[spmem:s1] =	stream.indirect.scatter.add.f32 [tilespmem:s14], [sflag:s11], $0x80, s15, s23, $0xb8;
	[tilespmem:$0x1C800] =	vst v63  }
0x41: {  	p0 =	por p1, p0;
	s10 =	smul.u32 $0x3, s10;
	s14 =	sadd.s32 $0x3, s6  }
0x42: {  	s15 =	sshrl.u32 s13, $0x2;
	_ =	swait.ge [sflag:s11], $0x2800;
	s18 =	ssub.s32 s24, s12  }
0x43: {  	s9 =	ssub.s32 s9, s10;
	[sflag:s11] =	ssyncset.done $0x0;
	s8 =	rddreg [dreg:$0xb]  }
0x44: {  	s18 =	sand.u32 $0xFF, s18;
	s7 =	rddreg [dreg:$0xa];
	s26 =	sshrl.u32 @!p0 s8, $0x3  }
0x45: {  	[sflag:s11] =	ssyncadd.s32 $0xFFFFD800;
	s11 =	sxor.u32 @!p0 $0x1, s20;
	s16 =	smul.u32 $0xA000, s18  }
0x46: {  	s12 =	sadd.s32 $0x3, s18;
	s18 =	sadd.s32 $0x6, s18;
	s28 =	sadd.s32 @!p0 s5, s26  }
0x47: {  	s25 =	sshll.u32 @!p0 s11, $0xA;
	s11 =	sadd.s32 @!p0 $0x1, s11;
	s26 =	sadd.s32 $0x15000, s15  }
0x48: {  	[tilespmem:s26], [sflag:s14] =	stream.indirect.gather [hbm4b:s4+s23], $0x80, s21, s23, $0xb8;
	[tilespmem:$0x1C800] =	vst v63  }
0x49: {  	s15 =	sadd.s32 $0x14880, s2;
	s24 =	sor.u32 @!p0 $0x14000, s25;
	s21 =	simm.s32 @!p0 $0x0  }
0x4a: {  	[tilespmem:s24], [sflag:s11] =	stream.linear.gather @!p0 [hbm4b:s28+s21], $0x280, $0x38;
	[tilespmem:$0x1C800] =	vst v63  }
0x4b: {  	s25 =	sor.u32 @!p0 $0x14800, s25;
	s30 =	sshrl.u32 s16, $0x2;
	s28 =	sadd.s32 $0x2, s0  }
0x4c: {  	[tilespmem:s25], [sflag:s11] =	stream.linear.gather @!p0 [hbm4b:s7+s21], $0x280, $0x38;
	[tilespmem:$0x1C800] =	vst v63  }
0x4d: {  	s16 =	sadd.s32 $0x15000, s30;
	s29 =	sand.u32 $0xFF, s28;
	_ =	swait.ge [sflag:s12], $0x2800  }
0x4e: {  	s13 =	smul.u32 $0xAB, s29;
	s21 =	sand.u32 $0xFF, s9;
	[sflag:s12] =	ssyncset.done $0x0  }
0x4f: {  	p0 =	por $0x0, $0x0;
	s9 =	smul.u32 $0xA000, s21;
	[sflag:s12] =	ssyncadd.s32 $0xFFFFD800  }
0x50: {  	[spmem:s1] =	stream.indirect.scatter.add.f32 [tilespmem:s16], [sflag:s18], $0x80, s15, s23, $0xb8;
	[tilespmem:$0x1C800] =	vst v63  }
0x51: {  	s11 =	sxor.u32 @!p0 $0x1, s20;
	s24 =	sadd.s32 $0x3, s21;
	_ =	swait.ge [sflag:s18], $0x2800  }
0x52: {  	s11 =	sadd.s32 @!p0 $0x1, s11;
	s9 =	sshrl.u32 s9, $0x2;
	[sflag:s18] =	ssyncset.done $0x0  }
0x53: {  	s25 =	sadd.s32 $0x15000, s9;
	[sflag:s18] =	ssyncadd.s32 $0xFFFFD800;
	s18 =	sor.u32 $0x14200, s2  }
0x54: {  	[tilespmem:s25], [sflag:s24] =	stream.indirect.gather [hbm4b:s4+s23], $0x80, s18, s23, $0xb8;
	[tilespmem:$0x1C800] =	vst v63  }
0x55: {  	s10 =	sshrl.u32 s13, $0x9;
	_ =	swait.ge @!p0 [sflag:s11], $0x280  }
0x56: {  	s20 =	smul.u32 $0x3, s10;
	[sflag:s11] =	ssyncset.done @!p0 $0x0  }
0x57: {  	[sflag:s11] =	ssyncadd.s32 @!p0 $0xFFFFFD80  }
0x58: {  	s9 =	ssub.s32 s28, s20;
	_ =	swait.ge @!p0 [sflag:s11], $0x280  }
0x59: {  	s10 =	sadd.s32 @!p0 $0x5, s0;
	s9 =	sand.u32 $0xFF, s9;
	[sflag:s11] =	ssyncset.done @!p0 $0x0  }
0x5a: {  	s29 =	smul.u32 $0xA000, s9;
	s30 =	sadd.s32 $0x3, s9;
	[sflag:s11] =	ssyncadd.s32 @!p0 $0xFFFFFD80  }
0x5b: {  	s20 =	sand.u32 @!p0 $0xFF, s10;
	s28 =	sadd.s32 $0x14900, s2;
	_ =	swait.ge [sflag:s30], $0x2800  }
0x5c: {  	s20 =	smul.u32 @!p0 $0xAB, s20;
	s18 =	sshrl.u32 s29, $0x2;
	[sflag:s30] =	ssyncset.done $0x0  }
0x5d: {  	s9 =	sadd.s32 $0x6, s9;
	s18 =	sadd.s32 $0x15000, s18;
	[sflag:s30] =	ssyncadd.s32 $0xFFFFD800  }
0x5e: {  	[spmem:s1] =	stream.indirect.scatter.add.f32 [tilespmem:s18], [sflag:s9], $0x80, s28, s23, $0xb8;
	[tilespmem:$0x1C800] =	vst v63  }
0x5f: {  	s11 =	sshrl.u32 @!p0 s20, $0x9;
	_ =	swait.ge [sflag:s9], $0x2800  }
0x60: {  	s11 =	smul.u32 @!p0 $0x3, s11;
	[sflag:s9] =	ssyncset.done $0x0  }
0x61: {  	s20 =	sadd.s32 @p0 $0x6, s6;
	[sflag:s9] =	ssyncadd.s32 $0xFFFFD800  }
0x62: {  	s10 =	ssub.s32 @!p0 s10, s11;
	s11 =	sadd.s32 @!p0 $0x6, s0;
	_ =	swait.ge @p0 [sflag:s14], $0x2800  }
0x63: {  	s18 =	sor.u32 $0x180, s2;
	s0 =	sand.u32 @!p0 $0xFF, s10;
	[sflag:s14] =	ssyncset.done @p0 $0x0  }
0x64: {  	s10 =	simm.s32 @p0 $0x50;
	s9 =	sor.u32 @p0 $0x14800, s18;
	[sflag:s14] =	ssyncadd.s32 @p0 $0xFFFFD800  }
0x65: {  	[spmem:s1] =	stream.indirect.scatter.add.f32 @p0 [tilespmem:s26], [sflag:s20], $0x80, s9, s10, $0xb8;
	[tilespmem:$0x1C800] =	vst v63  }
0x66: {  	s29 =	ssub.s32 @!p0 $0x14400, s2;
	s10 =	smul.u32 @!p0 $0xA000, s0  }
0x67: {  	s9 =	sand.u32 @!p0 $0xFF, s11;
	s0 =	sadd.s32 @!p0 $0x3, s0;
	_ =	swait.ge @p0 [sflag:s20], $0x2800  }
0x68: {  	s28 =	smul.u32 @!p0 $0xAB, s9;
	s9 =	sshrl.u32 @!p0 s10, $0x2;
	[sflag:s20] =	ssyncset.done @p0 $0x0  }
0x69: {  	s10 =	sadd.s32 @!p0 $0x15000, s9;
	[sflag:s20] =	ssyncadd.s32 @p0 $0xFFFFD800;
	s9 =	simm.s32 @!p0 $0x50  }
0x6a: {  	[tilespmem:s10], [sflag:s0] =	stream.indirect.gather @!p0 [hbm4b:s4+s9], $0x80, s29, s9, $0xb8;
	[tilespmem:$0x1C800] =	vst v63  }
0x6b: {  	s0 =	sshrl.u32 @!p0 s28, $0x9  }
0x6c: {  	s10 =	smul.u32 @!p0 $0x3, s0  }
0x6d: {  	_ =	swait.ge @!p0 [sflag:s14], $0x2800  }
0x6e: {  	s18 =	sor.u32 @!p0 $0x14800, s18;
	[sflag:s14] =	ssyncset.done @!p0 $0x0;
	s10 =	ssub.s32 @!p0 s11, s10  }
0x6f: {  	s28 =	sadd.s32 @!p0 $0x6, s6;
	[sflag:s14] =	ssyncadd.s32 @!p0 $0xFFFFD800;
	s11 =	sand.u32 @!p0 $0xFF, s10  }
0x70: {  	[spmem:s1] =	stream.indirect.scatter.add.f32 @!p0 [tilespmem:s26], [sflag:s28], $0x80, s18, s9, $0xb8;
	[tilespmem:$0x1C800] =	vst v63  }
0x71: {  	s0 =	simm.s32 $0x1;
	s14 =	smul.u32 @!p0 $0xA000, s11  }
0x72: {  	s10 =	ssub.s32 @!p0 $0x14480, s2;
	s18 =	sor.u32 $0x200, s2;
	_ =	swait.ge @!p0 [sflag:s28], $0x2800  }
0x73: {  	s11 =	sadd.s32 @!p0 $0x3, s11;
	[sflag:s28] =	ssyncset.done @!p0 $0x0;
	s2 =	sshrl.u32 @!p0 s14, $0x2  }
0x74: {  	s14 =	smov.u32 s7;
	s20 =	sadd.s32 @!p0 $0x15000, s2;
	s2 =	sadd.s32 $0x400, s8  }
.LBB2_2:
0x75: {  	[sflag:s28] =	ssyncadd.s32 @!p0 $0xFFFFD800  }
0x76: {  	s14 =	sadd.s32 $0x80, s14;
	s28 =	smov.u32 s0;
	s0 =	sadd.s32 $0x1, s0  }
0x77: {  	[tilespmem:s20], [sflag:s11] =	stream.indirect.gather @!p0 [hbm4b:s4+s9], $0x80, s10, s9, $0xb8;
	[tilespmem:$0x1C800] =	vst v63  }
0x78: {  	p1 =	sne.s32 s0, $0x19;
	s9 =	sor.u32 $0x14800, s18;
	_ =	swait.ge [sflag:s24], $0x2800  }
0x79: {  	p0 =	seq.s32 s28, $0x18;
	s10 =	sadd.s32 $0x6, s21;
	[sflag:s24] =	ssyncset.done $0x0  }
0x7a: {  	s6 =	sand.u32 $0x1, s28;
	p2 =	seq.s32 s28, $0x0;
	[sflag:s24] =	ssyncadd.s32 $0xFFFFD800  }
0x7b: {  	[spmem:s1] =	stream.indirect.scatter.add.f32 [tilespmem:s25], [sflag:s10], $0x80, s9, s23, $0xb8;
	[tilespmem:$0x1C800] =	vst v63  }
0x7c: {  	s26 =	smul.u32 @!p2 $0x5, s28;
	p3 =	seq.s32 @!p2 s28, $0x18;
	s9 =	sshll.u32 @!p2 s6, $0xA  }
0x7d: {  	s20 =	sshll.u32 s6, $0xA;
	s24 =	sxor.u32 @!p0 $0x1, s6;
	s10 =	sor.u32 @!p2 $0x14100, s9  }
0x7e: {  	s11 =	sadd.s32 @!p2 $0xFFFFFFFF, s26;
	s18 =	sadd.s32 @!p2 $0x2, s26;
	s26 =	simm.s32 @p2 $0x0  }
0x7f: {  	s21 =	sand.u32 @!p2 $0xFF, s18;
	s25 =	sor.u32 $0x14180, s20;
	s9 =	sshll.u32 @!p2 s11, $0x18  }
0x80: {  	s21 =	smul.u32 @!p2 $0xAB, s21;
	s28 =	sshra.s32 @!p2 s9, $0x18;
	s9 =	sadd.s32 $0x1, s26  }
0x81: {  	s29 =	sand.u32 $0xFF, s26;
	s12 =	sadd.s32 $0x3, s26;
	s28 =	smul.u32 @!p2 $0x56, s28  }
0x82: {  	s29 =	smul.u32 $0xAB, s29;
	s13 =	sshrl.u32 @!p2 s21, $0x9;
	s21 =	sadd.s32 $0x4, s26  }
0x83: {  	s13 =	smul.u32 @!p2 $0x3, s13;
	s8 =	sshrl.u32 @!p2 s28, $0x1F;
	s28 =	sshrl.u32 @!p2 s28, $0x8  }
0x84: {  	s8 =	sadd.s32 @!p2 s8, s28;
	s28 =	sshrl.u32 s29, $0x9;
	s29 =	sand.u32 $0xFF, s12  }
0x85: {  	s30 =	sor.u32 $0x14800, s20;
	s13 =	ssub.s32 @!p2 s18, s13;
	s8 =	smul.u32 @!p2 $0x3, s8  }
0x86: {  	s18 =	sand.u32 $0xFF, s21;
	s13 =	sand.u32 @!p2 $0xFF, s13;
	s28 =	smul.u32 $0x3, s28  }
0x87: {  	s8 =	ssub.s32 @!p2 s11, s8;
	s11 =	smul.u32 @!p2 $0xA000, s13;
	s13 =	sadd.s32 @!p2 $0x3, s13  }
0x88: {  	s29 =	smul.u32 $0xAB, s29;
	s28 =	ssub.s32 s26, s28;
	s8 =	sshll.u32 @!p2 s8, $0x18  }
0x89: {  	s28 =	sand.u32 $0xFF, s28;
	s8 =	sshra.s32 @!p2 s8, $0x18;
	s11 =	sshrl.u32 @!p2 s11, $0x2  }
0x8a: {  	s7 =	smul.u32 $0xA000, s28;
	s8 =	sadd.s32 @!p2 $0x6, s8;
	s11 =	sadd.s32 @!p2 $0x15000, s11  }
0x8b: {  	s15 =	sand.u32 $0xFF, s9;
	s29 =	sshrl.u32 s29, $0x9;
	_ =	swait.ge @!p2 [sflag:s8], $0x2800  }
0x8c: {  	s16 =	simm.s32 @!p2 $0x50;
	s29 =	smul.u32 $0x3, s29;
	[sflag:s8] =	ssyncset.done @!p2 $0x0  }
0x8d: {  	p3 =	por p3, p2;
	[sflag:s8] =	ssyncadd.s32 @!p2 $0xFFFFD800;
	s8 =	sadd.s32 $0x3, s28  }
0x8e: {  	[tilespmem:s11], [sflag:s13] =	stream.indirect.gather @!p2 [hbm4b:s4+s16], $0x80, s10, s16, $0xb8;
	[tilespmem:$0x1C800] =	vst v63  }
0x8f: {  	s11 =	ssub.s32 s12, s29;
	s12 =	smul.u32 $0xAB, s15;
	_ =	swait.ge [sflag:s8], $0x2800  }
0x90: {  	s7 =	sshrl.u32 s7, $0x2;
	s10 =	sadd.s32 $0x2, s26;
	[sflag:s8] =	ssyncset.done $0x0  }
0x91: {  	s7 =	sadd.s32 $0x15000, s7;
	[sflag:s8] =	ssyncadd.s32 $0xFFFFD800;
	s8 =	sadd.s32 $0x6, s28  }
0x92: {  	[spmem:s1] =	stream.indirect.scatter.add.f32 [tilespmem:s7], [sflag:s8], $0x80, s30, s23, $0xb8;
	[tilespmem:$0x1C800] =	vst v63  }
0x93: {  	s28 =	sand.u32 $0xFF, s11;
	s7 =	sshrl.u32 s12, $0x9;
	_ =	swait.ge [sflag:s8], $0x2800  }
0x94: {  	s29 =	sadd.s32 $0x3, s28;
	s7 =	smul.u32 $0x3, s7;
	[sflag:s8] =	ssyncset.done $0x0  }
0x95: {  	s11 =	sshrl.u32 @!p3 s2, $0x3;
	[sflag:s8] =	ssyncadd.s32 $0xFFFFD800;
	s8 =	smul.u32 $0xA000, s28  }
0x96: {  	s6 =	sxor.u32 @!p3 $0x1, s6;
	s11 =	sadd.s32 @!p3 s5, s11;
	s7 =	ssub.s32 s9, s7  }
0x97: {  	s12 =	sshll.u32 @!p3 s6, $0xA;
	s9 =	sadd.s32 @!p3 $0x1, s6;
	s8 =	sshrl.u32 s8, $0x2  }
0x98: {  	s6 =	sadd.s32 $0x15000, s8;
	s8 =	sor.u32 @!p3 $0x14000, s12;
	s12 =	sor.u32 @!p3 $0x14800, s12  }
0x99: {  	s13 =	smul.u32 $0xAB, s18;
	s15 =	sand.u32 $0xFF, s10;
	s7 =	sand.u32 $0xFF, s7  }
0x9a: {  	[tilespmem:s6], [sflag:s29] =	stream.indirect.gather [hbm4b:s4+s23], $0x80, s25, s23, $0xb8;
	[tilespmem:$0x1C800] =	vst v63  }
0x9b: {  	s16 =	simm.s32 @!p3 $0x0;
	s13 =	sshrl.u32 s13, $0x9;
	s18 =	smul.u32 $0xA000, s7  }
0x9c: {  	[tilespmem:s8], [sflag:s9] =	stream.linear.gather @!p3 [hbm4b:s11+s16], $0x280, $0x38;
	[tilespmem:$0x1C800] =	vst v63  }
0x9d: {  	s13 =	smul.u32 $0x3, s13;
	s8 =	sshrl.u32 s18, $0x2;
	s11 =	sadd.s32 $0x3, s7  }
0x9e: {  	[tilespmem:s12], [sflag:s9] =	stream.linear.gather @!p3 [hbm4b:s14+s16], $0x280, $0x38;
	[tilespmem:$0x1C800] =	vst v63  }
0x9f: {  	s9 =	ssub.s32 s21, s13;
	s12 =	smul.u32 $0xAB, s15;
	_ =	swait.ge [sflag:s11], $0x2800  }
0xa0: {  	s7 =	sadd.s32 $0x6, s7;
	s13 =	sadd.s32 $0x14880, s20;
	[sflag:s11] =	ssyncset.done $0x0  }
0xa1: {  	s8 =	sadd.s32 $0x15000, s8;
	s21 =	sand.u32 $0xFF, s9;
	[sflag:s11] =	ssyncadd.s32 $0xFFFFD800  }
0xa2: {  	[spmem:s1] =	stream.indirect.scatter.add.f32 [tilespmem:s8], [sflag:s7], $0x80, s13, s23, $0xb8;
	[tilespmem:$0x1C800] =	vst v63  }
0xa3: {  	s9 =	sshrl.u32 s12, $0x9;
	s8 =	smul.u32 $0xA000, s21;
	_ =	swait.ge [sflag:s7], $0x2800  }
0xa4: {  	s11 =	sadd.s32 @!p0 $0x1, s24;
	s9 =	smul.u32 $0x3, s9;
	[sflag:s7] =	ssyncset.done $0x0  }
0xa5: {  	s24 =	sadd.s32 $0x3, s21;
	[sflag:s7] =	ssyncadd.s32 $0xFFFFD800;
	s7 =	sshrl.u32 s8, $0x2  }
0xa6: {  	s8 =	ssub.s32 s10, s9;
	s25 =	sadd.s32 $0x15000, s7;
	s7 =	sor.u32 $0x14200, s20  }
0xa7: {  	[tilespmem:s25], [sflag:s24] =	stream.indirect.gather [hbm4b:s4+s23], $0x80, s7, s23, $0xb8;
	[tilespmem:$0x1C800] =	vst v63  }
0xa8: {  	s7 =	sand.u32 $0xFF, s8;
	s8 =	sadd.s32 @!p0 $0x5, s26;
	_ =	swait.ge @!p0 [sflag:s11], $0x280  }
0xa9: {  	s9 =	smul.u32 $0xA000, s7;
	s10 =	sand.u32 @!p0 $0xFF, s8;
	[sflag:s11] =	ssyncset.done @!p0 $0x0  }
0xaa: {  	s12 =	sor.u32 $0x180, s20;
	s10 =	smul.u32 @!p0 $0xAB, s10;
	[sflag:s11] =	ssyncadd.s32 @!p0 $0xFFFFFD80  }
0xab: {  	s13 =	sor.u32 @p0 $0x14800, s12;
	s9 =	sshrl.u32 s9, $0x2;
	_ =	swait.ge @!p0 [sflag:s11], $0x280  }
0xac: {  	s15 =	sadd.s32 @!p0 $0x6, s26;
	s10 =	sshrl.u32 @!p0 s10, $0x9;
	[sflag:s11] =	ssyncset.done @!p0 $0x0  }
0xad: {  	s10 =	smul.u32 @!p0 $0x3, s10;
	[sflag:s11] =	ssyncadd.s32 @!p0 $0xFFFFFD80;
	s11 =	sadd.s32 $0x3, s7  }
0xae: {  	s16 =	sand.u32 @!p0 $0xFF, s15;
	s12 =	sor.u32 @!p0 $0x14800, s12;
	_ =	swait.ge [sflag:s11], $0x2800  }
0xaf: {  	s18 =	sadd.s32 $0x14900, s20;
	s8 =	ssub.s32 @!p0 s8, s10;
	[sflag:s11] =	ssyncset.done $0x0  }
0xb0: {  	s9 =	sadd.s32 $0x15000, s9;
	s7 =	sadd.s32 $0x6, s7;
	[sflag:s11] =	ssyncadd.s32 $0xFFFFD800  }
0xb1: {  	[spmem:s1] =	stream.indirect.scatter.add.f32 [tilespmem:s9], [sflag:s7], $0x80, s18, s23, $0xb8;
	[tilespmem:$0x1C800] =	vst v63  }
0xb2: {  	s8 =	sand.u32 @!p0 $0xFF, s8;
	s9 =	smul.u32 @!p0 $0xAB, s16;
	_ =	swait.ge [sflag:s7], $0x2800  }
0xb3: {  	s10 =	smul.u32 @!p0 $0xA000, s8;
	s8 =	sadd.s32 @!p0 $0x3, s8;
	[sflag:s7] =	ssyncset.done $0x0  }
0xb4: {  	s9 =	sshrl.u32 @!p0 s9, $0x9;
	[sflag:s7] =	ssyncadd.s32 $0xFFFFD800;
	s7 =	ssub.s32 @!p0 $0x14400, s20  }
0xb5: {  	s10 =	sshrl.u32 @!p0 s10, $0x2;
	s9 =	smul.u32 @!p0 $0x3, s9;
	_ =	swait.ge @p0 [sflag:s29], $0x2800  }
0xb6: {  	s11 =	simm.s32 @p0 $0x50;
	s16 =	sadd.s32 @!p0 $0x15000, s10;
	[sflag:s29] =	ssyncset.done @p0 $0x0  }
0xb7: {  	s26 =	sadd.s32 @p0 $0x6, s28;
	s9 =	ssub.s32 @!p0 s15, s9;
	[sflag:s29] =	ssyncadd.s32 @p0 $0xFFFFD800  }
0xb8: {  	[spmem:s1] =	stream.indirect.scatter.add.f32 @p0 [tilespmem:s6], [sflag:s26], $0x80, s13, s11, $0xb8;
	[tilespmem:$0x1C800] =	vst v63  }
0xb9: {  	s10 =	ssub.s32 @!p0 $0x14480, s20;
	s9 =	sand.u32 @!p0 $0xFF, s9;
	_ =	swait.ge @p0 [sflag:s26], $0x2800  }
0xba: {  	s13 =	smul.u32 @!p0 $0xA000, s9;
	s11 =	sadd.s32 @!p0 $0x3, s9;
	[sflag:s26] =	ssyncset.done @p0 $0x0  }
0xbb: {  	s18 =	sor.u32 $0x200, s20;
	s9 =	simm.s32 @!p0 $0x50;
	[sflag:s26] =	ssyncadd.s32 @p0 $0xFFFFD800  }
0xbc: {  	[tilespmem:s16], [sflag:s8] =	stream.indirect.gather @!p0 [hbm4b:s4+s9], $0x80, s7, s9, $0xb8;
	[tilespmem:$0x1C800] =	vst v63  }
0xbd: {  	s7 =	sshrl.u32 @!p0 s13, $0x2;
	_ =	swait.ge @!p0 [sflag:s29], $0x2800  }
.Ltmp0:
0xbe: {  	s20 =	sadd.s32 @!p0 $0x15000, s7;
	[sflag:s29] =	ssyncset.done @!p0 $0x0;
	(pc) =	sbr.rel @p1 .LBB2_2-.Ltmp0, $4  }
0xbf: {  	s28 =	sadd.s32 @!p0 $0x6, s28;
	[sflag:s29] =	ssyncadd.s32 @!p0 $0xFFFFD800  }
0xc0: {  	[spmem:s1] =	stream.indirect.scatter.add.f32 @!p0 [tilespmem:s6], [sflag:s28], $0x80, s12, s9, $0xb8;
	[tilespmem:$0x1C800] =	vst v63  }
0xc1: {  	_ =	swait.ge @!p0 [sflag:s28], $0x2800  }
0xc2: {  	s2 =	sadd.s32 $0x400, s2;
	[sflag:s28] =	ssyncset.done @!p0 $0x0  }
0xc3: {  	[sflag:s28] =	ssyncadd.s32 @!p0 $0xFFFFD800  }
0xc4: {  	[tilespmem:s20], [sflag:s11] =	stream.indirect.gather @!p0 [hbm4b:s4+s9], $0x80, s10, s9, $0xb8;
	[tilespmem:$0x1C800] =	vst v63  }
0xc5: {  	_ =	swait.ge [sflag:s24], $0x2800  }
0xc6: {  	s0 =	sor.u32 $0x14800, s18;
	[sflag:s24] =	ssyncset.done $0x0  }
0xc7: {  	s2 =	sadd.s32 $0x6, s21;
	s28 =	simm.s32 $0x7;
	[sflag:s24] =	ssyncadd.s32 $0xFFFFD800  }
0xc8: {  	[spmem:s1] =	stream.indirect.scatter.add.f32 [tilespmem:s25], [sflag:s2], $0x80, s0, s23, $0xb8;
	[tilespmem:$0x1C800] =	vst v63  }
0xc9: {  	_ =	swait.ge [sflag:s28], $0x2800  }
0xca: {  	[sflag:s28] =	ssyncset.done $0x0  }
0xcb: {  	[sflag:s28] =	ssyncadd.s32 $0xFFFFD800  }
0xcc: {  	[bflag:$0x0] =	sbarrier.arrive $0xFFFF  }
0xcd: {  	s29 =	rddreg [dreg:$0x8]  }
0xce: {  	s2 =	rddreg [dreg:$0xc]  }
0xcf: {  	[hbm:s29], [sflag:s19] =	dma.local [spmem:s2], $0x2800  }
0xd0: {  	_ =	swait.ge [sflag:s17], $0x2800  }
0xd1: {  	s31 =	sadd.s32 $0x1, s31;
	s30 =	rddreg [dreg:$0x9]  }
0xd2: {  	p0 =	sne.s32 s31, s30  }
.Ltmp1:
0xd3: {  	_ = 	snop;
	(pc) =	sbr.rel @p0 .LBB2_1-.Ltmp1, $3  }
0xd4: {  	_ =	sdelay $0x1  }
0xd5: {  	[sflag:s17] =	ssyncset.done $0x0  }
0xd6: {  	s7 =	smov.u32 s19;
	[sflag:s17] =	ssyncadd.s32 $0xFFFFD800  }
0xd7: {  	_ =	sfence.sel $0x180000  }
0xd8: {  	[bflag:$0x0] =	sbarrier.arrive $0xFFFF  }
0xd9: {  	_ =	strace $0x9000004D  }
0xda: {  	s0 =	stileid.u32;
	[bflag:$0x2] =	sbarrier.arrive $0xFFFF  }
0xdb: {  	p0 =	sne.s32 s0, $0x0;
	s0 =	rddreg [dreg:$0x2]  }
0xdc: {  	s0 =	sadd.s32 @!p0 $0x100000, s0  }
0xdd: {  	[sflag:s0] =	ssyncadd.tile.s32 @!p0 $0x1;
	_ =	shalt  }
.Lfunc_end2:
_tile_overlayer_lowered:
.L_overlay_start_2:
0xde: {  	(tag) =	ssettag $0x2  }
0xdf: {  	s0 =	rddreg [dreg:$0x0];
	s2 =	stileid.u32  }
0xe0: {  	s1 =	rddreg [dreg:$0x1];
	p0 =	sne.s32 s2, $0x0  }
0xe1: {  	s3 =	rddreg [dreg:$0x2];
	[bflag:$0x3] =	sbarrier.arrive $0xFFFF;
	s2 =	simm.s32 @!p0 $0x1C09  }
0xe2: {  	[timem:s3], [sflag:s2] =	dma.local @!p0 [hbm:s0], s1  }
0xe3: {  	s0 =	simm.s32 @!p0 $0x9  }
0xe4: {  	_ =	swait.ge @!p0 [sflag:s0], s1  }
0xe5: {  	s1 =	ssub.s32 @!p0 $0x0, s1;
	[sflag:s0] =	ssyncset.done @!p0 $0x0  }
0xe6: {  	[sflag:s0] =	ssyncadd.s32 @!p0 s1  }
0xe7: {  	[bflag:$0x3] =	sbarrier.arrive $0xFFFF  }
0xe8: {  	_ =	shalt  }

// kernel: kernel.9.cloned.1.call-start
scs
__scs_entry_jumppad:
0x0: {  	(pc) =	sbr.rel $0x88, $3  }
0x1: {  	(tag) =	ssettag $0x0;
	lr =	simm.s32 $0x1  }
0x2: {  	[smem:$0x3F9C] =	sst lr;
	_ =	strace $0xD0000000  }
0x3: {  	_ = 	snop  }
0x4: {  	_ = 	snop  }
0x5: {  	_ = 	snop  }
0x6: {  	_ = 	snop  }
0x7: {  	_ = 	snop  }
__scs_overlays_trampoline_lowered:
0x8: {  	[smem:$0x3FAB] =	sst s0  }
0x9: {  	[smem:$0x3FAC] =	sst s1  }
0xa: {  	[smem:$0x3FAD] =	sst s2  }
0xb: {  	[smem:$0x3FAE] =	sst s3  }
0xc: {  	[smem:$0x3FAF] =	sst s4  }
0xd: {  	[smem:$0x3FB0] =	sst s5  }
0xe: {  	[smem:$0x3FB1] =	sst s6  }
0xf: {  	[smem:$0x3FB2] =	sst s7  }
0x10: {  	[smem:$0x3FB3] =	sst s8  }
0x11: {  	[smem:$0x3FB4] =	sst s9;
	s0 =	simm.s32 @!p0 $0x0  }
0x12: {  	s1 =	sld [smem:$0x3F9A];
	s0 =	simm.s32 @p0 $0x1  }
0x13: {  	[smem:$0x3FB5] =	sst s0;
	s0 =	simm.s32 @!p1 $0x0  }
0x14: {  	s2 =	sld [smem:$0x3F99];
	s0 =	simm.s32 @p1 $0x1  }
0x15: {  	[smem:$0x3FB6] =	sst s0;
	s0 =	simm.s32 @!p2 $0x0  }
0x16: {  	s3 =	sld [smem:$0x3FDB];
	s0 =	simm.s32 @p2 $0x1  }
0x17: {  	s4 =	simm.s32 $0x1BF5;
	[smem:$0x3FB8] =	sst s0  }
0x18: {  	s0 =	sld [smem:$0x3F9B];
	_ =	swait.ge [sflag:s4], $0x0  }
0x19: {  	s7 =	sld [smem:$0x3F9C]  }
0x1a: {  	s8 =	sadd.s32 $0xFFFFE003, lr  }
0x1b: {  	s9 =	sadd.s32 $0xFFFFFEF7, lr;
	s5 =	simm.s32 $0xFFFFFFFF;
	p2 =	slt.u32 s8, $0xFFFFF086  }
0x1c: {  	p1 =	slt.u32 s9, $0xF7A;
	s5 =	simm.s32 @!p2 $0x0  }
0x1d: {  	s5 =	simm.s32 @p1 $0x1;
	p0 =	seq.s32 s7, s2  }
0x1e: {  	s7 =	smul.u32 @!p0 $0xF7A, s2;
	p2 =	seq.s32 @!p0 s5, $0x0  }
0x1f: {  	s9 =	smul.u32 $0xF7A, s1;
	s8 =	simm.s32 @!p0 $0x1BF5;
	p2 =	por !p2, p0  }
0x20: {  	[sflag:s8] =	ssyncset.s32 @!p0 $0xFFFFF086;
	s6 =	sadd.s32 @!p0 s3, s7;
	s7 =	simm.s32 @!p0 $0x108  }
0x21: {  	s3 =	sadd.s32 s3, s9;
	s6 =	sadd.s32 @!p0 $0x88, s6;
	s7 =	simm.s32 @p2 $0x1082  }
0x22: {  	[simem:s7], [sflag:s8] =	dma.local @!p0 [hbm:s6], $0xF7A  }
0x23: {  	s9 =	sor.u32 $0xD0000000, s2;
	s6 =	simm.s32 $0x108;
	_ =	swait.ge @!p0 [sflag:s8], $0x0  }
0x24: {  	s3 =	sadd.s32 $0x88, s3;
	s6 =	simm.s32 @!p1 $0x1082;
	[sflag:s4] =	ssyncset.s32 $0xFFFFF086  }
0x25: {  	[simem:s6], [sflag:s4] =	dma.local [hbm:s3], $0xF7A  }
0x26: {  	[smem:$0x3F9C] =	sst s1;
	(tag) =	ssettag s2;
	_ =	strace s9  }
0x27: {  	s1 =	sld [smem:$0x3FAC]  }
0x28: {  	s2 =	sld [smem:$0x3FAD]  }
0x29: {  	s4 =	sld [smem:$0x3FAF]  }
0x2a: {  	p0 =	seq.s32 s5, $0x0;
	s5 =	sld [smem:$0x3FB0]  }
0x2b: {  	s6 =	sld [smem:$0x3FB1]  }
0x2c: {  	s7 =	sld [smem:$0x3FB2]  }
0x2d: {  	s3 =	simm.s32 $0x108;
	s8 =	sld [smem:$0x3FB3]  }
0x2e: {  	s3 =	simm.s32 @!p0 $0x1082;
	s9 =	sld [smem:$0x3FB4]  }
0x2f: {  	lr =	sadd.s32 s0, s3;
	s0 =	sld [smem:$0x3FAB]  }
0x30: {  	s3 =	sld [smem:$0x3FAE]  }
0x31: {  	[smem:$0x3FB7] =	sst s10  }
0x32: {  	s10 =	sld [smem:$0x3FB5];
	_ =	sdelay $0x3  }
0x33: {  	p0 =	seq.s32 s10, $0x1;
	s10 =	sld [smem:$0x3FB7];
	_ =	sdelay $0x3  }
0x34: {  	[smem:$0x3FB7] =	sst s10  }
0x35: {  	s10 =	sld [smem:$0x3FB6];
	_ =	sdelay $0x3  }
0x36: {  	p1 =	seq.s32 s10, $0x1;
	s10 =	sld [smem:$0x3FB7];
	_ =	sdelay $0x3  }
0x37: {  	[smem:$0x3FB7] =	sst s10  }
0x38: {  	s10 =	sld [smem:$0x3FB8]  }
0x39: {  	_ = 	snop;
	(pc) =	sbr.ind lr, $3  }
0x3a: {  	_ = 	snop  }
0x3b: {  	_ = 	snop  }
0x3c: {  	p2 =	seq.s32 s10, $0x1;
	s10 =	sld [smem:$0x3FB7]  }
0x3d: {  	_ =	shalt  }
0x3e: {  	_ =	shalt  }
0x3f: {  	_ =	shalt  }
0x40: {  	_ =	shalt  }
0x41: {  	_ =	shalt  }
0x42: {  	_ =	shalt  }
0x43: {  	_ =	shalt  }
0x44: {  	_ =	shalt  }
0x45: {  	_ =	shalt  }
0x46: {  	_ =	shalt  }
0x47: {  	_ =	shalt  }
0x48: {  	_ =	shalt  }
0x49: {  	_ =	shalt  }
0x4a: {  	_ =	shalt  }
0x4b: {  	_ =	shalt  }
0x4c: {  	_ =	shalt  }
0x4d: {  	_ =	shalt  }
0x4e: {  	_ =	shalt  }
0x4f: {  	_ =	shalt  }
0x50: {  	_ =	shalt  }
0x51: {  	_ =	shalt  }
0x52: {  	_ =	shalt  }
0x53: {  	_ =	shalt  }
0x54: {  	_ =	shalt  }
0x55: {  	_ =	shalt  }
0x56: {  	_ =	shalt  }
0x57: {  	_ =	shalt  }
0x58: {  	_ =	shalt  }
0x59: {  	_ =	shalt  }
0x5a: {  	_ =	shalt  }
0x5b: {  	_ =	shalt  }
0x5c: {  	_ =	shalt  }
0x5d: {  	_ =	shalt  }
0x5e: {  	_ =	shalt  }
0x5f: {  	_ =	shalt  }
0x60: {  	_ =	shalt  }
0x61: {  	_ =	shalt  }
0x62: {  	_ =	shalt  }
0x63: {  	_ =	shalt  }
0x64: {  	_ =	shalt  }
0x65: {  	_ =	shalt  }
0x66: {  	_ =	shalt  }
0x67: {  	_ =	shalt  }
0x68: {  	_ =	shalt  }
0x69: {  	_ =	shalt  }
0x6a: {  	_ =	shalt  }
0x6b: {  	_ =	shalt  }
0x6c: {  	_ =	shalt  }
0x6d: {  	_ =	shalt  }
0x6e: {  	_ =	shalt  }
0x6f: {  	_ =	shalt  }
0x70: {  	_ =	shalt  }
0x71: {  	_ =	shalt  }
0x72: {  	_ =	shalt  }
0x73: {  	_ =	shalt  }
0x74: {  	_ =	shalt  }
0x75: {  	_ =	shalt  }
0x76: {  	_ =	shalt  }
0x77: {  	_ =	shalt  }
0x78: {  	_ =	shalt  }
0x79: {  	_ =	shalt  }
0x7a: {  	_ =	shalt  }
0x7b: {  	_ =	shalt  }
0x7c: {  	_ =	shalt  }
0x7d: {  	_ =	shalt  }
0x7e: {  	_ =	shalt  }
0x7f: {  	_ =	shalt  }
0x80: {  	_ =	shalt  }
0x81: {  	_ =	shalt  }
0x82: {  	_ =	shalt  }
0x83: {  	_ =	shalt  }
0x84: {  	_ =	shalt  }
0x85: {  	_ =	shalt  }
0x86: {  	_ =	shalt  }
0x87: {  	_ =	shalt  }
.Lfunc_end0:
.L_simem_size_0:
called_computation_lowered:
.L_overlay_start_0:
0x88: {  	s2 =	sld [smem:$0x3FD9]  }
0x89: {  	s3 =	sld [smem:$0x3FFE];
	_ =	sdelay $0x1  }
0x8a: {  	s1 =	srdreg.scid  }
0x8b: {  	s0 =	sand.u32 $0x1, s1  }
0x8c: {  	s16 =	sshll.u32 s0, $0xA;
	s2 =	sadd.s32 s3, s2  }
0x8d: {  	s2 =	sadd.s32 s2, s16  }
0x8e: {  	[smem:$0x3FC3] =	sst s2  }
0x8f: {  	_ = 	snop  }
0x90: {  	(tm) =	ssettm $0x1  }
0x91: {  	s17 =	sld [smem:$0x3FFB];
	_ =	sdelay $0x3  }
0x92: {  	_ =	strace s17  }
0x93: {  	s2 =	sld [smem:$0x3FFC];
	_ =	sdelay $0x3  }
0x94: {  	_ =	strace s2  }
0x95: {  	s2 =	sld [smem:$0x3FFD];
	_ =	sdelay $0x3  }
0x96: {  	_ =	strace s2  }
0x97: {  	_ =	strace $0x8FFFFFFF  }
0x98: {  	s18 =	sld [smem:$0x3FDB];
	_ =	sdelay $0x1  }
0x99: {  	s19 =	simm.s32 $_scs_section_size  }
0x9a: {  	s4 =	simm.s32 $_size__tile_overlayer_lowered;
	s5 =	simm.s32 $_tile_overlayer_lowered  }
0x9b: {  	s22 =	simm.s32 $0x1BFF;
	s21 =	sshll.u32 s5, $0x1;
	s2 =	sadd.s32 s19, s18  }
0x9c: {  	s6 =	simm.s32 $0x0;
	s20 =	sshll.u32 s4, $0x1;
	s4 =	sadd.s32 s21, s2  }
0x9d: {  	[timem:s6], [sflag:s22] =	dma.local [hbm:s4], s20  }
0x9e: {  	_ =	swait.ge [sflag:s22], s20  }
0x9f: {  	s3 =	ssub.s32 $0x0, s20;
	[sflag:s22] =	ssyncset.done $0x0  }
0xa0: {  	[sflag:s22] =	ssyncadd.s32 s3;
	_ =	sdelay $0x1  }
0xa1: {  	s23 =	simm.s32 $0x1B8B  }
0xa2: {  	_ =	swait.ge [sflag:s23], $0x1  }
0xa3: {  	[sflag:s23] =	ssyncset.done $0x0  }
0xa4: {  	s25 =	simm.s32 $0x1B8E;
	s24 =	sld [smem:$0x3FFE];
	[sflag:s23] =	ssyncadd.s32 $0xFFFFFFFF  }
0xa5: {  	s26 =	simm.s32 $execute0_lowered;
	[smem:$0x3FD2] =	sst s25  }
0xa6: {  	s4 =	sshll.u32 s26, $0x1;
	_ =	strace $0x80000046;
	[dreg:$0x1] =	wrdreg $0xFFFFFFFF  }
0xa7: {  	s28 =	simm.s32 $_size_execute0_lowered;
	s2 =	sadd.s32 s2, s4;
	[dreg:$0x0] =	wrdreg $0x0  }
0xa8: {  	s4 =	sshll.u32 s28, $0x1;
	[dreg:$0x2] =	wrdreg s2  }
0xa9: {  	[dreg:$0x3] =	wrdreg s4  }
0xaa: {  	[dreg:$0x4] =	wrdreg $0xC0  }
0xab: {  	_ =	task [dreg:s6], $0x5FFFF  }
0xac: {  	[dreg:$0x1] =	wrdreg $0xFFFFFFFF  }
0xad: {  	[dreg:$0x0] =	wrdreg $0x60  }
0xae: {  	[dreg:$0x2] =	wrdreg s24  }
0xaf: {  	[dreg:$0x3] =	wrdreg $0x13E800  }
0xb0: {  	[dreg:$0x4] =	wrdreg $0x9  }
0xb1: {  	_ =	task.clear_ibuf [dreg:s6], $0x5FFFF;
	_ =	strace $0x90000046  }
0xb2: {  	s29 =	simm.s32 $0x9;
	_ =	strace $0x80000048  }
0xb3: {  	_ =	swait.ge [sflag:s29], $0x1  }
0xb4: {  	[sflag:s29] =	ssyncadd.s32 $0xFFFFFFFF  }
0xb5: {  	_ =	strace $0x90000048  }
0xb6: {  	_ =	sfence  }
0xb7: {  	s30 =	sld [smem:$0x0];
	_ =	sdelay $0x2  }
0xb8: {  	s31 =	sshll.u32 s1, $0xD;
	s1 =	sshrl.u32 s1, $0x2  }
0xb9: {  	s3 =	sand.u32 $0x4000, s31;
	s1 =	sadd.s32 s1, s30  }
0xba: {  	s0 =	sor.u32 s3, s0;
	s1 =	sshll.u32 s1, $0x11  }
0xbb: {  	s0 =	sor.u32 s1, s0  }
0xbc: {  	s0 =	sadd.s32 $0x8F2B, s0  }
0xbd: {  	[sflag:s0] =	ssyncadd.remote.s32 $0x1  }
0xbe: {  	_ =	sfence.sel $0xFFFF  }
0xbf: {  	[dreg:$0x0] =	wrdreg $0xFFFFFFFF;
	(pc) =	sbr.abs _section_cstart, $3  }
0xc0: {  	[dreg:$0x1] =	wrdreg $0xFFFFFFFF  }
0xc1: {  	_ =	task.clear_ibuf [dreg:s6], $0x2FFFF;
	_ =	strace $0x9FFFFFFF  }
0xc2: {  	(tm) =	ssettm $0x7FFFFFFF  }
0xc3: {  	_ =	shalt  }
tec
execute0_lowered:
.L_overlay_start_1:
0x0: {  	(tag) =	ssettag $0x1  }
0x1: {  	s0 =	srdreg.scid;
	s4 =	rddreg [dreg:$0x0]  }
0x2: {  	s5 =	rddreg [dreg:$0x1];
	s12 =	simm.s32 $0x1;
	s13 =	simm.s32 $0x1400  }
0x3: {  	s14 =	simm.s32 $0x14000;
	s15 =	simm.s32 $0x7680;
	s16 =	simm.s32 $0x9E80  }
0x4: {  	s17 =	simm.s32 $0x0;
	s3 =	sand.u32 $0x1, s0;
	s0 =	stileid.u32  }
0x5: {  	s1 =	sshll.u32 s3, $0x4;
	s7 =	sshll.u32 s0, $0x7;
	s8 =	smul.u32 $0x140000, s3  }
0x6: {  	s9 =	smul.u32 $0x14000, s0;
	s10 =	sshrl.u32 s0, $0x3;
	s3 =	ssub.s32 $0x2, s3  }
0x7: {  	s28 =	smul.u32 $0x5000, s0;
	s1 =	sor.u32 s0, s1;
	s7 =	sand.u32 $0x380, s7  }
0x8: {  	s26 =	smul.u32 $0x50000, s10;
	s29 =	sshrl.u32 s3, $0x1;
	s10 =	simm.s32 $0x400  }
0x9: {  	s2 =	sshrl.u32 s1, $0x3;
	s1 =	rddreg [dreg:$0x2];
	s8 =	sadd.s32 s9, s8  }
0xa: {  	s11 =	ssub.s32 s3, s29;
	s31 =	sshrl.u32 s28, $0x2;
	s6 =	smul.u32 $0x27400, s2  }
0xb: {  	s2 =	simm.s32 $0x0;
	s8 =	sshrl.u32 s8, $0x3;
	s9 =	sshrl.u32 s26, $0x2  }
0xc: {  	[smem:$0x7FF] =	sst s2;
	s8 =	sadd.s32 s8, s4;
	s6 =	sor.u32 s7, s6  }
0xd: {  	s30 =	sadd.s32 s9, s5;
	s5 =	sadd.s32 s31, s5;
	s6 =	sshrl.u32 s6, $0x3  }
0xe: {  	s9 =	simm.s32 $0x80;
	_ =	strace $0x80000047;
	s6 =	sadd.s32 s6, s4  }
0xf: {  	v2 =	vlaneseq.u32;
	s4 =	sadd.s32 s7, s30;
	s7 =	sadd.s32 $0x18000, s8;
	s3 =	sadd.s32 $0x3200, s6  }
0x10: {  	v0 =	vimm.f32 $0.0e+00;
	v1 =	vimm.f32 $1.000000000e+00;
	v2 =	vmul.u32 $0x80, v2;
	s6 =	sadd.s32 $0x16C00, s8;
	s8 =	smax.u32 s11, $0x1;
	s11 =	simm.s32 $0x2800  }
.LBB2_1:
0x11: {  	s18 =	simm.s32 $0x40;
	s19 =	simm.s32 $0x0  }
.LBB2_2:
0x12: {  	p0 =	sne.s32 s18, $0x9FC0;
	[tilespmem:s19+$0x0] =	vst v0;
	s19 =	smov.u32 s18;
	s18 =	sadd.s32 $0x40, s18  }
.Ltmp0:
0x13: {  	(pc) =	sbr.rel @p0 .LBB2_2-.Ltmp0, $2  }
0x14: {  	_ =	sdelay $0x2  }
0x15: {  	s19 =	sshra.s32 s19, $0x2  }
0x16: {  	[tilespmem:s19+$0x0] =	vst v0  }
0x17: {  	[tilespmem:s11], [sflag:$0x1] =	stream.strided.gather [hbm4b:s3+s9], $0x4E80, s10, s9, $0x38;
	[tilespmem:$0x16680] =	vst v63  }
0x18: {  	_ =	swait.ge [sflag:s12], $0x4E80  }
0x19: {  	[sflag:s12] =	ssyncset.done $0x0  }
0x1a: {  	s19 =	simm.s32 $0x0;
	s18 =	simm.s32 $0x40;
	[sflag:s12] =	ssyncadd.s32 $0xFFFFB180  }
.LBB2_4:
0x1b: {  	p0 =	sne.s32 s18, $0x13840;
	v3 =	vld [tilespmem:s19+$0x2800];
	_ =	sdelay $0x3  }
.Ltmp1:
0x1c: {  	(pc) =	sbr.rel @p0 .LBB2_4-.Ltmp1, $2  }
0x1d: {  	_ =	sdelay $0x2  }
0x1e: {  	s19 =	sshra.s32 s18, $0x2;
	s18 =	sadd.s32 $0x40, s18;
	[tilespmem:v3+s2+$0x0] =	vst.idx.add.f32.msk $0xffff, v1  }
0x1f: {  	v3 =	vld [tilespmem:s19+$0x2800];
	_ =	sdelay $0x7  }
0x20: {  	s18 =	simm.s32 $0x0;
	[tilespmem:v3+s2+$0x0] =	vst.idx.add.f32.msk $0xffff, v1  }
0x21: {  	[spmem:s4] =	stream.strided.scatter [tilespmem:s18], [sflag:$0x1], $0x2800, s10, s9, $0x38;
	[tilespmem:$0x16680] =	vst v63  }
0x22: {  	_ =	swait.ge [sflag:s12], $0x2800  }
0x23: {  	[sflag:s12] =	ssyncset.done $0x0  }
0x24: {  	[sflag:s12] =	ssyncadd.s32 $0xFFFFD800  }
0x25: {  	[bflag:$0x0] =	sbarrier.arrive $0xFFFF  }
0x26: {  	[tilespmem:s15], [sflag:$0x1] =	stream.strided.gather [spmem:s5], $0x2800, s14, s13, $0x38;
	[tilespmem:$0x16680] =	vst v63  }
0x27: {  	_ =	swait.ge [sflag:s12], $0x2800  }
0x28: {  	s30 =	sand.u32 $0x70, s18;
	s20 =	sand.u32 $0xC00, s18;
	[sflag:s12] =	ssyncset.done $0x0  }
0x29: {  	s19 =	sor.u32 s30, s20;
	[sflag:s12] =	ssyncadd.s32 $0xFFFFD800  }
0x2a: {  	v3 =	vld [tilespmem:s19+$0x7680]  }
0x2b: {  	v4 =	vld [tilespmem:s19+$0x7700];
	_ =	sdelay $0x1  }
0x2c: {  	v5 =	vld [tilespmem:s19+$0x7780];
	_ =	sdelay $0x1  }
0x2d: {  	v6 =	vld [tilespmem:s19+$0x7800]  }
0x2e: {  	v3 =	vadd.f32 v4, v3  }
0x2f: {  	v4 =	vld [tilespmem:s19+$0x7880]  }
0x30: {  	v3 =	vadd.f32 v5, v3  }
0x31: {  	v5 =	vld [tilespmem:s19+$0x7900]  }
0x32: {  	v3 =	vadd.f32 v6, v3  }
0x33: {  	s31 =	sor.u32 s18, s18;
	v6 =	vld [tilespmem:s19+$0x7980]  }
0x34: {  	s20 =	sor.u32 $0x380, s31;
	v3 =	vadd.f32 v4, v3  }
0x35: {  	v4 =	vld [tilespmem:s20+$0x7680]  }
0x36: {  	v3 =	vadd.f32 v5, v3  }
0x37: {  	v5 =	vld [tilespmem:s19+$0x8A80]  }
0x38: {  	v3 =	vadd.f32 v6, v3  }
0x39: {  	v6 =	vld [tilespmem:s19+$0x8B00]  }
0x3a: {  	v3 =	vadd.f32 v4, v3  }
0x3b: {  	v4 =	vld [tilespmem:s19+$0x8B80]  }
0x3c: {  	v3 =	vadd.f32 v5, v3  }
0x3d: {  	v5 =	vld [tilespmem:s19+$0x8C00]  }
0x3e: {  	v3 =	vadd.f32 v6, v3  }
0x3f: {  	v6 =	vld [tilespmem:s19+$0x8C80]  }
0x40: {  	v3 =	vadd.f32 v4, v3  }
0x41: {  	v4 =	vld [tilespmem:s19+$0x8D00]  }
0x42: {  	v3 =	vadd.f32 v5, v3  }
0x43: {  	v5 =	vld [tilespmem:s19+$0x8D80]  }
0x44: {  	v3 =	vadd.f32 v6, v3  }
0x45: {  	v6 =	vld [tilespmem:s19+$0x8E00]  }
0x46: {  	v3 =	vadd.f32 v4, v3;
	_ =	sdelay $0x1  }
0x47: {  	v3 =	vadd.f32 v5, v3;
	_ =	sdelay $0x1  }
0x48: {  	v3 =	vadd.f32 v6, v3;
	_ =	sdelay $0x1  }
0x49: {  	v3 =	vmax.f32 v3, $1.000000000e+00  }
0x4a: {  	v4 =	vshra.s32 v3, $0x1;
	v3 =	vmul.f32 $5.000000000e-01, v3  }
0x4b: {  	v4 =	vsub.s32 $0x5F3759DF, v4  }
0x4c: {  	v5 =	vmul.f32 v4, v3;
	_ =	sdelay $0x1  }
0x4d: {  	v5 =	vmul.f32 v4, v5;
	_ =	sdelay $0x1  }
0x4e: {  	v5 =	vsub.f32 $1.500000000e+00, v5;
	_ =	sdelay $0x1  }
0x4f: {  	v4 =	vmul.f32 v4, v5;
	_ =	sdelay $0x1  }
0x50: {  	v5 =	vmul.f32 v4, v3;
	_ =	sdelay $0x1  }
0x51: {  	v5 =	vmul.f32 v5, v4;
	_ =	sdelay $0x1  }
0x52: {  	v5 =	vsub.f32 $1.500000000e+00, v5;
	_ =	sdelay $0x1  }
0x53: {  	v4 =	vmul.f32 v5, v4;
	_ =	sdelay $0x1  }
0x54: {  	v3 =	vmul.f32 v4, v3  }
0x55: {  	v5 =	vmov s18  }
0x56: {  	v5 =	vshll.u32 v5, $0x7;
	v3 =	vmul.f32 v3, v4  }
0x57: {  	v6 =	vor.u32 v2, v5  }
0x58: {  	v5 =	vor.u32 $0x1, v6;
	v3 =	vsub.f32 $1.500000000e+00, v3  }
0x59: {  	v7 =	vor.u32 $0x2, v6  }
0x5a: {  	v8 =	vor.u32 $0x3, v6;
	v3 =	vmul.f32 v3, v4  }
0x5b: {  	v4 =	vor.u32 $0x4, v6  }
0x5c: {  	[tilespmem:v6+s16+$0x0] =	vst.idx.msk $0xffff, v3  }
0x5d: {  	v9 =	vor.u32 $0x5, v6;
	[tilespmem:v5+s16+$0x0] =	vst.idx.msk $0xffff, v3  }
0x5e: {  	[tilespmem:v7+s16+$0x0] =	vst.idx.msk $0xffff, v3  }
0x5f: {  	v5 =	vor.u32 $0x6, v6;
	[tilespmem:v8+s16+$0x0] =	vst.idx.msk $0xffff, v3  }
0x60: {  	[tilespmem:v4+s16+$0x0] =	vst.idx.msk $0xffff, v3;
	v4 =	vor.u32 $0x7, v6  }
0x61: {  	s18 =	simm.s32 $0x10  }
0x62: {  	s23 =	simm.s32 $0x20;
	s19 =	simm.s32 $0x80;
	s20 =	sand.u32 $0x70, s18;
	[tilespmem:v9+s16+$0x0] =	vst.idx.msk $0xffff, v3  }
.LBB2_6:
0x63: {  	s24 =	sand.u32 $0x70, s23  }
0x64: {  	s25 =	sand.u32 $0xC00, s19;
	[tilespmem:v5+s16+$0x0] =	vst.idx.msk $0xffff, v3;
	s22 =	smov.u32 s23;
	s21 =	sadd.s32 $0x10, s23  }
0x65: {  	p0 =	sne.s32 s23, $0x130;
	s23 =	sor.u32 s20, s25;
	[tilespmem:v4+s16+$0x0] =	vst.idx.msk $0xffff, v3;
	s20 =	smov.u32 s24  }
0x66: {  	v3 =	vld [tilespmem:s23+$0x7680]  }
0x67: {  	v4 =	vld [tilespmem:s23+$0x7700]  }
0x68: {  	v5 =	vld [tilespmem:s23+$0x7780];
	_ =	sdelay $0x1  }
0x69: {  	v6 =	vld [tilespmem:s23+$0x7800];
	_ =	sdelay $0x1  }
0x6a: {  	v3 =	vadd.f32 v4, v3;
	v4 =	vld [tilespmem:s23+$0x7880];
	_ =	sdelay $0x1  }
0x6b: {  	v3 =	vadd.f32 v5, v3;
	v5 =	vld [tilespmem:s23+$0x7900];
	_ =	sdelay $0x1  }
0x6c: {  	s24 =	sor.u32 s19, s18;
	v3 =	vadd.f32 v6, v3;
	v6 =	vld [tilespmem:s23+$0x7980]  }
0x6d: {  	s24 =	sor.u32 $0x380, s24  }
0x6e: {  	v3 =	vadd.f32 v4, v3;
	v4 =	vld [tilespmem:s24+$0x7680];
	_ =	sdelay $0x1  }
0x6f: {  	v3 =	vadd.f32 v5, v3;
	v5 =	vld [tilespmem:s23+$0x8A80];
	_ =	sdelay $0x1  }
0x70: {  	v3 =	vadd.f32 v6, v3;
	v6 =	vld [tilespmem:s23+$0x8B00];
	_ =	sdelay $0x1  }
0x71: {  	v3 =	vadd.f32 v4, v3;
	v4 =	vld [tilespmem:s23+$0x8B80];
	_ =	sdelay $0x1  }
0x72: {  	v3 =	vadd.f32 v5, v3;
	v5 =	vld [tilespmem:s23+$0x8C00];
	_ =	sdelay $0x1  }
0x73: {  	v3 =	vadd.f32 v6, v3;
	v6 =	vld [tilespmem:s23+$0x8C80];
	_ =	sdelay $0x1  }
0x74: {  	v3 =	vadd.f32 v4, v3;
	v4 =	vld [tilespmem:s23+$0x8D00];
	_ =	sdelay $0x1  }
0x75: {  	v3 =	vadd.f32 v5, v3;
	v5 =	vld [tilespmem:s23+$0x8D80];
	_ =	sdelay $0x1  }
0x76: {  	v3 =	vadd.f32 v6, v3;
	v6 =	vld [tilespmem:s23+$0x8E00];
	_ =	sdelay $0x1  }
0x77: {  	v3 =	vadd.f32 v4, v3;
	_ =	sdelay $0x1  }
0x78: {  	v3 =	vadd.f32 v5, v3;
	_ =	sdelay $0x1  }
0x79: {  	v3 =	vadd.f32 v6, v3;
	_ =	sdelay $0x1  }
0x7a: {  	v3 =	vmax.f32 v3, $1.000000000e+00  }
0x7b: {  	v4 =	vshra.s32 v3, $0x1;
	v3 =	vmul.f32 $5.000000000e-01, v3  }
0x7c: {  	v4 =	vsub.s32 $0x5F3759DF, v4  }
0x7d: {  	v5 =	vmul.f32 v4, v3;
	_ =	sdelay $0x1  }
0x7e: {  	v5 =	vmul.f32 v4, v5;
	_ =	sdelay $0x1  }
0x7f: {  	v5 =	vsub.f32 $1.500000000e+00, v5;
	_ =	sdelay $0x1  }
0x80: {  	v4 =	vmul.f32 v4, v5;
	_ =	sdelay $0x1  }
0x81: {  	v5 =	vmul.f32 v4, v3;
	_ =	sdelay $0x1  }
0x82: {  	v5 =	vmul.f32 v5, v4;
	_ =	sdelay $0x1  }
0x83: {  	v5 =	vsub.f32 $1.500000000e+00, v5;
	_ =	sdelay $0x1  }
0x84: {  	v4 =	vmul.f32 v5, v4;
	_ =	sdelay $0x1  }
0x85: {  	v5 =	vmov s18;
	s18 =	smov.u32 s22;
	v3 =	vmul.f32 v4, v3  }
0x86: {  	v5 =	vshll.u32 v5, $0x7  }
0x87: {  	v6 =	vor.u32 v2, v5;
	v3 =	vmul.f32 v3, v4  }
0x88: {  	v7 =	vor.u32 $0x1, v6  }
0x89: {  	v8 =	vor.u32 $0x2, v6;
	v3 =	vsub.f32 $1.500000000e+00, v3  }
0x8a: {  	v9 =	vor.u32 $0x3, v6  }
0x8b: {  	v10 =	vor.u32 $0x4, v6;
	v3 =	vmul.f32 v3, v4  }
0x8c: {  	v11 =	vor.u32 $0x5, v6  }
0x8d: {  	v5 =	vor.u32 $0x6, v6;
	[tilespmem:v6+s16+$0x0] =	vst.idx.msk $0xffff, v3  }
.Ltmp2:
0x8e: {  	v4 =	vor.u32 $0x7, v6;
	[tilespmem:v7+s16+$0x0] =	vst.idx.msk $0xffff, v3;
	(pc) =	sbr.rel @p0 .LBB2_6-.Ltmp2, $4  }
0x8f: {  	[tilespmem:v8+s16+$0x0] =	vst.idx.msk $0xffff, v3  }
0x90: {  	[tilespmem:v9+s16+$0x0] =	vst.idx.msk $0xffff, v3  }
0x91: {  	[tilespmem:v10+s16+$0x0] =	vst.idx.msk $0xffff, v3  }
0x92: {  	s19 =	sadd.s32 $0x80, s19;
	s23 =	smov.u32 s21;
	[tilespmem:v11+s16+$0x0] =	vst.idx.msk $0xffff, v3  }
0x93: {  	_ =	sdelay $0x3  }
0x94: {  	s21 =	sand.u32 $0xC00, s19;
	[tilespmem:v5+s16+$0x0] =	vst.idx.msk $0xffff, v3  }
0x95: {  	s20 =	sor.u32 s20, s21;
	[tilespmem:v4+s16+$0x0] =	vst.idx.msk $0xffff, v3  }
0x96: {  	v3 =	vld [tilespmem:s20+$0x7680]  }
0x97: {  	v4 =	vld [tilespmem:s20+$0x7700];
	_ =	sdelay $0x1  }
0x98: {  	v5 =	vld [tilespmem:s20+$0x7780];
	_ =	sdelay $0x1  }
0x99: {  	v6 =	vld [tilespmem:s20+$0x7800]  }
0x9a: {  	v3 =	vadd.f32 v4, v3  }
0x9b: {  	v4 =	vld [tilespmem:s20+$0x7880]  }
0x9c: {  	v3 =	vadd.f32 v5, v3  }
0x9d: {  	v5 =	vld [tilespmem:s20+$0x7900]  }
0x9e: {  	v3 =	vadd.f32 v6, v3  }
0x9f: {  	s25 =	sor.u32 s19, s18;
	v6 =	vld [tilespmem:s20+$0x7980]  }
0xa0: {  	s19 =	sor.u32 $0x380, s25;
	v3 =	vadd.f32 v4, v3  }
0xa1: {  	v4 =	vld [tilespmem:s19+$0x7680]  }
0xa2: {  	v3 =	vadd.f32 v5, v3  }
0xa3: {  	v5 =	vld [tilespmem:s20+$0x8A80]  }
0xa4: {  	v3 =	vadd.f32 v6, v3  }
0xa5: {  	v6 =	vld [tilespmem:s20+$0x8B00]  }
0xa6: {  	v3 =	vadd.f32 v4, v3  }
0xa7: {  	v4 =	vld [tilespmem:s20+$0x8B80]  }
0xa8: {  	v3 =	vadd.f32 v5, v3  }
0xa9: {  	v5 =	vld [tilespmem:s20+$0x8C00]  }
0xaa: {  	v3 =	vadd.f32 v6, v3  }
0xab: {  	v6 =	vld [tilespmem:s20+$0x8C80]  }
0xac: {  	v3 =	vadd.f32 v4, v3  }
0xad: {  	v4 =	vld [tilespmem:s20+$0x8D00]  }
0xae: {  	v3 =	vadd.f32 v5, v3  }
0xaf: {  	v5 =	vld [tilespmem:s20+$0x8D80]  }
0xb0: {  	v3 =	vadd.f32 v6, v3  }
0xb1: {  	v6 =	vld [tilespmem:s20+$0x8E00]  }
0xb2: {  	v3 =	vadd.f32 v4, v3;
	_ =	sdelay $0x1  }
0xb3: {  	v3 =	vadd.f32 v5, v3;
	_ =	sdelay $0x1  }
0xb4: {  	v3 =	vadd.f32 v6, v3;
	_ =	sdelay $0x1  }
0xb5: {  	v3 =	vmax.f32 v3, $1.000000000e+00  }
0xb6: {  	v4 =	vshra.s32 v3, $0x1;
	v3 =	vmul.f32 $5.000000000e-01, v3  }
0xb7: {  	v4 =	vsub.s32 $0x5F3759DF, v4  }
0xb8: {  	v5 =	vmul.f32 v4, v3;
	_ =	sdelay $0x1  }
0xb9: {  	v5 =	vmul.f32 v4, v5;
	_ =	sdelay $0x1  }
0xba: {  	v5 =	vsub.f32 $1.500000000e+00, v5;
	_ =	sdelay $0x1  }
0xbb: {  	v4 =	vmul.f32 v4, v5;
	_ =	sdelay $0x1  }
0xbc: {  	v5 =	vmul.f32 v4, v3;
	_ =	sdelay $0x1  }
0xbd: {  	v5 =	vmul.f32 v5, v4;
	_ =	sdelay $0x1  }
0xbe: {  	v5 =	vsub.f32 $1.500000000e+00, v5;
	_ =	sdelay $0x1  }
0xbf: {  	v4 =	vmul.f32 v5, v4;
	_ =	sdelay $0x1  }
0xc0: {  	v3 =	vmul.f32 v4, v3  }
0xc1: {  	v5 =	vmov s18  }
0xc2: {  	v5 =	vshll.u32 v5, $0x7;
	v3 =	vmul.f32 v3, v4  }
0xc3: {  	v5 =	vor.u32 v2, v5  }
0xc4: {  	v6 =	vor.u32 $0x1, v5;
	v3 =	vsub.f32 $1.500000000e+00, v3  }
0xc5: {  	v7 =	vor.u32 $0x2, v5  }
0xc6: {  	v8 =	vor.u32 $0x3, v5;
	v3 =	vmul.f32 v3, v4  }
0xc7: {  	v4 =	vor.u32 $0x4, v5  }
0xc8: {  	v9 =	vor.u32 $0x5, v5;
	[tilespmem:v5+s16+$0x0] =	vst.idx.msk $0xffff, v3  }
0xc9: {  	v10 =	vor.u32 $0x6, v5;
	[tilespmem:v6+s16+$0x0] =	vst.idx.msk $0xffff, v3  }
0xca: {  	v5 =	vor.u32 $0x7, v5;
	[tilespmem:v7+s16+$0x0] =	vst.idx.msk $0xffff, v3  }
0xcb: {  	[tilespmem:v8+s16+$0x0] =	vst.idx.msk $0xffff, v3  }
0xcc: {  	[tilespmem:v4+s16+$0x0] =	vst.idx.msk $0xffff, v3  }
0xcd: {  	[tilespmem:v9+s16+$0x0] =	vst.idx.msk $0xffff, v3  }
0xce: {  	[tilespmem:v10+s16+$0x0] =	vst.idx.msk $0xffff, v3  }
0xcf: {  	[tilespmem:v5+s16+$0x0] =	vst.idx.msk $0xffff, v3  }
0xd0: {  	[hbm4b:s6+s2] =	stream.linear.scatter [tilespmem:s16], [sflag:$0x1], $0xA000, $0x38;
	[tilespmem:$0x16680] =	vst v63  }
0xd1: {  	s26 =	simm.s32 $0x140;
	s28 =	simm.s32 $0xA00;
	_ =	swait.ge [sflag:s12], $0xA000  }
0xd2: {  	s29 =	sand.u32 $0x70, s26;
	s30 =	sand.u32 $0x1C00, s28;
	[sflag:s12] =	ssyncset.done $0x0  }
0xd3: {  	s20 =	sor.u32 s29, s30;
	[sflag:s12] =	ssyncadd.s32 $0xFFFF6000  }
0xd4: {  	v3 =	vld [tilespmem:s20+$0x7680]  }
0xd5: {  	v4 =	vld [tilespmem:s20+$0x7700];
	_ =	sdelay $0x1  }
0xd6: {  	v5 =	vld [tilespmem:s20+$0x7780];
	_ =	sdelay $0x1  }
0xd7: {  	v6 =	vld [tilespmem:s20+$0x7800]  }
0xd8: {  	v3 =	vadd.f32 v4, v3  }
0xd9: {  	v4 =	vld [tilespmem:s20+$0x7880]  }
0xda: {  	v3 =	vadd.f32 v5, v3  }
0xdb: {  	v5 =	vld [tilespmem:s20+$0x7900]  }
0xdc: {  	v3 =	vadd.f32 v6, v3  }
0xdd: {  	s18 =	sor.u32 s28, s26;
	v6 =	vld [tilespmem:s20+$0x7980]  }
0xde: {  	s18 =	sor.u32 $0x380, s18;
	v3 =	vadd.f32 v4, v3  }
0xdf: {  	v4 =	vld [tilespmem:s18+$0x7680]  }
0xe0: {  	v3 =	vadd.f32 v5, v3  }
0xe1: {  	v5 =	vld [tilespmem:s20+$0x8A80]  }
0xe2: {  	v3 =	vadd.f32 v6, v3  }
0xe3: {  	v6 =	vld [tilespmem:s20+$0x8B00]  }
0xe4: {  	v3 =	vadd.f32 v4, v3  }
0xe5: {  	v4 =	vld [tilespmem:s20+$0x8B80]  }
0xe6: {  	v3 =	vadd.f32 v5, v3  }
0xe7: {  	v5 =	vld [tilespmem:s20+$0x8C00]  }
0xe8: {  	v3 =	vadd.f32 v6, v3  }
0xe9: {  	v6 =	vld [tilespmem:s20+$0x8C80]  }
0xea: {  	v3 =	vadd.f32 v4, v3  }
0xeb: {  	v4 =	vld [tilespmem:s20+$0x8D00]  }
0xec: {  	v3 =	vadd.f32 v5, v3  }
0xed: {  	v5 =	vld [tilespmem:s20+$0x8D80]  }
0xee: {  	v3 =	vadd.f32 v6, v3  }
0xef: {  	v6 =	vld [tilespmem:s20+$0x8E00]  }
0xf0: {  	v3 =	vadd.f32 v4, v3;
	_ =	sdelay $0x1  }
0xf1: {  	v3 =	vadd.f32 v5, v3;
	_ =	sdelay $0x1  }
0xf2: {  	v3 =	vadd.f32 v6, v3;
	_ =	sdelay $0x1  }
0xf3: {  	v3 =	vmax.f32 v3, $1.000000000e+00  }
0xf4: {  	v4 =	vshra.s32 v3, $0x1;
	v3 =	vmul.f32 $5.000000000e-01, v3  }
0xf5: {  	v4 =	vsub.s32 $0x5F3759DF, v4  }
0xf6: {  	v5 =	vmul.f32 v4, v3;
	_ =	sdelay $0x1  }
0xf7: {  	v5 =	vmul.f32 v4, v5;
	_ =	sdelay $0x1  }
0xf8: {  	v5 =	vsub.f32 $1.500000000e+00, v5;
	_ =	sdelay $0x1  }
0xf9: {  	v4 =	vmul.f32 v4, v5;
	_ =	sdelay $0x1  }
0xfa: {  	v5 =	vmul.f32 v4, v3;
	_ =	sdelay $0x1  }
0xfb: {  	v5 =	vmul.f32 v5, v4;
	_ =	sdelay $0x1  }
0xfc: {  	v5 =	vsub.f32 $1.500000000e+00, v5;
	_ =	sdelay $0x1  }
0xfd: {  	v4 =	vmul.f32 v5, v4;
	_ =	sdelay $0x1  }
0xfe: {  	s31 =	simm.s32 $0x0;
	v3 =	vmul.f32 v4, v3  }
0xff: {  	v5 =	vmov s31  }
0x100: {  	v5 =	vshll.u32 v5, $0x7;
	v3 =	vmul.f32 v3, v4  }
0x101: {  	v6 =	vor.u32 v2, v5  }
0x102: {  	v5 =	vor.u32 $0x1, v6;
	v3 =	vsub.f32 $1.500000000e+00, v3  }
0x103: {  	v7 =	vor.u32 $0x2, v6  }
0x104: {  	v62 =	vor.u32 $0x3, v6;
	v3 =	vmul.f32 v3, v4  }
0x105: {  	v4 =	vor.u32 $0x4, v6  }
0x106: {  	[tilespmem:v6+s16+$0x0] =	vst.idx.msk $0xffff, v3  }
0x107: {  	v63 =	vor.u32 $0x5, v6;
	[tilespmem:v5+s16+$0x0] =	vst.idx.msk $0xffff, v3  }
0x108: {  	[tilespmem:v7+s16+$0x0] =	vst.idx.msk $0xffff, v3  }
0x109: {  	v5 =	vor.u32 $0x6, v6;
	[tilespmem:v62+s16+$0x0] =	vst.idx.msk $0xffff, v3  }
0x10a: {  	[tilespmem:v4+s16+$0x0] =	vst.idx.msk $0xffff, v3;
	v4 =	vor.u32 $0x7, v6  }
0x10b: {  	s18 =	simm.s32 $0x150  }
0x10c: {  	s23 =	simm.s32 $0x160;
	s19 =	simm.s32 $0xA80;
	s20 =	sand.u32 $0x70, s18;
	[tilespmem:v63+s16+$0x0] =	vst.idx.msk $0xffff, v3  }
.LBB2_8:
0x10d: {  	s24 =	sand.u32 $0x70, s23  }
0x10e: {  	s25 =	sand.u32 $0x1C00, s19;
	[tilespmem:v5+s16+$0x0] =	vst.idx.msk $0xffff, v3;
	s22 =	smov.u32 s23;
	s21 =	sadd.s32 $0x10, s23  }
0x10f: {  	p0 =	sne.s32 s23, $0x270;
	s23 =	sor.u32 s20, s25;
	[tilespmem:v4+s16+$0x0] =	vst.idx.msk $0xffff, v3;
	s20 =	smov.u32 s24  }
0x110: {  	v3 =	vld [tilespmem:s23+$0x7680]  }
0x111: {  	v4 =	vld [tilespmem:s23+$0x7700]  }
0x112: {  	v5 =	vld [tilespmem:s23+$0x7780];
	_ =	sdelay $0x1  }
0x113: {  	v6 =	vld [tilespmem:s23+$0x7800];
	_ =	sdelay $0x1  }
0x114: {  	v3 =	vadd.f32 v4, v3;
	v4 =	vld [tilespmem:s23+$0x7880];
	_ =	sdelay $0x1  }
0x115: {  	v3 =	vadd.f32 v5, v3;
	v5 =	vld [tilespmem:s23+$0x7900];
	_ =	sdelay $0x1  }
0x116: {  	s24 =	sor.u32 s19, s18;
	v3 =	vadd.f32 v6, v3;
	v6 =	vld [tilespmem:s23+$0x7980]  }
0x117: {  	s24 =	sor.u32 $0x380, s24  }
0x118: {  	v3 =	vadd.f32 v4, v3;
	v4 =	vld [tilespmem:s24+$0x7680];
	_ =	sdelay $0x1  }
0x119: {  	v3 =	vadd.f32 v5, v3;
	v5 =	vld [tilespmem:s23+$0x8A80];
	_ =	sdelay $0x1  }
0x11a: {  	v3 =	vadd.f32 v6, v3;
	v6 =	vld [tilespmem:s23+$0x8B00];
	_ =	sdelay $0x1  }
0x11b: {  	v3 =	vadd.f32 v4, v3;
	v4 =	vld [tilespmem:s23+$0x8B80];
	_ =	sdelay $0x1  }
0x11c: {  	v3 =	vadd.f32 v5, v3;
	v5 =	vld [tilespmem:s23+$0x8C00];
	_ =	sdelay $0x1  }
0x11d: {  	v3 =	vadd.f32 v6, v3;
	v6 =	vld [tilespmem:s23+$0x8C80];
	_ =	sdelay $0x1  }
0x11e: {  	v3 =	vadd.f32 v4, v3;
	v4 =	vld [tilespmem:s23+$0x8D00];
	_ =	sdelay $0x1  }
0x11f: {  	v3 =	vadd.f32 v5, v3;
	v5 =	vld [tilespmem:s23+$0x8D80];
	_ =	sdelay $0x1  }
0x120: {  	v3 =	vadd.f32 v6, v3;
	v6 =	vld [tilespmem:s23+$0x8E00];
	_ =	sdelay $0x1  }
0x121: {  	v3 =	vadd.f32 v4, v3;
	_ =	sdelay $0x1  }
0x122: {  	v3 =	vadd.f32 v5, v3;
	_ =	sdelay $0x1  }
0x123: {  	v3 =	vadd.f32 v6, v3;
	_ =	sdelay $0x1  }
0x124: {  	v3 =	vmax.f32 v3, $1.000000000e+00  }
0x125: {  	v4 =	vshra.s32 v3, $0x1;
	v3 =	vmul.f32 $5.000000000e-01, v3  }
0x126: {  	v4 =	vsub.s32 $0x5F3759DF, v4  }
0x127: {  	v5 =	vmul.f32 v4, v3;
	_ =	sdelay $0x1  }
0x128: {  	v5 =	vmul.f32 v4, v5;
	_ =	sdelay $0x1  }
0x129: {  	v5 =	vsub.f32 $1.500000000e+00, v5;
	_ =	sdelay $0x1  }
0x12a: {  	v4 =	vmul.f32 v4, v5;
	_ =	sdelay $0x1  }
0x12b: {  	v5 =	vmul.f32 v4, v3;
	_ =	sdelay $0x1  }
0x12c: {  	v5 =	vmul.f32 v5, v4;
	_ =	sdelay $0x1  }
0x12d: {  	v5 =	vsub.f32 $1.500000000e+00, v5;
	_ =	sdelay $0x1  }
0x12e: {  	v4 =	vmul.f32 v5, v4  }
0x12f: {  	s23 =	sadd.s32 $0xFFFFFEC0, s18;
	s18 =	smov.u32 s22  }
0x130: {  	v5 =	vmov s23;
	v3 =	vmul.f32 v4, v3  }
0x131: {  	v5 =	vshll.u32 v5, $0x7  }
0x132: {  	v6 =	vor.u32 v2, v5;
	v3 =	vmul.f32 v3, v4  }
0x133: {  	v7 =	vor.u32 $0x1, v6  }
0x134: {  	v8 =	vor.u32 $0x2, v6;
	v3 =	vsub.f32 $1.500000000e+00, v3  }
0x135: {  	v9 =	vor.u32 $0x3, v6  }
0x136: {  	v10 =	vor.u32 $0x4, v6;
	v3 =	vmul.f32 v3, v4  }
0x137: {  	v11 =	vor.u32 $0x5, v6  }
0x138: {  	v5 =	vor.u32 $0x6, v6;
	[tilespmem:v6+s16+$0x0] =	vst.idx.msk $0xffff, v3  }
.Ltmp3:
0x139: {  	v4 =	vor.u32 $0x7, v6;
	[tilespmem:v7+s16+$0x0] =	vst.idx.msk $0xffff, v3;
	(pc) =	sbr.rel @p0 .LBB2_8-.Ltmp3, $4  }
0x13a: {  	[tilespmem:v8+s16+$0x0] =	vst.idx.msk $0xffff, v3  }
0x13b: {  	[tilespmem:v9+s16+$0x0] =	vst.idx.msk $0xffff, v3  }
0x13c: {  	[tilespmem:v10+s16+$0x0] =	vst.idx.msk $0xffff, v3  }
0x13d: {  	s19 =	sadd.s32 $0x80, s19;
	s23 =	smov.u32 s21;
	[tilespmem:v11+s16+$0x0] =	vst.idx.msk $0xffff, v3  }
0x13e: {  	_ =	sdelay $0x3  }
0x13f: {  	s21 =	sand.u32 $0x1C00, s19;
	[tilespmem:v5+s16+$0x0] =	vst.idx.msk $0xffff, v3  }
0x140: {  	s20 =	sor.u32 s20, s21;
	[tilespmem:v4+s16+$0x0] =	vst.idx.msk $0xffff, v3  }
0x141: {  	v3 =	vld [tilespmem:s20+$0x7680]  }
0x142: {  	v4 =	vld [tilespmem:s20+$0x7700];
	_ =	sdelay $0x1  }
0x143: {  	v5 =	vld [tilespmem:s20+$0x7780];
	_ =	sdelay $0x1  }
0x144: {  	v6 =	vld [tilespmem:s20+$0x7800]  }
0x145: {  	v3 =	vadd.f32 v4, v3  }
0x146: {  	v47 =	vld [tilespmem:s20+$0x7880]  }
0x147: {  	v3 =	vadd.f32 v5, v3  }
0x148: {  	v48 =	vld [tilespmem:s20+$0x7900]  }
0x149: {  	v3 =	vadd.f32 v6, v3  }
0x14a: {  	s30 =	sor.u32 s19, s18;
	v49 =	vld [tilespmem:s20+$0x7980]  }
0x14b: {  	s19 =	sor.u32 $0x380, s30;
	v3 =	vadd.f32 v47, v3  }
0x14c: {  	v50 =	vld [tilespmem:s19+$0x7680]  }
0x14d: {  	v3 =	vadd.f32 v48, v3  }
0x14e: {  	v51 =	vld [tilespmem:s20+$0x8A80]  }
0x14f: {  	v3 =	vadd.f32 v49, v3  }
0x150: {  	v52 =	vld [tilespmem:s20+$0x8B00]  }
0x151: {  	v3 =	vadd.f32 v50, v3  }
0x152: {  	v53 =	vld [tilespmem:s20+$0x8B80]  }
0x153: {  	v3 =	vadd.f32 v51, v3  }
0x154: {  	v54 =	vld [tilespmem:s20+$0x8C00]  }
0x155: {  	v3 =	vadd.f32 v52, v3  }
0x156: {  	v55 =	vld [tilespmem:s20+$0x8C80]  }
0x157: {  	v3 =	vadd.f32 v53, v3  }
0x158: {  	v56 =	vld [tilespmem:s20+$0x8D00]  }
0x159: {  	v3 =	vadd.f32 v54, v3  }
0x15a: {  	v57 =	vld [tilespmem:s20+$0x8D80]  }
0x15b: {  	v3 =	vadd.f32 v55, v3  }
0x15c: {  	v58 =	vld [tilespmem:s20+$0x8E00]  }
0x15d: {  	v3 =	vadd.f32 v56, v3;
	_ =	sdelay $0x1  }
0x15e: {  	v3 =	vadd.f32 v57, v3;
	_ =	sdelay $0x1  }
0x15f: {  	v3 =	vadd.f32 v58, v3;
	_ =	sdelay $0x1  }
0x160: {  	v3 =	vmax.f32 v3, $1.000000000e+00  }
0x161: {  	v59 =	vshra.s32 v3, $0x1;
	v3 =	vmul.f32 $5.000000000e-01, v3  }
0x162: {  	v4 =	vsub.s32 $0x5F3759DF, v59  }
0x163: {  	v60 =	vmul.f32 v4, v3;
	_ =	sdelay $0x1  }
0x164: {  	v5 =	vmul.f32 v4, v60;
	_ =	sdelay $0x1  }
0x165: {  	v5 =	vsub.f32 $1.500000000e+00, v5;
	_ =	sdelay $0x1  }
0x166: {  	v4 =	vmul.f32 v4, v5;
	_ =	sdelay $0x1  }
0x167: {  	v5 =	vmul.f32 v4, v3;
	_ =	sdelay $0x1  }
0x168: {  	v5 =	vmul.f32 v5, v4;
	_ =	sdelay $0x1  }
0x169: {  	v5 =	vsub.f32 $1.500000000e+00, v5;
	_ =	sdelay $0x1  }
0x16a: {  	v4 =	vmul.f32 v5, v4;
	_ =	sdelay $0x1  }
0x16b: {  	s31 =	sadd.s32 $0xFFFFFEC0, s18;
	v3 =	vmul.f32 v4, v3  }
0x16c: {  	v61 =	vmov s31  }
0x16d: {  	v5 =	vshll.u32 v61, $0x7;
	v3 =	vmul.f32 v3, v4  }
0x16e: {  	v5 =	vor.u32 v2, v5  }
0x16f: {  	v62 =	vor.u32 $0x1, v5;
	v3 =	vsub.f32 $1.500000000e+00, v3  }
0x170: {  	v7 =	vor.u32 $0x2, v5  }
0x171: {  	v8 =	vor.u32 $0x3, v5;
	v3 =	vmul.f32 v3, v4  }
0x172: {  	v63 =	vor.u32 $0x4, v5  }
0x173: {  	v9 =	vor.u32 $0x5, v5;
	[tilespmem:v5+s16+$0x0] =	vst.idx.msk $0xffff, v3  }
0x174: {  	v10 =	vor.u32 $0x6, v5;
	[tilespmem:v62+s16+$0x0] =	vst.idx.msk $0xffff, v3  }
0x175: {  	v5 =	vor.u32 $0x7, v5;
	[tilespmem:v7+s16+$0x0] =	vst.idx.msk $0xffff, v3  }
0x176: {  	[tilespmem:v8+s16+$0x0] =	vst.idx.msk $0xffff, v3  }
0x177: {  	[tilespmem:v63+s16+$0x0] =	vst.idx.msk $0xffff, v3  }
0x178: {  	s17 =	sadd.s32 $0x1, s17;
	[tilespmem:v9+s16+$0x0] =	vst.idx.msk $0xffff, v3  }
0x179: {  	p0 =	sne.s32 s17, s8;
	[tilespmem:v10+s16+$0x0] =	vst.idx.msk $0xffff, v3  }
.Ltmp4:
0x17a: {  	[tilespmem:v5+s16+$0x0] =	vst.idx.msk $0xffff, v3;
	(pc) =	sbr.rel @p0 .LBB2_1-.Ltmp4, $4  }
0x17b: {  	[hbm4b:s7+s2] =	stream.linear.scatter [tilespmem:s16], [sflag:$0x1], $0xA000, $0x38;
	[tilespmem:$0x16680] =	vst v63  }
0x17c: {  	_ =	swait.ge [sflag:s12], $0xA000  }
0x17d: {  	[sflag:s12] =	ssyncset.done $0x0  }
0x17e: {  	[sflag:s12] =	ssyncadd.s32 $0xFFFF6000  }
0x17f: {  	_ =	sfence.sel $0x180000  }
0x180: {  	[bflag:$0x0] =	sbarrier.arrive $0xFFFF  }
0x181: {  	p0 =	sne.s32 s0, $0x0;
	_ =	strace $0x90000047  }
0x182: {  	s0 =	sadd.s32 @!p0 $0x100000, s1;
	[bflag:$0x2] =	sbarrier.arrive $0xFFFF  }
0x183: {  	[sflag:s0] =	ssyncadd.tile.s32 @!p0 $0x1;
	_ =	shalt  }
.Lfunc_end2:
_tile_overlayer_lowered:
.L_overlay_start_2:
0x184: {  	(tag) =	ssettag $0x2  }
0x185: {  	s0 =	rddreg [dreg:$0x0];
	s2 =	stileid.u32  }
0x186: {  	s1 =	rddreg [dreg:$0x1];
	p0 =	sne.s32 s2, $0x0  }
0x187: {  	s3 =	rddreg [dreg:$0x2];
	[bflag:$0x3] =	sbarrier.arrive $0xFFFF;
	s2 =	simm.s32 @!p0 $0x1C01  }
0x188: {  	[timem:s3], [sflag:s2] =	dma.local @!p0 [hbm:s0], s1  }
0x189: {  	s0 =	simm.s32 @!p0 $0x1  }
0x18a: {  	_ =	swait.ge @!p0 [sflag:s0], s1  }
0x18b: {  	s1 =	ssub.s32 @!p0 $0x0, s1;
	[sflag:s0] =	ssyncset.done @!p0 $0x0  }
0x18c: {  	[sflag:s0] =	ssyncadd.s32 @!p0 s1  }
0x18d: {  	[bflag:$0x3] =	sbarrier.arrive $0xFFFF  }
0x18e: {  	_ =	shalt  }

</sc_bundles>
